<compile_context>
chip_gen: v7x
topology: tpu7x:2x2x1
jax: 0.10.2.dev20260603
libtpu: 0.0.44.dev20260713+nightly
codegen_flags: <defaults>
</compile_context>

<pallas_src>
import functools

import jax
import jax.numpy as jnp
from jax import lax
from jax.experimental import pallas as pl
from jax.experimental.pallas import tpu as pltpu
from jax.experimental.pallas import tpu_sc as plsc

NN = 50000
EE = 800000
CH = 64
HALF = 32
GG = 64
BN_SCALE = 1.0 / (1.0 + 1e-5) ** 0.5

EPAD = 819200
PAD_E = EPAD - EE
IDXW = 128
SLOT_ROWS = 5
CHUNK_ROWS = SLOT_ROWS
TILES = 16
ROWS_PER_TILE = EPAD // IDXW // TILES
NSUB = ROWS_PER_TILE // SLOT_ROWS
NP = 50048
ACC_ROWS = NP
ZROWS_PER_TILE = ACC_ROWS // TILES

RB = 3128
NBLK = NP // RB


def _sc_agg_body(h_lo, h_hi, src2d, dst2d, zeros, agg_lo, agg_hi,
                 acc, src_idx, dst_idx, rows, sem):
    c = lax.axis_index("c")
    s = lax.axis_index("s")
    pltpu.sync_copy(zeros.at[pl.ds(s * ZROWS_PER_TILE, ZROWS_PER_TILE)],
                    acc.at[pl.ds(s * ZROWS_PER_TILE, ZROWS_PER_TILE)])
    plsc.subcore_barrier()

    def run(h_ref):
        tile_base = s * ROWS_PER_TILE

        def load_idx(slot, crow):
            pltpu.sync_copy(src2d.at[pl.ds(crow, SLOT_ROWS)],
                            src_idx.at[pl.ds(slot * 8, SLOT_ROWS)])
            pltpu.sync_copy(dst2d.at[pl.ds(crow, SLOT_ROWS)],
                            dst_idx.at[pl.ds(slot * 8, SLOT_ROWS)])

        def body(ci, carry):
            load_idx(0, tile_base + ci * SLOT_ROWS)
            cps = [pltpu.async_copy(h_ref.at[src_idx.at[j]],
                                    rows.at[pl.ds(j * IDXW, IDXW)], sem)
                   for j in range(SLOT_ROWS)]
            for cp in cps:
                cp.wait()
            for j in range(SLOT_ROWS):
                pltpu.sync_copy(rows.at[pl.ds(j * IDXW, IDXW)],
                                acc.at[dst_idx.at[j]],
                                add=True)
            return carry
        lax.fori_loop(0, NSUB, body, 0)

    @pl.when(c == 0)
    def _():
        run(h_lo)

    @pl.when(c == 1)
    def _():
        run(h_hi)

    plsc.subcore_barrier()

    @pl.when(c == 0)
    def _():
        pltpu.sync_copy(acc.at[pl.ds(s * ZROWS_PER_TILE, ZROWS_PER_TILE)],
                        agg_lo.at[pl.ds(s * ZROWS_PER_TILE, ZROWS_PER_TILE)])

    @pl.when(c == 1)
    def _():
        pltpu.sync_copy(acc.at[pl.ds(s * ZROWS_PER_TILE, ZROWS_PER_TILE)],
                        agg_hi.at[pl.ds(s * ZROWS_PER_TILE, ZROWS_PER_TILE)])


@functools.cache
def _get_sc_agg():
    return functools.partial(
        pl.kernel,
        mesh=plsc.VectorSubcoreMesh(core_axis_name="c", subcore_axis_name="s"),
        compiler_params=pltpu.CompilerParams(use_tc_tiling_on_sc=False),
        out_type=(jax.ShapeDtypeStruct((NP, HALF), jnp.float32),
                  jax.ShapeDtypeStruct((NP, HALF), jnp.float32)),
        scratch_types=[
            pltpu.VMEM_SHARED((ACC_ROWS, HALF), jnp.float32),
            pltpu.VMEM((16, IDXW), jnp.int32),
            pltpu.VMEM((16, IDXW), jnp.int32),
            pltpu.VMEM((SLOT_ROWS * IDXW, HALF), jnp.float32),
            pltpu.SemaphoreType.DMA,
        ],
    )(_sc_agg_body)


def _proj_body(x_ref, w0_ref, b0_ref, ol_ref, oh_ref):
    h = jnp.dot(x_ref[...], w0_ref[...],
                preferred_element_type=jnp.float32) + b0_ref[...]
    ol_ref[...] = h[:, :HALF]
    oh_ref[...] = h[:, HALF:]


_proj = pl.pallas_call(
    _proj_body,
    grid=(NBLK,),
    in_specs=[
        pl.BlockSpec((RB, 2), lambda i: (i, 0)),
        pl.BlockSpec((2, CH), lambda i: (0, 0)),
        pl.BlockSpec((1, CH), lambda i: (0, 0)),
    ],
    out_specs=[
        pl.BlockSpec((RB, HALF), lambda i: (i, 0)),
        pl.BlockSpec((RB, HALF), lambda i: (i, 0)),
    ],
    out_shape=[
        jax.ShapeDtypeStruct((NP, HALF), jnp.float32),
        jax.ShapeDtypeStruct((NP, HALF), jnp.float32),
    ],
)


def _mlp_body(hl_ref, hh_ref, al_ref, ah_ref, w1_ref, b1_ref, g_ref, bt_ref,
              w2_ref, b2_ref, ol_ref, oh_ref):
    z = jnp.concatenate([hl_ref[...] + al_ref[...],
                         hh_ref[...] + ah_ref[...]], axis=1)
    z = jnp.dot(z, w1_ref[...], preferred_element_type=jnp.float32)
    z = z + b1_ref[...]
    z = z * (g_ref[...] * BN_SCALE) + bt_ref[...]
    z = jnp.maximum(z, 0.0)
    z = jnp.dot(z, w2_ref[...], preferred_element_type=jnp.float32)
    z = z + b2_ref[...]
    z = jnp.maximum(z, 0.0)
    ol_ref[...] = z[:, :HALF]
    oh_ref[...] = z[:, HALF:]


_mlp = pl.pallas_call(
    _mlp_body,
    grid=(NBLK,),
    in_specs=[
        pl.BlockSpec((RB, HALF), lambda i: (i, 0)),
        pl.BlockSpec((RB, HALF), lambda i: (i, 0)),
        pl.BlockSpec((RB, HALF), lambda i: (i, 0)),
        pl.BlockSpec((RB, HALF), lambda i: (i, 0)),
        pl.BlockSpec((CH, 2 * CH), lambda i: (0, 0)),
        pl.BlockSpec((1, 2 * CH), lambda i: (0, 0)),
        pl.BlockSpec((1, 2 * CH), lambda i: (0, 0)),
        pl.BlockSpec((1, 2 * CH), lambda i: (0, 0)),
        pl.BlockSpec((2 * CH, CH), lambda i: (0, 0)),
        pl.BlockSpec((1, CH), lambda i: (0, 0)),
    ],
    out_specs=[
        pl.BlockSpec((RB, HALF), lambda i: (i, 0)),
        pl.BlockSpec((RB, HALF), lambda i: (i, 0)),
    ],
    out_shape=[
        jax.ShapeDtypeStruct((NP, HALF), jnp.float32),
        jax.ShapeDtypeStruct((NP, HALF), jnp.float32),
    ],
)


def _pool_body(hl_ref, hh_ref, b_ref, pw1_ref, pb1_ref, pw2_ref, pb2_ref,
               out_ref, sums, cnt):
    i = pl.program_id(0)

    @pl.when(i == 0)
    def _():
        sums[...] = jnp.zeros_like(sums)
        cnt[...] = jnp.zeros_like(cnt)

    b = b_ref[...][0]
    iota = lax.broadcasted_iota(jnp.int32, (GG, RB), 0)
    oh_t = (iota == b).astype(jnp.float32)
    h = jnp.concatenate([hl_ref[...], hh_ref[...]], axis=1)
    sums[...] += jnp.dot(oh_t, h, preferred_element_type=jnp.float32,
                         precision=lax.Precision.HIGHEST)
    cnt[...] += jnp.sum(oh_t, axis=1, keepdims=True)

    @pl.when(i == NBLK - 1)
    def _():
        pooled = sums[...] / jnp.maximum(cnt[...], 1.0)
        y = jnp.dot(pooled, pw1_ref[...], preferred_element_type=jnp.float32)
        y = y + pb1_ref[...]
        y = jnp.where(y > 0, y, jnp.exp(jnp.minimum(y, 0.0)) - 1.0)
        y = jnp.dot(y, pw2_ref[...], preferred_element_type=jnp.float32)
        y = y + pb2_ref[...]
        m = jnp.max(y, axis=1, keepdims=True)
        e = y - m
        lse = jnp.log(jnp.sum(jnp.exp(e), axis=1, keepdims=True))
        out_ref[...] = e - lse


_pool = pl.pallas_call(
    _pool_body,
    grid=(NBLK,),
    in_specs=[
        pl.BlockSpec((RB, HALF), lambda i: (i, 0)),
        pl.BlockSpec((RB, HALF), lambda i: (i, 0)),
        pl.BlockSpec((1, 1, RB), lambda i: (i, 0, 0)),
        pl.BlockSpec((CH, HALF), lambda i: (0, 0)),
        pl.BlockSpec((1, HALF), lambda i: (0, 0)),
        pl.BlockSpec((HALF, 2), lambda i: (0, 0)),
        pl.BlockSpec((1, 2), lambda i: (0, 0)),
    ],
    out_specs=pl.BlockSpec((GG, 2), lambda i: (0, 0)),
    out_shape=jax.ShapeDtypeStruct((GG, 2), jnp.float32),
    scratch_shapes=[
        pltpu.VMEM((GG, CH), jnp.float32),
        pltpu.VMEM((GG, 1), jnp.float32),
    ],
)


def kernel(x, edge_index, batch0, w0, b0,
           l0_w1, l0_b1, l0_gamma, l0_beta, l0_w2, l0_b2,
           l1_w1, l1_b1, l1_gamma, l1_beta, l1_w2, l1_b2,
           l2_w1, l2_b1, l2_gamma, l2_beta, l2_w2, l2_b2,
           p_w1, p_b1, p_w2, p_b2):
    src = edge_index[0]
    dst = edge_index[1]
    src2d = jnp.concatenate(
        [src, jnp.zeros((PAD_E,), jnp.int32)]).reshape(EPAD // IDXW, IDXW)
    dst2d = jnp.concatenate(
        [dst, jnp.full((PAD_E,), NN, jnp.int32)]).reshape(EPAD // IDXW, IDXW)
    zeros = jnp.zeros((ACC_ROWS, HALF), jnp.float32)
    xp = jnp.concatenate([x, jnp.zeros((NP - NN, 2), jnp.float32)])
    bp = jnp.concatenate([batch0, jnp.full((NP - NN,), GG, jnp.int32)])
    b3d = bp.reshape(NBLK, 1, RB)

    hl, hh = _proj(xp, w0, b0.reshape(1, CH))
    layers = [
        (l0_w1, l0_b1, l0_gamma, l0_beta, l0_w2, l0_b2),
        (l1_w1, l1_b1, l1_gamma, l1_beta, l1_w2, l1_b2),
        (l2_w1, l2_b1, l2_gamma, l2_beta, l2_w2, l2_b2),
    ]
    sc_agg = _get_sc_agg()
    for (w1, b1, g, bt, w2, b2) in layers:
        al, ah = sc_agg(hl, hh, src2d, dst2d, zeros)
        hl, hh = _mlp(hl, hh, al, ah, w1, b1.reshape(1, -1),
                      g.reshape(1, -1), bt.reshape(1, -1), w2,
                      b2.reshape(1, -1))
    return _pool(hl, hh, b3d, p_w1, p_b1.reshape(1, -1), p_w2,
                 p_b2.reshape(1, -1))

# --- scband reference (transcript-rebuilt; emitter-appended) ---
"""Pipeline reference for scband-ginmodel-67516885893485 (READ-ONLY COPY).

The authoritative reference and input builder live on the scoring server;
editing this copy changes nothing except your own understanding.
"""

import jax, jax.numpy as jnp
import numpy as np

N = 50000
E = 800000
C = 64
G = 64

def setup_inputs(seed: int = 0):
    key = jax.random.key(seed)
    ks = jax.random.split(key, 32)
    inp = {}
    inp["x"] = jax.random.normal(ks[0], (N, 2), dtype=jnp.float32)
    inp["edge_index"] = jax.random.randint(ks[1], (2, E), 0, N, dtype=jnp.int32)
    inp["batch0"] = jnp.sort(jax.random.randint(ks[2], (N,), 0, G, dtype=jnp.int32))
    inp["w0"] = jax.random.normal(ks[3], (2, C), dtype=jnp.float32) * 0.5
    inp["b0"] = jnp.zeros((C,), dtype=jnp.float32)
    k = 4
    for i in range(3):
        inp[f"l{i}_w1"] = jax.random.normal(ks[k], (C, 2 * C), dtype=jnp.float32) * (1.0 / np.sqrt(C)); k += 1
        inp[f"l{i}_b1"] = jnp.zeros((2 * C,), dtype=jnp.float32)
        inp[f"l{i}_gamma"] = jnp.ones((2 * C,), dtype=jnp.float32)
        inp[f"l{i}_beta"] = jnp.zeros((2 * C,), dtype=jnp.float32)
        inp[f"l{i}_w2"] = jax.random.normal(ks[k], (2 * C, C), dtype=jnp.float32) * (1.0 / np.sqrt(2 * C)); k += 1
        inp[f"l{i}_b2"] = jnp.zeros((C,), dtype=jnp.float32)
    inp["p_w1"] = jax.random.normal(ks[k], (C, C // 2), dtype=jnp.float32) * (1.0 / np.sqrt(C)); k += 1
    inp["p_b1"] = jnp.zeros((C // 2,), dtype=jnp.float32)
    inp["p_w2"] = jax.random.normal(ks[k], (C // 2, 2), dtype=jnp.float32) * (1.0 / np.sqrt(C // 2)); k += 1
    inp["p_b2"] = jnp.zeros((2,), dtype=jnp.float32)
    return inp

def _gin_forward(x, edge_index, batch0, w0, b0, layer_params, p_w1, p_b1, p_w2, p_b2):
    # eval-mode: dropout = identity, BatchNorm uses running stats (mean=0, var=1)
    src = edge_index[0]
    dst = edge_index[1]
    h = x @ w0 + b0
    bn_scale = 1.0 / jnp.sqrt(1.0 + 1e-5)
    for (w1, b1, gamma, beta, w2, b2) in layer_params:
        # GINConv: mlp((1 + eps) * x + sum_{j in N(i)} x_j), eps = 0
        agg = jax.ops.segment_sum(h[src], dst, num_segments=N)
        z = h + agg
        z = z @ w1 + b1
        z = z * (gamma * bn_scale) + beta
        z = jax.nn.relu(z)
        z = z @ w2 + b2
        # model-level F.relu followed by dropout (identity in eval)
        h = jax.nn.relu(z)
    # global mean pool per graph
    sums = jax.ops.segment_sum(h, batch0, num_segments=G)
    cnts = jax.ops.segment_sum(jnp.ones((N, 1), dtype=h.dtype), batch0, num_segments=G)
    pooled = sums / jnp.maximum(cnts, 1.0)
    out = pooled @ p_w1 + p_b1
    out = jnp.where(out > 0, out, jnp.expm1(out))  # ELU(alpha=1)
    out = out @ p_w2 + p_b2
    return jax.nn.log_softmax(out, axis=1)

def reference(x, edge_index, batch0, w0, b0, l0_w1, l0_b1, l0_gamma, l0_beta, l0_w2, l0_b2, l1_w1, l1_b1, l1_gamma, l1_beta, l1_w2, l1_b2, l2_w1, l2_b1, l2_gamma, l2_beta, l2_w2, l2_b2, p_w1, p_b1, p_w2, p_b2):
    layer_params = [
        (l0_w1, l0_b1, l0_gamma, l0_beta, l0_w2, l0_b2),
        (l1_w1, l1_b1, l1_gamma, l1_beta, l1_w2, l1_b2),
        (l2_w1, l2_b1, l2_gamma, l2_beta, l2_w2, l2_b2),
    ]
    return _gin_forward(x, edge_index, batch0, w0, b0, layer_params, p_w1, p_b1, p_w2, p_b2)

if __name__ == "__main__":
    import jax
    _d = setup_inputs()
    print(jax.jit(kernel)(*tuple(_d.values())))

</pallas_src>

<mosaic_0001>
#map = affine_map<(d0, d1) -> (0, 0)>
module attributes {stable_mosaic.version = 14 : i64} {
  func.func @_sc_agg_body(%arg0: i32, %arg1: i32, %arg2: memref<50048x32xf32, #tpu.memory_space<hbm>>, %arg3: memref<50048x32xf32, #tpu.memory_space<hbm>>, %arg4: memref<6400x128xi32, #tpu.memory_space<hbm>>, %arg5: memref<6400x128xi32, #tpu.memory_space<hbm>>, %arg6: memref<50048x32xf32, #tpu.memory_space<hbm>>, %arg7: memref<50048x32xf32, #tpu.memory_space<hbm>>, %arg8: memref<50048x32xf32, #tpu.memory_space<hbm>>, %arg9: memref<50048x32xf32, #tpu.memory_space<vmem_shared>>, %arg10: memref<16x128xi32, #tpu.memory_space<vmem>>, %arg11: memref<16x128xi32, #tpu.memory_space<vmem>>, %arg12: memref<640x32xf32, #tpu.memory_space<vmem>>, %arg13: memref<!tpu.dma_semaphore, #tpu.memory_space<semaphore_mem>>) attributes {dimension_semantics = [#tpu.dimension_semantics<core_parallel>, #tpu.dimension_semantics<subcore_parallel>], iteration_bounds = array<i64: 2, 16>, scalar_prefetch = 0 : i64, scratch_operands = 5 : i64, tpu.core_type = #tpu.core_type<sc_vector_subcore>, window_params = [{transform_indices = #map}, {transform_indices = #map}, {transform_indices = #map}, {transform_indices = #map}, {transform_indices = #map}, {transform_indices = #map}, {transform_indices = #map}]} {
    %mul3A = arith.constant 3128 : i32
    %mul3A_0 = arith.muli %arg1, %mul3A : i32
    %mul3A_1 = arith.constant 3128 : i32
    %mul3A_2 = arith.muli %arg1, %mul3A_1 : i32
    "tpu.region"() ({
      %run_scoped3A = tpu.sem_alloc : memref<!tpu.dma_semaphore, #tpu.memory_space<semaphore_mem>>
      %dma_start3A = arith.constant 0 : i32
      %dma_start3A_21 = tpu.memref_slice %arg9[%mul3A_2, %dma_start3A] : memref<50048x32xf32, #tpu.memory_space<vmem_shared>> -> memref<3128x32xf32, #tpu.memory_space<vmem_shared>>
      %dma_start3A_22 = arith.constant 0 : i32
      %dma_start3A_23 = tpu.memref_slice %arg6[%mul3A_0, %dma_start3A_22] : memref<50048x32xf32, #tpu.memory_space<hbm>> -> memref<3128x32xf32, #tpu.memory_space<hbm>>
      tpu.enqueue_dma source(%dma_start3A_23 : memref<3128x32xf32, #tpu.memory_space<hbm>>) target(%dma_start3A_21 : memref<3128x32xf32, #tpu.memory_space<vmem_shared>>) target_semaphore(%run_scoped3A : memref<!tpu.dma_semaphore, #tpu.memory_space<semaphore_mem>>)
      %dma_wait3A = arith.constant 0 : i32
      %dma_wait3A_24 = tpu.memref_slice %arg9[%mul3A_2, %dma_wait3A] : memref<50048x32xf32, #tpu.memory_space<vmem_shared>> -> memref<3128x32xf32, #tpu.memory_space<vmem_shared>>
      %dma_wait3A_25 = arith.constant 0 : i32
      %dma_wait3A_26 = tpu.memref_slice %arg6[%mul3A_0, %dma_wait3A_25] : memref<50048x32xf32, #tpu.memory_space<hbm>> -> memref<3128x32xf32, #tpu.memory_space<hbm>>
      tpu.wait_dma2 semaphore(%run_scoped3A : memref<!tpu.dma_semaphore, #tpu.memory_space<semaphore_mem>>) src(%dma_wait3A_26 : memref<3128x32xf32, #tpu.memory_space<hbm>>) dst(%dma_wait3A_24 : memref<3128x32xf32, #tpu.memory_space<vmem_shared>>)
      tpu.yield
    }) : () -> ()
    %barrier3A = arith.constant 0 : index
    tpu.barrier barrier_id(%barrier3A)
    %eq3A = arith.constant 0 : i32
    %eq3A_3 = arith.cmpi eq, %arg0, %eq3A : i32
    %convert_element_type3A = arith.extui %eq3A_3 : i1 to i32
    %cond3A = arith.constant 0 : i32
    %cond3A_4 = arith.cmpi ne, %convert_element_type3A, %cond3A : i32
    scf.if %cond3A_4 {
      %mul3A_21 = arith.constant 400 : i32
      %mul3A_22 = arith.muli %arg1, %mul3A_21 : i32
      %scan3A = arith.constant 0 : i32
      %scan3A_23 = arith.constant 0 : i32
      %scan3A_24 = arith.constant 80 : i32
      %scan3A_25 = arith.addi %scan3A_23, %scan3A_24 : i32
      %scan3A_26 = arith.constant 1 : i32
      scf.for %scan3A_28 = %scan3A_23 to %scan3A_25 step %scan3A_26  : i32 {
        %mul3A_29 = arith.constant 5 : i32
        %mul3A_30 = arith.muli %scan3A_28, %mul3A_29 : i32
        %add3A = arith.addi %mul3A_22, %mul3A_30 : i32
        "tpu.region"() ({
          %run_scoped3A_133 = tpu.sem_alloc : memref<!tpu.dma_semaphore, #tpu.memory_space<semaphore_mem>>
          %dma_start3A_134 = arith.constant 0 : i32
          %dma_start3A_135 = arith.constant 0 : i32
          %dma_start3A_136 = tpu.memref_slice %arg10[%dma_start3A_134, %dma_start3A_135] : memref<16x128xi32, #tpu.memory_space<vmem>> -> memref<5x128xi32, #tpu.memory_space<vmem>>
          %dma_start3A_137 = arith.constant 0 : i32
          %dma_start3A_138 = tpu.memref_slice %arg4[%add3A, %dma_start3A_137] : memref<6400x128xi32, #tpu.memory_space<hbm>> -> memref<5x128xi32, #tpu.memory_space<hbm>>
          %dma_start3A_139 = arith.constant 0 : i32
          %dma_start3A_140 = arith.constant 0 : i32
          %dma_start3A_141 = tpu.memref_slice %arg10[%dma_start3A_139, %dma_start3A_140] : memref<16x128xi32, #tpu.memory_space<vmem>> -> memref<5x128xi32, #tpu.memory_space<vmem>>
          %dma_start3A_142 = arith.constant 0 : i32
          %dma_start3A_143 = tpu.memref_slice %arg4[%add3A, %dma_start3A_142] : memref<6400x128xi32, #tpu.memory_space<hbm>> -> memref<5x128xi32, #tpu.memory_space<hbm>>
          tpu.enqueue_dma source(%dma_start3A_143 : memref<5x128xi32, #tpu.memory_space<hbm>>) target(%dma_start3A_141 : memref<5x128xi32, #tpu.memory_space<vmem>>) target_semaphore(%run_scoped3A_133 : memref<!tpu.dma_semaphore, #tpu.memory_space<semaphore_mem>>)
          %dma_wait3A_144 = arith.constant 0 : i32
          %dma_wait3A_145 = arith.constant 0 : i32
          %dma_wait3A_146 = tpu.memref_slice %arg10[%dma_wait3A_144, %dma_wait3A_145] : memref<16x128xi32, #tpu.memory_space<vmem>> -> memref<5x128xi32, #tpu.memory_space<vmem>>
          %dma_wait3A_147 = arith.constant 0 : i32
          %dma_wait3A_148 = tpu.memref_slice %arg4[%add3A, %dma_wait3A_147] : memref<6400x128xi32, #tpu.memory_space<hbm>> -> memref<5x128xi32, #tpu.memory_space<hbm>>
          %dma_wait3A_149 = arith.constant 0 : i32
          %dma_wait3A_150 = arith.constant 0 : i32
          %dma_wait3A_151 = tpu.memref_slice %arg10[%dma_wait3A_149, %dma_wait3A_150] : memref<16x128xi32, #tpu.memory_space<vmem>> -> memref<5x128xi32, #tpu.memory_space<vmem>>
          %dma_wait3A_152 = arith.constant 0 : i32
          %dma_wait3A_153 = tpu.memref_slice %arg4[%add3A, %dma_wait3A_152] : memref<6400x128xi32, #tpu.memory_space<hbm>> -> memref<5x128xi32, #tpu.memory_space<hbm>>
          tpu.wait_dma2 semaphore(%run_scoped3A_133 : memref<!tpu.dma_semaphore, #tpu.memory_space<semaphore_mem>>) src(%dma_wait3A_153 : memref<5x128xi32, #tpu.memory_space<hbm>>) dst(%dma_wait3A_151 : memref<5x128xi32, #tpu.memory_space<vmem>>)
          tpu.yield
        }) : () -> ()
        "tpu.region"() ({
          %run_scoped3A_133 = tpu.sem_alloc : memref<!tpu.dma_semaphore, #tpu.memory_space<semaphore_mem>>
          %dma_start3A_134 = arith.constant 0 : i32
          %dma_start3A_135 = arith.constant 0 : i32
          %dma_start3A_136 = tpu.memref_slice %arg11[%dma_start3A_134, %dma_start3A_135] : memref<16x128xi32, #tpu.memory_space<vmem>> -> memref<5x128xi32, #tpu.memory_space<vmem>>
          %dma_start3A_137 = arith.constant 0 : i32
          %dma_start3A_138 = tpu.memref_slice %arg5[%add3A, %dma_start3A_137] : memref<6400x128xi32, #tpu.memory_space<hbm>> -> memref<5x128xi32, #tpu.memory_space<hbm>>
          %dma_start3A_139 = arith.constant 0 : i32
          %dma_start3A_140 = arith.constant 0 : i32
          %dma_start3A_141 = tpu.memref_slice %arg11[%dma_start3A_139, %dma_start3A_140] : memref<16x128xi32, #tpu.memory_space<vmem>> -> memref<5x128xi32, #tpu.memory_space<vmem>>
          %dma_start3A_142 = arith.constant 0 : i32
          %dma_start3A_143 = tpu.memref_slice %arg5[%add3A, %dma_start3A_142] : memref<6400x128xi32, #tpu.memory_space<hbm>> -> memref<5x128xi32, #tpu.memory_space<hbm>>
          tpu.enqueue_dma source(%dma_start3A_143 : memref<5x128xi32, #tpu.memory_space<hbm>>) target(%dma_start3A_141 : memref<5x128xi32, #tpu.memory_space<vmem>>) target_semaphore(%run_scoped3A_133 : memref<!tpu.dma_semaphore, #tpu.memory_space<semaphore_mem>>)
          %dma_wait3A_144 = arith.constant 0 : i32
          %dma_wait3A_145 = arith.constant 0 : i32
          %dma_wait3A_146 = tpu.memref_slice %arg11[%dma_wait3A_144, %dma_wait3A_145] : memref<16x128xi32, #tpu.memory_space<vmem>> -> memref<5x128xi32, #tpu.memory_space<vmem>>
          %dma_wait3A_147 = arith.constant 0 : i32
          %dma_wait3A_148 = tpu.memref_slice %arg5[%add3A, %dma_wait3A_147] : memref<6400x128xi32, #tpu.memory_space<hbm>> -> memref<5x128xi32, #tpu.memory_space<hbm>>
          %dma_wait3A_149 = arith.constant 0 : i32
          %dma_wait3A_150 = arith.constant 0 : i32
          %dma_wait3A_151 = tpu.memref_slice %arg11[%dma_wait3A_149, %dma_wait3A_150] : memref<16x128xi32, #tpu.memory_space<vmem>> -> memref<5x128xi32, #tpu.memory_space<vmem>>
          %dma_wait3A_152 = arith.constant 0 : i32
          %dma_wait3A_153 = tpu.memref_slice %arg5[%add3A, %dma_wait3A_152] : memref<6400x128xi32, #tpu.memory_space<hbm>> -> memref<5x128xi32, #tpu.memory_space<hbm>>
          tpu.wait_dma2 semaphore(%run_scoped3A_133 : memref<!tpu.dma_semaphore, #tpu.memory_space<semaphore_mem>>) src(%dma_wait3A_153 : memref<5x128xi32, #tpu.memory_space<hbm>>) dst(%dma_wait3A_151 : memref<5x128xi32, #tpu.memory_space<vmem>>)
          tpu.yield
        }) : () -> ()
        %dma_start3A = arith.constant 0 : i32
        %dma_start3A_31 = arith.constant 0 : i32
        %dma_start3A_32 = arith.constant 0 : i32
        %dma_start3A_33 = tpu.memref_slice %arg12[%dma_start3A_31, %dma_start3A_32] : memref<640x32xf32, #tpu.memory_space<vmem>> -> memref<128x32xf32, #tpu.memory_space<vmem>>
        %dma_start3A_34 = arith.constant 0 : i32
        %dma_start3A_35 = tpu.memref_slice %arg10[%dma_start3A, %dma_start3A_34] : memref<16x128xi32, #tpu.memory_space<vmem>> -> memref<1x128xi32, #tpu.memory_space<vmem>>
        %dma_start3A_36 = tpu.memref_squeeze %dma_start3A_35 : memref<1x128xi32, #tpu.memory_space<vmem>> -> memref<128xi32, #tpu.memory_space<vmem>>
        %dma_start3A_37 = arith.constant 0 : i32
        %dma_start3A_38 = arith.constant 0 : i32
        %dma_start3A_39 = tpu.memref_slice %arg2[%dma_start3A_37, %dma_start3A_38] : memref<50048x32xf32, #tpu.memory_space<hbm>> -> memref<50048x32xf32, #tpu.memory_space<hbm>>
        tpu.enqueue_indirect_dma source(%dma_start3A_39 : memref<50048x32xf32, #tpu.memory_space<hbm>>) target(%dma_start3A_33 : memref<128x32xf32, #tpu.memory_space<vmem>>) offsets(%dma_start3A_36 : memref<128xi32, #tpu.memory_space<vmem>>) semaphore(%arg13 : memref<!tpu.dma_semaphore, #tpu.memory_space<semaphore_mem>>)
        %dma_start3A_40 = arith.constant 1 : i32
        %dma_start3A_41 = arith.constant 128 : i32
        %dma_start3A_42 = arith.constant 0 : i32
        %dma_start3A_43 = tpu.memref_slice %arg12[%dma_start3A_41, %dma_start3A_42] : memref<640x32xf32, #tpu.memory_space<vmem>> -> memref<128x32xf32, #tpu.memory_space<vmem>>
        %dma_start3A_44 = arith.constant 0 : i32
        %dma_start3A_45 = tpu.memref_slice %arg10[%dma_start3A_40, %dma_start3A_44] : memref<16x128xi32, #tpu.memory_space<vmem>> -> memref<1x128xi32, #tpu.memory_space<vmem>>
        %dma_start3A_46 = tpu.memref_squeeze %dma_start3A_45 : memref<1x128xi32, #tpu.memory_space<vmem>> -> memref<128xi32, #tpu.memory_space<vmem>>
        %dma_start3A_47 = arith.constant 0 : i32
        %dma_start3A_48 = arith.constant 0 : i32
        %dma_start3A_49 = tpu.memref_slice %arg2[%dma_start3A_47, %dma_start3A_48] : memref<50048x32xf32, #tpu.memory_space<hbm>> -> memref<50048x32xf32, #tpu.memory_space<hbm>>
        tpu.enqueue_indirect_dma source(%dma_start3A_49 : memref<50048x32xf32, #tpu.memory_space<hbm>>) target(%dma_start3A_43 : memref<128x32xf32, #tpu.memory_space<vmem>>) offsets(%dma_start3A_46 : memref<128xi32, #tpu.memory_space<vmem>>) semaphore(%arg13 : memref<!tpu.dma_semaphore, #tpu.memory_space<semaphore_mem>>)
        %dma_start3A_50 = arith.constant 2 : i32
        %dma_start3A_51 = arith.constant 256 : i32
        %dma_start3A_52 = arith.constant 0 : i32
        %dma_start3A_53 = tpu.memref_slice %arg12[%dma_start3A_51, %dma_start3A_52] : memref<640x32xf32, #tpu.memory_space<vmem>> -> memref<128x32xf32, #tpu.memory_space<vmem>>
        %dma_start3A_54 = arith.constant 0 : i32
        %dma_start3A_55 = tpu.memref_slice %arg10[%dma_start3A_50, %dma_start3A_54] : memref<16x128xi32, #tpu.memory_space<vmem>> -> memref<1x128xi32, #tpu.memory_space<vmem>>
        %dma_start3A_56 = tpu.memref_squeeze %dma_start3A_55 : memref<1x128xi32, #tpu.memory_space<vmem>> -> memref<128xi32, #tpu.memory_space<vmem>>
        %dma_start3A_57 = arith.constant 0 : i32
        %dma_start3A_58 = arith.constant 0 : i32
        %dma_start3A_59 = tpu.memref_slice %arg2[%dma_start3A_57, %dma_start3A_58] : memref<50048x32xf32, #tpu.memory_space<hbm>> -> memref<50048x32xf32, #tpu.memory_space<hbm>>
        tpu.enqueue_indirect_dma source(%dma_start3A_59 : memref<50048x32xf32, #tpu.memory_space<hbm>>) target(%dma_start3A_53 : memref<128x32xf32, #tpu.memory_space<vmem>>) offsets(%dma_start3A_56 : memref<128xi32, #tpu.memory_space<vmem>>) semaphore(%arg13 : memref<!tpu.dma_semaphore, #tpu.memory_space<semaphore_mem>>)
        %dma_start3A_60 = arith.constant 3 : i32
        %dma_start3A_61 = arith.constant 384 : i32
        %dma_start3A_62 = arith.constant 0 : i32
        %dma_start3A_63 = tpu.memref_slice %arg12[%dma_start3A_61, %dma_start3A_62] : memref<640x32xf32, #tpu.memory_space<vmem>> -> memref<128x32xf32, #tpu.memory_space<vmem>>
        %dma_start3A_64 = arith.constant 0 : i32
        %dma_start3A_65 = tpu.memref_slice %arg10[%dma_start3A_60, %dma_start3A_64] : memref<16x128xi32, #tpu.memory_space<vmem>> -> memref<1x128xi32, #tpu.memory_space<vmem>>
        %dma_start3A_66 = tpu.memref_squeeze %dma_start3A_65 : memref<1x128xi32, #tpu.memory_space<vmem>> -> memref<128xi32, #tpu.memory_space<vmem>>
        %dma_start3A_67 = arith.constant 0 : i32
        %dma_start3A_68 = arith.constant 0 : i32
        %dma_start3A_69 = tpu.memref_slice %arg2[%dma_start3A_67, %dma_start3A_68] : memref<50048x32xf32, #tpu.memory_space<hbm>> -> memref<50048x32xf32, #tpu.memory_space<hbm>>
        tpu.enqueue_indirect_dma source(%dma_start3A_69 : memref<50048x32xf32, #tpu.memory_space<hbm>>) target(%dma_start3A_63 : memref<128x32xf32, #tpu.memory_space<vmem>>) offsets(%dma_start3A_66 : memref<128xi32, #tpu.memory_space<vmem>>) semaphore(%arg13 : memref<!tpu.dma_semaphore, #tpu.memory_space<semaphore_mem>>)
        %dma_start3A_70 = arith.constant 4 : i32
        %dma_start3A_71 = arith.constant 512 : i32
        %dma_start3A_72 = arith.constant 0 : i32
        %dma_start3A_73 = tpu.memref_slice %arg12[%dma_start3A_71, %dma_start3A_72] : memref<640x32xf32, #tpu.memory_space<vmem>> -> memref<128x32xf32, #tpu.memory_space<vmem>>
        %dma_start3A_74 = arith.constant 0 : i32
        %dma_start3A_75 = tpu.memref_slice %arg10[%dma_start3A_70, %dma_start3A_74] : memref<16x128xi32, #tpu.memory_space<vmem>> -> memref<1x128xi32, #tpu.memory_space<vmem>>
        %dma_start3A_76 = tpu.memref_squeeze %dma_start3A_75 : memref<1x128xi32, #tpu.memory_space<vmem>> -> memref<128xi32, #tpu.memory_space<vmem>>
        %dma_start3A_77 = arith.constant 0 : i32
        %dma_start3A_78 = arith.constant 0 : i32
        %dma_start3A_79 = tpu.memref_slice %arg2[%dma_start3A_77, %dma_start3A_78] : memref<50048x32xf32, #tpu.memory_space<hbm>> -> memref<50048x32xf32, #tpu.memory_space<hbm>>
        tpu.enqueue_indirect_dma source(%dma_start3A_79 : memref<50048x32xf32, #tpu.memory_space<hbm>>) target(%dma_start3A_73 : memref<128x32xf32, #tpu.memory_space<vmem>>) offsets(%dma_start3A_76 : memref<128xi32, #tpu.memory_space<vmem>>) semaphore(%arg13 : memref<!tpu.dma_semaphore, #tpu.memory_space<semaphore_mem>>)
        %dma_wait3A = arith.constant 0 : i32
        %dma_wait3A_80 = arith.constant 0 : i32
        %dma_wait3A_81 = arith.constant 0 : i32
        %dma_wait3A_82 = tpu.memref_slice %arg12[%dma_wait3A_80, %dma_wait3A_81] : memref<640x32xf32, #tpu.memory_space<vmem>> -> memref<128x32xf32, #tpu.memory_space<vmem>>
        %dma_wait3A_83 = arith.constant 0 : i32
        %dma_wait3A_84 = tpu.memref_slice %arg10[%dma_wait3A, %dma_wait3A_83] : memref<16x128xi32, #tpu.memory_space<vmem>> -> memref<1x128xi32, #tpu.memory_space<vmem>>
        %dma_wait3A_85 = tpu.memref_squeeze %dma_wait3A_84 : memref<1x128xi32, #tpu.memory_space<vmem>> -> memref<128xi32, #tpu.memory_space<vmem>>
        %dma_wait3A_86 = arith.constant 0 : i32
        %dma_wait3A_87 = arith.constant 0 : i32
        %dma_wait3A_88 = tpu.memref_slice %arg2[%dma_wait3A_86, %dma_wait3A_87] : memref<50048x32xf32, #tpu.memory_space<hbm>> -> memref<50048x32xf32, #tpu.memory_space<hbm>>
        tpu.wait_indirect_dma semaphore(%arg13 : memref<!tpu.dma_semaphore, #tpu.memory_space<semaphore_mem>>) src(%dma_wait3A_88 : memref<50048x32xf32, #tpu.memory_space<hbm>>) dst(%dma_wait3A_82 : memref<128x32xf32, #tpu.memory_space<vmem>>)
        %dma_wait3A_89 = arith.constant 1 : i32
        %dma_wait3A_90 = arith.constant 128 : i32
        %dma_wait3A_91 = arith.constant 0 : i32
        %dma_wait3A_92 = tpu.memref_slice %arg12[%dma_wait3A_90, %dma_wait3A_91] : memref<640x32xf32, #tpu.memory_space<vmem>> -> memref<128x32xf32, #tpu.memory_space<vmem>>
        %dma_wait3A_93 = arith.constant 0 : i32
        %dma_wait3A_94 = tpu.memref_slice %arg10[%dma_wait3A_89, %dma_wait3A_93] : memref<16x128xi32, #tpu.memory_space<vmem>> -> memref<1x128xi32, #tpu.memory_space<vmem>>
        %dma_wait3A_95 = tpu.memref_squeeze %dma_wait3A_94 : memref<1x128xi32, #tpu.memory_space<vmem>> -> memref<128xi32, #tpu.memory_space<vmem>>
        %dma_wait3A_96 = arith.constant 0 : i32
        %dma_wait3A_97 = arith.constant 0 : i32
        %dma_wait3A_98 = tpu.memref_slice %arg2[%dma_wait3A_96, %dma_wait3A_97] : memref<50048x32xf32, #tpu.memory_space<hbm>> -> memref<50048x32xf32, #tpu.memory_space<hbm>>
        tpu.wait_indirect_dma semaphore(%arg13 : memref<!tpu.dma_semaphore, #tpu.memory_space<semaphore_mem>>) src(%dma_wait3A_98 : memref<50048x32xf32, #tpu.memory_space<hbm>>) dst(%dma_wait3A_92 : memref<128x32xf32, #tpu.memory_space<vmem>>)
        %dma_wait3A_99 = arith.constant 2 : i32
        %dma_wait3A_100 = arith.constant 256 : i32
        %dma_wait3A_101 = arith.constant 0 : i32
        %dma_wait3A_102 = tpu.memref_slice %arg12[%dma_wait3A_100, %dma_wait3A_101] : memref<640x32xf32, #tpu.memory_space<vmem>> -> memref<128x32xf32, #tpu.memory_space<vmem>>
        %dma_wait3A_103 = arith.constant 0 : i32
        %dma_wait3A_104 = tpu.memref_slice %arg10[%dma_wait3A_99, %dma_wait3A_103] : memref<16x128xi32, #tpu.memory_space<vmem>> -> memref<1x128xi32, #tpu.memory_space<vmem>>
        %dma_wait3A_105 = tpu.memref_squeeze %dma_wait3A_104 : memref<1x128xi32, #tpu.memory_space<vmem>> -> memref<128xi32, #tpu.memory_space<vmem>>
        %dma_wait3A_106 = arith.constant 0 : i32
        %dma_wait3A_107 = arith.constant 0 : i32
        %dma_wait3A_108 = tpu.memref_slice %arg2[%dma_wait3A_106, %dma_wait3A_107] : memref<50048x32xf32, #tpu.memory_space<hbm>> -> memref<50048x32xf32, #tpu.memory_space<hbm>>
        tpu.wait_indirect_dma semaphore(%arg13 : memref<!tpu.dma_semaphore, #tpu.memory_space<semaphore_mem>>) src(%dma_wait3A_108 : memref<50048x32xf32, #tpu.memory_space<hbm>>) dst(%dma_wait3A_102 : memref<128x32xf32, #tpu.memory_space<vmem>>)
        %dma_wait3A_109 = arith.constant 3 : i32
        %dma_wait3A_110 = arith.constant 384 : i32
        %dma_wait3A_111 = arith.constant 0 : i32
        %dma_wait3A_112 = tpu.memref_slice %arg12[%dma_wait3A_110, %dma_wait3A_111] : memref<640x32xf32, #tpu.memory_space<vmem>> -> memref<128x32xf32, #tpu.memory_space<vmem>>
        %dma_wait3A_113 = arith.constant 0 : i32
        %dma_wait3A_114 = tpu.memref_slice %arg10[%dma_wait3A_109, %dma_wait3A_113] : memref<16x128xi32, #tpu.memory_space<vmem>> -> memref<1x128xi32, #tpu.memory_space<vmem>>
        %dma_wait3A_115 = tpu.memref_squeeze %dma_wait3A_114 : memref<1x128xi32, #tpu.memory_space<vmem>> -> memref<128xi32, #tpu.memory_space<vmem>>
        %dma_wait3A_116 = arith.constant 0 : i32
        %dma_wait3A_117 = arith.constant 0 : i32
        %dma_wait3A_118 = tpu.memref_slice %arg2[%dma_wait3A_116, %dma_wait3A_117] : memref<50048x32xf32, #tpu.memory_space<hbm>> -> memref<50048x32xf32, #tpu.memory_space<hbm>>
        tpu.wait_indirect_dma semaphore(%arg13 : memref<!tpu.dma_semaphore, #tpu.memory_space<semaphore_mem>>) src(%dma_wait3A_118 : memref<50048x32xf32, #tpu.memory_space<hbm>>) dst(%dma_wait3A_112 : memref<128x32xf32, #tpu.memory_space<vmem>>)
        %dma_wait3A_119 = arith.constant 4 : i32
        %dma_wait3A_120 = arith.constant 512 : i32
        %dma_wait3A_121 = arith.constant 0 : i32
        %dma_wait3A_122 = tpu.memref_slice %arg12[%dma_wait3A_120, %dma_wait3A_121] : memref<640x32xf32, #tpu.memory_space<vmem>> -> memref<128x32xf32, #tpu.memory_space<vmem>>
        %dma_wait3A_123 = arith.constant 0 : i32
        %dma_wait3A_124 = tpu.memref_slice %arg10[%dma_wait3A_119, %dma_wait3A_123] : memref<16x128xi32, #tpu.memory_space<vmem>> -> memref<1x128xi32, #tpu.memory_space<vmem>>
        %dma_wait3A_125 = tpu.memref_squeeze %dma_wait3A_124 : memref<1x128xi32, #tpu.memory_space<vmem>> -> memref<128xi32, #tpu.memory_space<vmem>>
        %dma_wait3A_126 = arith.constant 0 : i32
        %dma_wait3A_127 = arith.constant 0 : i32
        %dma_wait3A_128 = tpu.memref_slice %arg2[%dma_wait3A_126, %dma_wait3A_127] : memref<50048x32xf32, #tpu.memory_space<hbm>> -> memref<50048x32xf32, #tpu.memory_space<hbm>>
        tpu.wait_indirect_dma semaphore(%arg13 : memref<!tpu.dma_semaphore, #tpu.memory_space<semaphore_mem>>) src(%dma_wait3A_128 : memref<50048x32xf32, #tpu.memory_space<hbm>>) dst(%dma_wait3A_122 : memref<128x32xf32, #tpu.memory_space<vmem>>)
        %run_scoped3A = arith.constant 0 : i32
        "tpu.region"() ({
          %run_scoped3A_133 = tpu.sem_alloc : memref<!tpu.dma_semaphore, #tpu.memory_space<semaphore_mem>>
          %dma_start3A_134 = arith.constant 0 : i32
          %dma_start3A_135 = arith.constant 0 : i32
          %dma_start3A_136 = tpu.memref_slice %arg12[%dma_start3A_134, %dma_start3A_135] : memref<640x32xf32, #tpu.memory_space<vmem>> -> memref<128x32xf32, #tpu.memory_space<vmem>>
          %dma_start3A_137 = arith.constant 0 : i32
          %dma_start3A_138 = tpu.memref_slice %arg11[%run_scoped3A, %dma_start3A_137] : memref<16x128xi32, #tpu.memory_space<vmem>> -> memref<1x128xi32, #tpu.memory_space<vmem>>
          %dma_start3A_139 = tpu.memref_squeeze %dma_start3A_138 : memref<1x128xi32, #tpu.memory_space<vmem>> -> memref<128xi32, #tpu.memory_space<vmem>>
          %dma_start3A_140 = arith.constant 0 : i32
          %dma_start3A_141 = arith.constant 0 : i32
          %dma_start3A_142 = tpu.memref_slice %arg9[%dma_start3A_140, %dma_start3A_141] : memref<50048x32xf32, #tpu.memory_space<vmem_shared>> -> memref<50048x32xf32, #tpu.memory_space<vmem_shared>>
          tpu.enqueue_indirect_dma source(%dma_start3A_136 : memref<128x32xf32, #tpu.memory_space<vmem>>) target(%dma_start3A_142 : memref<50048x32xf32, #tpu.memory_space<vmem_shared>>) offsets(%dma_start3A_139 : memref<128xi32, #tpu.memory_space<vmem>>) semaphore(%run_scoped3A_133 : memref<!tpu.dma_semaphore, #tpu.memory_space<semaphore_mem>>) {add = true}
          %dma_wait3A_143 = arith.constant 0 : i32
          %dma_wait3A_144 = arith.constant 0 : i32
          %dma_wait3A_145 = tpu.memref_slice %arg12[%dma_wait3A_143, %dma_wait3A_144] : memref<640x32xf32, #tpu.memory_space<vmem>> -> memref<128x32xf32, #tpu.memory_space<vmem>>
          %dma_wait3A_146 = arith.constant 0 : i32
          %dma_wait3A_147 = tpu.memref_slice %arg11[%run_scoped3A, %dma_wait3A_146] : memref<16x128xi32, #tpu.memory_space<vmem>> -> memref<1x128xi32, #tpu.memory_space<vmem>>
          %dma_wait3A_148 = tpu.memref_squeeze %dma_wait3A_147 : memref<1x128xi32, #tpu.memory_space<vmem>> -> memref<128xi32, #tpu.memory_space<vmem>>
          %dma_wait3A_149 = arith.constant 0 : i32
          %dma_wait3A_150 = arith.constant 0 : i32
          %dma_wait3A_151 = tpu.memref_slice %arg9[%dma_wait3A_149, %dma_wait3A_150] : memref<50048x32xf32, #tpu.memory_space<vmem_shared>> -> memref<50048x32xf32, #tpu.memory_space<vmem_shared>>
          tpu.wait_indirect_dma semaphore(%run_scoped3A_133 : memref<!tpu.dma_semaphore, #tpu.memory_space<semaphore_mem>>) src(%dma_wait3A_145 : memref<128x32xf32, #tpu.memory_space<vmem>>) dst(%dma_wait3A_151 : memref<50048x32xf32, #tpu.memory_space<vmem_shared>>)
          tpu.yield
        }) : () -> ()
        %run_scoped3A_129 = arith.constant 1 : i32
        "tpu.region"() ({
          %run_scoped3A_133 = tpu.sem_alloc : memref<!tpu.dma_semaphore, #tpu.memory_space<semaphore_mem>>
          %dma_start3A_134 = arith.constant 128 : i32
          %dma_start3A_135 = arith.constant 0 : i32
          %dma_start3A_136 = tpu.memref_slice %arg12[%dma_start3A_134, %dma_start3A_135] : memref<640x32xf32, #tpu.memory_space<vmem>> -> memref<128x32xf32, #tpu.memory_space<vmem>>
          %dma_start3A_137 = arith.constant 0 : i32
          %dma_start3A_138 = tpu.memref_slice %arg11[%run_scoped3A_129, %dma_start3A_137] : memref<16x128xi32, #tpu.memory_space<vmem>> -> memref<1x128xi32, #tpu.memory_space<vmem>>
          %dma_start3A_139 = tpu.memref_squeeze %dma_start3A_138 : memref<1x128xi32, #tpu.memory_space<vmem>> -> memref<128xi32, #tpu.memory_space<vmem>>
          %dma_start3A_140 = arith.constant 0 : i32
          %dma_start3A_141 = arith.constant 0 : i32
          %dma_start3A_142 = tpu.memref_slice %arg9[%dma_start3A_140, %dma_start3A_141] : memref<50048x32xf32, #tpu.memory_space<vmem_shared>> -> memref<50048x32xf32, #tpu.memory_space<vmem_shared>>
          tpu.enqueue_indirect_dma source(%dma_start3A_136 : memref<128x32xf32, #tpu.memory_space<vmem>>) target(%dma_start3A_142 : memref<50048x32xf32, #tpu.memory_space<vmem_shared>>) offsets(%dma_start3A_139 : memref<128xi32, #tpu.memory_space<vmem>>) semaphore(%run_scoped3A_133 : memref<!tpu.dma_semaphore, #tpu.memory_space<semaphore_mem>>) {add = true}
          %dma_wait3A_143 = arith.constant 128 : i32
          %dma_wait3A_144 = arith.constant 0 : i32
          %dma_wait3A_145 = tpu.memref_slice %arg12[%dma_wait3A_143, %dma_wait3A_144] : memref<640x32xf32, #tpu.memory_space<vmem>> -> memref<128x32xf32, #tpu.memory_space<vmem>>
          %dma_wait3A_146 = arith.constant 0 : i32
          %dma_wait3A_147 = tpu.memref_slice %arg11[%run_scoped3A_129, %dma_wait3A_146] : memref<16x128xi32, #tpu.memory_space<vmem>> -> memref<1x128xi32, #tpu.memory_space<vmem>>
          %dma_wait3A_148 = tpu.memref_squeeze %dma_wait3A_147 : memref<1x128xi32, #tpu.memory_space<vmem>> -> memref<128xi32, #tpu.memory_space<vmem>>
          %dma_wait3A_149 = arith.constant 0 : i32
          %dma_wait3A_150 = arith.constant 0 : i32
          %dma_wait3A_151 = tpu.memref_slice %arg9[%dma_wait3A_149, %dma_wait3A_150] : memref<50048x32xf32, #tpu.memory_space<vmem_shared>> -> memref<50048x32xf32, #tpu.memory_space<vmem_shared>>
          tpu.wait_indirect_dma semaphore(%run_scoped3A_133 : memref<!tpu.dma_semaphore, #tpu.memory_space<semaphore_mem>>) src(%dma_wait3A_145 : memref<128x32xf32, #tpu.memory_space<vmem>>) dst(%dma_wait3A_151 : memref<50048x32xf32, #tpu.memory_space<vmem_shared>>)
          tpu.yield
        }) : () -> ()
        %run_scoped3A_130 = arith.constant 2 : i32
        "tpu.region"() ({
          %run_scoped3A_133 = tpu.sem_alloc : memref<!tpu.dma_semaphore, #tpu.memory_space<semaphore_mem>>
          %dma_start3A_134 = arith.constant 256 : i32
          %dma_start3A_135 = arith.constant 0 : i32
          %dma_start3A_136 = tpu.memref_slice %arg12[%dma_start3A_134, %dma_start3A_135] : memref<640x32xf32, #tpu.memory_space<vmem>> -> memref<128x32xf32, #tpu.memory_space<vmem>>
          %dma_start3A_137 = arith.constant 0 : i32
          %dma_start3A_138 = tpu.memref_slice %arg11[%run_scoped3A_130, %dma_start3A_137] : memref<16x128xi32, #tpu.memory_space<vmem>> -> memref<1x128xi32, #tpu.memory_space<vmem>>
          %dma_start3A_139 = tpu.memref_squeeze %dma_start3A_138 : memref<1x128xi32, #tpu.memory_space<vmem>> -> memref<128xi32, #tpu.memory_space<vmem>>
          %dma_start3A_140 = arith.constant 0 : i32
          %dma_start3A_141 = arith.constant 0 : i32
          %dma_start3A_142 = tpu.memref_slice %arg9[%dma_start3A_140, %dma_start3A_141] : memref<50048x32xf32, #tpu.memory_space<vmem_shared>> -> memref<50048x32xf32, #tpu.memory_space<vmem_shared>>
          tpu.enqueue_indirect_dma source(%dma_start3A_136 : memref<128x32xf32, #tpu.memory_space<vmem>>) target(%dma_start3A_142 : memref<50048x32xf32, #tpu.memory_space<vmem_shared>>) offsets(%dma_start3A_139 : memref<128xi32, #tpu.memory_space<vmem>>) semaphore(%run_scoped3A_133 : memref<!tpu.dma_semaphore, #tpu.memory_space<semaphore_mem>>) {add = true}
          %dma_wait3A_143 = arith.constant 256 : i32
          %dma_wait3A_144 = arith.constant 0 : i32
          %dma_wait3A_145 = tpu.memref_slice %arg12[%dma_wait3A_143, %dma_wait3A_144] : memref<640x32xf32, #tpu.memory_space<vmem>> -> memref<128x32xf32, #tpu.memory_space<vmem>>
          %dma_wait3A_146 = arith.constant 0 : i32
          %dma_wait3A_147 = tpu.memref_slice %arg11[%run_scoped3A_130, %dma_wait3A_146] : memref<16x128xi32, #tpu.memory_space<vmem>> -> memref<1x128xi32, #tpu.memory_space<vmem>>
          %dma_wait3A_148 = tpu.memref_squeeze %dma_wait3A_147 : memref<1x128xi32, #tpu.memory_space<vmem>> -> memref<128xi32, #tpu.memory_space<vmem>>
          %dma_wait3A_149 = arith.constant 0 : i32
          %dma_wait3A_150 = arith.constant 0 : i32
          %dma_wait3A_151 = tpu.memref_slice %arg9[%dma_wait3A_149, %dma_wait3A_150] : memref<50048x32xf32, #tpu.memory_space<vmem_shared>> -> memref<50048x32xf32, #tpu.memory_space<vmem_shared>>
          tpu.wait_indirect_dma semaphore(%run_scoped3A_133 : memref<!tpu.dma_semaphore, #tpu.memory_space<semaphore_mem>>) src(%dma_wait3A_145 : memref<128x32xf32, #tpu.memory_space<vmem>>) dst(%dma_wait3A_151 : memref<50048x32xf32, #tpu.memory_space<vmem_shared>>)
          tpu.yield
        }) : () -> ()
        %run_scoped3A_131 = arith.constant 3 : i32
        "tpu.region"() ({
          %run_scoped3A_133 = tpu.sem_alloc : memref<!tpu.dma_semaphore, #tpu.memory_space<semaphore_mem>>
          %dma_start3A_134 = arith.constant 384 : i32
          %dma_start3A_135 = arith.constant 0 : i32
          %dma_start3A_136 = tpu.memref_slice %arg12[%dma_start3A_134, %dma_start3A_135] : memref<640x32xf32, #tpu.memory_space<vmem>> -> memref<128x32xf32, #tpu.memory_space<vmem>>
          %dma_start3A_137 = arith.constant 0 : i32
          %dma_start3A_138 = tpu.memref_slice %arg11[%run_scoped3A_131, %dma_start3A_137] : memref<16x128xi32, #tpu.memory_space<vmem>> -> memref<1x128xi32, #tpu.memory_space<vmem>>
          %dma_start3A_139 = tpu.memref_squeeze %dma_start3A_138 : memref<1x128xi32, #tpu.memory_space<vmem>> -> memref<128xi32, #tpu.memory_space<vmem>>
          %dma_start3A_140 = arith.constant 0 : i32
          %dma_start3A_141 = arith.constant 0 : i32
          %dma_start3A_142 = tpu.memref_slice %arg9[%dma_start3A_140, %dma_start3A_141] : memref<50048x32xf32, #tpu.memory_space<vmem_shared>> -> memref<50048x32xf32, #tpu.memory_space<vmem_shared>>
          tpu.enqueue_indirect_dma source(%dma_start3A_136 : memref<128x32xf32, #tpu.memory_space<vmem>>) target(%dma_start3A_142 : memref<50048x32xf32, #tpu.memory_space<vmem_shared>>) offsets(%dma_start3A_139 : memref<128xi32, #tpu.memory_space<vmem>>) semaphore(%run_scoped3A_133 : memref<!tpu.dma_semaphore, #tpu.memory_space<semaphore_mem>>) {add = true}
          %dma_wait3A_143 = arith.constant 384 : i32
          %dma_wait3A_144 = arith.constant 0 : i32
          %dma_wait3A_145 = tpu.memref_slice %arg12[%dma_wait3A_143, %dma_wait3A_144] : memref<640x32xf32, #tpu.memory_space<vmem>> -> memref<128x32xf32, #tpu.memory_space<vmem>>
          %dma_wait3A_146 = arith.constant 0 : i32
          %dma_wait3A_147 = tpu.memref_slice %arg11[%run_scoped3A_131, %dma_wait3A_146] : memref<16x128xi32, #tpu.memory_space<vmem>> -> memref<1x128xi32, #tpu.memory_space<vmem>>
          %dma_wait3A_148 = tpu.memref_squeeze %dma_wait3A_147 : memref<1x128xi32, #tpu.memory_space<vmem>> -> memref<128xi32, #tpu.memory_space<vmem>>
          %dma_wait3A_149 = arith.constant 0 : i32
          %dma_wait3A_150 = arith.constant 0 : i32
          %dma_wait3A_151 = tpu.memref_slice %arg9[%dma_wait3A_149, %dma_wait3A_150] : memref<50048x32xf32, #tpu.memory_space<vmem_shared>> -> memref<50048x32xf32, #tpu.memory_space<vmem_shared>>
          tpu.wait_indirect_dma semaphore(%run_scoped3A_133 : memref<!tpu.dma_semaphore, #tpu.memory_space<semaphore_mem>>) src(%dma_wait3A_145 : memref<128x32xf32, #tpu.memory_space<vmem>>) dst(%dma_wait3A_151 : memref<50048x32xf32, #tpu.memory_space<vmem_shared>>)
          tpu.yield
        }) : () -> ()
        %run_scoped3A_132 = arith.constant 4 : i32
        "tpu.region"() ({
          %run_scoped3A_133 = tpu.sem_alloc : memref<!tpu.dma_semaphore, #tpu.memory_space<semaphore_mem>>
          %dma_start3A_134 = arith.constant 512 : i32
          %dma_start3A_135 = arith.constant 0 : i32
          %dma_start3A_136 = tpu.memref_slice %arg12[%dma_start3A_134, %dma_start3A_135] : memref<640x32xf32, #tpu.memory_space<vmem>> -> memref<128x32xf32, #tpu.memory_space<vmem>>
          %dma_start3A_137 = arith.constant 0 : i32
          %dma_start3A_138 = tpu.memref_slice %arg11[%run_scoped3A_132, %dma_start3A_137] : memref<16x128xi32, #tpu.memory_space<vmem>> -> memref<1x128xi32, #tpu.memory_space<vmem>>
          %dma_start3A_139 = tpu.memref_squeeze %dma_start3A_138 : memref<1x128xi32, #tpu.memory_space<vmem>> -> memref<128xi32, #tpu.memory_space<vmem>>
          %dma_start3A_140 = arith.constant 0 : i32
          %dma_start3A_141 = arith.constant 0 : i32
          %dma_start3A_142 = tpu.memref_slice %arg9[%dma_start3A_140, %dma_start3A_141] : memref<50048x32xf32, #tpu.memory_space<vmem_shared>> -> memref<50048x32xf32, #tpu.memory_space<vmem_shared>>
          tpu.enqueue_indirect_dma source(%dma_start3A_136 : memref<128x32xf32, #tpu.memory_space<vmem>>) target(%dma_start3A_142 : memref<50048x32xf32, #tpu.memory_space<vmem_shared>>) offsets(%dma_start3A_139 : memref<128xi32, #tpu.memory_space<vmem>>) semaphore(%run_scoped3A_133 : memref<!tpu.dma_semaphore, #tpu.memory_space<semaphore_mem>>) {add = true}
          %dma_wait3A_143 = arith.constant 512 : i32
          %dma_wait3A_144 = arith.constant 0 : i32
          %dma_wait3A_145 = tpu.memref_slice %arg12[%dma_wait3A_143, %dma_wait3A_144] : memref<640x32xf32, #tpu.memory_space<vmem>> -> memref<128x32xf32, #tpu.memory_space<vmem>>
          %dma_wait3A_146 = arith.constant 0 : i32
          %dma_wait3A_147 = tpu.memref_slice %arg11[%run_scoped3A_132, %dma_wait3A_146] : memref<16x128xi32, #tpu.memory_space<vmem>> -> memref<1x128xi32, #tpu.memory_space<vmem>>
          %dma_wait3A_148 = tpu.memref_squeeze %dma_wait3A_147 : memref<1x128xi32, #tpu.memory_space<vmem>> -> memref<128xi32, #tpu.memory_space<vmem>>
          %dma_wait3A_149 = arith.constant 0 : i32
          %dma_wait3A_150 = arith.constant 0 : i32
          %dma_wait3A_151 = tpu.memref_slice %arg9[%dma_wait3A_149, %dma_wait3A_150] : memref<50048x32xf32, #tpu.memory_space<vmem_shared>> -> memref<50048x32xf32, #tpu.memory_space<vmem_shared>>
          tpu.wait_indirect_dma semaphore(%run_scoped3A_133 : memref<!tpu.dma_semaphore, #tpu.memory_space<semaphore_mem>>) src(%dma_wait3A_145 : memref<128x32xf32, #tpu.memory_space<vmem>>) dst(%dma_wait3A_151 : memref<50048x32xf32, #tpu.memory_space<vmem_shared>>)
          tpu.yield
        }) : () -> ()
      }
      %scan3A_27 = arith.constant 80 : i32
    } else {
    }
    %eq3A_5 = arith.constant 1 : i32
    %eq3A_6 = arith.cmpi eq, %arg0, %eq3A_5 : i32
    %convert_element_type3A_7 = arith.extui %eq3A_6 : i1 to i32
    %cond3A_8 = arith.constant 0 : i32
    %cond3A_9 = arith.cmpi ne, %convert_element_type3A_7, %cond3A_8 : i32
    scf.if %cond3A_9 {
      %mul3A_21 = arith.constant 400 : i32
      %mul3A_22 = arith.muli %arg1, %mul3A_21 : i32
      %scan3A = arith.constant 0 : i32
      %scan3A_23 = arith.constant 0 : i32
      %scan3A_24 = arith.constant 80 : i32
      %scan3A_25 = arith.addi %scan3A_23, %scan3A_24 : i32
      %scan3A_26 = arith.constant 1 : i32
      scf.for %scan3A_28 = %scan3A_23 to %scan3A_25 step %scan3A_26  : i32 {
        %mul3A_29 = arith.constant 5 : i32
        %mul3A_30 = arith.muli %scan3A_28, %mul3A_29 : i32
        %add3A = arith.addi %mul3A_22, %mul3A_30 : i32
        "tpu.region"() ({
          %run_scoped3A_133 = tpu.sem_alloc : memref<!tpu.dma_semaphore, #tpu.memory_space<semaphore_mem>>
          %dma_start3A_134 = arith.constant 0 : i32
          %dma_start3A_135 = arith.constant 0 : i32
          %dma_start3A_136 = tpu.memref_slice %arg10[%dma_start3A_134, %dma_start3A_135] : memref<16x128xi32, #tpu.memory_space<vmem>> -> memref<5x128xi32, #tpu.memory_space<vmem>>
          %dma_start3A_137 = arith.constant 0 : i32
          %dma_start3A_138 = tpu.memref_slice %arg4[%add3A, %dma_start3A_137] : memref<6400x128xi32, #tpu.memory_space<hbm>> -> memref<5x128xi32, #tpu.memory_space<hbm>>
          %dma_start3A_139 = arith.constant 0 : i32
          %dma_start3A_140 = arith.constant 0 : i32
          %dma_start3A_141 = tpu.memref_slice %arg10[%dma_start3A_139, %dma_start3A_140] : memref<16x128xi32, #tpu.memory_space<vmem>> -> memref<5x128xi32, #tpu.memory_space<vmem>>
          %dma_start3A_142 = arith.constant 0 : i32
          %dma_start3A_143 = tpu.memref_slice %arg4[%add3A, %dma_start3A_142] : memref<6400x128xi32, #tpu.memory_space<hbm>> -> memref<5x128xi32, #tpu.memory_space<hbm>>
          tpu.enqueue_dma source(%dma_start3A_143 : memref<5x128xi32, #tpu.memory_space<hbm>>) target(%dma_start3A_141 : memref<5x128xi32, #tpu.memory_space<vmem>>) target_semaphore(%run_scoped3A_133 : memref<!tpu.dma_semaphore, #tpu.memory_space<semaphore_mem>>)
          %dma_wait3A_144 = arith.constant 0 : i32
          %dma_wait3A_145 = arith.constant 0 : i32
          %dma_wait3A_146 = tpu.memref_slice %arg10[%dma_wait3A_144, %dma_wait3A_145] : memref<16x128xi32, #tpu.memory_space<vmem>> -> memref<5x128xi32, #tpu.memory_space<vmem>>
          %dma_wait3A_147 = arith.constant 0 : i32
          %dma_wait3A_148 = tpu.memref_slice %arg4[%add3A, %dma_wait3A_147] : memref<6400x128xi32, #tpu.memory_space<hbm>> -> memref<5x128xi32, #tpu.memory_space<hbm>>
          %dma_wait3A_149 = arith.constant 0 : i32
          %dma_wait3A_150 = arith.constant 0 : i32
          %dma_wait3A_151 = tpu.memref_slice %arg10[%dma_wait3A_149, %dma_wait3A_150] : memref<16x128xi32, #tpu.memory_space<vmem>> -> memref<5x128xi32, #tpu.memory_space<vmem>>
          %dma_wait3A_152 = arith.constant 0 : i32
          %dma_wait3A_153 = tpu.memref_slice %arg4[%add3A, %dma_wait3A_152] : memref<6400x128xi32, #tpu.memory_space<hbm>> -> memref<5x128xi32, #tpu.memory_space<hbm>>
          tpu.wait_dma2 semaphore(%run_scoped3A_133 : memref<!tpu.dma_semaphore, #tpu.memory_space<semaphore_mem>>) src(%dma_wait3A_153 : memref<5x128xi32, #tpu.memory_space<hbm>>) dst(%dma_wait3A_151 : memref<5x128xi32, #tpu.memory_space<vmem>>)
          tpu.yield
        }) : () -> ()
        "tpu.region"() ({
          %run_scoped3A_133 = tpu.sem_alloc : memref<!tpu.dma_semaphore, #tpu.memory_space<semaphore_mem>>
          %dma_start3A_134 = arith.constant 0 : i32
          %dma_start3A_135 = arith.constant 0 : i32
          %dma_start3A_136 = tpu.memref_slice %arg11[%dma_start3A_134, %dma_start3A_135] : memref<16x128xi32, #tpu.memory_space<vmem>> -> memref<5x128xi32, #tpu.memory_space<vmem>>
          %dma_start3A_137 = arith.constant 0 : i32
          %dma_start3A_138 = tpu.memref_slice %arg5[%add3A, %dma_start3A_137] : memref<6400x128xi32, #tpu.memory_space<hbm>> -> memref<5x128xi32, #tpu.memory_space<hbm>>
          %dma_start3A_139 = arith.constant 0 : i32
          %dma_start3A_140 = arith.constant 0 : i32
          %dma_start3A_141 = tpu.memref_slice %arg11[%dma_start3A_139, %dma_start3A_140] : memref<16x128xi32, #tpu.memory_space<vmem>> -> memref<5x128xi32, #tpu.memory_space<vmem>>
          %dma_start3A_142 = arith.constant 0 : i32
          %dma_start3A_143 = tpu.memref_slice %arg5[%add3A, %dma_start3A_142] : memref<6400x128xi32, #tpu.memory_space<hbm>> -> memref<5x128xi32, #tpu.memory_space<hbm>>
          tpu.enqueue_dma source(%dma_start3A_143 : memref<5x128xi32, #tpu.memory_space<hbm>>) target(%dma_start3A_141 : memref<5x128xi32, #tpu.memory_space<vmem>>) target_semaphore(%run_scoped3A_133 : memref<!tpu.dma_semaphore, #tpu.memory_space<semaphore_mem>>)
          %dma_wait3A_144 = arith.constant 0 : i32
          %dma_wait3A_145 = arith.constant 0 : i32
          %dma_wait3A_146 = tpu.memref_slice %arg11[%dma_wait3A_144, %dma_wait3A_145] : memref<16x128xi32, #tpu.memory_space<vmem>> -> memref<5x128xi32, #tpu.memory_space<vmem>>
          %dma_wait3A_147 = arith.constant 0 : i32
          %dma_wait3A_148 = tpu.memref_slice %arg5[%add3A, %dma_wait3A_147] : memref<6400x128xi32, #tpu.memory_space<hbm>> -> memref<5x128xi32, #tpu.memory_space<hbm>>
          %dma_wait3A_149 = arith.constant 0 : i32
          %dma_wait3A_150 = arith.constant 0 : i32
          %dma_wait3A_151 = tpu.memref_slice %arg11[%dma_wait3A_149, %dma_wait3A_150] : memref<16x128xi32, #tpu.memory_space<vmem>> -> memref<5x128xi32, #tpu.memory_space<vmem>>
          %dma_wait3A_152 = arith.constant 0 : i32
          %dma_wait3A_153 = tpu.memref_slice %arg5[%add3A, %dma_wait3A_152] : memref<6400x128xi32, #tpu.memory_space<hbm>> -> memref<5x128xi32, #tpu.memory_space<hbm>>
          tpu.wait_dma2 semaphore(%run_scoped3A_133 : memref<!tpu.dma_semaphore, #tpu.memory_space<semaphore_mem>>) src(%dma_wait3A_153 : memref<5x128xi32, #tpu.memory_space<hbm>>) dst(%dma_wait3A_151 : memref<5x128xi32, #tpu.memory_space<vmem>>)
          tpu.yield
        }) : () -> ()
        %dma_start3A = arith.constant 0 : i32
        %dma_start3A_31 = arith.constant 0 : i32
        %dma_start3A_32 = arith.constant 0 : i32
        %dma_start3A_33 = tpu.memref_slice %arg12[%dma_start3A_31, %dma_start3A_32] : memref<640x32xf32, #tpu.memory_space<vmem>> -> memref<128x32xf32, #tpu.memory_space<vmem>>
        %dma_start3A_34 = arith.constant 0 : i32
        %dma_start3A_35 = tpu.memref_slice %arg10[%dma_start3A, %dma_start3A_34] : memref<16x128xi32, #tpu.memory_space<vmem>> -> memref<1x128xi32, #tpu.memory_space<vmem>>
        %dma_start3A_36 = tpu.memref_squeeze %dma_start3A_35 : memref<1x128xi32, #tpu.memory_space<vmem>> -> memref<128xi32, #tpu.memory_space<vmem>>
        %dma_start3A_37 = arith.constant 0 : i32
        %dma_start3A_38 = arith.constant 0 : i32
        %dma_start3A_39 = tpu.memref_slice %arg3[%dma_start3A_37, %dma_start3A_38] : memref<50048x32xf32, #tpu.memory_space<hbm>> -> memref<50048x32xf32, #tpu.memory_space<hbm>>
        tpu.enqueue_indirect_dma source(%dma_start3A_39 : memref<50048x32xf32, #tpu.memory_space<hbm>>) target(%dma_start3A_33 : memref<128x32xf32, #tpu.memory_space<vmem>>) offsets(%dma_start3A_36 : memref<128xi32, #tpu.memory_space<vmem>>) semaphore(%arg13 : memref<!tpu.dma_semaphore, #tpu.memory_space<semaphore_mem>>)
        %dma_start3A_40 = arith.constant 1 : i32
        %dma_start3A_41 = arith.constant 128 : i32
        %dma_start3A_42 = arith.constant 0 : i32
        %dma_start3A_43 = tpu.memref_slice %arg12[%dma_start3A_41, %dma_start3A_42] : memref<640x32xf32, #tpu.memory_space<vmem>> -> memref<128x32xf32, #tpu.memory_space<vmem>>
        %dma_start3A_44 = arith.constant 0 : i32
        %dma_start3A_45 = tpu.memref_slice %arg10[%dma_start3A_40, %dma_start3A_44] : memref<16x128xi32, #tpu.memory_space<vmem>> -> memref<1x128xi32, #tpu.memory_space<vmem>>
        %dma_start3A_46 = tpu.memref_squeeze %dma_start3A_45 : memref<1x128xi32, #tpu.memory_space<vmem>> -> memref<128xi32, #tpu.memory_space<vmem>>
        %dma_start3A_47 = arith.constant 0 : i32
        %dma_start3A_48 = arith.constant 0 : i32
        %dma_start3A_49 = tpu.memref_slice %arg3[%dma_start3A_47, %dma_start3A_48] : memref<50048x32xf32, #tpu.memory_space<hbm>> -> memref<50048x32xf32, #tpu.memory_space<hbm>>
        tpu.enqueue_indirect_dma source(%dma_start3A_49 : memref<50048x32xf32, #tpu.memory_space<hbm>>) target(%dma_start3A_43 : memref<128x32xf32, #tpu.memory_space<vmem>>) offsets(%dma_start3A_46 : memref<128xi32, #tpu.memory_space<vmem>>) semaphore(%arg13 : memref<!tpu.dma_semaphore, #tpu.memory_space<semaphore_mem>>)
        %dma_start3A_50 = arith.constant 2 : i32
        %dma_start3A_51 = arith.constant 256 : i32
        %dma_start3A_52 = arith.constant 0 : i32
        %dma_start3A_53 = tpu.memref_slice %arg12[%dma_start3A_51, %dma_start3A_52] : memref<640x32xf32, #tpu.memory_space<vmem>> -> memref<128x32xf32, #tpu.memory_space<vmem>>
        %dma_start3A_54 = arith.constant 0 : i32
        %dma_start3A_55 = tpu.memref_slice %arg10[%dma_start3A_50, %dma_start3A_54] : memref<16x128xi32, #tpu.memory_space<vmem>> -> memref<1x128xi32, #tpu.memory_space<vmem>>
        %dma_start3A_56 = tpu.memref_squeeze %dma_start3A_55 : memref<1x128xi32, #tpu.memory_space<vmem>> -> memref<128xi32, #tpu.memory_space<vmem>>
        %dma_start3A_57 = arith.constant 0 : i32
        %dma_start3A_58 = arith.constant 0 : i32
        %dma_start3A_59 = tpu.memref_slice %arg3[%dma_start3A_57, %dma_start3A_58] : memref<50048x32xf32, #tpu.memory_space<hbm>> -> memref<50048x32xf32, #tpu.memory_space<hbm>>
        tpu.enqueue_indirect_dma source(%dma_start3A_59 : memref<50048x32xf32, #tpu.memory_space<hbm>>) target(%dma_start3A_53 : memref<128x32xf32, #tpu.memory_space<vmem>>) offsets(%dma_start3A_56 : memref<128xi32, #tpu.memory_space<vmem>>) semaphore(%arg13 : memref<!tpu.dma_semaphore, #tpu.memory_space<semaphore_mem>>)
        %dma_start3A_60 = arith.constant 3 : i32
        %dma_start3A_61 = arith.constant 384 : i32
        %dma_start3A_62 = arith.constant 0 : i32
        %dma_start3A_63 = tpu.memref_slice %arg12[%dma_start3A_61, %dma_start3A_62] : memref<640x32xf32, #tpu.memory_space<vmem>> -> memref<128x32xf32, #tpu.memory_space<vmem>>
        %dma_start3A_64 = arith.constant 0 : i32
        %dma_start3A_65 = tpu.memref_slice %arg10[%dma_start3A_60, %dma_start3A_64] : memref<16x128xi32, #tpu.memory_space<vmem>> -> memref<1x128xi32, #tpu.memory_space<vmem>>
        %dma_start3A_66 = tpu.memref_squeeze %dma_start3A_65 : memref<1x128xi32, #tpu.memory_space<vmem>> -> memref<128xi32, #tpu.memory_space<vmem>>
        %dma_start3A_67 = arith.constant 0 : i32
        %dma_start3A_68 = arith.constant 0 : i32
        %dma_start3A_69 = tpu.memref_slice %arg3[%dma_start3A_67, %dma_start3A_68] : memref<50048x32xf32, #tpu.memory_space<hbm>> -> memref<50048x32xf32, #tpu.memory_space<hbm>>
        tpu.enqueue_indirect_dma source(%dma_start3A_69 : memref<50048x32xf32, #tpu.memory_space<hbm>>) target(%dma_start3A_63 : memref<128x32xf32, #tpu.memory_space<vmem>>) offsets(%dma_start3A_66 : memref<128xi32, #tpu.memory_space<vmem>>) semaphore(%arg13 : memref<!tpu.dma_semaphore, #tpu.memory_space<semaphore_mem>>)
        %dma_start3A_70 = arith.constant 4 : i32
        %dma_start3A_71 = arith.constant 512 : i32
        %dma_start3A_72 = arith.constant 0 : i32
        %dma_start3A_73 = tpu.memref_slice %arg12[%dma_start3A_71, %dma_start3A_72] : memref<640x32xf32, #tpu.memory_space<vmem>> -> memref<128x32xf32, #tpu.memory_space<vmem>>
        %dma_start3A_74 = arith.constant 0 : i32
        %dma_start3A_75 = tpu.memref_slice %arg10[%dma_start3A_70, %dma_start3A_74] : memref<16x128xi32, #tpu.memory_space<vmem>> -> memref<1x128xi32, #tpu.memory_space<vmem>>
        %dma_start3A_76 = tpu.memref_squeeze %dma_start3A_75 : memref<1x128xi32, #tpu.memory_space<vmem>> -> memref<128xi32, #tpu.memory_space<vmem>>
        %dma_start3A_77 = arith.constant 0 : i32
        %dma_start3A_78 = arith.constant 0 : i32
        %dma_start3A_79 = tpu.memref_slice %arg3[%dma_start3A_77, %dma_start3A_78] : memref<50048x32xf32, #tpu.memory_space<hbm>> -> memref<50048x32xf32, #tpu.memory_space<hbm>>
        tpu.enqueue_indirect_dma source(%dma_start3A_79 : memref<50048x32xf32, #tpu.memory_space<hbm>>) target(%dma_start3A_73 : memref<128x32xf32, #tpu.memory_space<vmem>>) offsets(%dma_start3A_76 : memref<128xi32, #tpu.memory_space<vmem>>) semaphore(%arg13 : memref<!tpu.dma_semaphore, #tpu.memory_space<semaphore_mem>>)
        %dma_wait3A = arith.constant 0 : i32
        %dma_wait3A_80 = arith.constant 0 : i32
        %dma_wait3A_81 = arith.constant 0 : i32
        %dma_wait3A_82 = tpu.memref_slice %arg12[%dma_wait3A_80, %dma_wait3A_81] : memref<640x32xf32, #tpu.memory_space<vmem>> -> memref<128x32xf32, #tpu.memory_space<vmem>>
        %dma_wait3A_83 = arith.constant 0 : i32
        %dma_wait3A_84 = tpu.memref_slice %arg10[%dma_wait3A, %dma_wait3A_83] : memref<16x128xi32, #tpu.memory_space<vmem>> -> memref<1x128xi32, #tpu.memory_space<vmem>>
        %dma_wait3A_85 = tpu.memref_squeeze %dma_wait3A_84 : memref<1x128xi32, #tpu.memory_space<vmem>> -> memref<128xi32, #tpu.memory_space<vmem>>
        %dma_wait3A_86 = arith.constant 0 : i32
        %dma_wait3A_87 = arith.constant 0 : i32
        %dma_wait3A_88 = tpu.memref_slice %arg3[%dma_wait3A_86, %dma_wait3A_87] : memref<50048x32xf32, #tpu.memory_space<hbm>> -> memref<50048x32xf32, #tpu.memory_space<hbm>>
        tpu.wait_indirect_dma semaphore(%arg13 : memref<!tpu.dma_semaphore, #tpu.memory_space<semaphore_mem>>) src(%dma_wait3A_88 : memref<50048x32xf32, #tpu.memory_space<hbm>>) dst(%dma_wait3A_82 : memref<128x32xf32, #tpu.memory_space<vmem>>)
        %dma_wait3A_89 = arith.constant 1 : i32
        %dma_wait3A_90 = arith.constant 128 : i32
        %dma_wait3A_91 = arith.constant 0 : i32
        %dma_wait3A_92 = tpu.memref_slice %arg12[%dma_wait3A_90, %dma_wait3A_91] : memref<640x32xf32, #tpu.memory_space<vmem>> -> memref<128x32xf32, #tpu.memory_space<vmem>>
        %dma_wait3A_93 = arith.constant 0 : i32
        %dma_wait3A_94 = tpu.memref_slice %arg10[%dma_wait3A_89, %dma_wait3A_93] : memref<16x128xi32, #tpu.memory_space<vmem>> -> memref<1x128xi32, #tpu.memory_space<vmem>>
        %dma_wait3A_95 = tpu.memref_squeeze %dma_wait3A_94 : memref<1x128xi32, #tpu.memory_space<vmem>> -> memref<128xi32, #tpu.memory_space<vmem>>
        %dma_wait3A_96 = arith.constant 0 : i32
        %dma_wait3A_97 = arith.constant 0 : i32
        %dma_wait3A_98 = tpu.memref_slice %arg3[%dma_wait3A_96, %dma_wait3A_97] : memref<50048x32xf32, #tpu.memory_space<hbm>> -> memref<50048x32xf32, #tpu.memory_space<hbm>>
        tpu.wait_indirect_dma semaphore(%arg13 : memref<!tpu.dma_semaphore, #tpu.memory_space<semaphore_mem>>) src(%dma_wait3A_98 : memref<50048x32xf32, #tpu.memory_space<hbm>>) dst(%dma_wait3A_92 : memref<128x32xf32, #tpu.memory_space<vmem>>)
        %dma_wait3A_99 = arith.constant 2 : i32
        %dma_wait3A_100 = arith.constant 256 : i32
        %dma_wait3A_101 = arith.constant 0 : i32
        %dma_wait3A_102 = tpu.memref_slice %arg12[%dma_wait3A_100, %dma_wait3A_101] : memref<640x32xf32, #tpu.memory_space<vmem>> -> memref<128x32xf32, #tpu.memory_space<vmem>>
        %dma_wait3A_103 = arith.constant 0 : i32
        %dma_wait3A_104 = tpu.memref_slice %arg10[%dma_wait3A_99, %dma_wait3A_103] : memref<16x128xi32, #tpu.memory_space<vmem>> -> memref<1x128xi32, #tpu.memory_space<vmem>>
        %dma_wait3A_105 = tpu.memref_squeeze %dma_wait3A_104 : memref<1x128xi32, #tpu.memory_space<vmem>> -> memref<128xi32, #tpu.memory_space<vmem>>
        %dma_wait3A_106 = arith.constant 0 : i32
        %dma_wait3A_107 = arith.constant 0 : i32
        %dma_wait3A_108 = tpu.memref_slice %arg3[%dma_wait3A_106, %dma_wait3A_107] : memref<50048x32xf32, #tpu.memory_space<hbm>> -> memref<50048x32xf32, #tpu.memory_space<hbm>>
        tpu.wait_indirect_dma semaphore(%arg13 : memref<!tpu.dma_semaphore, #tpu.memory_space<semaphore_mem>>) src(%dma_wait3A_108 : memref<50048x32xf32, #tpu.memory_space<hbm>>) dst(%dma_wait3A_102 : memref<128x32xf32, #tpu.memory_space<vmem>>)
        %dma_wait3A_109 = arith.constant 3 : i32
        %dma_wait3A_110 = arith.constant 384 : i32
        %dma_wait3A_111 = arith.constant 0 : i32
        %dma_wait3A_112 = tpu.memref_slice %arg12[%dma_wait3A_110, %dma_wait3A_111] : memref<640x32xf32, #tpu.memory_space<vmem>> -> memref<128x32xf32, #tpu.memory_space<vmem>>
        %dma_wait3A_113 = arith.constant 0 : i32
        %dma_wait3A_114 = tpu.memref_slice %arg10[%dma_wait3A_109, %dma_wait3A_113] : memref<16x128xi32, #tpu.memory_space<vmem>> -> memref<1x128xi32, #tpu.memory_space<vmem>>
        %dma_wait3A_115 = tpu.memref_squeeze %dma_wait3A_114 : memref<1x128xi32, #tpu.memory_space<vmem>> -> memref<128xi32, #tpu.memory_space<vmem>>
        %dma_wait3A_116 = arith.constant 0 : i32
        %dma_wait3A_117 = arith.constant 0 : i32
        %dma_wait3A_118 = tpu.memref_slice %arg3[%dma_wait3A_116, %dma_wait3A_117] : memref<50048x32xf32, #tpu.memory_space<hbm>> -> memref<50048x32xf32, #tpu.memory_space<hbm>>
        tpu.wait_indirect_dma semaphore(%arg13 : memref<!tpu.dma_semaphore, #tpu.memory_space<semaphore_mem>>) src(%dma_wait3A_118 : memref<50048x32xf32, #tpu.memory_space<hbm>>) dst(%dma_wait3A_112 : memref<128x32xf32, #tpu.memory_space<vmem>>)
        %dma_wait3A_119 = arith.constant 4 : i32
        %dma_wait3A_120 = arith.constant 512 : i32
        %dma_wait3A_121 = arith.constant 0 : i32
        %dma_wait3A_122 = tpu.memref_slice %arg12[%dma_wait3A_120, %dma_wait3A_121] : memref<640x32xf32, #tpu.memory_space<vmem>> -> memref<128x32xf32, #tpu.memory_space<vmem>>
        %dma_wait3A_123 = arith.constant 0 : i32
        %dma_wait3A_124 = tpu.memref_slice %arg10[%dma_wait3A_119, %dma_wait3A_123] : memref<16x128xi32, #tpu.memory_space<vmem>> -> memref<1x128xi32, #tpu.memory_space<vmem>>
        %dma_wait3A_125 = tpu.memref_squeeze %dma_wait3A_124 : memref<1x128xi32, #tpu.memory_space<vmem>> -> memref<128xi32, #tpu.memory_space<vmem>>
        %dma_wait3A_126 = arith.constant 0 : i32
        %dma_wait3A_127 = arith.constant 0 : i32
        %dma_wait3A_128 = tpu.memref_slice %arg3[%dma_wait3A_126, %dma_wait3A_127] : memref<50048x32xf32, #tpu.memory_space<hbm>> -> memref<50048x32xf32, #tpu.memory_space<hbm>>
        tpu.wait_indirect_dma semaphore(%arg13 : memref<!tpu.dma_semaphore, #tpu.memory_space<semaphore_mem>>) src(%dma_wait3A_128 : memref<50048x32xf32, #tpu.memory_space<hbm>>) dst(%dma_wait3A_122 : memref<128x32xf32, #tpu.memory_space<vmem>>)
        %run_scoped3A = arith.constant 0 : i32
        "tpu.region"() ({
          %run_scoped3A_133 = tpu.sem_alloc : memref<!tpu.dma_semaphore, #tpu.memory_space<semaphore_mem>>
          %dma_start3A_134 = arith.constant 0 : i32
          %dma_start3A_135 = arith.constant 0 : i32
          %dma_start3A_136 = tpu.memref_slice %arg12[%dma_start3A_134, %dma_start3A_135] : memref<640x32xf32, #tpu.memory_space<vmem>> -> memref<128x32xf32, #tpu.memory_space<vmem>>
          %dma_start3A_137 = arith.constant 0 : i32
          %dma_start3A_138 = tpu.memref_slice %arg11[%run_scoped3A, %dma_start3A_137] : memref<16x128xi32, #tpu.memory_space<vmem>> -> memref<1x128xi32, #tpu.memory_space<vmem>>
          %dma_start3A_139 = tpu.memref_squeeze %dma_start3A_138 : memref<1x128xi32, #tpu.memory_space<vmem>> -> memref<128xi32, #tpu.memory_space<vmem>>
          %dma_start3A_140 = arith.constant 0 : i32
          %dma_start3A_141 = arith.constant 0 : i32
          %dma_start3A_142 = tpu.memref_slice %arg9[%dma_start3A_140, %dma_start3A_141] : memref<50048x32xf32, #tpu.memory_space<vmem_shared>> -> memref<50048x32xf32, #tpu.memory_space<vmem_shared>>
          tpu.enqueue_indirect_dma source(%dma_start3A_136 : memref<128x32xf32, #tpu.memory_space<vmem>>) target(%dma_start3A_142 : memref<50048x32xf32, #tpu.memory_space<vmem_shared>>) offsets(%dma_start3A_139 : memref<128xi32, #tpu.memory_space<vmem>>) semaphore(%run_scoped3A_133 : memref<!tpu.dma_semaphore, #tpu.memory_space<semaphore_mem>>) {add = true}
          %dma_wait3A_143 = arith.constant 0 : i32
          %dma_wait3A_144 = arith.constant 0 : i32
          %dma_wait3A_145 = tpu.memref_slice %arg12[%dma_wait3A_143, %dma_wait3A_144] : memref<640x32xf32, #tpu.memory_space<vmem>> -> memref<128x32xf32, #tpu.memory_space<vmem>>
          %dma_wait3A_146 = arith.constant 0 : i32
          %dma_wait3A_147 = tpu.memref_slice %arg11[%run_scoped3A, %dma_wait3A_146] : memref<16x128xi32, #tpu.memory_space<vmem>> -> memref<1x128xi32, #tpu.memory_space<vmem>>
          %dma_wait3A_148 = tpu.memref_squeeze %dma_wait3A_147 : memref<1x128xi32, #tpu.memory_space<vmem>> -> memref<128xi32, #tpu.memory_space<vmem>>
          %dma_wait3A_149 = arith.constant 0 : i32
          %dma_wait3A_150 = arith.constant 0 : i32
          %dma_wait3A_151 = tpu.memref_slice %arg9[%dma_wait3A_149, %dma_wait3A_150] : memref<50048x32xf32, #tpu.memory_space<vmem_shared>> -> memref<50048x32xf32, #tpu.memory_space<vmem_shared>>
          tpu.wait_indirect_dma semaphore(%run_scoped3A_133 : memref<!tpu.dma_semaphore, #tpu.memory_space<semaphore_mem>>) src(%dma_wait3A_145 : memref<128x32xf32, #tpu.memory_space<vmem>>) dst(%dma_wait3A_151 : memref<50048x32xf32, #tpu.memory_space<vmem_shared>>)
          tpu.yield
        }) : () -> ()
        %run_scoped3A_129 = arith.constant 1 : i32
        "tpu.region"() ({
          %run_scoped3A_133 = tpu.sem_alloc : memref<!tpu.dma_semaphore, #tpu.memory_space<semaphore_mem>>
          %dma_start3A_134 = arith.constant 128 : i32
          %dma_start3A_135 = arith.constant 0 : i32
          %dma_start3A_136 = tpu.memref_slice %arg12[%dma_start3A_134, %dma_start3A_135] : memref<640x32xf32, #tpu.memory_space<vmem>> -> memref<128x32xf32, #tpu.memory_space<vmem>>
          %dma_start3A_137 = arith.constant 0 : i32
          %dma_start3A_138 = tpu.memref_slice %arg11[%run_scoped3A_129, %dma_start3A_137] : memref<16x128xi32, #tpu.memory_space<vmem>> -> memref<1x128xi32, #tpu.memory_space<vmem>>
          %dma_start3A_139 = tpu.memref_squeeze %dma_start3A_138 : memref<1x128xi32, #tpu.memory_space<vmem>> -> memref<128xi32, #tpu.memory_space<vmem>>
          %dma_start3A_140 = arith.constant 0 : i32
          %dma_start3A_141 = arith.constant 0 : i32
          %dma_start3A_142 = tpu.memref_slice %arg9[%dma_start3A_140, %dma_start3A_141] : memref<50048x32xf32, #tpu.memory_space<vmem_shared>> -> memref<50048x32xf32, #tpu.memory_space<vmem_shared>>
          tpu.enqueue_indirect_dma source(%dma_start3A_136 : memref<128x32xf32, #tpu.memory_space<vmem>>) target(%dma_start3A_142 : memref<50048x32xf32, #tpu.memory_space<vmem_shared>>) offsets(%dma_start3A_139 : memref<128xi32, #tpu.memory_space<vmem>>) semaphore(%run_scoped3A_133 : memref<!tpu.dma_semaphore, #tpu.memory_space<semaphore_mem>>) {add = true}
          %dma_wait3A_143 = arith.constant 128 : i32
          %dma_wait3A_144 = arith.constant 0 : i32
          %dma_wait3A_145 = tpu.memref_slice %arg12[%dma_wait3A_143, %dma_wait3A_144] : memref<640x32xf32, #tpu.memory_space<vmem>> -> memref<128x32xf32, #tpu.memory_space<vmem>>
          %dma_wait3A_146 = arith.constant 0 : i32
          %dma_wait3A_147 = tpu.memref_slice %arg11[%run_scoped3A_129, %dma_wait3A_146] : memref<16x128xi32, #tpu.memory_space<vmem>> -> memref<1x128xi32, #tpu.memory_space<vmem>>
          %dma_wait3A_148 = tpu.memref_squeeze %dma_wait3A_147 : memref<1x128xi32, #tpu.memory_space<vmem>> -> memref<128xi32, #tpu.memory_space<vmem>>
          %dma_wait3A_149 = arith.constant 0 : i32
          %dma_wait3A_150 = arith.constant 0 : i32
          %dma_wait3A_151 = tpu.memref_slice %arg9[%dma_wait3A_149, %dma_wait3A_150] : memref<50048x32xf32, #tpu.memory_space<vmem_shared>> -> memref<50048x32xf32, #tpu.memory_space<vmem_shared>>
          tpu.wait_indirect_dma semaphore(%run_scoped3A_133 : memref<!tpu.dma_semaphore, #tpu.memory_space<semaphore_mem>>) src(%dma_wait3A_145 : memref<128x32xf32, #tpu.memory_space<vmem>>) dst(%dma_wait3A_151 : memref<50048x32xf32, #tpu.memory_space<vmem_shared>>)
          tpu.yield
        }) : () -> ()
        %run_scoped3A_130 = arith.constant 2 : i32
        "tpu.region"() ({
          %run_scoped3A_133 = tpu.sem_alloc : memref<!tpu.dma_semaphore, #tpu.memory_space<semaphore_mem>>
          %dma_start3A_134 = arith.constant 256 : i32
          %dma_start3A_135 = arith.constant 0 : i32
          %dma_start3A_136 = tpu.memref_slice %arg12[%dma_start3A_134, %dma_start3A_135] : memref<640x32xf32, #tpu.memory_space<vmem>> -> memref<128x32xf32, #tpu.memory_space<vmem>>
          %dma_start3A_137 = arith.constant 0 : i32
          %dma_start3A_138 = tpu.memref_slice %arg11[%run_scoped3A_130, %dma_start3A_137] : memref<16x128xi32, #tpu.memory_space<vmem>> -> memref<1x128xi32, #tpu.memory_space<vmem>>
          %dma_start3A_139 = tpu.memref_squeeze %dma_start3A_138 : memref<1x128xi32, #tpu.memory_space<vmem>> -> memref<128xi32, #tpu.memory_space<vmem>>
          %dma_start3A_140 = arith.constant 0 : i32
          %dma_start3A_141 = arith.constant 0 : i32
          %dma_start3A_142 = tpu.memref_slice %arg9[%dma_start3A_140, %dma_start3A_141] : memref<50048x32xf32, #tpu.memory_space<vmem_shared>> -> memref<50048x32xf32, #tpu.memory_space<vmem_shared>>
          tpu.enqueue_indirect_dma source(%dma_start3A_136 : memref<128x32xf32, #tpu.memory_space<vmem>>) target(%dma_start3A_142 : memref<50048x32xf32, #tpu.memory_space<vmem_shared>>) offsets(%dma_start3A_139 : memref<128xi32, #tpu.memory_space<vmem>>) semaphore(%run_scoped3A_133 : memref<!tpu.dma_semaphore, #tpu.memory_space<semaphore_mem>>) {add = true}
          %dma_wait3A_143 = arith.constant 256 : i32
          %dma_wait3A_144 = arith.constant 0 : i32
          %dma_wait3A_145 = tpu.memref_slice %arg12[%dma_wait3A_143, %dma_wait3A_144] : memref<640x32xf32, #tpu.memory_space<vmem>> -> memref<128x32xf32, #tpu.memory_space<vmem>>
          %dma_wait3A_146 = arith.constant 0 : i32
          %dma_wait3A_147 = tpu.memref_slice %arg11[%run_scoped3A_130, %dma_wait3A_146] : memref<16x128xi32, #tpu.memory_space<vmem>> -> memref<1x128xi32, #tpu.memory_space<vmem>>
          %dma_wait3A_148 = tpu.memref_squeeze %dma_wait3A_147 : memref<1x128xi32, #tpu.memory_space<vmem>> -> memref<128xi32, #tpu.memory_space<vmem>>
          %dma_wait3A_149 = arith.constant 0 : i32
          %dma_wait3A_150 = arith.constant 0 : i32
          %dma_wait3A_151 = tpu.memref_slice %arg9[%dma_wait3A_149, %dma_wait3A_150] : memref<50048x32xf32, #tpu.memory_space<vmem_shared>> -> memref<50048x32xf32, #tpu.memory_space<vmem_shared>>
          tpu.wait_indirect_dma semaphore(%run_scoped3A_133 : memref<!tpu.dma_semaphore, #tpu.memory_space<semaphore_mem>>) src(%dma_wait3A_145 : memref<128x32xf32, #tpu.memory_space<vmem>>) dst(%dma_wait3A_151 : memref<50048x32xf32, #tpu.memory_space<vmem_shared>>)
          tpu.yield
        }) : () -> ()
        %run_scoped3A_131 = arith.constant 3 : i32
        "tpu.region"() ({
          %run_scoped3A_133 = tpu.sem_alloc : memref<!tpu.dma_semaphore, #tpu.memory_space<semaphore_mem>>
          %dma_start3A_134 = arith.constant 384 : i32
          %dma_start3A_135 = arith.constant 0 : i32
          %dma_start3A_136 = tpu.memref_slice %arg12[%dma_start3A_134, %dma_start3A_135] : memref<640x32xf32, #tpu.memory_space<vmem>> -> memref<128x32xf32, #tpu.memory_space<vmem>>
          %dma_start3A_137 = arith.constant 0 : i32
          %dma_start3A_138 = tpu.memref_slice %arg11[%run_scoped3A_131, %dma_start3A_137] : memref<16x128xi32, #tpu.memory_space<vmem>> -> memref<1x128xi32, #tpu.memory_space<vmem>>
          %dma_start3A_139 = tpu.memref_squeeze %dma_start3A_138 : memref<1x128xi32, #tpu.memory_space<vmem>> -> memref<128xi32, #tpu.memory_space<vmem>>
          %dma_start3A_140 = arith.constant 0 : i32
          %dma_start3A_141 = arith.constant 0 : i32
          %dma_start3A_142 = tpu.memref_slice %arg9[%dma_start3A_140, %dma_start3A_141] : memref<50048x32xf32, #tpu.memory_space<vmem_shared>> -> memref<50048x32xf32, #tpu.memory_space<vmem_shared>>
          tpu.enqueue_indirect_dma source(%dma_start3A_136 : memref<128x32xf32, #tpu.memory_space<vmem>>) target(%dma_start3A_142 : memref<50048x32xf32, #tpu.memory_space<vmem_shared>>) offsets(%dma_start3A_139 : memref<128xi32, #tpu.memory_space<vmem>>) semaphore(%run_scoped3A_133 : memref<!tpu.dma_semaphore, #tpu.memory_space<semaphore_mem>>) {add = true}
          %dma_wait3A_143 = arith.constant 384 : i32
          %dma_wait3A_144 = arith.constant 0 : i32
          %dma_wait3A_145 = tpu.memref_slice %arg12[%dma_wait3A_143, %dma_wait3A_144] : memref<640x32xf32, #tpu.memory_space<vmem>> -> memref<128x32xf32, #tpu.memory_space<vmem>>
          %dma_wait3A_146 = arith.constant 0 : i32
          %dma_wait3A_147 = tpu.memref_slice %arg11[%run_scoped3A_131, %dma_wait3A_146] : memref<16x128xi32, #tpu.memory_space<vmem>> -> memref<1x128xi32, #tpu.memory_space<vmem>>
          %dma_wait3A_148 = tpu.memref_squeeze %dma_wait3A_147 : memref<1x128xi32, #tpu.memory_space<vmem>> -> memref<128xi32, #tpu.memory_space<vmem>>
          %dma_wait3A_149 = arith.constant 0 : i32
          %dma_wait3A_150 = arith.constant 0 : i32
          %dma_wait3A_151 = tpu.memref_slice %arg9[%dma_wait3A_149, %dma_wait3A_150] : memref<50048x32xf32, #tpu.memory_space<vmem_shared>> -> memref<50048x32xf32, #tpu.memory_space<vmem_shared>>
          tpu.wait_indirect_dma semaphore(%run_scoped3A_133 : memref<!tpu.dma_semaphore, #tpu.memory_space<semaphore_mem>>) src(%dma_wait3A_145 : memref<128x32xf32, #tpu.memory_space<vmem>>) dst(%dma_wait3A_151 : memref<50048x32xf32, #tpu.memory_space<vmem_shared>>)
          tpu.yield
        }) : () -> ()
        %run_scoped3A_132 = arith.constant 4 : i32
        "tpu.region"() ({
          %run_scoped3A_133 = tpu.sem_alloc : memref<!tpu.dma_semaphore, #tpu.memory_space<semaphore_mem>>
          %dma_start3A_134 = arith.constant 512 : i32
          %dma_start3A_135 = arith.constant 0 : i32
          %dma_start3A_136 = tpu.memref_slice %arg12[%dma_start3A_134, %dma_start3A_135] : memref<640x32xf32, #tpu.memory_space<vmem>> -> memref<128x32xf32, #tpu.memory_space<vmem>>
          %dma_start3A_137 = arith.constant 0 : i32
          %dma_start3A_138 = tpu.memref_slice %arg11[%run_scoped3A_132, %dma_start3A_137] : memref<16x128xi32, #tpu.memory_space<vmem>> -> memref<1x128xi32, #tpu.memory_space<vmem>>
          %dma_start3A_139 = tpu.memref_squeeze %dma_start3A_138 : memref<1x128xi32, #tpu.memory_space<vmem>> -> memref<128xi32, #tpu.memory_space<vmem>>
          %dma_start3A_140 = arith.constant 0 : i32
          %dma_start3A_141 = arith.constant 0 : i32
          %dma_start3A_142 = tpu.memref_slice %arg9[%dma_start3A_140, %dma_start3A_141] : memref<50048x32xf32, #tpu.memory_space<vmem_shared>> -> memref<50048x32xf32, #tpu.memory_space<vmem_shared>>
          tpu.enqueue_indirect_dma source(%dma_start3A_136 : memref<128x32xf32, #tpu.memory_space<vmem>>) target(%dma_start3A_142 : memref<50048x32xf32, #tpu.memory_space<vmem_shared>>) offsets(%dma_start3A_139 : memref<128xi32, #tpu.memory_space<vmem>>) semaphore(%run_scoped3A_133 : memref<!tpu.dma_semaphore, #tpu.memory_space<semaphore_mem>>) {add = true}
          %dma_wait3A_143 = arith.constant 512 : i32
          %dma_wait3A_144 = arith.constant 0 : i32
          %dma_wait3A_145 = tpu.memref_slice %arg12[%dma_wait3A_143, %dma_wait3A_144] : memref<640x32xf32, #tpu.memory_space<vmem>> -> memref<128x32xf32, #tpu.memory_space<vmem>>
          %dma_wait3A_146 = arith.constant 0 : i32
          %dma_wait3A_147 = tpu.memref_slice %arg11[%run_scoped3A_132, %dma_wait3A_146] : memref<16x128xi32, #tpu.memory_space<vmem>> -> memref<1x128xi32, #tpu.memory_space<vmem>>
          %dma_wait3A_148 = tpu.memref_squeeze %dma_wait3A_147 : memref<1x128xi32, #tpu.memory_space<vmem>> -> memref<128xi32, #tpu.memory_space<vmem>>
          %dma_wait3A_149 = arith.constant 0 : i32
          %dma_wait3A_150 = arith.constant 0 : i32
          %dma_wait3A_151 = tpu.memref_slice %arg9[%dma_wait3A_149, %dma_wait3A_150] : memref<50048x32xf32, #tpu.memory_space<vmem_shared>> -> memref<50048x32xf32, #tpu.memory_space<vmem_shared>>
          tpu.wait_indirect_dma semaphore(%run_scoped3A_133 : memref<!tpu.dma_semaphore, #tpu.memory_space<semaphore_mem>>) src(%dma_wait3A_145 : memref<128x32xf32, #tpu.memory_space<vmem>>) dst(%dma_wait3A_151 : memref<50048x32xf32, #tpu.memory_space<vmem_shared>>)
          tpu.yield
        }) : () -> ()
      }
      %scan3A_27 = arith.constant 80 : i32
    } else {
    }
    %barrier3A_10 = arith.constant 0 : index
    tpu.barrier barrier_id(%barrier3A_10)
    %eq3A_11 = arith.constant 0 : i32
    %eq3A_12 = arith.cmpi eq, %arg0, %eq3A_11 : i32
    %convert_element_type3A_13 = arith.extui %eq3A_12 : i1 to i32
    %cond3A_14 = arith.constant 0 : i32
    %cond3A_15 = arith.cmpi ne, %convert_element_type3A_13, %cond3A_14 : i32
    scf.if %cond3A_15 {
      %mul3A_21 = arith.constant 3128 : i32
      %mul3A_22 = arith.muli %arg1, %mul3A_21 : i32
      %mul3A_23 = arith.constant 3128 : i32
      %mul3A_24 = arith.muli %arg1, %mul3A_23 : i32
      "tpu.region"() ({
        %run_scoped3A = tpu.sem_alloc : memref<!tpu.dma_semaphore, #tpu.memory_space<semaphore_mem>>
        %dma_start3A = arith.constant 0 : i32
        %dma_start3A_25 = tpu.memref_slice %arg7[%mul3A_24, %dma_start3A] : memref<50048x32xf32, #tpu.memory_space<hbm>> -> memref<3128x32xf32, #tpu.memory_space<hbm>>
        %dma_start3A_26 = arith.constant 0 : i32
        %dma_start3A_27 = tpu.memref_slice %arg9[%mul3A_22, %dma_start3A_26] : memref<50048x32xf32, #tpu.memory_space<vmem_shared>> -> memref<3128x32xf32, #tpu.memory_space<vmem_shared>>
        tpu.enqueue_dma source(%dma_start3A_27 : memref<3128x32xf32, #tpu.memory_space<vmem_shared>>) target(%dma_start3A_25 : memref<3128x32xf32, #tpu.memory_space<hbm>>) target_semaphore(%run_scoped3A : memref<!tpu.dma_semaphore, #tpu.memory_space<semaphore_mem>>)
        %dma_wait3A = arith.constant 0 : i32
        %dma_wait3A_28 = tpu.memref_slice %arg7[%mul3A_24, %dma_wait3A] : memref<50048x32xf32, #tpu.memory_space<hbm>> -> memref<3128x32xf32, #tpu.memory_space<hbm>>
        %dma_wait3A_29 = arith.constant 0 : i32
        %dma_wait3A_30 = tpu.memref_slice %arg9[%mul3A_22, %dma_wait3A_29] : memref<50048x32xf32, #tpu.memory_space<vmem_shared>> -> memref<3128x32xf32, #tpu.memory_space<vmem_shared>>
        tpu.wait_dma2 semaphore(%run_scoped3A : memref<!tpu.dma_semaphore, #tpu.memory_space<semaphore_mem>>) src(%dma_wait3A_30 : memref<3128x32xf32, #tpu.memory_space<vmem_shared>>) dst(%dma_wait3A_28 : memref<3128x32xf32, #tpu.memory_space<hbm>>)
        tpu.yield
      }) : () -> ()
    } else {
    }
    %eq3A_16 = arith.constant 1 : i32
    %eq3A_17 = arith.cmpi eq, %arg0, %eq3A_16 : i32
    %convert_element_type3A_18 = arith.extui %eq3A_17 : i1 to i32
    %cond3A_19 = arith.constant 0 : i32
    %cond3A_20 = arith.cmpi ne, %convert_element_type3A_18, %cond3A_19 : i32
    scf.if %cond3A_20 {
      %mul3A_21 = arith.constant 3128 : i32
      %mul3A_22 = arith.muli %arg1, %mul3A_21 : i32
      %mul3A_23 = arith.constant 3128 : i32
      %mul3A_24 = arith.muli %arg1, %mul3A_23 : i32
      "tpu.region"() ({
        %run_scoped3A = tpu.sem_alloc : memref<!tpu.dma_semaphore, #tpu.memory_space<semaphore_mem>>
        %dma_start3A = arith.constant 0 : i32
        %dma_start3A_25 = tpu.memref_slice %arg8[%mul3A_24, %dma_start3A] : memref<50048x32xf32, #tpu.memory_space<hbm>> -> memref<3128x32xf32, #tpu.memory_space<hbm>>
        %dma_start3A_26 = arith.constant 0 : i32
        %dma_start3A_27 = tpu.memref_slice %arg9[%mul3A_22, %dma_start3A_26] : memref<50048x32xf32, #tpu.memory_space<vmem_shared>> -> memref<3128x32xf32, #tpu.memory_space<vmem_shared>>
        tpu.enqueue_dma source(%dma_start3A_27 : memref<3128x32xf32, #tpu.memory_space<vmem_shared>>) target(%dma_start3A_25 : memref<3128x32xf32, #tpu.memory_space<hbm>>) target_semaphore(%run_scoped3A : memref<!tpu.dma_semaphore, #tpu.memory_space<semaphore_mem>>)
        %dma_wait3A = arith.constant 0 : i32
        %dma_wait3A_28 = tpu.memref_slice %arg8[%mul3A_24, %dma_wait3A] : memref<50048x32xf32, #tpu.memory_space<hbm>> -> memref<3128x32xf32, #tpu.memory_space<hbm>>
        %dma_wait3A_29 = arith.constant 0 : i32
        %dma_wait3A_30 = tpu.memref_slice %arg9[%mul3A_22, %dma_wait3A_29] : memref<50048x32xf32, #tpu.memory_space<vmem_shared>> -> memref<3128x32xf32, #tpu.memory_space<vmem_shared>>
        tpu.wait_dma2 semaphore(%run_scoped3A : memref<!tpu.dma_semaphore, #tpu.memory_space<semaphore_mem>>) src(%dma_wait3A_30 : memref<3128x32xf32, #tpu.memory_space<vmem_shared>>) dst(%dma_wait3A_28 : memref<3128x32xf32, #tpu.memory_space<hbm>>)
        tpu.yield
      }) : () -> ()
    } else {
    }
    return
  }
}

#map = affine_map<(d0, d1) -> (0, 0)>
module attributes {stable_mosaic.version = 14 : i64} {
  func.func @_sc_agg_body(%arg0: i32, %arg1: i32, %arg2: memref<50048x32xf32, #tpu.memory_space<hbm>>, %arg3: memref<50048x32xf32, #tpu.memory_space<hbm>>, %arg4: memref<6400x128xi32, #tpu.memory_space<hbm>>, %arg5: memref<6400x128xi32, #tpu.memory_space<hbm>>, %arg6: memref<50048x32xf32, #tpu.memory_space<hbm>>, %arg7: memref<50048x32xf32, #tpu.memory_space<hbm>>, %arg8: memref<50048x32xf32, #tpu.memory_space<hbm>>, %arg9: memref<50048x32xf32, #tpu.memory_space<vmem_shared>>, %arg10: memref<16x128xi32, #tpu.memory_space<vmem>>, %arg11: memref<16x128xi32, #tpu.memory_space<vmem>>, %arg12: memref<640x32xf32, #tpu.memory_space<vmem>>, %arg13: memref<!tpu.dma_semaphore, #tpu.memory_space<semaphore_mem>>) attributes {dimension_semantics = [#tpu.dimension_semantics<core_parallel>, #tpu.dimension_semantics<subcore_parallel>], iteration_bounds = array<i64: 2, 16>, scalar_prefetch = 0 : i64, scratch_operands = 5 : i64, tpu.core_type = #tpu.core_type<sc_vector_subcore>, window_params = [{transform_indices = #map}, {transform_indices = #map}, {transform_indices = #map}, {transform_indices = #map}, {transform_indices = #map}, {transform_indices = #map}, {transform_indices = #map}]} {
    %mul3A = arith.constant 3128 : i32
    %mul3A_0 = arith.muli %arg1, %mul3A : i32
    %mul3A_1 = arith.constant 3128 : i32
    %mul3A_2 = arith.muli %arg1, %mul3A_1 : i32
    "tpu.region"() ({
      %run_scoped3A = tpu.sem_alloc : memref<!tpu.dma_semaphore, #tpu.memory_space<semaphore_mem>>
      %dma_start3A = arith.constant 0 : i32
      %dma_start3A_21 = tpu.memref_slice %arg9[%mul3A_2, %dma_start3A] : memref<50048x32xf32, #tpu.memory_space<vmem_shared>> -> memref<3128x32xf32, #tpu.memory_space<vmem_shared>>
      %dma_start3A_22 = arith.constant 0 : i32
      %dma_start3A_23 = tpu.memref_slice %arg6[%mul3A_0, %dma_start3A_22] : memref<50048x32xf32, #tpu.memory_space<hbm>> -> memref<3128x32xf32, #tpu.memory_space<hbm>>
      tpu.enqueue_dma source(%dma_start3A_23 : memref<3128x32xf32, #tpu.memory_space<hbm>>) target(%dma_start3A_21 : memref<3128x32xf32, #tpu.memory_space<vmem_shared>>) target_semaphore(%run_scoped3A : memref<!tpu.dma_semaphore, #tpu.memory_space<semaphore_mem>>)
      %dma_wait3A = arith.constant 0 : i32
      %dma_wait3A_24 = tpu.memref_slice %arg9[%mul3A_2, %dma_wait3A] : memref<50048x32xf32, #tpu.memory_space<vmem_shared>> -> memref<3128x32xf32, #tpu.memory_space<vmem_shared>>
      %dma_wait3A_25 = arith.constant 0 : i32
      %dma_wait3A_26 = tpu.memref_slice %arg6[%mul3A_0, %dma_wait3A_25] : memref<50048x32xf32, #tpu.memory_space<hbm>> -> memref<3128x32xf32, #tpu.memory_space<hbm>>
      tpu.wait_dma2 semaphore(%run_scoped3A : memref<!tpu.dma_semaphore, #tpu.memory_space<semaphore_mem>>) src(%dma_wait3A_26 : memref<3128x32xf32, #tpu.memory_space<hbm>>) dst(%dma_wait3A_24 : memref<3128x32xf32, #tpu.memory_space<vmem_shared>>)
      tpu.yield
    }) : () -> ()
    %barrier3A = arith.constant 0 : index
    tpu.barrier barrier_id(%barrier3A)
    %eq3A = arith.constant 0 : i32
    %eq3A_3 = arith.cmpi eq, %arg0, %eq3A : i32
    %convert_element_type3A = arith.extui %eq3A_3 : i1 to i32
    %cond3A = arith.constant 0 : i32
    %cond3A_4 = arith.cmpi ne, %convert_element_type3A, %cond3A : i32
    scf.if %cond3A_4 {
      %mul3A_21 = arith.constant 400 : i32
      %mul3A_22 = arith.muli %arg1, %mul3A_21 : i32
      %scan3A = arith.constant 0 : i32
      %scan3A_23 = arith.constant 0 : i32
      %scan3A_24 = arith.constant 80 : i32
      %scan3A_25 = arith.addi %scan3A_23, %scan3A_24 : i32
      %scan3A_26 = arith.constant 1 : i32
      scf.for %scan3A_28 = %scan3A_23 to %scan3A_25 step %scan3A_26  : i32 {
        %mul3A_29 = arith.constant 5 : i32
        %mul3A_30 = arith.muli %scan3A_28, %mul3A_29 : i32
        %add3A = arith.addi %mul3A_22, %mul3A_30 : i32
        "tpu.region"() ({
          %run_scoped3A_133 = tpu.sem_alloc : memref<!tpu.dma_semaphore, #tpu.memory_space<semaphore_mem>>
          %dma_start3A_134 = arith.constant 0 : i32
          %dma_start3A_135 = arith.constant 0 : i32
          %dma_start3A_136 = tpu.memref_slice %arg10[%dma_start3A_134, %dma_start3A_135] : memref<16x128xi32, #tpu.memory_space<vmem>> -> memref<5x128xi32, #tpu.memory_space<vmem>>
          %dma_start3A_137 = arith.constant 0 : i32
          %dma_start3A_138 = tpu.memref_slice %arg4[%add3A, %dma_start3A_137] : memref<6400x128xi32, #tpu.memory_space<hbm>> -> memref<5x128xi32, #tpu.memory_space<hbm>>
          %dma_start3A_139 = arith.constant 0 : i32
          %dma_start3A_140 = arith.constant 0 : i32
          %dma_start3A_141 = tpu.memref_slice %arg10[%dma_start3A_139, %dma_start3A_140] : memref<16x128xi32, #tpu.memory_space<vmem>> -> memref<5x128xi32, #tpu.memory_space<vmem>>
          %dma_start3A_142 = arith.constant 0 : i32
          %dma_start3A_143 = tpu.memref_slice %arg4[%add3A, %dma_start3A_142] : memref<6400x128xi32, #tpu.memory_space<hbm>> -> memref<5x128xi32, #tpu.memory_space<hbm>>
          tpu.enqueue_dma source(%dma_start3A_143 : memref<5x128xi32, #tpu.memory_space<hbm>>) target(%dma_start3A_141 : memref<5x128xi32, #tpu.memory_space<vmem>>) target_semaphore(%run_scoped3A_133 : memref<!tpu.dma_semaphore, #tpu.memory_space<semaphore_mem>>)
          %dma_wait3A_144 = arith.constant 0 : i32
          %dma_wait3A_145 = arith.constant 0 : i32
          %dma_wait3A_146 = tpu.memref_slice %arg10[%dma_wait3A_144, %dma_wait3A_145] : memref<16x128xi32, #tpu.memory_space<vmem>> -> memref<5x128xi32, #tpu.memory_space<vmem>>
          %dma_wait3A_147 = arith.constant 0 : i32
          %dma_wait3A_148 = tpu.memref_slice %arg4[%add3A, %dma_wait3A_147] : memref<6400x128xi32, #tpu.memory_space<hbm>> -> memref<5x128xi32, #tpu.memory_space<hbm>>
          %dma_wait3A_149 = arith.constant 0 : i32
          %dma_wait3A_150 = arith.constant 0 : i32
          %dma_wait3A_151 = tpu.memref_slice %arg10[%dma_wait3A_149, %dma_wait3A_150] : memref<16x128xi32, #tpu.memory_space<vmem>> -> memref<5x128xi32, #tpu.memory_space<vmem>>
          %dma_wait3A_152 = arith.constant 0 : i32
          %dma_wait3A_153 = tpu.memref_slice %arg4[%add3A, %dma_wait3A_152] : memref<6400x128xi32, #tpu.memory_space<hbm>> -> memref<5x128xi32, #tpu.memory_space<hbm>>
          tpu.wait_dma2 semaphore(%run_scoped3A_133 : memref<!tpu.dma_semaphore, #tpu.memory_space<semaphore_mem>>) src(%dma_wait3A_153 : memref<5x128xi32, #tpu.memory_space<hbm>>) dst(%dma_wait3A_151 : memref<5x128xi32, #tpu.memory_space<vmem>>)
          tpu.yield
        }) : () -> ()
        "tpu.region"() ({
          %run_scoped3A_133 = tpu.sem_alloc : memref<!tpu.dma_semaphore, #tpu.memory_space<semaphore_mem>>
          %dma_start3A_134 = arith.constant 0 : i32
          %dma_start3A_135 = arith.constant 0 : i32
          %dma_start3A_136 = tpu.memref_slice %arg11[%dma_start3A_134, %dma_start3A_135] : memref<16x128xi32, #tpu.memory_space<vmem>> -> memref<5x128xi32, #tpu.memory_space<vmem>>
          %dma_start3A_137 = arith.constant 0 : i32
          %dma_start3A_138 = tpu.memref_slice %arg5[%add3A, %dma_start3A_137] : memref<6400x128xi32, #tpu.memory_space<hbm>> -> memref<5x128xi32, #tpu.memory_space<hbm>>
          %dma_start3A_139 = arith.constant 0 : i32
          %dma_start3A_140 = arith.constant 0 : i32
          %dma_start3A_141 = tpu.memref_slice %arg11[%dma_start3A_139, %dma_start3A_140] : memref<16x128xi32, #tpu.memory_space<vmem>> -> memref<5x128xi32, #tpu.memory_space<vmem>>
          %dma_start3A_142 = arith.constant 0 : i32
          %dma_start3A_143 = tpu.memref_slice %arg5[%add3A, %dma_start3A_142] : memref<6400x128xi32, #tpu.memory_space<hbm>> -> memref<5x128xi32, #tpu.memory_space<hbm>>
          tpu.enqueue_dma source(%dma_start3A_143 : memref<5x128xi32, #tpu.memory_space<hbm>>) target(%dma_start3A_141 : memref<5x128xi32, #tpu.memory_space<vmem>>) target_semaphore(%run_scoped3A_133 : memref<!tpu.dma_semaphore, #tpu.memory_space<semaphore_mem>>)
          %dma_wait3A_144 = arith.constant 0 : i32
          %dma_wait3A_145 = arith.constant 0 : i32
          %dma_wait3A_146 = tpu.memref_slice %arg11[%dma_wait3A_144, %dma_wait3A_145] : memref<16x128xi32, #tpu.memory_space<vmem>> -> memref<5x128xi32, #tpu.memory_space<vmem>>
          %dma_wait3A_147 = arith.constant 0 : i32
          %dma_wait3A_148 = tpu.memref_slice %arg5[%add3A, %dma_wait3A_147] : memref<6400x128xi32, #tpu.memory_space<hbm>> -> memref<5x128xi32, #tpu.memory_space<hbm>>
          %dma_wait3A_149 = arith.constant 0 : i32
          %dma_wait3A_150 = arith.constant 0 : i32
          %dma_wait3A_151 = tpu.memref_slice %arg11[%dma_wait3A_149, %dma_wait3A_150] : memref<16x128xi32, #tpu.memory_space<vmem>> -> memref<5x128xi32, #tpu.memory_space<vmem>>
          %dma_wait3A_152 = arith.constant 0 : i32
          %dma_wait3A_153 = tpu.memref_slice %arg5[%add3A, %dma_wait3A_152] : memref<6400x128xi32, #tpu.memory_space<hbm>> -> memref<5x128xi32, #tpu.memory_space<hbm>>
          tpu.wait_dma2 semaphore(%run_scoped3A_133 : memref<!tpu.dma_semaphore, #tpu.memory_space<semaphore_mem>>) src(%dma_wait3A_153 : memref<5x128xi32, #tpu.memory_space<hbm>>) dst(%dma_wait3A_151 : memref<5x128xi32, #tpu.memory_space<vmem>>)
          tpu.yield
        }) : () -> ()
        %dma_start3A = arith.constant 0 : i32
        %dma_start3A_31 = arith.constant 0 : i32
        %dma_start3A_32 = arith.constant 0 : i32
        %dma_start3A_33 = tpu.memref_slice %arg12[%dma_start3A_31, %dma_start3A_32] : memref<640x32xf32, #tpu.memory_space<vmem>> -> memref<128x32xf32, #tpu.memory_space<vmem>>
        %dma_start3A_34 = arith.constant 0 : i32
        %dma_start3A_35 = tpu.memref_slice %arg10[%dma_start3A, %dma_start3A_34] : memref<16x128xi32, #tpu.memory_space<vmem>> -> memref<1x128xi32, #tpu.memory_space<vmem>>
        %dma_start3A_36 = tpu.memref_squeeze %dma_start3A_35 : memref<1x128xi32, #tpu.memory_space<vmem>> -> memref<128xi32, #tpu.memory_space<vmem>>
        %dma_start3A_37 = arith.constant 0 : i32
        %dma_start3A_38 = arith.constant 0 : i32
        %dma_start3A_39 = tpu.memref_slice %arg2[%dma_start3A_37, %dma_start3A_38] : memref<50048x32xf32, #tpu.memory_space<hbm>> -> memref<50048x32xf32, #tpu.memory_space<hbm>>
        tpu.enqueue_indirect_dma source(%dma_start3A_39 : memref<50048x32xf32, #tpu.memory_space<hbm>>) target(%dma_start3A_33 : memref<128x32xf32, #tpu.memory_space<vmem>>) offsets(%dma_start3A_36 : memref<128xi32, #tpu.memory_space<vmem>>) semaphore(%arg13 : memref<!tpu.dma_semaphore, #tpu.memory_space<semaphore_mem>>)
        %dma_start3A_40 = arith.constant 1 : i32
        %dma_start3A_41 = arith.constant 128 : i32
        %dma_start3A_42 = arith.constant 0 : i32
        %dma_start3A_43 = tpu.memref_slice %arg12[%dma_start3A_41, %dma_start3A_42] : memref<640x32xf32, #tpu.memory_space<vmem>> -> memref<128x32xf32, #tpu.memory_space<vmem>>
        %dma_start3A_44 = arith.constant 0 : i32
        %dma_start3A_45 = tpu.memref_slice %arg10[%dma_start3A_40, %dma_start3A_44] : memref<16x128xi32, #tpu.memory_space<vmem>> -> memref<1x128xi32, #tpu.memory_space<vmem>>
        %dma_start3A_46 = tpu.memref_squeeze %dma_start3A_45 : memref<1x128xi32, #tpu.memory_space<vmem>> -> memref<128xi32, #tpu.memory_space<vmem>>
        %dma_start3A_47 = arith.constant 0 : i32
        %dma_start3A_48 = arith.constant 0 : i32
        %dma_start3A_49 = tpu.memref_slice %arg2[%dma_start3A_47, %dma_start3A_48] : memref<50048x32xf32, #tpu.memory_space<hbm>> -> memref<50048x32xf32, #tpu.memory_space<hbm>>
        tpu.enqueue_indirect_dma source(%dma_start3A_49 : memref<50048x32xf32, #tpu.memory_space<hbm>>) target(%dma_start3A_43 : memref<128x32xf32, #tpu.memory_space<vmem>>) offsets(%dma_start3A_46 : memref<128xi32, #tpu.memory_space<vmem>>) semaphore(%arg13 : memref<!tpu.dma_semaphore, #tpu.memory_space<semaphore_mem>>)
        %dma_start3A_50 = arith.constant 2 : i32
        %dma_start3A_51 = arith.constant 256 : i32
        %dma_start3A_52 = arith.constant 0 : i32
        %dma_start3A_53 = tpu.memref_slice %arg12[%dma_start3A_51, %dma_start3A_52] : memref<640x32xf32, #tpu.memory_space<vmem>> -> memref<128x32xf32, #tpu.memory_space<vmem>>
        %dma_start3A_54 = arith.constant 0 : i32
        %dma_start3A_55 = tpu.memref_slice %arg10[%dma_start3A_50, %dma_start3A_54] : memref<16x128xi32, #tpu.memory_space<vmem>> -> memref<1x128xi32, #tpu.memory_space<vmem>>
        %dma_start3A_56 = tpu.memref_squeeze %dma_start3A_55 : memref<1x128xi32, #tpu.memory_space<vmem>> -> memref<128xi32, #tpu.memory_space<vmem>>
        %dma_start3A_57 = arith.constant 0 : i32
        %dma_start3A_58 = arith.constant 0 : i32
        %dma_start3A_59 = tpu.memref_slice %arg2[%dma_start3A_57, %dma_start3A_58] : memref<50048x32xf32, #tpu.memory_space<hbm>> -> memref<50048x32xf32, #tpu.memory_space<hbm>>
        tpu.enqueue_indirect_dma source(%dma_start3A_59 : memref<50048x32xf32, #tpu.memory_space<hbm>>) target(%dma_start3A_53 : memref<128x32xf32, #tpu.memory_space<vmem>>) offsets(%dma_start3A_56 : memref<128xi32, #tpu.memory_space<vmem>>) semaphore(%arg13 : memref<!tpu.dma_semaphore, #tpu.memory_space<semaphore_mem>>)
        %dma_start3A_60 = arith.constant 3 : i32
        %dma_start3A_61 = arith.constant 384 : i32
        %dma_start3A_62 = arith.constant 0 : i32
        %dma_start3A_63 = tpu.memref_slice %arg12[%dma_start3A_61, %dma_start3A_62] : memref<640x32xf32, #tpu.memory_space<vmem>> -> memref<128x32xf32, #tpu.memory_space<vmem>>
        %dma_start3A_64 = arith.constant 0 : i32
        %dma_start3A_65 = tpu.memref_slice %arg10[%dma_start3A_60, %dma_start3A_64] : memref<16x128xi32, #tpu.memory_space<vmem>> -> memref<1x128xi32, #tpu.memory_space<vmem>>
        %dma_start3A_66 = tpu.memref_squeeze %dma_start3A_65 : memref<1x128xi32, #tpu.memory_space<vmem>> -> memref<128xi32, #tpu.memory_space<vmem>>
        %dma_start3A_67 = arith.constant 0 : i32
        %dma_start3A_68 = arith.constant 0 : i32
        %dma_start3A_69 = tpu.memref_slice %arg2[%dma_start3A_67, %dma_start3A_68] : memref<50048x32xf32, #tpu.memory_space<hbm>> -> memref<50048x32xf32, #tpu.memory_space<hbm>>
        tpu.enqueue_indirect_dma source(%dma_start3A_69 : memref<50048x32xf32, #tpu.memory_space<hbm>>) target(%dma_start3A_63 : memref<128x32xf32, #tpu.memory_space<vmem>>) offsets(%dma_start3A_66 : memref<128xi32, #tpu.memory_space<vmem>>) semaphore(%arg13 : memref<!tpu.dma_semaphore, #tpu.memory_space<semaphore_mem>>)
        %dma_start3A_70 = arith.constant 4 : i32
        %dma_start3A_71 = arith.constant 512 : i32
        %dma_start3A_72 = arith.constant 0 : i32
        %dma_start3A_73 = tpu.memref_slice %arg12[%dma_start3A_71, %dma_start3A_72] : memref<640x32xf32, #tpu.memory_space<vmem>> -> memref<128x32xf32, #tpu.memory_space<vmem>>
        %dma_start3A_74 = arith.constant 0 : i32
        %dma_start3A_75 = tpu.memref_slice %arg10[%dma_start3A_70, %dma_start3A_74] : memref<16x128xi32, #tpu.memory_space<vmem>> -> memref<1x128xi32, #tpu.memory_space<vmem>>
        %dma_start3A_76 = tpu.memref_squeeze %dma_start3A_75 : memref<1x128xi32, #tpu.memory_space<vmem>> -> memref<128xi32, #tpu.memory_space<vmem>>
        %dma_start3A_77 = arith.constant 0 : i32
        %dma_start3A_78 = arith.constant 0 : i32
        %dma_start3A_79 = tpu.memref_slice %arg2[%dma_start3A_77, %dma_start3A_78] : memref<50048x32xf32, #tpu.memory_space<hbm>> -> memref<50048x32xf32, #tpu.memory_space<hbm>>
        tpu.enqueue_indirect_dma source(%dma_start3A_79 : memref<50048x32xf32, #tpu.memory_space<hbm>>) target(%dma_start3A_73 : memref<128x32xf32, #tpu.memory_space<vmem>>) offsets(%dma_start3A_76 : memref<128xi32, #tpu.memory_space<vmem>>) semaphore(%arg13 : memref<!tpu.dma_semaphore, #tpu.memory_space<semaphore_mem>>)
        %dma_wait3A = arith.constant 0 : i32
        %dma_wait3A_80 = arith.constant 0 : i32
        %dma_wait3A_81 = arith.constant 0 : i32
        %dma_wait3A_82 = tpu.memref_slice %arg12[%dma_wait3A_80, %dma_wait3A_81] : memref<640x32xf32, #tpu.memory_space<vmem>> -> memref<128x32xf32, #tpu.memory_space<vmem>>
        %dma_wait3A_83 = arith.constant 0 : i32
        %dma_wait3A_84 = tpu.memref_slice %arg10[%dma_wait3A, %dma_wait3A_83] : memref<16x128xi32, #tpu.memory_space<vmem>> -> memref<1x128xi32, #tpu.memory_space<vmem>>
        %dma_wait3A_85 = tpu.memref_squeeze %dma_wait3A_84 : memref<1x128xi32, #tpu.memory_space<vmem>> -> memref<128xi32, #tpu.memory_space<vmem>>
        %dma_wait3A_86 = arith.constant 0 : i32
        %dma_wait3A_87 = arith.constant 0 : i32
        %dma_wait3A_88 = tpu.memref_slice %arg2[%dma_wait3A_86, %dma_wait3A_87] : memref<50048x32xf32, #tpu.memory_space<hbm>> -> memref<50048x32xf32, #tpu.memory_space<hbm>>
        tpu.wait_indirect_dma semaphore(%arg13 : memref<!tpu.dma_semaphore, #tpu.memory_space<semaphore_mem>>) src(%dma_wait3A_88 : memref<50048x32xf32, #tpu.memory_space<hbm>>) dst(%dma_wait3A_82 : memref<128x32xf32, #tpu.memory_space<vmem>>)
        %dma_wait3A_89 = arith.constant 1 : i32
        %dma_wait3A_90 = arith.constant 128 : i32
        %dma_wait3A_91 = arith.constant 0 : i32
        %dma_wait3A_92 = tpu.memref_slice %arg12[%dma_wait3A_90, %dma_wait3A_91] : memref<640x32xf32, #tpu.memory_space<vmem>> -> memref<128x32xf32, #tpu.memory_space<vmem>>
        %dma_wait3A_93 = arith.constant 0 : i32
        %dma_wait3A_94 = tpu.memref_slice %arg10[%dma_wait3A_89, %dma_wait3A_93] : memref<16x128xi32, #tpu.memory_space<vmem>> -> memref<1x128xi32, #tpu.memory_space<vmem>>
        %dma_wait3A_95 = tpu.memref_squeeze %dma_wait3A_94 : memref<1x128xi32, #tpu.memory_space<vmem>> -> memref<128xi32, #tpu.memory_space<vmem>>
        %dma_wait3A_96 = arith.constant 0 : i32
        %dma_wait3A_97 = arith.constant 0 : i32
        %dma_wait3A_98 = tpu.memref_slice %arg2[%dma_wait3A_96, %dma_wait3A_97] : memref<50048x32xf32, #tpu.memory_space<hbm>> -> memref<50048x32xf32, #tpu.memory_space<hbm>>
        tpu.wait_indirect_dma semaphore(%arg13 : memref<!tpu.dma_semaphore, #tpu.memory_space<semaphore_mem>>) src(%dma_wait3A_98 : memref<50048x32xf32, #tpu.memory_space<hbm>>) dst(%dma_wait3A_92 : memref<128x32xf32, #tpu.memory_space<vmem>>)
        %dma_wait3A_99 = arith.constant 2 : i32
        %dma_wait3A_100 = arith.constant 256 : i32
        %dma_wait3A_101 = arith.constant 0 : i32
        %dma_wait3A_102 = tpu.memref_slice %arg12[%dma_wait3A_100, %dma_wait3A_101] : memref<640x32xf32, #tpu.memory_space<vmem>> -> memref<128x32xf32, #tpu.memory_space<vmem>>
        %dma_wait3A_103 = arith.constant 0 : i32
        %dma_wait3A_104 = tpu.memref_slice %arg10[%dma_wait3A_99, %dma_wait3A_103] : memref<16x128xi32, #tpu.memory_space<vmem>> -> memref<1x128xi32, #tpu.memory_space<vmem>>
        %dma_wait3A_105 = tpu.memref_squeeze %dma_wait3A_104 : memref<1x128xi32, #tpu.memory_space<vmem>> -> memref<128xi32, #tpu.memory_space<vmem>>
        %dma_wait3A_106 = arith.constant 0 : i32
        %dma_wait3A_107 = arith.constant 0 : i32
        %dma_wait3A_108 = tpu.memref_slice %arg2[%dma_wait3A_106, %dma_wait3A_107] : memref<50048x32xf32, #tpu.memory_space<hbm>> -> memref<50048x32xf32, #tpu.memory_space<hbm>>
        tpu.wait_indirect_dma semaphore(%arg13 : memref<!tpu.dma_semaphore, #tpu.memory_space<semaphore_mem>>) src(%dma_wait3A_108 : memref<50048x32xf32, #tpu.memory_space<hbm>>) dst(%dma_wait3A_102 : memref<128x32xf32, #tpu.memory_space<vmem>>)
        %dma_wait3A_109 = arith.constant 3 : i32
        %dma_wait3A_110 = arith.constant 384 : i32
        %dma_wait3A_111 = arith.constant 0 : i32
        %dma_wait3A_112 = tpu.memref_slice %arg12[%dma_wait3A_110, %dma_wait3A_111] : memref<640x32xf32, #tpu.memory_space<vmem>> -> memref<128x32xf32, #tpu.memory_space<vmem>>
        %dma_wait3A_113 = arith.constant 0 : i32
        %dma_wait3A_114 = tpu.memref_slice %arg10[%dma_wait3A_109, %dma_wait3A_113] : memref<16x128xi32, #tpu.memory_space<vmem>> -> memref<1x128xi32, #tpu.memory_space<vmem>>
        %dma_wait3A_115 = tpu.memref_squeeze %dma_wait3A_114 : memref<1x128xi32, #tpu.memory_space<vmem>> -> memref<128xi32, #tpu.memory_space<vmem>>
        %dma_wait3A_116 = arith.constant 0 : i32
        %dma_wait3A_117 = arith.constant 0 : i32
        %dma_wait3A_118 = tpu.memref_slice %arg2[%dma_wait3A_116, %dma_wait3A_117] : memref<50048x32xf32, #tpu.memory_space<hbm>> -> memref<50048x32xf32, #tpu.memory_space<hbm>>
        tpu.wait_indirect_dma semaphore(%arg13 : memref<!tpu.dma_semaphore, #tpu.memory_space<semaphore_mem>>) src(%dma_wait3A_118 : memref<50048x32xf32, #tpu.memory_space<hbm>>) dst(%dma_wait3A_112 : memref<128x32xf32, #tpu.memory_space<vmem>>)
        %dma_wait3A_119 = arith.constant 4 : i32
        %dma_wait3A_120 = arith.constant 512 : i32
        %dma_wait3A_121 = arith.constant 0 : i32
        %dma_wait3A_122 = tpu.memref_slice %arg12[%dma_wait3A_120, %dma_wait3A_121] : memref<640x32xf32, #tpu.memory_space<vmem>> -> memref<128x32xf32, #tpu.memory_space<vmem>>
        %dma_wait3A_123 = arith.constant 0 : i32
        %dma_wait3A_124 = tpu.memref_slice %arg10[%dma_wait3A_119, %dma_wait3A_123] : memref<16x128xi32, #tpu.memory_space<vmem>> -> memref<1x128xi32, #tpu.memory_space<vmem>>
        %dma_wait3A_125 = tpu.memref_squeeze %dma_wait3A_124 : memref<1x128xi32, #tpu.memory_space<vmem>> -> memref<128xi32, #tpu.memory_space<vmem>>
        %dma_wait3A_126 = arith.constant 0 : i32
        %dma_wait3A_127 = arith.constant 0 : i32
        %dma_wait3A_128 = tpu.memref_slice %arg2[%dma_wait3A_126, %dma_wait3A_127] : memref<50048x32xf32, #tpu.memory_space<hbm>> -> memref<50048x32xf32, #tpu.memory_space<hbm>>
        tpu.wait_indirect_dma semaphore(%arg13 : memref<!tpu.dma_semaphore, #tpu.memory_space<semaphore_mem>>) src(%dma_wait3A_128 : memref<50048x32xf32, #tpu.memory_space<hbm>>) dst(%dma_wait3A_122 : memref<128x32xf32, #tpu.memory_space<vmem>>)
        %run_scoped3A = arith.constant 0 : i32
        "tpu.region"() ({
          %run_scoped3A_133 = tpu.sem_alloc : memref<!tpu.dma_semaphore, #tpu.memory_space<semaphore_mem>>
          %dma_start3A_134 = arith.constant 0 : i32
          %dma_start3A_135 = arith.constant 0 : i32
          %dma_start3A_136 = tpu.memref_slice %arg12[%dma_start3A_134, %dma_start3A_135] : memref<640x32xf32, #tpu.memory_space<vmem>> -> memref<128x32xf32, #tpu.memory_space<vmem>>
          %dma_start3A_137 = arith.constant 0 : i32
          %dma_start3A_138 = tpu.memref_slice %arg11[%run_scoped3A, %dma_start3A_137] : memref<16x128xi32, #tpu.memory_space<vmem>> -> memref<1x128xi32, #tpu.memory_space<vmem>>
          %dma_start3A_139 = tpu.memref_squeeze %dma_start3A_138 : memref<1x128xi32, #tpu.memory_space<vmem>> -> memref<128xi32, #tpu.memory_space<vmem>>
          %dma_start3A_140 = arith.constant 0 : i32
          %dma_start3A_141 = arith.constant 0 : i32
          %dma_start3A_142 = tpu.memref_slice %arg9[%dma_start3A_140, %dma_start3A_141] : memref<50048x32xf32, #tpu.memory_space<vmem_shared>> -> memref<50048x32xf32, #tpu.memory_space<vmem_shared>>
          tpu.enqueue_indirect_dma source(%dma_start3A_136 : memref<128x32xf32, #tpu.memory_space<vmem>>) target(%dma_start3A_142 : memref<50048x32xf32, #tpu.memory_space<vmem_shared>>) offsets(%dma_start3A_139 : memref<128xi32, #tpu.memory_space<vmem>>) semaphore(%run_scoped3A_133 : memref<!tpu.dma_semaphore, #tpu.memory_space<semaphore_mem>>) {add = true}
          %dma_wait3A_143 = arith.constant 0 : i32
          %dma_wait3A_144 = arith.constant 0 : i32
          %dma_wait3A_145 = tpu.memref_slice %arg12[%dma_wait3A_143, %dma_wait3A_144] : memref<640x32xf32, #tpu.memory_space<vmem>> -> memref<128x32xf32, #tpu.memory_space<vmem>>
          %dma_wait3A_146 = arith.constant 0 : i32
          %dma_wait3A_147 = tpu.memref_slice %arg11[%run_scoped3A, %dma_wait3A_146] : memref<16x128xi32, #tpu.memory_space<vmem>> -> memref<1x128xi32, #tpu.memory_space<vmem>>
          %dma_wait3A_148 = tpu.memref_squeeze %dma_wait3A_147 : memref<1x128xi32, #tpu.memory_space<vmem>> -> memref<128xi32, #tpu.memory_space<vmem>>
          %dma_wait3A_149 = arith.constant 0 : i32
          %dma_wait3A_150 = arith.constant 0 : i32
          %dma_wait3A_151 = tpu.memref_slice %arg9[%dma_wait3A_149, %dma_wait3A_150] : memref<50048x32xf32, #tpu.memory_space<vmem_shared>> -> memref<50048x32xf32, #tpu.memory_space<vmem_shared>>
          tpu.wait_indirect_dma semaphore(%run_scoped3A_133 : memref<!tpu.dma_semaphore, #tpu.memory_space<semaphore_mem>>) src(%dma_wait3A_145 : memref<128x32xf32, #tpu.memory_space<vmem>>) dst(%dma_wait3A_151 : memref<50048x32xf32, #tpu.memory_space<vmem_shared>>)
          tpu.yield
        }) : () -> ()
        %run_scoped3A_129 = arith.constant 1 : i32
        "tpu.region"() ({
          %run_scoped3A_133 = tpu.sem_alloc : memref<!tpu.dma_semaphore, #tpu.memory_space<semaphore_mem>>
          %dma_start3A_134 = arith.constant 128 : i32
          %dma_start3A_135 = arith.constant 0 : i32
          %dma_start3A_136 = tpu.memref_slice %arg12[%dma_start3A_134, %dma_start3A_135] : memref<640x32xf32, #tpu.memory_space<vmem>> -> memref<128x32xf32, #tpu.memory_space<vmem>>
          %dma_start3A_137 = arith.constant 0 : i32
          %dma_start3A_138 = tpu.memref_slice %arg11[%run_scoped3A_129, %dma_start3A_137] : memref<16x128xi32, #tpu.memory_space<vmem>> -> memref<1x128xi32, #tpu.memory_space<vmem>>
          %dma_start3A_139 = tpu.memref_squeeze %dma_start3A_138 : memref<1x128xi32, #tpu.memory_space<vmem>> -> memref<128xi32, #tpu.memory_space<vmem>>
          %dma_start3A_140 = arith.constant 0 : i32
          %dma_start3A_141 = arith.constant 0 : i32
          %dma_start3A_142 = tpu.memref_slice %arg9[%dma_start3A_140, %dma_start3A_141] : memref<50048x32xf32, #tpu.memory_space<vmem_shared>> -> memref<50048x32xf32, #tpu.memory_space<vmem_shared>>
          tpu.enqueue_indirect_dma source(%dma_start3A_136 : memref<128x32xf32, #tpu.memory_space<vmem>>) target(%dma_start3A_142 : memref<50048x32xf32, #tpu.memory_space<vmem_shared>>) offsets(%dma_start3A_139 : memref<128xi32, #tpu.memory_space<vmem>>) semaphore(%run_scoped3A_133 : memref<!tpu.dma_semaphore, #tpu.memory_space<semaphore_mem>>) {add = true}
          %dma_wait3A_143 = arith.constant 128 : i32
          %dma_wait3A_144 = arith.constant 0 : i32
          %dma_wait3A_145 = tpu.memref_slice %arg12[%dma_wait3A_143, %dma_wait3A_144] : memref<640x32xf32, #tpu.memory_space<vmem>> -> memref<128x32xf32, #tpu.memory_space<vmem>>
          %dma_wait3A_146 = arith.constant 0 : i32
          %dma_wait3A_147 = tpu.memref_slice %arg11[%run_scoped3A_129, %dma_wait3A_146] : memref<16x128xi32, #tpu.memory_space<vmem>> -> memref<1x128xi32, #tpu.memory_space<vmem>>
          %dma_wait3A_148 = tpu.memref_squeeze %dma_wait3A_147 : memref<1x128xi32, #tpu.memory_space<vmem>> -> memref<128xi32, #tpu.memory_space<vmem>>
          %dma_wait3A_149 = arith.constant 0 : i32
          %dma_wait3A_150 = arith.constant 0 : i32
          %dma_wait3A_151 = tpu.memref_slice %arg9[%dma_wait3A_149, %dma_wait3A_150] : memref<50048x32xf32, #tpu.memory_space<vmem_shared>> -> memref<50048x32xf32, #tpu.memory_space<vmem_shared>>
          tpu.wait_indirect_dma semaphore(%run_scoped3A_133 : memref<!tpu.dma_semaphore, #tpu.memory_space<semaphore_mem>>) src(%dma_wait3A_145 : memref<128x32xf32, #tpu.memory_space<vmem>>) dst(%dma_wait3A_151 : memref<50048x32xf32, #tpu.memory_space<vmem_shared>>)
          tpu.yield
        }) : () -> ()
        %run_scoped3A_130 = arith.constant 2 : i32
        "tpu.region"() ({
          %run_scoped3A_133 = tpu.sem_alloc : memref<!tpu.dma_semaphore, #tpu.memory_space<semaphore_mem>>
          %dma_start3A_134 = arith.constant 256 : i32
          %dma_start3A_135 = arith.constant 0 : i32
          %dma_start3A_136 = tpu.memref_slice %arg12[%dma_start3A_134, %dma_start3A_135] : memref<640x32xf32, #tpu.memory_space<vmem>> -> memref<128x32xf32, #tpu.memory_space<vmem>>
          %dma_start3A_137 = arith.constant 0 : i32
          %dma_start3A_138 = tpu.memref_slice %arg11[%run_scoped3A_130, %dma_start3A_137] : memref<16x128xi32, #tpu.memory_space<vmem>> -> memref<1x128xi32, #tpu.memory_space<vmem>>
          %dma_start3A_139 = tpu.memref_squeeze %dma_start3A_138 : memref<1x128xi32, #tpu.memory_space<vmem>> -> memref<128xi32, #tpu.memory_space<vmem>>
          %dma_start3A_140 = arith.constant 0 : i32
          %dma_start3A_141 = arith.constant 0 : i32
          %dma_start3A_142 = tpu.memref_slice %arg9[%dma_start3A_140, %dma_start3A_141] : memref<50048x32xf32, #tpu.memory_space<vmem_shared>> -> memref<50048x32xf32, #tpu.memory_space<vmem_shared>>
          tpu.enqueue_indirect_dma source(%dma_start3A_136 : memref<128x32xf32, #tpu.memory_space<vmem>>) target(%dma_start3A_142 : memref<50048x32xf32, #tpu.memory_space<vmem_shared>>) offsets(%dma_start3A_139 : memref<128xi32, #tpu.memory_space<vmem>>) semaphore(%run_scoped3A_133 : memref<!tpu.dma_semaphore, #tpu.memory_space<semaphore_mem>>) {add = true}
          %dma_wait3A_143 = arith.constant 256 : i32
          %dma_wait3A_144 = arith.constant 0 : i32
          %dma_wait3A_145 = tpu.memref_slice %arg12[%dma_wait3A_143, %dma_wait3A_144] : memref<640x32xf32, #tpu.memory_space<vmem>> -> memref<128x32xf32, #tpu.memory_space<vmem>>
          %dma_wait3A_146 = arith.constant 0 : i32
          %dma_wait3A_147 = tpu.memref_slice %arg11[%run_scoped3A_130, %dma_wait3A_146] : memref<16x128xi32, #tpu.memory_space<vmem>> -> memref<1x128xi32, #tpu.memory_space<vmem>>
          %dma_wait3A_148 = tpu.memref_squeeze %dma_wait3A_147 : memref<1x128xi32, #tpu.memory_space<vmem>> -> memref<128xi32, #tpu.memory_space<vmem>>
          %dma_wait3A_149 = arith.constant 0 : i32
          %dma_wait3A_150 = arith.constant 0 : i32
          %dma_wait3A_151 = tpu.memref_slice %arg9[%dma_wait3A_149, %dma_wait3A_150] : memref<50048x32xf32, #tpu.memory_space<vmem_shared>> -> memref<50048x32xf32, #tpu.memory_space<vmem_shared>>
          tpu.wait_indirect_dma semaphore(%run_scoped3A_133 : memref<!tpu.dma_semaphore, #tpu.memory_space<semaphore_mem>>) src(%dma_wait3A_145 : memref<128x32xf32, #tpu.memory_space<vmem>>) dst(%dma_wait3A_151 : memref<50048x32xf32, #tpu.memory_space<vmem_shared>>)
          tpu.yield
        }) : () -> ()
        %run_scoped3A_131 = arith.constant 3 : i32
        "tpu.region"() ({
          %run_scoped3A_133 = tpu.sem_alloc : memref<!tpu.dma_semaphore, #tpu.memory_space<semaphore_mem>>
          %dma_start3A_134 = arith.constant 384 : i32
          %dma_start3A_135 = arith.constant 0 : i32
          %dma_start3A_136 = tpu.memref_slice %arg12[%dma_start3A_134, %dma_start3A_135] : memref<640x32xf32, #tpu.memory_space<vmem>> -> memref<128x32xf32, #tpu.memory_space<vmem>>
          %dma_start3A_137 = arith.constant 0 : i32
          %dma_start3A_138 = tpu.memref_slice %arg11[%run_scoped3A_131, %dma_start3A_137] : memref<16x128xi32, #tpu.memory_space<vmem>> -> memref<1x128xi32, #tpu.memory_space<vmem>>
          %dma_start3A_139 = tpu.memref_squeeze %dma_start3A_138 : memref<1x128xi32, #tpu.memory_space<vmem>> -> memref<128xi32, #tpu.memory_space<vmem>>
          %dma_start3A_140 = arith.constant 0 : i32
          %dma_start3A_141 = arith.constant 0 : i32
          %dma_start3A_142 = tpu.memref_slice %arg9[%dma_start3A_140, %dma_start3A_141] : memref<50048x32xf32, #tpu.memory_space<vmem_shared>> -> memref<50048x32xf32, #tpu.memory_space<vmem_shared>>
          tpu.enqueue_indirect_dma source(%dma_start3A_136 : memref<128x32xf32, #tpu.memory_space<vmem>>) target(%dma_start3A_142 : memref<50048x32xf32, #tpu.memory_space<vmem_shared>>) offsets(%dma_start3A_139 : memref<128xi32, #tpu.memory_space<vmem>>) semaphore(%run_scoped3A_133 : memref<!tpu.dma_semaphore, #tpu.memory_space<semaphore_mem>>) {add = true}
          %dma_wait3A_143 = arith.constant 384 : i32
          %dma_wait3A_144 = arith.constant 0 : i32
          %dma_wait3A_145 = tpu.memref_slice %arg12[%dma_wait3A_143, %dma_wait3A_144] : memref<640x32xf32, #tpu.memory_space<vmem>> -> memref<128x32xf32, #tpu.memory_space<vmem>>
          %dma_wait3A_146 = arith.constant 0 : i32
          %dma_wait3A_147 = tpu.memref_slice %arg11[%run_scoped3A_131, %dma_wait3A_146] : memref<16x128xi32, #tpu.memory_space<vmem>> -> memref<1x128xi32, #tpu.memory_space<vmem>>
          %dma_wait3A_148 = tpu.memref_squeeze %dma_wait3A_147 : memref<1x128xi32, #tpu.memory_space<vmem>> -> memref<128xi32, #tpu.memory_space<vmem>>
          %dma_wait3A_149 = arith.constant 0 : i32
          %dma_wait3A_150 = arith.constant 0 : i32
          %dma_wait3A_151 = tpu.memref_slice %arg9[%dma_wait3A_149, %dma_wait3A_150] : memref<50048x32xf32, #tpu.memory_space<vmem_shared>> -> memref<50048x32xf32, #tpu.memory_space<vmem_shared>>
          tpu.wait_indirect_dma semaphore(%run_scoped3A_133 : memref<!tpu.dma_semaphore, #tpu.memory_space<semaphore_mem>>) src(%dma_wait3A_145 : memref<128x32xf32, #tpu.memory_space<vmem>>) dst(%dma_wait3A_151 : memref<50048x32xf32, #tpu.memory_space<vmem_shared>>)
          tpu.yield
        }) : () -> ()
        %run_scoped3A_132 = arith.constant 4 : i32
        "tpu.region"() ({
          %run_scoped3A_133 = tpu.sem_alloc : memref<!tpu.dma_semaphore, #tpu.memory_space<semaphore_mem>>
          %dma_start3A_134 = arith.constant 512 : i32
          %dma_start3A_135 = arith.constant 0 : i32
          %dma_start3A_136 = tpu.memref_slice %arg12[%dma_start3A_134, %dma_start3A_135] : memref<640x32xf32, #tpu.memory_space<vmem>> -> memref<128x32xf32, #tpu.memory_space<vmem>>
          %dma_start3A_137 = arith.constant 0 : i32
          %dma_start3A_138 = tpu.memref_slice %arg11[%run_scoped3A_132, %dma_start3A_137] : memref<16x128xi32, #tpu.memory_space<vmem>> -> memref<1x128xi32, #tpu.memory_space<vmem>>
          %dma_start3A_139 = tpu.memref_squeeze %dma_start3A_138 : memref<1x128xi32, #tpu.memory_space<vmem>> -> memref<128xi32, #tpu.memory_space<vmem>>
          %dma_start3A_140 = arith.constant 0 : i32
          %dma_start3A_141 = arith.constant 0 : i32
          %dma_start3A_142 = tpu.memref_slice %arg9[%dma_start3A_140, %dma_start3A_141] : memref<50048x32xf32, #tpu.memory_space<vmem_shared>> -> memref<50048x32xf32, #tpu.memory_space<vmem_shared>>
          tpu.enqueue_indirect_dma source(%dma_start3A_136 : memref<128x32xf32, #tpu.memory_space<vmem>>) target(%dma_start3A_142 : memref<50048x32xf32, #tpu.memory_space<vmem_shared>>) offsets(%dma_start3A_139 : memref<128xi32, #tpu.memory_space<vmem>>) semaphore(%run_scoped3A_133 : memref<!tpu.dma_semaphore, #tpu.memory_space<semaphore_mem>>) {add = true}
          %dma_wait3A_143 = arith.constant 512 : i32
          %dma_wait3A_144 = arith.constant 0 : i32
          %dma_wait3A_145 = tpu.memref_slice %arg12[%dma_wait3A_143, %dma_wait3A_144] : memref<640x32xf32, #tpu.memory_space<vmem>> -> memref<128x32xf32, #tpu.memory_space<vmem>>
          %dma_wait3A_146 = arith.constant 0 : i32
          %dma_wait3A_147 = tpu.memref_slice %arg11[%run_scoped3A_132, %dma_wait3A_146] : memref<16x128xi32, #tpu.memory_space<vmem>> -> memref<1x128xi32, #tpu.memory_space<vmem>>
          %dma_wait3A_148 = tpu.memref_squeeze %dma_wait3A_147 : memref<1x128xi32, #tpu.memory_space<vmem>> -> memref<128xi32, #tpu.memory_space<vmem>>
          %dma_wait3A_149 = arith.constant 0 : i32
          %dma_wait3A_150 = arith.constant 0 : i32
          %dma_wait3A_151 = tpu.memref_slice %arg9[%dma_wait3A_149, %dma_wait3A_150] : memref<50048x32xf32, #tpu.memory_space<vmem_shared>> -> memref<50048x32xf32, #tpu.memory_space<vmem_shared>>
          tpu.wait_indirect_dma semaphore(%run_scoped3A_133 : memref<!tpu.dma_semaphore, #tpu.memory_space<semaphore_mem>>) src(%dma_wait3A_145 : memref<128x32xf32, #tpu.memory_space<vmem>>) dst(%dma_wait3A_151 : memref<50048x32xf32, #tpu.memory_space<vmem_shared>>)
          tpu.yield
        }) : () -> ()
      }
      %scan3A_27 = arith.constant 80 : i32
    } else {
    }
    %eq3A_5 = arith.constant 1 : i32
    %eq3A_6 = arith.cmpi eq, %arg0, %eq3A_5 : i32
    %convert_element_type3A_7 = arith.extui %eq3A_6 : i1 to i32
    %cond3A_8 = arith.constant 0 : i32
    %cond3A_9 = arith.cmpi ne, %convert_element_type3A_7, %cond3A_8 : i32
    scf.if %cond3A_9 {
      %mul3A_21 = arith.constant 400 : i32
      %mul3A_22 = arith.muli %arg1, %mul3A_21 : i32
      %scan3A = arith.constant 0 : i32
      %scan3A_23 = arith.constant 0 : i32
      %scan3A_24 = arith.constant 80 : i32
      %scan3A_25 = arith.addi %scan3A_23, %scan3A_24 : i32
      %scan3A_26 = arith.constant 1 : i32
      scf.for %scan3A_28 = %scan3A_23 to %scan3A_25 step %scan3A_26  : i32 {
        %mul3A_29 = arith.constant 5 : i32
        %mul3A_30 = arith.muli %scan3A_28, %mul3A_29 : i32
        %add3A = arith.addi %mul3A_22, %mul3A_30 : i32
        "tpu.region"() ({
          %run_scoped3A_133 = tpu.sem_alloc : memref<!tpu.dma_semaphore, #tpu.memory_space<semaphore_mem>>
          %dma_start3A_134 = arith.constant 0 : i32
          %dma_start3A_135 = arith.constant 0 : i32
          %dma_start3A_136 = tpu.memref_slice %arg10[%dma_start3A_134, %dma_start3A_135] : memref<16x128xi32, #tpu.memory_space<vmem>> -> memref<5x128xi32, #tpu.memory_space<vmem>>
          %dma_start3A_137 = arith.constant 0 : i32
          %dma_start3A_138 = tpu.memref_slice %arg4[%add3A, %dma_start3A_137] : memref<6400x128xi32, #tpu.memory_space<hbm>> -> memref<5x128xi32, #tpu.memory_space<hbm>>
          %dma_start3A_139 = arith.constant 0 : i32
          %dma_start3A_140 = arith.constant 0 : i32
          %dma_start3A_141 = tpu.memref_slice %arg10[%dma_start3A_139, %dma_start3A_140] : memref<16x128xi32, #tpu.memory_space<vmem>> -> memref<5x128xi32, #tpu.memory_space<vmem>>
          %dma_start3A_142 = arith.constant 0 : i32
          %dma_start3A_143 = tpu.memref_slice %arg4[%add3A, %dma_start3A_142] : memref<6400x128xi32, #tpu.memory_space<hbm>> -> memref<5x128xi32, #tpu.memory_space<hbm>>
          tpu.enqueue_dma source(%dma_start3A_143 : memref<5x128xi32, #tpu.memory_space<hbm>>) target(%dma_start3A_141 : memref<5x128xi32, #tpu.memory_space<vmem>>) target_semaphore(%run_scoped3A_133 : memref<!tpu.dma_semaphore, #tpu.memory_space<semaphore_mem>>)
          %dma_wait3A_144 = arith.constant 0 : i32
          %dma_wait3A_145 = arith.constant 0 : i32
          %dma_wait3A_146 = tpu.memref_slice %arg10[%dma_wait3A_144, %dma_wait3A_145] : memref<16x128xi32, #tpu.memory_space<vmem>> -> memref<5x128xi32, #tpu.memory_space<vmem>>
          %dma_wait3A_147 = arith.constant 0 : i32
          %dma_wait3A_148 = tpu.memref_slice %arg4[%add3A, %dma_wait3A_147] : memref<6400x128xi32, #tpu.memory_space<hbm>> -> memref<5x128xi32, #tpu.memory_space<hbm>>
          %dma_wait3A_149 = arith.constant 0 : i32
          %dma_wait3A_150 = arith.constant 0 : i32
          %dma_wait3A_151 = tpu.memref_slice %arg10[%dma_wait3A_149, %dma_wait3A_150] : memref<16x128xi32, #tpu.memory_space<vmem>> -> memref<5x128xi32, #tpu.memory_space<vmem>>
          %dma_wait3A_152 = arith.constant 0 : i32
          %dma_wait3A_153 = tpu.memref_slice %arg4[%add3A, %dma_wait3A_152] : memref<6400x128xi32, #tpu.memory_space<hbm>> -> memref<5x128xi32, #tpu.memory_space<hbm>>
          tpu.wait_dma2 semaphore(%run_scoped3A_133 : memref<!tpu.dma_semaphore, #tpu.memory_space<semaphore_mem>>) src(%dma_wait3A_153 : memref<5x128xi32, #tpu.memory_space<hbm>>) dst(%dma_wait3A_151 : memref<5x128xi32, #tpu.memory_space<vmem>>)
          tpu.yield
        }) : () -> ()
        "tpu.region"() ({
          %run_scoped3A_133 = tpu.sem_alloc : memref<!tpu.dma_semaphore, #tpu.memory_space<semaphore_mem>>
          %dma_start3A_134 = arith.constant 0 : i32
          %dma_start3A_135 = arith.constant 0 : i32
          %dma_start3A_136 = tpu.memref_slice %arg11[%dma_start3A_134, %dma_start3A_135] : memref<16x128xi32, #tpu.memory_space<vmem>> -> memref<5x128xi32, #tpu.memory_space<vmem>>
          %dma_start3A_137 = arith.constant 0 : i32
          %dma_start3A_138 = tpu.memref_slice %arg5[%add3A, %dma_start3A_137] : memref<6400x128xi32, #tpu.memory_space<hbm>> -> memref<5x128xi32, #tpu.memory_space<hbm>>
          %dma_start3A_139 = arith.constant 0 : i32
          %dma_start3A_140 = arith.constant 0 : i32
          %dma_start3A_141 = tpu.memref_slice %arg11[%dma_start3A_139, %dma_start3A_140] : memref<16x128xi32, #tpu.memory_space<vmem>> -> memref<5x128xi32, #tpu.memory_space<vmem>>
          %dma_start3A_142 = arith.constant 0 : i32
          %dma_start3A_143 = tpu.memref_slice %arg5[%add3A, %dma_start3A_142] : memref<6400x128xi32, #tpu.memory_space<hbm>> -> memref<5x128xi32, #tpu.memory_space<hbm>>
          tpu.enqueue_dma source(%dma_start3A_143 : memref<5x128xi32, #tpu.memory_space<hbm>>) target(%dma_start3A_141 : memref<5x128xi32, #tpu.memory_space<vmem>>) target_semaphore(%run_scoped3A_133 : memref<!tpu.dma_semaphore, #tpu.memory_space<semaphore_mem>>)
          %dma_wait3A_144 = arith.constant 0 : i32
          %dma_wait3A_145 = arith.constant 0 : i32
          %dma_wait3A_146 = tpu.memref_slice %arg11[%dma_wait3A_144, %dma_wait3A_145] : memref<16x128xi32, #tpu.memory_space<vmem>> -> memref<5x128xi32, #tpu.memory_space<vmem>>
          %dma_wait3A_147 = arith.constant 0 : i32
          %dma_wait3A_148 = tpu.memref_slice %arg5[%add3A, %dma_wait3A_147] : memref<6400x128xi32, #tpu.memory_space<hbm>> -> memref<5x128xi32, #tpu.memory_space<hbm>>
          %dma_wait3A_149 = arith.constant 0 : i32
          %dma_wait3A_150 = arith.constant 0 : i32
          %dma_wait3A_151 = tpu.memref_slice %arg11[%dma_wait3A_149, %dma_wait3A_150] : memref<16x128xi32, #tpu.memory_space<vmem>> -> memref<5x128xi32, #tpu.memory_space<vmem>>
          %dma_wait3A_152 = arith.constant 0 : i32
          %dma_wait3A_153 = tpu.memref_slice %arg5[%add3A, %dma_wait3A_152] : memref<6400x128xi32, #tpu.memory_space<hbm>> -> memref<5x128xi32, #tpu.memory_space<hbm>>
          tpu.wait_dma2 semaphore(%run_scoped3A_133 : memref<!tpu.dma_semaphore, #tpu.memory_space<semaphore_mem>>) src(%dma_wait3A_153 : memref<5x128xi32, #tpu.memory_space<hbm>>) dst(%dma_wait3A_151 : memref<5x128xi32, #tpu.memory_space<vmem>>)
          tpu.yield
        }) : () -> ()
        %dma_start3A = arith.constant 0 : i32
        %dma_start3A_31 = arith.constant 0 : i32
        %dma_start3A_32 = arith.constant 0 : i32
        %dma_start3A_33 = tpu.memref_slice %arg12[%dma_start3A_31, %dma_start3A_32] : memref<640x32xf32, #tpu.memory_space<vmem>> -> memref<128x32xf32, #tpu.memory_space<vmem>>
        %dma_start3A_34 = arith.constant 0 : i32
        %dma_start3A_35 = tpu.memref_slice %arg10[%dma_start3A, %dma_start3A_34] : memref<16x128xi32, #tpu.memory_space<vmem>> -> memref<1x128xi32, #tpu.memory_space<vmem>>
        %dma_start3A_36 = tpu.memref_squeeze %dma_start3A_35 : memref<1x128xi32, #tpu.memory_space<vmem>> -> memref<128xi32, #tpu.memory_space<vmem>>
        %dma_start3A_37 = arith.constant 0 : i32
        %dma_start3A_38 = arith.constant 0 : i32
        %dma_start3A_39 = tpu.memref_slice %arg3[%dma_start3A_37, %dma_start3A_38] : memref<50048x32xf32, #tpu.memory_space<hbm>> -> memref<50048x32xf32, #tpu.memory_space<hbm>>
        tpu.enqueue_indirect_dma source(%dma_start3A_39 : memref<50048x32xf32, #tpu.memory_space<hbm>>) target(%dma_start3A_33 : memref<128x32xf32, #tpu.memory_space<vmem>>) offsets(%dma_start3A_36 : memref<128xi32, #tpu.memory_space<vmem>>) semaphore(%arg13 : memref<!tpu.dma_semaphore, #tpu.memory_space<semaphore_mem>>)
        %dma_start3A_40 = arith.constant 1 : i32
        %dma_start3A_41 = arith.constant 128 : i32
        %dma_start3A_42 = arith.constant 0 : i32
        %dma_start3A_43 = tpu.memref_slice %arg12[%dma_start3A_41, %dma_start3A_42] : memref<640x32xf32, #tpu.memory_space<vmem>> -> memref<128x32xf32, #tpu.memory_space<vmem>>
        %dma_start3A_44 = arith.constant 0 : i32
        %dma_start3A_45 = tpu.memref_slice %arg10[%dma_start3A_40, %dma_start3A_44] : memref<16x128xi32, #tpu.memory_space<vmem>> -> memref<1x128xi32, #tpu.memory_space<vmem>>
        %dma_start3A_46 = tpu.memref_squeeze %dma_start3A_45 : memref<1x128xi32, #tpu.memory_space<vmem>> -> memref<128xi32, #tpu.memory_space<vmem>>
        %dma_start3A_47 = arith.constant 0 : i32
        %dma_start3A_48 = arith.constant 0 : i32
        %dma_start3A_49 = tpu.memref_slice %arg3[%dma_start3A_47, %dma_start3A_48] : memref<50048x32xf32, #tpu.memory_space<hbm>> -> memref<50048x32xf32, #tpu.memory_space<hbm>>
        tpu.enqueue_indirect_dma source(%dma_start3A_49 : memref<50048x32xf32, #tpu.memory_space<hbm>>) target(%dma_start3A_43 : memref<128x32xf32, #tpu.memory_space<vmem>>) offsets(%dma_start3A_46 : memref<128xi32, #tpu.memory_space<vmem>>) semaphore(%arg13 : memref<!tpu.dma_semaphore, #tpu.memory_space<semaphore_mem>>)
        %dma_start3A_50 = arith.constant 2 : i32
        %dma_start3A_51 = arith.constant 256 : i32
        %dma_start3A_52 = arith.constant 0 : i32
        %dma_start3A_53 = tpu.memref_slice %arg12[%dma_start3A_51, %dma_start3A_52] : memref<640x32xf32, #tpu.memory_space<vmem>> -> memref<128x32xf32, #tpu.memory_space<vmem>>
        %dma_start3A_54 = arith.constant 0 : i32
        %dma_start3A_55 = tpu.memref_slice %arg10[%dma_start3A_50, %dma_start3A_54] : memref<16x128xi32, #tpu.memory_space<vmem>> -> memref<1x128xi32, #tpu.memory_space<vmem>>
        %dma_start3A_56 = tpu.memref_squeeze %dma_start3A_55 : memref<1x128xi32, #tpu.memory_space<vmem>> -> memref<128xi32, #tpu.memory_space<vmem>>
        %dma_start3A_57 = arith.constant 0 : i32
        %dma_start3A_58 = arith.constant 0 : i32
        %dma_start3A_59 = tpu.memref_slice %arg3[%dma_start3A_57, %dma_start3A_58] : memref<50048x32xf32, #tpu.memory_space<hbm>> -> memref<50048x32xf32, #tpu.memory_space<hbm>>
        tpu.enqueue_indirect_dma source(%dma_start3A_59 : memref<50048x32xf32, #tpu.memory_space<hbm>>) target(%dma_start3A_53 : memref<128x32xf32, #tpu.memory_space<vmem>>) offsets(%dma_start3A_56 : memref<128xi32, #tpu.memory_space<vmem>>) semaphore(%arg13 : memref<!tpu.dma_semaphore, #tpu.memory_space<semaphore_mem>>)
        %dma_start3A_60 = arith.constant 3 : i32
        %dma_start3A_61 = arith.constant 384 : i32
        %dma_start3A_62 = arith.constant 0 : i32
        %dma_start3A_63 = tpu.memref_slice %arg12[%dma_start3A_61, %dma_start3A_62] : memref<640x32xf32, #tpu.memory_space<vmem>> -> memref<128x32xf32, #tpu.memory_space<vmem>>
        %dma_start3A_64 = arith.constant 0 : i32
        %dma_start3A_65 = tpu.memref_slice %arg10[%dma_start3A_60, %dma_start3A_64] : memref<16x128xi32, #tpu.memory_space<vmem>> -> memref<1x128xi32, #tpu.memory_space<vmem>>
        %dma_start3A_66 = tpu.memref_squeeze %dma_start3A_65 : memref<1x128xi32, #tpu.memory_space<vmem>> -> memref<128xi32, #tpu.memory_space<vmem>>
        %dma_start3A_67 = arith.constant 0 : i32
        %dma_start3A_68 = arith.constant 0 : i32
        %dma_start3A_69 = tpu.memref_slice %arg3[%dma_start3A_67, %dma_start3A_68] : memref<50048x32xf32, #tpu.memory_space<hbm>> -> memref<50048x32xf32, #tpu.memory_space<hbm>>
        tpu.enqueue_indirect_dma source(%dma_start3A_69 : memref<50048x32xf32, #tpu.memory_space<hbm>>) target(%dma_start3A_63 : memref<128x32xf32, #tpu.memory_space<vmem>>) offsets(%dma_start3A_66 : memref<128xi32, #tpu.memory_space<vmem>>) semaphore(%arg13 : memref<!tpu.dma_semaphore, #tpu.memory_space<semaphore_mem>>)
        %dma_start3A_70 = arith.constant 4 : i32
        %dma_start3A_71 = arith.constant 512 : i32
        %dma_start3A_72 = arith.constant 0 : i32
        %dma_start3A_73 = tpu.memref_slice %arg12[%dma_start3A_71, %dma_start3A_72] : memref<640x32xf32, #tpu.memory_space<vmem>> -> memref<128x32xf32, #tpu.memory_space<vmem>>
        %dma_start3A_74 = arith.constant 0 : i32
        %dma_start3A_75 = tpu.memref_slice %arg10[%dma_start3A_70, %dma_start3A_74] : memref<16x128xi32, #tpu.memory_space<vmem>> -> memref<1x128xi32, #tpu.memory_space<vmem>>
        %dma_start3A_76 = tpu.memref_squeeze %dma_start3A_75 : memref<1x128xi32, #tpu.memory_space<vmem>> -> memref<128xi32, #tpu.memory_space<vmem>>
        %dma_start3A_77 = arith.constant 0 : i32
        %dma_start3A_78 = arith.constant 0 : i32
        %dma_start3A_79 = tpu.memref_slice %arg3[%dma_start3A_77, %dma_start3A_78] : memref<50048x32xf32, #tpu.memory_space<hbm>> -> memref<50048x32xf32, #tpu.memory_space<hbm>>
        tpu.enqueue_indirect_dma source(%dma_start3A_79 : memref<50048x32xf32, #tpu.memory_space<hbm>>) target(%dma_start3A_73 : memref<128x32xf32, #tpu.memory_space<vmem>>) offsets(%dma_start3A_76 : memref<128xi32, #tpu.memory_space<vmem>>) semaphore(%arg13 : memref<!tpu.dma_semaphore, #tpu.memory_space<semaphore_mem>>)
        %dma_wait3A = arith.constant 0 : i32
        %dma_wait3A_80 = arith.constant 0 : i32
        %dma_wait3A_81 = arith.constant 0 : i32
        %dma_wait3A_82 = tpu.memref_slice %arg12[%dma_wait3A_80, %dma_wait3A_81] : memref<640x32xf32, #tpu.memory_space<vmem>> -> memref<128x32xf32, #tpu.memory_space<vmem>>
        %dma_wait3A_83 = arith.constant 0 : i32
        %dma_wait3A_84 = tpu.memref_slice %arg10[%dma_wait3A, %dma_wait3A_83] : memref<16x128xi32, #tpu.memory_space<vmem>> -> memref<1x128xi32, #tpu.memory_space<vmem>>
        %dma_wait3A_85 = tpu.memref_squeeze %dma_wait3A_84 : memref<1x128xi32, #tpu.memory_space<vmem>> -> memref<128xi32, #tpu.memory_space<vmem>>
        %dma_wait3A_86 = arith.constant 0 : i32
        %dma_wait3A_87 = arith.constant 0 : i32
        %dma_wait3A_88 = tpu.memref_slice %arg3[%dma_wait3A_86, %dma_wait3A_87] : memref<50048x32xf32, #tpu.memory_space<hbm>> -> memref<50048x32xf32, #tpu.memory_space<hbm>>
        tpu.wait_indirect_dma semaphore(%arg13 : memref<!tpu.dma_semaphore, #tpu.memory_space<semaphore_mem>>) src(%dma_wait3A_88 : memref<50048x32xf32, #tpu.memory_space<hbm>>) dst(%dma_wait3A_82 : memref<128x32xf32, #tpu.memory_space<vmem>>)
        %dma_wait3A_89 = arith.constant 1 : i32
        %dma_wait3A_90 = arith.constant 128 : i32
        %dma_wait3A_91 = arith.constant 0 : i32
        %dma_wait3A_92 = tpu.memref_slice %arg12[%dma_wait3A_90, %dma_wait3A_91] : memref<640x32xf32, #tpu.memory_space<vmem>> -> memref<128x32xf32, #tpu.memory_space<vmem>>
        %dma_wait3A_93 = arith.constant 0 : i32
        %dma_wait3A_94 = tpu.memref_slice %arg10[%dma_wait3A_89, %dma_wait3A_93] : memref<16x128xi32, #tpu.memory_space<vmem>> -> memref<1x128xi32, #tpu.memory_space<vmem>>
        %dma_wait3A_95 = tpu.memref_squeeze %dma_wait3A_94 : memref<1x128xi32, #tpu.memory_space<vmem>> -> memref<128xi32, #tpu.memory_space<vmem>>
        %dma_wait3A_96 = arith.constant 0 : i32
        %dma_wait3A_97 = arith.constant 0 : i32
        %dma_wait3A_98 = tpu.memref_slice %arg3[%dma_wait3A_96, %dma_wait3A_97] : memref<50048x32xf32, #tpu.memory_space<hbm>> -> memref<50048x32xf32, #tpu.memory_space<hbm>>
        tpu.wait_indirect_dma semaphore(%arg13 : memref<!tpu.dma_semaphore, #tpu.memory_space<semaphore_mem>>) src(%dma_wait3A_98 : memref<50048x32xf32, #tpu.memory_space<hbm>>) dst(%dma_wait3A_92 : memref<128x32xf32, #tpu.memory_space<vmem>>)
        %dma_wait3A_99 = arith.constant 2 : i32
        %dma_wait3A_100 = arith.constant 256 : i32
        %dma_wait3A_101 = arith.constant 0 : i32
        %dma_wait3A_102 = tpu.memref_slice %arg12[%dma_wait3A_100, %dma_wait3A_101] : memref<640x32xf32, #tpu.memory_space<vmem>> -> memref<128x32xf32, #tpu.memory_space<vmem>>
        %dma_wait3A_103 = arith.constant 0 : i32
        %dma_wait3A_104 = tpu.memref_slice %arg10[%dma_wait3A_99, %dma_wait3A_103] : memref<16x128xi32, #tpu.memory_space<vmem>> -> memref<1x128xi32, #tpu.memory_space<vmem>>
        %dma_wait3A_105 = tpu.memref_squeeze %dma_wait3A_104 : memref<1x128xi32, #tpu.memory_space<vmem>> -> memref<128xi32, #tpu.memory_space<vmem>>
        %dma_wait3A_106 = arith.constant 0 : i32
        %dma_wait3A_107 = arith.constant 0 : i32
        %dma_wait3A_108 = tpu.memref_slice %arg3[%dma_wait3A_106, %dma_wait3A_107] : memref<50048x32xf32, #tpu.memory_space<hbm>> -> memref<50048x32xf32, #tpu.memory_space<hbm>>
        tpu.wait_indirect_dma semaphore(%arg13 : memref<!tpu.dma_semaphore, #tpu.memory_space<semaphore_mem>>) src(%dma_wait3A_108 : memref<50048x32xf32, #tpu.memory_space<hbm>>) dst(%dma_wait3A_102 : memref<128x32xf32, #tpu.memory_space<vmem>>)
        %dma_wait3A_109 = arith.constant 3 : i32
        %dma_wait3A_110 = arith.constant 384 : i32
        %dma_wait3A_111 = arith.constant 0 : i32
        %dma_wait3A_112 = tpu.memref_slice %arg12[%dma_wait3A_110, %dma_wait3A_111] : memref<640x32xf32, #tpu.memory_space<vmem>> -> memref<128x32xf32, #tpu.memory_space<vmem>>
        %dma_wait3A_113 = arith.constant 0 : i32
        %dma_wait3A_114 = tpu.memref_slice %arg10[%dma_wait3A_109, %dma_wait3A_113] : memref<16x128xi32, #tpu.memory_space<vmem>> -> memref<1x128xi32, #tpu.memory_space<vmem>>
        %dma_wait3A_115 = tpu.memref_squeeze %dma_wait3A_114 : memref<1x128xi32, #tpu.memory_space<vmem>> -> memref<128xi32, #tpu.memory_space<vmem>>
        %dma_wait3A_116 = arith.constant 0 : i32
        %dma_wait3A_117 = arith.constant 0 : i32
        %dma_wait3A_118 = tpu.memref_slice %arg3[%dma_wait3A_116, %dma_wait3A_117] : memref<50048x32xf32, #tpu.memory_space<hbm>> -> memref<50048x32xf32, #tpu.memory_space<hbm>>
        tpu.wait_indirect_dma semaphore(%arg13 : memref<!tpu.dma_semaphore, #tpu.memory_space<semaphore_mem>>) src(%dma_wait3A_118 : memref<50048x32xf32, #tpu.memory_space<hbm>>) dst(%dma_wait3A_112 : memref<128x32xf32, #tpu.memory_space<vmem>>)
        %dma_wait3A_119 = arith.constant 4 : i32
        %dma_wait3A_120 = arith.constant 512 : i32
        %dma_wait3A_121 = arith.constant 0 : i32
        %dma_wait3A_122 = tpu.memref_slice %arg12[%dma_wait3A_120, %dma_wait3A_121] : memref<640x32xf32, #tpu.memory_space<vmem>> -> memref<128x32xf32, #tpu.memory_space<vmem>>
        %dma_wait3A_123 = arith.constant 0 : i32
        %dma_wait3A_124 = tpu.memref_slice %arg10[%dma_wait3A_119, %dma_wait3A_123] : memref<16x128xi32, #tpu.memory_space<vmem>> -> memref<1x128xi32, #tpu.memory_space<vmem>>
        %dma_wait3A_125 = tpu.memref_squeeze %dma_wait3A_124 : memref<1x128xi32, #tpu.memory_space<vmem>> -> memref<128xi32, #tpu.memory_space<vmem>>
        %dma_wait3A_126 = arith.constant 0 : i32
        %dma_wait3A_127 = arith.constant 0 : i32
        %dma_wait3A_128 = tpu.memref_slice %arg3[%dma_wait3A_126, %dma_wait3A_127] : memref<50048x32xf32, #tpu.memory_space<hbm>> -> memref<50048x32xf32, #tpu.memory_space<hbm>>
        tpu.wait_indirect_dma semaphore(%arg13 : memref<!tpu.dma_semaphore, #tpu.memory_space<semaphore_mem>>) src(%dma_wait3A_128 : memref<50048x32xf32, #tpu.memory_space<hbm>>) dst(%dma_wait3A_122 : memref<128x32xf32, #tpu.memory_space<vmem>>)
        %run_scoped3A = arith.constant 0 : i32
        "tpu.region"() ({
          %run_scoped3A_133 = tpu.sem_alloc : memref<!tpu.dma_semaphore, #tpu.memory_space<semaphore_mem>>
          %dma_start3A_134 = arith.constant 0 : i32
          %dma_start3A_135 = arith.constant 0 : i32
          %dma_start3A_136 = tpu.memref_slice %arg12[%dma_start3A_134, %dma_start3A_135] : memref<640x32xf32, #tpu.memory_space<vmem>> -> memref<128x32xf32, #tpu.memory_space<vmem>>
          %dma_start3A_137 = arith.constant 0 : i32
          %dma_start3A_138 = tpu.memref_slice %arg11[%run_scoped3A, %dma_start3A_137] : memref<16x128xi32, #tpu.memory_space<vmem>> -> memref<1x128xi32, #tpu.memory_space<vmem>>
          %dma_start3A_139 = tpu.memref_squeeze %dma_start3A_138 : memref<1x128xi32, #tpu.memory_space<vmem>> -> memref<128xi32, #tpu.memory_space<vmem>>
          %dma_start3A_140 = arith.constant 0 : i32
          %dma_start3A_141 = arith.constant 0 : i32
          %dma_start3A_142 = tpu.memref_slice %arg9[%dma_start3A_140, %dma_start3A_141] : memref<50048x32xf32, #tpu.memory_space<vmem_shared>> -> memref<50048x32xf32, #tpu.memory_space<vmem_shared>>
          tpu.enqueue_indirect_dma source(%dma_start3A_136 : memref<128x32xf32, #tpu.memory_space<vmem>>) target(%dma_start3A_142 : memref<50048x32xf32, #tpu.memory_space<vmem_shared>>) offsets(%dma_start3A_139 : memref<128xi32, #tpu.memory_space<vmem>>) semaphore(%run_scoped3A_133 : memref<!tpu.dma_semaphore, #tpu.memory_space<semaphore_mem>>) {add = true}
          %dma_wait3A_143 = arith.constant 0 : i32
          %dma_wait3A_144 = arith.constant 0 : i32
          %dma_wait3A_145 = tpu.memref_slice %arg12[%dma_wait3A_143, %dma_wait3A_144] : memref<640x32xf32, #tpu.memory_space<vmem>> -> memref<128x32xf32, #tpu.memory_space<vmem>>
          %dma_wait3A_146 = arith.constant 0 : i32
          %dma_wait3A_147 = tpu.memref_slice %arg11[%run_scoped3A, %dma_wait3A_146] : memref<16x128xi32, #tpu.memory_space<vmem>> -> memref<1x128xi32, #tpu.memory_space<vmem>>
          %dma_wait3A_148 = tpu.memref_squeeze %dma_wait3A_147 : memref<1x128xi32, #tpu.memory_space<vmem>> -> memref<128xi32, #tpu.memory_space<vmem>>
          %dma_wait3A_149 = arith.constant 0 : i32
          %dma_wait3A_150 = arith.constant 0 : i32
          %dma_wait3A_151 = tpu.memref_slice %arg9[%dma_wait3A_149, %dma_wait3A_150] : memref<50048x32xf32, #tpu.memory_space<vmem_shared>> -> memref<50048x32xf32, #tpu.memory_space<vmem_shared>>
          tpu.wait_indirect_dma semaphore(%run_scoped3A_133 : memref<!tpu.dma_semaphore, #tpu.memory_space<semaphore_mem>>) src(%dma_wait3A_145 : memref<128x32xf32, #tpu.memory_space<vmem>>) dst(%dma_wait3A_151 : memref<50048x32xf32, #tpu.memory_space<vmem_shared>>)
          tpu.yield
        }) : () -> ()
        %run_scoped3A_129 = arith.constant 1 : i32
        "tpu.region"() ({
          %run_scoped3A_133 = tpu.sem_alloc : memref<!tpu.dma_semaphore, #tpu.memory_space<semaphore_mem>>
          %dma_start3A_134 = arith.constant 128 : i32
          %dma_start3A_135 = arith.constant 0 : i32
          %dma_start3A_136 = tpu.memref_slice %arg12[%dma_start3A_134, %dma_start3A_135] : memref<640x32xf32, #tpu.memory_space<vmem>> -> memref<128x32xf32, #tpu.memory_space<vmem>>
          %dma_start3A_137 = arith.constant 0 : i32
          %dma_start3A_138 = tpu.memref_slice %arg11[%run_scoped3A_129, %dma_start3A_137] : memref<16x128xi32, #tpu.memory_space<vmem>> -> memref<1x128xi32, #tpu.memory_space<vmem>>
          %dma_start3A_139 = tpu.memref_squeeze %dma_start3A_138 : memref<1x128xi32, #tpu.memory_space<vmem>> -> memref<128xi32, #tpu.memory_space<vmem>>
          %dma_start3A_140 = arith.constant 0 : i32
          %dma_start3A_141 = arith.constant 0 : i32
          %dma_start3A_142 = tpu.memref_slice %arg9[%dma_start3A_140, %dma_start3A_141] : memref<50048x32xf32, #tpu.memory_space<vmem_shared>> -> memref<50048x32xf32, #tpu.memory_space<vmem_shared>>
          tpu.enqueue_indirect_dma source(%dma_start3A_136 : memref<128x32xf32, #tpu.memory_space<vmem>>) target(%dma_start3A_142 : memref<50048x32xf32, #tpu.memory_space<vmem_shared>>) offsets(%dma_start3A_139 : memref<128xi32, #tpu.memory_space<vmem>>) semaphore(%run_scoped3A_133 : memref<!tpu.dma_semaphore, #tpu.memory_space<semaphore_mem>>) {add = true}
          %dma_wait3A_143 = arith.constant 128 : i32
          %dma_wait3A_144 = arith.constant 0 : i32
          %dma_wait3A_145 = tpu.memref_slice %arg12[%dma_wait3A_143, %dma_wait3A_144] : memref<640x32xf32, #tpu.memory_space<vmem>> -> memref<128x32xf32, #tpu.memory_space<vmem>>
          %dma_wait3A_146 = arith.constant 0 : i32
          %dma_wait3A_147 = tpu.memref_slice %arg11[%run_scoped3A_129, %dma_wait3A_146] : memref<16x128xi32, #tpu.memory_space<vmem>> -> memref<1x128xi32, #tpu.memory_space<vmem>>
          %dma_wait3A_148 = tpu.memref_squeeze %dma_wait3A_147 : memref<1x128xi32, #tpu.memory_space<vmem>> -> memref<128xi32, #tpu.memory_space<vmem>>
          %dma_wait3A_149 = arith.constant 0 : i32
          %dma_wait3A_150 = arith.constant 0 : i32
          %dma_wait3A_151 = tpu.memref_slice %arg9[%dma_wait3A_149, %dma_wait3A_150] : memref<50048x32xf32, #tpu.memory_space<vmem_shared>> -> memref<50048x32xf32, #tpu.memory_space<vmem_shared>>
          tpu.wait_indirect_dma semaphore(%run_scoped3A_133 : memref<!tpu.dma_semaphore, #tpu.memory_space<semaphore_mem>>) src(%dma_wait3A_145 : memref<128x32xf32, #tpu.memory_space<vmem>>) dst(%dma_wait3A_151 : memref<50048x32xf32, #tpu.memory_space<vmem_shared>>)
          tpu.yield
        }) : () -> ()
        %run_scoped3A_130 = arith.constant 2 : i32
        "tpu.region"() ({
          %run_scoped3A_133 = tpu.sem_alloc : memref<!tpu.dma_semaphore, #tpu.memory_space<semaphore_mem>>
          %dma_start3A_134 = arith.constant 256 : i32
          %dma_start3A_135 = arith.constant 0 : i32
          %dma_start3A_136 = tpu.memref_slice %arg12[%dma_start3A_134, %dma_start3A_135] : memref<640x32xf32, #tpu.memory_space<vmem>> -> memref<128x32xf32, #tpu.memory_space<vmem>>
          %dma_start3A_137 = arith.constant 0 : i32
          %dma_start3A_138 = tpu.memref_slice %arg11[%run_scoped3A_130, %dma_start3A_137] : memref<16x128xi32, #tpu.memory_space<vmem>> -> memref<1x128xi32, #tpu.memory_space<vmem>>
          %dma_start3A_139 = tpu.memref_squeeze %dma_start3A_138 : memref<1x128xi32, #tpu.memory_space<vmem>> -> memref<128xi32, #tpu.memory_space<vmem>>
          %dma_start3A_140 = arith.constant 0 : i32
          %dma_start3A_141 = arith.constant 0 : i32
          %dma_start3A_142 = tpu.memref_slice %arg9[%dma_start3A_140, %dma_start3A_141] : memref<50048x32xf32, #tpu.memory_space<vmem_shared>> -> memref<50048x32xf32, #tpu.memory_space<vmem_shared>>
          tpu.enqueue_indirect_dma source(%dma_start3A_136 : memref<128x32xf32, #tpu.memory_space<vmem>>) target(%dma_start3A_142 : memref<50048x32xf32, #tpu.memory_space<vmem_shared>>) offsets(%dma_start3A_139 : memref<128xi32, #tpu.memory_space<vmem>>) semaphore(%run_scoped3A_133 : memref<!tpu.dma_semaphore, #tpu.memory_space<semaphore_mem>>) {add = true}
          %dma_wait3A_143 = arith.constant 256 : i32
          %dma_wait3A_144 = arith.constant 0 : i32
          %dma_wait3A_145 = tpu.memref_slice %arg12[%dma_wait3A_143, %dma_wait3A_144] : memref<640x32xf32, #tpu.memory_space<vmem>> -> memref<128x32xf32, #tpu.memory_space<vmem>>
          %dma_wait3A_146 = arith.constant 0 : i32
          %dma_wait3A_147 = tpu.memref_slice %arg11[%run_scoped3A_130, %dma_wait3A_146] : memref<16x128xi32, #tpu.memory_space<vmem>> -> memref<1x128xi32, #tpu.memory_space<vmem>>
          %dma_wait3A_148 = tpu.memref_squeeze %dma_wait3A_147 : memref<1x128xi32, #tpu.memory_space<vmem>> -> memref<128xi32, #tpu.memory_space<vmem>>
          %dma_wait3A_149 = arith.constant 0 : i32
          %dma_wait3A_150 = arith.constant 0 : i32
          %dma_wait3A_151 = tpu.memref_slice %arg9[%dma_wait3A_149, %dma_wait3A_150] : memref<50048x32xf32, #tpu.memory_space<vmem_shared>> -> memref<50048x32xf32, #tpu.memory_space<vmem_shared>>
          tpu.wait_indirect_dma semaphore(%run_scoped3A_133 : memref<!tpu.dma_semaphore, #tpu.memory_space<semaphore_mem>>) src(%dma_wait3A_145 : memref<128x32xf32, #tpu.memory_space<vmem>>) dst(%dma_wait3A_151 : memref<50048x32xf32, #tpu.memory_space<vmem_shared>>)
          tpu.yield
        }) : () -> ()
        %run_scoped3A_131 = arith.constant 3 : i32
        "tpu.region"() ({
          %run_scoped3A_133 = tpu.sem_alloc : memref<!tpu.dma_semaphore, #tpu.memory_space<semaphore_mem>>
          %dma_start3A_134 = arith.constant 384 : i32
          %dma_start3A_135 = arith.constant 0 : i32
          %dma_start3A_136 = tpu.memref_slice %arg12[%dma_start3A_134, %dma_start3A_135] : memref<640x32xf32, #tpu.memory_space<vmem>> -> memref<128x32xf32, #tpu.memory_space<vmem>>
          %dma_start3A_137 = arith.constant 0 : i32
          %dma_start3A_138 = tpu.memref_slice %arg11[%run_scoped3A_131, %dma_start3A_137] : memref<16x128xi32, #tpu.memory_space<vmem>> -> memref<1x128xi32, #tpu.memory_space<vmem>>
          %dma_start3A_139 = tpu.memref_squeeze %dma_start3A_138 : memref<1x128xi32, #tpu.memory_space<vmem>> -> memref<128xi32, #tpu.memory_space<vmem>>
          %dma_start3A_140 = arith.constant 0 : i32
          %dma_start3A_141 = arith.constant 0 : i32
          %dma_start3A_142 = tpu.memref_slice %arg9[%dma_start3A_140, %dma_start3A_141] : memref<50048x32xf32, #tpu.memory_space<vmem_shared>> -> memref<50048x32xf32, #tpu.memory_space<vmem_shared>>
          tpu.enqueue_indirect_dma source(%dma_start3A_136 : memref<128x32xf32, #tpu.memory_space<vmem>>) target(%dma_start3A_142 : memref<50048x32xf32, #tpu.memory_space<vmem_shared>>) offsets(%dma_start3A_139 : memref<128xi32, #tpu.memory_space<vmem>>) semaphore(%run_scoped3A_133 : memref<!tpu.dma_semaphore, #tpu.memory_space<semaphore_mem>>) {add = true}
          %dma_wait3A_143 = arith.constant 384 : i32
          %dma_wait3A_144 = arith.constant 0 : i32
          %dma_wait3A_145 = tpu.memref_slice %arg12[%dma_wait3A_143, %dma_wait3A_144] : memref<640x32xf32, #tpu.memory_space<vmem>> -> memref<128x32xf32, #tpu.memory_space<vmem>>
          %dma_wait3A_146 = arith.constant 0 : i32
          %dma_wait3A_147 = tpu.memref_slice %arg11[%run_scoped3A_131, %dma_wait3A_146] : memref<16x128xi32, #tpu.memory_space<vmem>> -> memref<1x128xi32, #tpu.memory_space<vmem>>
          %dma_wait3A_148 = tpu.memref_squeeze %dma_wait3A_147 : memref<1x128xi32, #tpu.memory_space<vmem>> -> memref<128xi32, #tpu.memory_space<vmem>>
          %dma_wait3A_149 = arith.constant 0 : i32
          %dma_wait3A_150 = arith.constant 0 : i32
          %dma_wait3A_151 = tpu.memref_slice %arg9[%dma_wait3A_149, %dma_wait3A_150] : memref<50048x32xf32, #tpu.memory_space<vmem_shared>> -> memref<50048x32xf32, #tpu.memory_space<vmem_shared>>
          tpu.wait_indirect_dma semaphore(%run_scoped3A_133 : memref<!tpu.dma_semaphore, #tpu.memory_space<semaphore_mem>>) src(%dma_wait3A_145 : memref<128x32xf32, #tpu.memory_space<vmem>>) dst(%dma_wait3A_151 : memref<50048x32xf32, #tpu.memory_space<vmem_shared>>)
          tpu.yield
        }) : () -> ()
        %run_scoped3A_132 = arith.constant 4 : i32
        "tpu.region"() ({
          %run_scoped3A_133 = tpu.sem_alloc : memref<!tpu.dma_semaphore, #tpu.memory_space<semaphore_mem>>
          %dma_start3A_134 = arith.constant 512 : i32
          %dma_start3A_135 = arith.constant 0 : i32
          %dma_start3A_136 = tpu.memref_slice %arg12[%dma_start3A_134, %dma_start3A_135] : memref<640x32xf32, #tpu.memory_space<vmem>> -> memref<128x32xf32, #tpu.memory_space<vmem>>
          %dma_start3A_137 = arith.constant 0 : i32
          %dma_start3A_138 = tpu.memref_slice %arg11[%run_scoped3A_132, %dma_start3A_137] : memref<16x128xi32, #tpu.memory_space<vmem>> -> memref<1x128xi32, #tpu.memory_space<vmem>>
          %dma_start3A_139 = tpu.memref_squeeze %dma_start3A_138 : memref<1x128xi32, #tpu.memory_space<vmem>> -> memref<128xi32, #tpu.memory_space<vmem>>
          %dma_start3A_140 = arith.constant 0 : i32
          %dma_start3A_141 = arith.constant 0 : i32
          %dma_start3A_142 = tpu.memref_slice %arg9[%dma_start3A_140, %dma_start3A_141] : memref<50048x32xf32, #tpu.memory_space<vmem_shared>> -> memref<50048x32xf32, #tpu.memory_space<vmem_shared>>
          tpu.enqueue_indirect_dma source(%dma_start3A_136 : memref<128x32xf32, #tpu.memory_space<vmem>>) target(%dma_start3A_142 : memref<50048x32xf32, #tpu.memory_space<vmem_shared>>) offsets(%dma_start3A_139 : memref<128xi32, #tpu.memory_space<vmem>>) semaphore(%run_scoped3A_133 : memref<!tpu.dma_semaphore, #tpu.memory_space<semaphore_mem>>) {add = true}
          %dma_wait3A_143 = arith.constant 512 : i32
          %dma_wait3A_144 = arith.constant 0 : i32
          %dma_wait3A_145 = tpu.memref_slice %arg12[%dma_wait3A_143, %dma_wait3A_144] : memref<640x32xf32, #tpu.memory_space<vmem>> -> memref<128x32xf32, #tpu.memory_space<vmem>>
          %dma_wait3A_146 = arith.constant 0 : i32
          %dma_wait3A_147 = tpu.memref_slice %arg11[%run_scoped3A_132, %dma_wait3A_146] : memref<16x128xi32, #tpu.memory_space<vmem>> -> memref<1x128xi32, #tpu.memory_space<vmem>>
          %dma_wait3A_148 = tpu.memref_squeeze %dma_wait3A_147 : memref<1x128xi32, #tpu.memory_space<vmem>> -> memref<128xi32, #tpu.memory_space<vmem>>
          %dma_wait3A_149 = arith.constant 0 : i32
          %dma_wait3A_150 = arith.constant 0 : i32
          %dma_wait3A_151 = tpu.memref_slice %arg9[%dma_wait3A_149, %dma_wait3A_150] : memref<50048x32xf32, #tpu.memory_space<vmem_shared>> -> memref<50048x32xf32, #tpu.memory_space<vmem_shared>>
          tpu.wait_indirect_dma semaphore(%run_scoped3A_133 : memref<!tpu.dma_semaphore, #tpu.memory_space<semaphore_mem>>) src(%dma_wait3A_145 : memref<128x32xf32, #tpu.memory_space<vmem>>) dst(%dma_wait3A_151 : memref<50048x32xf32, #tpu.memory_space<vmem_shared>>)
          tpu.yield
        }) : () -> ()
      }
      %scan3A_27 = arith.constant 80 : i32
    } else {
    }
    %barrier3A_10 = arith.constant 0 : index
    tpu.barrier barrier_id(%barrier3A_10)
    %eq3A_11 = arith.constant 0 : i32
    %eq3A_12 = arith.cmpi eq, %arg0, %eq3A_11 : i32
    %convert_element_type3A_13 = arith.extui %eq3A_12 : i1 to i32
    %cond3A_14 = arith.constant 0 : i32
    %cond3A_15 = arith.cmpi ne, %convert_element_type3A_13, %cond3A_14 : i32
    scf.if %cond3A_15 {
      %mul3A_21 = arith.constant 3128 : i32
      %mul3A_22 = arith.muli %arg1, %mul3A_21 : i32
      %mul3A_23 = arith.constant 3128 : i32
      %mul3A_24 = arith.muli %arg1, %mul3A_23 : i32
      "tpu.region"() ({
        %run_scoped3A = tpu.sem_alloc : memref<!tpu.dma_semaphore, #tpu.memory_space<semaphore_mem>>
        %dma_start3A = arith.constant 0 : i32
        %dma_start3A_25 = tpu.memref_slice %arg7[%mul3A_24, %dma_start3A] : memref<50048x32xf32, #tpu.memory_space<hbm>> -> memref<3128x32xf32, #tpu.memory_space<hbm>>
        %dma_start3A_26 = arith.constant 0 : i32
        %dma_start3A_27 = tpu.memref_slice %arg9[%mul3A_22, %dma_start3A_26] : memref<50048x32xf32, #tpu.memory_space<vmem_shared>> -> memref<3128x32xf32, #tpu.memory_space<vmem_shared>>
        tpu.enqueue_dma source(%dma_start3A_27 : memref<3128x32xf32, #tpu.memory_space<vmem_shared>>) target(%dma_start3A_25 : memref<3128x32xf32, #tpu.memory_space<hbm>>) target_semaphore(%run_scoped3A : memref<!tpu.dma_semaphore, #tpu.memory_space<semaphore_mem>>)
        %dma_wait3A = arith.constant 0 : i32
        %dma_wait3A_28 = tpu.memref_slice %arg7[%mul3A_24, %dma_wait3A] : memref<50048x32xf32, #tpu.memory_space<hbm>> -> memref<3128x32xf32, #tpu.memory_space<hbm>>
        %dma_wait3A_29 = arith.constant 0 : i32
        %dma_wait3A_30 = tpu.memref_slice %arg9[%mul3A_22, %dma_wait3A_29] : memref<50048x32xf32, #tpu.memory_space<vmem_shared>> -> memref<3128x32xf32, #tpu.memory_space<vmem_shared>>
        tpu.wait_dma2 semaphore(%run_scoped3A : memref<!tpu.dma_semaphore, #tpu.memory_space<semaphore_mem>>) src(%dma_wait3A_30 : memref<3128x32xf32, #tpu.memory_space<vmem_shared>>) dst(%dma_wait3A_28 : memref<3128x32xf32, #tpu.memory_space<hbm>>)
        tpu.yield
      }) : () -> ()
    } else {
    }
    %eq3A_16 = arith.constant 1 : i32
    %eq3A_17 = arith.cmpi eq, %arg0, %eq3A_16 : i32
    %convert_element_type3A_18 = arith.extui %eq3A_17 : i1 to i32
    %cond3A_19 = arith.constant 0 : i32
    %cond3A_20 = arith.cmpi ne, %convert_element_type3A_18, %cond3A_19 : i32
    scf.if %cond3A_20 {
      %mul3A_21 = arith.constant 3128 : i32
      %mul3A_22 = arith.muli %arg1, %mul3A_21 : i32
      %mul3A_23 = arith.constant 3128 : i32
      %mul3A_24 = arith.muli %arg1, %mul3A_23 : i32
      "tpu.region"() ({
        %run_scoped3A = tpu.sem_alloc : memref<!tpu.dma_semaphore, #tpu.memory_space<semaphore_mem>>
        %dma_start3A = arith.constant 0 : i32
        %dma_start3A_25 = tpu.memref_slice %arg8[%mul3A_24, %dma_start3A] : memref<50048x32xf32, #tpu.memory_space<hbm>> -> memref<3128x32xf32, #tpu.memory_space<hbm>>
        %dma_start3A_26 = arith.constant 0 : i32
        %dma_start3A_27 = tpu.memref_slice %arg9[%mul3A_22, %dma_start3A_26] : memref<50048x32xf32, #tpu.memory_space<vmem_shared>> -> memref<3128x32xf32, #tpu.memory_space<vmem_shared>>
        tpu.enqueue_dma source(%dma_start3A_27 : memref<3128x32xf32, #tpu.memory_space<vmem_shared>>) target(%dma_start3A_25 : memref<3128x32xf32, #tpu.memory_space<hbm>>) target_semaphore(%run_scoped3A : memref<!tpu.dma_semaphore, #tpu.memory_space<semaphore_mem>>)
        %dma_wait3A = arith.constant 0 : i32
        %dma_wait3A_28 = tpu.memref_slice %arg8[%mul3A_24, %dma_wait3A] : memref<50048x32xf32, #tpu.memory_space<hbm>> -> memref<3128x32xf32, #tpu.memory_space<hbm>>
        %dma_wait3A_29 = arith.constant 0 : i32
        %dma_wait3A_30 = tpu.memref_slice %arg9[%mul3A_22, %dma_wait3A_29] : memref<50048x32xf32, #tpu.memory_space<vmem_shared>> -> memref<3128x32xf32, #tpu.memory_space<vmem_shared>>
        tpu.wait_dma2 semaphore(%run_scoped3A : memref<!tpu.dma_semaphore, #tpu.memory_space<semaphore_mem>>) src(%dma_wait3A_30 : memref<3128x32xf32, #tpu.memory_space<vmem_shared>>) dst(%dma_wait3A_28 : memref<3128x32xf32, #tpu.memory_space<hbm>>)
        tpu.yield
      }) : () -> ()
    } else {
    }
    return
  }
}

#map = affine_map<(d0, d1) -> (0, 0)>
module attributes {stable_mosaic.version = 14 : i64} {
  func.func @_sc_agg_body(%arg0: i32, %arg1: i32, %arg2: memref<50048x32xf32, #tpu.memory_space<hbm>>, %arg3: memref<50048x32xf32, #tpu.memory_space<hbm>>, %arg4: memref<6400x128xi32, #tpu.memory_space<hbm>>, %arg5: memref<6400x128xi32, #tpu.memory_space<hbm>>, %arg6: memref<50048x32xf32, #tpu.memory_space<hbm>>, %arg7: memref<50048x32xf32, #tpu.memory_space<hbm>>, %arg8: memref<50048x32xf32, #tpu.memory_space<hbm>>, %arg9: memref<50048x32xf32, #tpu.memory_space<vmem_shared>>, %arg10: memref<16x128xi32, #tpu.memory_space<vmem>>, %arg11: memref<16x128xi32, #tpu.memory_space<vmem>>, %arg12: memref<640x32xf32, #tpu.memory_space<vmem>>, %arg13: memref<!tpu.dma_semaphore, #tpu.memory_space<semaphore_mem>>) attributes {dimension_semantics = [#tpu.dimension_semantics<core_parallel>, #tpu.dimension_semantics<subcore_parallel>], iteration_bounds = array<i64: 2, 16>, scalar_prefetch = 0 : i64, scratch_operands = 5 : i64, tpu.core_type = #tpu.core_type<sc_vector_subcore>, window_params = [{transform_indices = #map}, {transform_indices = #map}, {transform_indices = #map}, {transform_indices = #map}, {transform_indices = #map}, {transform_indices = #map}, {transform_indices = #map}]} {
    %mul3A = arith.constant 3128 : i32
    %mul3A_0 = arith.muli %arg1, %mul3A : i32
    %mul3A_1 = arith.constant 3128 : i32
    %mul3A_2 = arith.muli %arg1, %mul3A_1 : i32
    "tpu.region"() ({
      %run_scoped3A = tpu.sem_alloc : memref<!tpu.dma_semaphore, #tpu.memory_space<semaphore_mem>>
      %dma_start3A = arith.constant 0 : i32
      %dma_start3A_21 = tpu.memref_slice %arg9[%mul3A_2, %dma_start3A] : memref<50048x32xf32, #tpu.memory_space<vmem_shared>> -> memref<3128x32xf32, #tpu.memory_space<vmem_shared>>
      %dma_start3A_22 = arith.constant 0 : i32
      %dma_start3A_23 = tpu.memref_slice %arg6[%mul3A_0, %dma_start3A_22] : memref<50048x32xf32, #tpu.memory_space<hbm>> -> memref<3128x32xf32, #tpu.memory_space<hbm>>
      tpu.enqueue_dma source(%dma_start3A_23 : memref<3128x32xf32, #tpu.memory_space<hbm>>) target(%dma_start3A_21 : memref<3128x32xf32, #tpu.memory_space<vmem_shared>>) target_semaphore(%run_scoped3A : memref<!tpu.dma_semaphore, #tpu.memory_space<semaphore_mem>>)
      %dma_wait3A = arith.constant 0 : i32
      %dma_wait3A_24 = tpu.memref_slice %arg9[%mul3A_2, %dma_wait3A] : memref<50048x32xf32, #tpu.memory_space<vmem_shared>> -> memref<3128x32xf32, #tpu.memory_space<vmem_shared>>
      %dma_wait3A_25 = arith.constant 0 : i32
      %dma_wait3A_26 = tpu.memref_slice %arg6[%mul3A_0, %dma_wait3A_25] : memref<50048x32xf32, #tpu.memory_space<hbm>> -> memref<3128x32xf32, #tpu.memory_space<hbm>>
      tpu.wait_dma2 semaphore(%run_scoped3A : memref<!tpu.dma_semaphore, #tpu.memory_space<semaphore_mem>>) src(%dma_wait3A_26 : memref<3128x32xf32, #tpu.memory_space<hbm>>) dst(%dma_wait3A_24 : memref<3128x32xf32, #tpu.memory_space<vmem_shared>>)
      tpu.yield
    }) : () -> ()
    %barrier3A = arith.constant 0 : index
    tpu.barrier barrier_id(%barrier3A)
    %eq3A = arith.constant 0 : i32
    %eq3A_3 = arith.cmpi eq, %arg0, %eq3A : i32
    %convert_element_type3A = arith.extui %eq3A_3 : i1 to i32
    %cond3A = arith.constant 0 : i32
    %cond3A_4 = arith.cmpi ne, %convert_element_type3A, %cond3A : i32
    scf.if %cond3A_4 {
      %mul3A_21 = arith.constant 400 : i32
      %mul3A_22 = arith.muli %arg1, %mul3A_21 : i32
      %scan3A = arith.constant 0 : i32
      %scan3A_23 = arith.constant 0 : i32
      %scan3A_24 = arith.constant 80 : i32
      %scan3A_25 = arith.addi %scan3A_23, %scan3A_24 : i32
      %scan3A_26 = arith.constant 1 : i32
      scf.for %scan3A_28 = %scan3A_23 to %scan3A_25 step %scan3A_26  : i32 {
        %mul3A_29 = arith.constant 5 : i32
        %mul3A_30 = arith.muli %scan3A_28, %mul3A_29 : i32
        %add3A = arith.addi %mul3A_22, %mul3A_30 : i32
        "tpu.region"() ({
          %run_scoped3A_133 = tpu.sem_alloc : memref<!tpu.dma_semaphore, #tpu.memory_space<semaphore_mem>>
          %dma_start3A_134 = arith.constant 0 : i32
          %dma_start3A_135 = arith.constant 0 : i32
          %dma_start3A_136 = tpu.memref_slice %arg10[%dma_start3A_134, %dma_start3A_135] : memref<16x128xi32, #tpu.memory_space<vmem>> -> memref<5x128xi32, #tpu.memory_space<vmem>>
          %dma_start3A_137 = arith.constant 0 : i32
          %dma_start3A_138 = tpu.memref_slice %arg4[%add3A, %dma_start3A_137] : memref<6400x128xi32, #tpu.memory_space<hbm>> -> memref<5x128xi32, #tpu.memory_space<hbm>>
          %dma_start3A_139 = arith.constant 0 : i32
          %dma_start3A_140 = arith.constant 0 : i32
          %dma_start3A_141 = tpu.memref_slice %arg10[%dma_start3A_139, %dma_start3A_140] : memref<16x128xi32, #tpu.memory_space<vmem>> -> memref<5x128xi32, #tpu.memory_space<vmem>>
          %dma_start3A_142 = arith.constant 0 : i32
          %dma_start3A_143 = tpu.memref_slice %arg4[%add3A, %dma_start3A_142] : memref<6400x128xi32, #tpu.memory_space<hbm>> -> memref<5x128xi32, #tpu.memory_space<hbm>>
          tpu.enqueue_dma source(%dma_start3A_143 : memref<5x128xi32, #tpu.memory_space<hbm>>) target(%dma_start3A_141 : memref<5x128xi32, #tpu.memory_space<vmem>>) target_semaphore(%run_scoped3A_133 : memref<!tpu.dma_semaphore, #tpu.memory_space<semaphore_mem>>)
          %dma_wait3A_144 = arith.constant 0 : i32
          %dma_wait3A_145 = arith.constant 0 : i32
          %dma_wait3A_146 = tpu.memref_slice %arg10[%dma_wait3A_144, %dma_wait3A_145] : memref<16x128xi32, #tpu.memory_space<vmem>> -> memref<5x128xi32, #tpu.memory_space<vmem>>
          %dma_wait3A_147 = arith.constant 0 : i32
          %dma_wait3A_148 = tpu.memref_slice %arg4[%add3A, %dma_wait3A_147] : memref<6400x128xi32, #tpu.memory_space<hbm>> -> memref<5x128xi32, #tpu.memory_space<hbm>>
          %dma_wait3A_149 = arith.constant 0 : i32
          %dma_wait3A_150 = arith.constant 0 : i32
          %dma_wait3A_151 = tpu.memref_slice %arg10[%dma_wait3A_149, %dma_wait3A_150] : memref<16x128xi32, #tpu.memory_space<vmem>> -> memref<5x128xi32, #tpu.memory_space<vmem>>
          %dma_wait3A_152 = arith.constant 0 : i32
          %dma_wait3A_153 = tpu.memref_slice %arg4[%add3A, %dma_wait3A_152] : memref<6400x128xi32, #tpu.memory_space<hbm>> -> memref<5x128xi32, #tpu.memory_space<hbm>>
          tpu.wait_dma2 semaphore(%run_scoped3A_133 : memref<!tpu.dma_semaphore, #tpu.memory_space<semaphore_mem>>) src(%dma_wait3A_153 : memref<5x128xi32, #tpu.memory_space<hbm>>) dst(%dma_wait3A_151 : memref<5x128xi32, #tpu.memory_space<vmem>>)
          tpu.yield
        }) : () -> ()
        "tpu.region"() ({
          %run_scoped3A_133 = tpu.sem_alloc : memref<!tpu.dma_semaphore, #tpu.memory_space<semaphore_mem>>
          %dma_start3A_134 = arith.constant 0 : i32
          %dma_start3A_135 = arith.constant 0 : i32
          %dma_start3A_136 = tpu.memref_slice %arg11[%dma_start3A_134, %dma_start3A_135] : memref<16x128xi32, #tpu.memory_space<vmem>> -> memref<5x128xi32, #tpu.memory_space<vmem>>
          %dma_start3A_137 = arith.constant 0 : i32
          %dma_start3A_138 = tpu.memref_slice %arg5[%add3A, %dma_start3A_137] : memref<6400x128xi32, #tpu.memory_space<hbm>> -> memref<5x128xi32, #tpu.memory_space<hbm>>
          %dma_start3A_139 = arith.constant 0 : i32
          %dma_start3A_140 = arith.constant 0 : i32
          %dma_start3A_141 = tpu.memref_slice %arg11[%dma_start3A_139, %dma_start3A_140] : memref<16x128xi32, #tpu.memory_space<vmem>> -> memref<5x128xi32, #tpu.memory_space<vmem>>
          %dma_start3A_142 = arith.constant 0 : i32
          %dma_start3A_143 = tpu.memref_slice %arg5[%add3A, %dma_start3A_142] : memref<6400x128xi32, #tpu.memory_space<hbm>> -> memref<5x128xi32, #tpu.memory_space<hbm>>
          tpu.enqueue_dma source(%dma_start3A_143 : memref<5x128xi32, #tpu.memory_space<hbm>>) target(%dma_start3A_141 : memref<5x128xi32, #tpu.memory_space<vmem>>) target_semaphore(%run_scoped3A_133 : memref<!tpu.dma_semaphore, #tpu.memory_space<semaphore_mem>>)
          %dma_wait3A_144 = arith.constant 0 : i32
          %dma_wait3A_145 = arith.constant 0 : i32
          %dma_wait3A_146 = tpu.memref_slice %arg11[%dma_wait3A_144, %dma_wait3A_145] : memref<16x128xi32, #tpu.memory_space<vmem>> -> memref<5x128xi32, #tpu.memory_space<vmem>>
          %dma_wait3A_147 = arith.constant 0 : i32
          %dma_wait3A_148 = tpu.memref_slice %arg5[%add3A, %dma_wait3A_147] : memref<6400x128xi32, #tpu.memory_space<hbm>> -> memref<5x128xi32, #tpu.memory_space<hbm>>
          %dma_wait3A_149 = arith.constant 0 : i32
          %dma_wait3A_150 = arith.constant 0 : i32
          %dma_wait3A_151 = tpu.memref_slice %arg11[%dma_wait3A_149, %dma_wait3A_150] : memref<16x128xi32, #tpu.memory_space<vmem>> -> memref<5x128xi32, #tpu.memory_space<vmem>>
          %dma_wait3A_152 = arith.constant 0 : i32
          %dma_wait3A_153 = tpu.memref_slice %arg5[%add3A, %dma_wait3A_152] : memref<6400x128xi32, #tpu.memory_space<hbm>> -> memref<5x128xi32, #tpu.memory_space<hbm>>
          tpu.wait_dma2 semaphore(%run_scoped3A_133 : memref<!tpu.dma_semaphore, #tpu.memory_space<semaphore_mem>>) src(%dma_wait3A_153 : memref<5x128xi32, #tpu.memory_space<hbm>>) dst(%dma_wait3A_151 : memref<5x128xi32, #tpu.memory_space<vmem>>)
          tpu.yield
        }) : () -> ()
        %dma_start3A = arith.constant 0 : i32
        %dma_start3A_31 = arith.constant 0 : i32
        %dma_start3A_32 = arith.constant 0 : i32
        %dma_start3A_33 = tpu.memref_slice %arg12[%dma_start3A_31, %dma_start3A_32] : memref<640x32xf32, #tpu.memory_space<vmem>> -> memref<128x32xf32, #tpu.memory_space<vmem>>
        %dma_start3A_34 = arith.constant 0 : i32
        %dma_start3A_35 = tpu.memref_slice %arg10[%dma_start3A, %dma_start3A_34] : memref<16x128xi32, #tpu.memory_space<vmem>> -> memref<1x128xi32, #tpu.memory_space<vmem>>
        %dma_start3A_36 = tpu.memref_squeeze %dma_start3A_35 : memref<1x128xi32, #tpu.memory_space<vmem>> -> memref<128xi32, #tpu.memory_space<vmem>>
        %dma_start3A_37 = arith.constant 0 : i32
        %dma_start3A_38 = arith.constant 0 : i32
        %dma_start3A_39 = tpu.memref_slice %arg2[%dma_start3A_37, %dma_start3A_38] : memref<50048x32xf32, #tpu.memory_space<hbm>> -> memref<50048x32xf32, #tpu.memory_space<hbm>>
        tpu.enqueue_indirect_dma source(%dma_start3A_39 : memref<50048x32xf32, #tpu.memory_space<hbm>>) target(%dma_start3A_33 : memref<128x32xf32, #tpu.memory_space<vmem>>) offsets(%dma_start3A_36 : memref<128xi32, #tpu.memory_space<vmem>>) semaphore(%arg13 : memref<!tpu.dma_semaphore, #tpu.memory_space<semaphore_mem>>)
        %dma_start3A_40 = arith.constant 1 : i32
        %dma_start3A_41 = arith.constant 128 : i32
        %dma_start3A_42 = arith.constant 0 : i32
        %dma_start3A_43 = tpu.memref_slice %arg12[%dma_start3A_41, %dma_start3A_42] : memref<640x32xf32, #tpu.memory_space<vmem>> -> memref<128x32xf32, #tpu.memory_space<vmem>>
        %dma_start3A_44 = arith.constant 0 : i32
        %dma_start3A_45 = tpu.memref_slice %arg10[%dma_start3A_40, %dma_start3A_44] : memref<16x128xi32, #tpu.memory_space<vmem>> -> memref<1x128xi32, #tpu.memory_space<vmem>>
        %dma_start3A_46 = tpu.memref_squeeze %dma_start3A_45 : memref<1x128xi32, #tpu.memory_space<vmem>> -> memref<128xi32, #tpu.memory_space<vmem>>
        %dma_start3A_47 = arith.constant 0 : i32
        %dma_start3A_48 = arith.constant 0 : i32
        %dma_start3A_49 = tpu.memref_slice %arg2[%dma_start3A_47, %dma_start3A_48] : memref<50048x32xf32, #tpu.memory_space<hbm>> -> memref<50048x32xf32, #tpu.memory_space<hbm>>
        tpu.enqueue_indirect_dma source(%dma_start3A_49 : memref<50048x32xf32, #tpu.memory_space<hbm>>) target(%dma_start3A_43 : memref<128x32xf32, #tpu.memory_space<vmem>>) offsets(%dma_start3A_46 : memref<128xi32, #tpu.memory_space<vmem>>) semaphore(%arg13 : memref<!tpu.dma_semaphore, #tpu.memory_space<semaphore_mem>>)
        %dma_start3A_50 = arith.constant 2 : i32
        %dma_start3A_51 = arith.constant 256 : i32
        %dma_start3A_52 = arith.constant 0 : i32
        %dma_start3A_53 = tpu.memref_slice %arg12[%dma_start3A_51, %dma_start3A_52] : memref<640x32xf32, #tpu.memory_space<vmem>> -> memref<128x32xf32, #tpu.memory_space<vmem>>
        %dma_start3A_54 = arith.constant 0 : i32
        %dma_start3A_55 = tpu.memref_slice %arg10[%dma_start3A_50, %dma_start3A_54] : memref<16x128xi32, #tpu.memory_space<vmem>> -> memref<1x128xi32, #tpu.memory_space<vmem>>
        %dma_start3A_56 = tpu.memref_squeeze %dma_start3A_55 : memref<1x128xi32, #tpu.memory_space<vmem>> -> memref<128xi32, #tpu.memory_space<vmem>>
        %dma_start3A_57 = arith.constant 0 : i32
        %dma_start3A_58 = arith.constant 0 : i32
        %dma_start3A_59 = tpu.memref_slice %arg2[%dma_start3A_57, %dma_start3A_58] : memref<50048x32xf32, #tpu.memory_space<hbm>> -> memref<50048x32xf32, #tpu.memory_space<hbm>>
        tpu.enqueue_indirect_dma source(%dma_start3A_59 : memref<50048x32xf32, #tpu.memory_space<hbm>>) target(%dma_start3A_53 : memref<128x32xf32, #tpu.memory_space<vmem>>) offsets(%dma_start3A_56 : memref<128xi32, #tpu.memory_space<vmem>>) semaphore(%arg13 : memref<!tpu.dma_semaphore, #tpu.memory_space<semaphore_mem>>)
        %dma_start3A_60 = arith.constant 3 : i32
        %dma_start3A_61 = arith.constant 384 : i32
        %dma_start3A_62 = arith.constant 0 : i32
        %dma_start3A_63 = tpu.memref_slice %arg12[%dma_start3A_61, %dma_start3A_62] : memref<640x32xf32, #tpu.memory_space<vmem>> -> memref<128x32xf32, #tpu.memory_space<vmem>>
        %dma_start3A_64 = arith.constant 0 : i32
        %dma_start3A_65 = tpu.memref_slice %arg10[%dma_start3A_60, %dma_start3A_64] : memref<16x128xi32, #tpu.memory_space<vmem>> -> memref<1x128xi32, #tpu.memory_space<vmem>>
        %dma_start3A_66 = tpu.memref_squeeze %dma_start3A_65 : memref<1x128xi32, #tpu.memory_space<vmem>> -> memref<128xi32, #tpu.memory_space<vmem>>
        %dma_start3A_67 = arith.constant 0 : i32
        %dma_start3A_68 = arith.constant 0 : i32
        %dma_start3A_69 = tpu.memref_slice %arg2[%dma_start3A_67, %dma_start3A_68] : memref<50048x32xf32, #tpu.memory_space<hbm>> -> memref<50048x32xf32, #tpu.memory_space<hbm>>
        tpu.enqueue_indirect_dma source(%dma_start3A_69 : memref<50048x32xf32, #tpu.memory_space<hbm>>) target(%dma_start3A_63 : memref<128x32xf32, #tpu.memory_space<vmem>>) offsets(%dma_start3A_66 : memref<128xi32, #tpu.memory_space<vmem>>) semaphore(%arg13 : memref<!tpu.dma_semaphore, #tpu.memory_space<semaphore_mem>>)
        %dma_start3A_70 = arith.constant 4 : i32
        %dma_start3A_71 = arith.constant 512 : i32
        %dma_start3A_72 = arith.constant 0 : i32
        %dma_start3A_73 = tpu.memref_slice %arg12[%dma_start3A_71, %dma_start3A_72] : memref<640x32xf32, #tpu.memory_space<vmem>> -> memref<128x32xf32, #tpu.memory_space<vmem>>
        %dma_start3A_74 = arith.constant 0 : i32
        %dma_start3A_75 = tpu.memref_slice %arg10[%dma_start3A_70, %dma_start3A_74] : memref<16x128xi32, #tpu.memory_space<vmem>> -> memref<1x128xi32, #tpu.memory_space<vmem>>
        %dma_start3A_76 = tpu.memref_squeeze %dma_start3A_75 : memref<1x128xi32, #tpu.memory_space<vmem>> -> memref<128xi32, #tpu.memory_space<vmem>>
        %dma_start3A_77 = arith.constant 0 : i32
        %dma_start3A_78 = arith.constant 0 : i32
        %dma_start3A_79 = tpu.memref_slice %arg2[%dma_start3A_77, %dma_start3A_78] : memref<50048x32xf32, #tpu.memory_space<hbm>> -> memref<50048x32xf32, #tpu.memory_space<hbm>>
        tpu.enqueue_indirect_dma source(%dma_start3A_79 : memref<50048x32xf32, #tpu.memory_space<hbm>>) target(%dma_start3A_73 : memref<128x32xf32, #tpu.memory_space<vmem>>) offsets(%dma_start3A_76 : memref<128xi32, #tpu.memory_space<vmem>>) semaphore(%arg13 : memref<!tpu.dma_semaphore, #tpu.memory_space<semaphore_mem>>)
        %dma_wait3A = arith.constant 0 : i32
        %dma_wait3A_80 = arith.constant 0 : i32
        %dma_wait3A_81 = arith.constant 0 : i32
        %dma_wait3A_82 = tpu.memref_slice %arg12[%dma_wait3A_80, %dma_wait3A_81] : memref<640x32xf32, #tpu.memory_space<vmem>> -> memref<128x32xf32, #tpu.memory_space<vmem>>
        %dma_wait3A_83 = arith.constant 0 : i32
        %dma_wait3A_84 = tpu.memref_slice %arg10[%dma_wait3A, %dma_wait3A_83] : memref<16x128xi32, #tpu.memory_space<vmem>> -> memref<1x128xi32, #tpu.memory_space<vmem>>
        %dma_wait3A_85 = tpu.memref_squeeze %dma_wait3A_84 : memref<1x128xi32, #tpu.memory_space<vmem>> -> memref<128xi32, #tpu.memory_space<vmem>>
        %dma_wait3A_86 = arith.constant 0 : i32
        %dma_wait3A_87 = arith.constant 0 : i32
        %dma_wait3A_88 = tpu.memref_slice %arg2[%dma_wait3A_86, %dma_wait3A_87] : memref<50048x32xf32, #tpu.memory_space<hbm>> -> memref<50048x32xf32, #tpu.memory_space<hbm>>
        tpu.wait_indirect_dma semaphore(%arg13 : memref<!tpu.dma_semaphore, #tpu.memory_space<semaphore_mem>>) src(%dma_wait3A_88 : memref<50048x32xf32, #tpu.memory_space<hbm>>) dst(%dma_wait3A_82 : memref<128x32xf32, #tpu.memory_space<vmem>>)
        %dma_wait3A_89 = arith.constant 1 : i32
        %dma_wait3A_90 = arith.constant 128 : i32
        %dma_wait3A_91 = arith.constant 0 : i32
        %dma_wait3A_92 = tpu.memref_slice %arg12[%dma_wait3A_90, %dma_wait3A_91] : memref<640x32xf32, #tpu.memory_space<vmem>> -> memref<128x32xf32, #tpu.memory_space<vmem>>
        %dma_wait3A_93 = arith.constant 0 : i32
        %dma_wait3A_94 = tpu.memref_slice %arg10[%dma_wait3A_89, %dma_wait3A_93] : memref<16x128xi32, #tpu.memory_space<vmem>> -> memref<1x128xi32, #tpu.memory_space<vmem>>
        %dma_wait3A_95 = tpu.memref_squeeze %dma_wait3A_94 : memref<1x128xi32, #tpu.memory_space<vmem>> -> memref<128xi32, #tpu.memory_space<vmem>>
        %dma_wait3A_96 = arith.constant 0 : i32
        %dma_wait3A_97 = arith.constant 0 : i32
        %dma_wait3A_98 = tpu.memref_slice %arg2[%dma_wait3A_96, %dma_wait3A_97] : memref<50048x32xf32, #tpu.memory_space<hbm>> -> memref<50048x32xf32, #tpu.memory_space<hbm>>
        tpu.wait_indirect_dma semaphore(%arg13 : memref<!tpu.dma_semaphore, #tpu.memory_space<semaphore_mem>>) src(%dma_wait3A_98 : memref<50048x32xf32, #tpu.memory_space<hbm>>) dst(%dma_wait3A_92 : memref<128x32xf32, #tpu.memory_space<vmem>>)
        %dma_wait3A_99 = arith.constant 2 : i32
        %dma_wait3A_100 = arith.constant 256 : i32
        %dma_wait3A_101 = arith.constant 0 : i32
        %dma_wait3A_102 = tpu.memref_slice %arg12[%dma_wait3A_100, %dma_wait3A_101] : memref<640x32xf32, #tpu.memory_space<vmem>> -> memref<128x32xf32, #tpu.memory_space<vmem>>
        %dma_wait3A_103 = arith.constant 0 : i32
        %dma_wait3A_104 = tpu.memref_slice %arg10[%dma_wait3A_99, %dma_wait3A_103] : memref<16x128xi32, #tpu.memory_space<vmem>> -> memref<1x128xi32, #tpu.memory_space<vmem>>
        %dma_wait3A_105 = tpu.memref_squeeze %dma_wait3A_104 : memref<1x128xi32, #tpu.memory_space<vmem>> -> memref<128xi32, #tpu.memory_space<vmem>>
        %dma_wait3A_106 = arith.constant 0 : i32
        %dma_wait3A_107 = arith.constant 0 : i32
        %dma_wait3A_108 = tpu.memref_slice %arg2[%dma_wait3A_106, %dma_wait3A_107] : memref<50048x32xf32, #tpu.memory_space<hbm>> -> memref<50048x32xf32, #tpu.memory_space<hbm>>
        tpu.wait_indirect_dma semaphore(%arg13 : memref<!tpu.dma_semaphore, #tpu.memory_space<semaphore_mem>>) src(%dma_wait3A_108 : memref<50048x32xf32, #tpu.memory_space<hbm>>) dst(%dma_wait3A_102 : memref<128x32xf32, #tpu.memory_space<vmem>>)
        %dma_wait3A_109 = arith.constant 3 : i32
        %dma_wait3A_110 = arith.constant 384 : i32
        %dma_wait3A_111 = arith.constant 0 : i32
        %dma_wait3A_112 = tpu.memref_slice %arg12[%dma_wait3A_110, %dma_wait3A_111] : memref<640x32xf32, #tpu.memory_space<vmem>> -> memref<128x32xf32, #tpu.memory_space<vmem>>
        %dma_wait3A_113 = arith.constant 0 : i32
        %dma_wait3A_114 = tpu.memref_slice %arg10[%dma_wait3A_109, %dma_wait3A_113] : memref<16x128xi32, #tpu.memory_space<vmem>> -> memref<1x128xi32, #tpu.memory_space<vmem>>
        %dma_wait3A_115 = tpu.memref_squeeze %dma_wait3A_114 : memref<1x128xi32, #tpu.memory_space<vmem>> -> memref<128xi32, #tpu.memory_space<vmem>>
        %dma_wait3A_116 = arith.constant 0 : i32
        %dma_wait3A_117 = arith.constant 0 : i32
        %dma_wait3A_118 = tpu.memref_slice %arg2[%dma_wait3A_116, %dma_wait3A_117] : memref<50048x32xf32, #tpu.memory_space<hbm>> -> memref<50048x32xf32, #tpu.memory_space<hbm>>
        tpu.wait_indirect_dma semaphore(%arg13 : memref<!tpu.dma_semaphore, #tpu.memory_space<semaphore_mem>>) src(%dma_wait3A_118 : memref<50048x32xf32, #tpu.memory_space<hbm>>) dst(%dma_wait3A_112 : memref<128x32xf32, #tpu.memory_space<vmem>>)
        %dma_wait3A_119 = arith.constant 4 : i32
        %dma_wait3A_120 = arith.constant 512 : i32
        %dma_wait3A_121 = arith.constant 0 : i32
        %dma_wait3A_122 = tpu.memref_slice %arg12[%dma_wait3A_120, %dma_wait3A_121] : memref<640x32xf32, #tpu.memory_space<vmem>> -> memref<128x32xf32, #tpu.memory_space<vmem>>
        %dma_wait3A_123 = arith.constant 0 : i32
        %dma_wait3A_124 = tpu.memref_slice %arg10[%dma_wait3A_119, %dma_wait3A_123] : memref<16x128xi32, #tpu.memory_space<vmem>> -> memref<1x128xi32, #tpu.memory_space<vmem>>
        %dma_wait3A_125 = tpu.memref_squeeze %dma_wait3A_124 : memref<1x128xi32, #tpu.memory_space<vmem>> -> memref<128xi32, #tpu.memory_space<vmem>>
        %dma_wait3A_126 = arith.constant 0 : i32
        %dma_wait3A_127 = arith.constant 0 : i32
        %dma_wait3A_128 = tpu.memref_slice %arg2[%dma_wait3A_126, %dma_wait3A_127] : memref<50048x32xf32, #tpu.memory_space<hbm>> -> memref<50048x32xf32, #tpu.memory_space<hbm>>
        tpu.wait_indirect_dma semaphore(%arg13 : memref<!tpu.dma_semaphore, #tpu.memory_space<semaphore_mem>>) src(%dma_wait3A_128 : memref<50048x32xf32, #tpu.memory_space<hbm>>) dst(%dma_wait3A_122 : memref<128x32xf32, #tpu.memory_space<vmem>>)
        %run_scoped3A = arith.constant 0 : i32
        "tpu.region"() ({
          %run_scoped3A_133 = tpu.sem_alloc : memref<!tpu.dma_semaphore, #tpu.memory_space<semaphore_mem>>
          %dma_start3A_134 = arith.constant 0 : i32
          %dma_start3A_135 = arith.constant 0 : i32
          %dma_start3A_136 = tpu.memref_slice %arg12[%dma_start3A_134, %dma_start3A_135] : memref<640x32xf32, #tpu.memory_space<vmem>> -> memref<128x32xf32, #tpu.memory_space<vmem>>
          %dma_start3A_137 = arith.constant 0 : i32
          %dma_start3A_138 = tpu.memref_slice %arg11[%run_scoped3A, %dma_start3A_137] : memref<16x128xi32, #tpu.memory_space<vmem>> -> memref<1x128xi32, #tpu.memory_space<vmem>>
          %dma_start3A_139 = tpu.memref_squeeze %dma_start3A_138 : memref<1x128xi32, #tpu.memory_space<vmem>> -> memref<128xi32, #tpu.memory_space<vmem>>
          %dma_start3A_140 = arith.constant 0 : i32
          %dma_start3A_141 = arith.constant 0 : i32
          %dma_start3A_142 = tpu.memref_slice %arg9[%dma_start3A_140, %dma_start3A_141] : memref<50048x32xf32, #tpu.memory_space<vmem_shared>> -> memref<50048x32xf32, #tpu.memory_space<vmem_shared>>
          tpu.enqueue_indirect_dma source(%dma_start3A_136 : memref<128x32xf32, #tpu.memory_space<vmem>>) target(%dma_start3A_142 : memref<50048x32xf32, #tpu.memory_space<vmem_shared>>) offsets(%dma_start3A_139 : memref<128xi32, #tpu.memory_space<vmem>>) semaphore(%run_scoped3A_133 : memref<!tpu.dma_semaphore, #tpu.memory_space<semaphore_mem>>) {add = true}
          %dma_wait3A_143 = arith.constant 0 : i32
          %dma_wait3A_144 = arith.constant 0 : i32
          %dma_wait3A_145 = tpu.memref_slice %arg12[%dma_wait3A_143, %dma_wait3A_144] : memref<640x32xf32, #tpu.memory_space<vmem>> -> memref<128x32xf32, #tpu.memory_space<vmem>>
          %dma_wait3A_146 = arith.constant 0 : i32
          %dma_wait3A_147 = tpu.memref_slice %arg11[%run_scoped3A, %dma_wait3A_146] : memref<16x128xi32, #tpu.memory_space<vmem>> -> memref<1x128xi32, #tpu.memory_space<vmem>>
          %dma_wait3A_148 = tpu.memref_squeeze %dma_wait3A_147 : memref<1x128xi32, #tpu.memory_space<vmem>> -> memref<128xi32, #tpu.memory_space<vmem>>
          %dma_wait3A_149 = arith.constant 0 : i32
          %dma_wait3A_150 = arith.constant 0 : i32
          %dma_wait3A_151 = tpu.memref_slice %arg9[%dma_wait3A_149, %dma_wait3A_150] : memref<50048x32xf32, #tpu.memory_space<vmem_shared>> -> memref<50048x32xf32, #tpu.memory_space<vmem_shared>>
          tpu.wait_indirect_dma semaphore(%run_scoped3A_133 : memref<!tpu.dma_semaphore, #tpu.memory_space<semaphore_mem>>) src(%dma_wait3A_145 : memref<128x32xf32, #tpu.memory_space<vmem>>) dst(%dma_wait3A_151 : memref<50048x32xf32, #tpu.memory_space<vmem_shared>>)
          tpu.yield
        }) : () -> ()
        %run_scoped3A_129 = arith.constant 1 : i32
        "tpu.region"() ({
          %run_scoped3A_133 = tpu.sem_alloc : memref<!tpu.dma_semaphore, #tpu.memory_space<semaphore_mem>>
          %dma_start3A_134 = arith.constant 128 : i32
          %dma_start3A_135 = arith.constant 0 : i32
          %dma_start3A_136 = tpu.memref_slice %arg12[%dma_start3A_134, %dma_start3A_135] : memref<640x32xf32, #tpu.memory_space<vmem>> -> memref<128x32xf32, #tpu.memory_space<vmem>>
          %dma_start3A_137 = arith.constant 0 : i32
          %dma_start3A_138 = tpu.memref_slice %arg11[%run_scoped3A_129, %dma_start3A_137] : memref<16x128xi32, #tpu.memory_space<vmem>> -> memref<1x128xi32, #tpu.memory_space<vmem>>
          %dma_start3A_139 = tpu.memref_squeeze %dma_start3A_138 : memref<1x128xi32, #tpu.memory_space<vmem>> -> memref<128xi32, #tpu.memory_space<vmem>>
          %dma_start3A_140 = arith.constant 0 : i32
          %dma_start3A_141 = arith.constant 0 : i32
          %dma_start3A_142 = tpu.memref_slice %arg9[%dma_start3A_140, %dma_start3A_141] : memref<50048x32xf32, #tpu.memory_space<vmem_shared>> -> memref<50048x32xf32, #tpu.memory_space<vmem_shared>>
          tpu.enqueue_indirect_dma source(%dma_start3A_136 : memref<128x32xf32, #tpu.memory_space<vmem>>) target(%dma_start3A_142 : memref<50048x32xf32, #tpu.memory_space<vmem_shared>>) offsets(%dma_start3A_139 : memref<128xi32, #tpu.memory_space<vmem>>) semaphore(%run_scoped3A_133 : memref<!tpu.dma_semaphore, #tpu.memory_space<semaphore_mem>>) {add = true}
          %dma_wait3A_143 = arith.constant 128 : i32
          %dma_wait3A_144 = arith.constant 0 : i32
          %dma_wait3A_145 = tpu.memref_slice %arg12[%dma_wait3A_143, %dma_wait3A_144] : memref<640x32xf32, #tpu.memory_space<vmem>> -> memref<128x32xf32, #tpu.memory_space<vmem>>
          %dma_wait3A_146 = arith.constant 0 : i32
          %dma_wait3A_147 = tpu.memref_slice %arg11[%run_scoped3A_129, %dma_wait3A_146] : memref<16x128xi32, #tpu.memory_space<vmem>> -> memref<1x128xi32, #tpu.memory_space<vmem>>
          %dma_wait3A_148 = tpu.memref_squeeze %dma_wait3A_147 : memref<1x128xi32, #tpu.memory_space<vmem>> -> memref<128xi32, #tpu.memory_space<vmem>>
          %dma_wait3A_149 = arith.constant 0 : i32
          %dma_wait3A_150 = arith.constant 0 : i32
          %dma_wait3A_151 = tpu.memref_slice %arg9[%dma_wait3A_149, %dma_wait3A_150] : memref<50048x32xf32, #tpu.memory_space<vmem_shared>> -> memref<50048x32xf32, #tpu.memory_space<vmem_shared>>
          tpu.wait_indirect_dma semaphore(%run_scoped3A_133 : memref<!tpu.dma_semaphore, #tpu.memory_space<semaphore_mem>>) src(%dma_wait3A_145 : memref<128x32xf32, #tpu.memory_space<vmem>>) dst(%dma_wait3A_151 : memref<50048x32xf32, #tpu.memory_space<vmem_shared>>)
          tpu.yield
        }) : () -> ()
        %run_scoped3A_130 = arith.constant 2 : i32
        "tpu.region"() ({
          %run_scoped3A_133 = tpu.sem_alloc : memref<!tpu.dma_semaphore, #tpu.memory_space<semaphore_mem>>
          %dma_start3A_134 = arith.constant 256 : i32
          %dma_start3A_135 = arith.constant 0 : i32
          %dma_start3A_136 = tpu.memref_slice %arg12[%dma_start3A_134, %dma_start3A_135] : memref<640x32xf32, #tpu.memory_space<vmem>> -> memref<128x32xf32, #tpu.memory_space<vmem>>
          %dma_start3A_137 = arith.constant 0 : i32
          %dma_start3A_138 = tpu.memref_slice %arg11[%run_scoped3A_130, %dma_start3A_137] : memref<16x128xi32, #tpu.memory_space<vmem>> -> memref<1x128xi32, #tpu.memory_space<vmem>>
          %dma_start3A_139 = tpu.memref_squeeze %dma_start3A_138 : memref<1x128xi32, #tpu.memory_space<vmem>> -> memref<128xi32, #tpu.memory_space<vmem>>
          %dma_start3A_140 = arith.constant 0 : i32
          %dma_start3A_141 = arith.constant 0 : i32
          %dma_start3A_142 = tpu.memref_slice %arg9[%dma_start3A_140, %dma_start3A_141] : memref<50048x32xf32, #tpu.memory_space<vmem_shared>> -> memref<50048x32xf32, #tpu.memory_space<vmem_shared>>
          tpu.enqueue_indirect_dma source(%dma_start3A_136 : memref<128x32xf32, #tpu.memory_space<vmem>>) target(%dma_start3A_142 : memref<50048x32xf32, #tpu.memory_space<vmem_shared>>) offsets(%dma_start3A_139 : memref<128xi32, #tpu.memory_space<vmem>>) semaphore(%run_scoped3A_133 : memref<!tpu.dma_semaphore, #tpu.memory_space<semaphore_mem>>) {add = true}
          %dma_wait3A_143 = arith.constant 256 : i32
          %dma_wait3A_144 = arith.constant 0 : i32
          %dma_wait3A_145 = tpu.memref_slice %arg12[%dma_wait3A_143, %dma_wait3A_144] : memref<640x32xf32, #tpu.memory_space<vmem>> -> memref<128x32xf32, #tpu.memory_space<vmem>>
          %dma_wait3A_146 = arith.constant 0 : i32
          %dma_wait3A_147 = tpu.memref_slice %arg11[%run_scoped3A_130, %dma_wait3A_146] : memref<16x128xi32, #tpu.memory_space<vmem>> -> memref<1x128xi32, #tpu.memory_space<vmem>>
          %dma_wait3A_148 = tpu.memref_squeeze %dma_wait3A_147 : memref<1x128xi32, #tpu.memory_space<vmem>> -> memref<128xi32, #tpu.memory_space<vmem>>
          %dma_wait3A_149 = arith.constant 0 : i32
          %dma_wait3A_150 = arith.constant 0 : i32
          %dma_wait3A_151 = tpu.memref_slice %arg9[%dma_wait3A_149, %dma_wait3A_150] : memref<50048x32xf32, #tpu.memory_space<vmem_shared>> -> memref<50048x32xf32, #tpu.memory_space<vmem_shared>>
          tpu.wait_indirect_dma semaphore(%run_scoped3A_133 : memref<!tpu.dma_semaphore, #tpu.memory_space<semaphore_mem>>) src(%dma_wait3A_145 : memref<128x32xf32, #tpu.memory_space<vmem>>) dst(%dma_wait3A_151 : memref<50048x32xf32, #tpu.memory_space<vmem_shared>>)
          tpu.yield
        }) : () -> ()
        %run_scoped3A_131 = arith.constant 3 : i32
        "tpu.region"() ({
          %run_scoped3A_133 = tpu.sem_alloc : memref<!tpu.dma_semaphore, #tpu.memory_space<semaphore_mem>>
          %dma_start3A_134 = arith.constant 384 : i32
          %dma_start3A_135 = arith.constant 0 : i32
          %dma_start3A_136 = tpu.memref_slice %arg12[%dma_start3A_134, %dma_start3A_135] : memref<640x32xf32, #tpu.memory_space<vmem>> -> memref<128x32xf32, #tpu.memory_space<vmem>>
          %dma_start3A_137 = arith.constant 0 : i32
          %dma_start3A_138 = tpu.memref_slice %arg11[%run_scoped3A_131, %dma_start3A_137] : memref<16x128xi32, #tpu.memory_space<vmem>> -> memref<1x128xi32, #tpu.memory_space<vmem>>
          %dma_start3A_139 = tpu.memref_squeeze %dma_start3A_138 : memref<1x128xi32, #tpu.memory_space<vmem>> -> memref<128xi32, #tpu.memory_space<vmem>>
          %dma_start3A_140 = arith.constant 0 : i32
          %dma_start3A_141 = arith.constant 0 : i32
          %dma_start3A_142 = tpu.memref_slice %arg9[%dma_start3A_140, %dma_start3A_141] : memref<50048x32xf32, #tpu.memory_space<vmem_shared>> -> memref<50048x32xf32, #tpu.memory_space<vmem_shared>>
          tpu.enqueue_indirect_dma source(%dma_start3A_136 : memref<128x32xf32, #tpu.memory_space<vmem>>) target(%dma_start3A_142 : memref<50048x32xf32, #tpu.memory_space<vmem_shared>>) offsets(%dma_start3A_139 : memref<128xi32, #tpu.memory_space<vmem>>) semaphore(%run_scoped3A_133 : memref<!tpu.dma_semaphore, #tpu.memory_space<semaphore_mem>>) {add = true}
          %dma_wait3A_143 = arith.constant 384 : i32
          %dma_wait3A_144 = arith.constant 0 : i32
          %dma_wait3A_145 = tpu.memref_slice %arg12[%dma_wait3A_143, %dma_wait3A_144] : memref<640x32xf32, #tpu.memory_space<vmem>> -> memref<128x32xf32, #tpu.memory_space<vmem>>
          %dma_wait3A_146 = arith.constant 0 : i32
          %dma_wait3A_147 = tpu.memref_slice %arg11[%run_scoped3A_131, %dma_wait3A_146] : memref<16x128xi32, #tpu.memory_space<vmem>> -> memref<1x128xi32, #tpu.memory_space<vmem>>
          %dma_wait3A_148 = tpu.memref_squeeze %dma_wait3A_147 : memref<1x128xi32, #tpu.memory_space<vmem>> -> memref<128xi32, #tpu.memory_space<vmem>>
          %dma_wait3A_149 = arith.constant 0 : i32
          %dma_wait3A_150 = arith.constant 0 : i32
          %dma_wait3A_151 = tpu.memref_slice %arg9[%dma_wait3A_149, %dma_wait3A_150] : memref<50048x32xf32, #tpu.memory_space<vmem_shared>> -> memref<50048x32xf32, #tpu.memory_space<vmem_shared>>
          tpu.wait_indirect_dma semaphore(%run_scoped3A_133 : memref<!tpu.dma_semaphore, #tpu.memory_space<semaphore_mem>>) src(%dma_wait3A_145 : memref<128x32xf32, #tpu.memory_space<vmem>>) dst(%dma_wait3A_151 : memref<50048x32xf32, #tpu.memory_space<vmem_shared>>)
          tpu.yield
        }) : () -> ()
        %run_scoped3A_132 = arith.constant 4 : i32
        "tpu.region"() ({
          %run_scoped3A_133 = tpu.sem_alloc : memref<!tpu.dma_semaphore, #tpu.memory_space<semaphore_mem>>
          %dma_start3A_134 = arith.constant 512 : i32
          %dma_start3A_135 = arith.constant 0 : i32
          %dma_start3A_136 = tpu.memref_slice %arg12[%dma_start3A_134, %dma_start3A_135] : memref<640x32xf32, #tpu.memory_space<vmem>> -> memref<128x32xf32, #tpu.memory_space<vmem>>
          %dma_start3A_137 = arith.constant 0 : i32
          %dma_start3A_138 = tpu.memref_slice %arg11[%run_scoped3A_132, %dma_start3A_137] : memref<16x128xi32, #tpu.memory_space<vmem>> -> memref<1x128xi32, #tpu.memory_space<vmem>>
          %dma_start3A_139 = tpu.memref_squeeze %dma_start3A_138 : memref<1x128xi32, #tpu.memory_space<vmem>> -> memref<128xi32, #tpu.memory_space<vmem>>
          %dma_start3A_140 = arith.constant 0 : i32
          %dma_start3A_141 = arith.constant 0 : i32
          %dma_start3A_142 = tpu.memref_slice %arg9[%dma_start3A_140, %dma_start3A_141] : memref<50048x32xf32, #tpu.memory_space<vmem_shared>> -> memref<50048x32xf32, #tpu.memory_space<vmem_shared>>
          tpu.enqueue_indirect_dma source(%dma_start3A_136 : memref<128x32xf32, #tpu.memory_space<vmem>>) target(%dma_start3A_142 : memref<50048x32xf32, #tpu.memory_space<vmem_shared>>) offsets(%dma_start3A_139 : memref<128xi32, #tpu.memory_space<vmem>>) semaphore(%run_scoped3A_133 : memref<!tpu.dma_semaphore, #tpu.memory_space<semaphore_mem>>) {add = true}
          %dma_wait3A_143 = arith.constant 512 : i32
          %dma_wait3A_144 = arith.constant 0 : i32
          %dma_wait3A_145 = tpu.memref_slice %arg12[%dma_wait3A_143, %dma_wait3A_144] : memref<640x32xf32, #tpu.memory_space<vmem>> -> memref<128x32xf32, #tpu.memory_space<vmem>>
          %dma_wait3A_146 = arith.constant 0 : i32
          %dma_wait3A_147 = tpu.memref_slice %arg11[%run_scoped3A_132, %dma_wait3A_146] : memref<16x128xi32, #tpu.memory_space<vmem>> -> memref<1x128xi32, #tpu.memory_space<vmem>>
          %dma_wait3A_148 = tpu.memref_squeeze %dma_wait3A_147 : memref<1x128xi32, #tpu.memory_space<vmem>> -> memref<128xi32, #tpu.memory_space<vmem>>
          %dma_wait3A_149 = arith.constant 0 : i32
          %dma_wait3A_150 = arith.constant 0 : i32
          %dma_wait3A_151 = tpu.memref_slice %arg9[%dma_wait3A_149, %dma_wait3A_150] : memref<50048x32xf32, #tpu.memory_space<vmem_shared>> -> memref<50048x32xf32, #tpu.memory_space<vmem_shared>>
          tpu.wait_indirect_dma semaphore(%run_scoped3A_133 : memref<!tpu.dma_semaphore, #tpu.memory_space<semaphore_mem>>) src(%dma_wait3A_145 : memref<128x32xf32, #tpu.memory_space<vmem>>) dst(%dma_wait3A_151 : memref<50048x32xf32, #tpu.memory_space<vmem_shared>>)
          tpu.yield
        }) : () -> ()
      }
      %scan3A_27 = arith.constant 80 : i32
    } else {
    }
    %eq3A_5 = arith.constant 1 : i32
    %eq3A_6 = arith.cmpi eq, %arg0, %eq3A_5 : i32
    %convert_element_type3A_7 = arith.extui %eq3A_6 : i1 to i32
    %cond3A_8 = arith.constant 0 : i32
    %cond3A_9 = arith.cmpi ne, %convert_element_type3A_7, %cond3A_8 : i32
    scf.if %cond3A_9 {
      %mul3A_21 = arith.constant 400 : i32
      %mul3A_22 = arith.muli %arg1, %mul3A_21 : i32
      %scan3A = arith.constant 0 : i32
      %scan3A_23 = arith.constant 0 : i32
      %scan3A_24 = arith.constant 80 : i32
      %scan3A_25 = arith.addi %scan3A_23, %scan3A_24 : i32
      %scan3A_26 = arith.constant 1 : i32
      scf.for %scan3A_28 = %scan3A_23 to %scan3A_25 step %scan3A_26  : i32 {
        %mul3A_29 = arith.constant 5 : i32
        %mul3A_30 = arith.muli %scan3A_28, %mul3A_29 : i32
        %add3A = arith.addi %mul3A_22, %mul3A_30 : i32
        "tpu.region"() ({
          %run_scoped3A_133 = tpu.sem_alloc : memref<!tpu.dma_semaphore, #tpu.memory_space<semaphore_mem>>
          %dma_start3A_134 = arith.constant 0 : i32
          %dma_start3A_135 = arith.constant 0 : i32
          %dma_start3A_136 = tpu.memref_slice %arg10[%dma_start3A_134, %dma_start3A_135] : memref<16x128xi32, #tpu.memory_space<vmem>> -> memref<5x128xi32, #tpu.memory_space<vmem>>
          %dma_start3A_137 = arith.constant 0 : i32
          %dma_start3A_138 = tpu.memref_slice %arg4[%add3A, %dma_start3A_137] : memref<6400x128xi32, #tpu.memory_space<hbm>> -> memref<5x128xi32, #tpu.memory_space<hbm>>
          %dma_start3A_139 = arith.constant 0 : i32
          %dma_start3A_140 = arith.constant 0 : i32
          %dma_start3A_141 = tpu.memref_slice %arg10[%dma_start3A_139, %dma_start3A_140] : memref<16x128xi32, #tpu.memory_space<vmem>> -> memref<5x128xi32, #tpu.memory_space<vmem>>
          %dma_start3A_142 = arith.constant 0 : i32
          %dma_start3A_143 = tpu.memref_slice %arg4[%add3A, %dma_start3A_142] : memref<6400x128xi32, #tpu.memory_space<hbm>> -> memref<5x128xi32, #tpu.memory_space<hbm>>
          tpu.enqueue_dma source(%dma_start3A_143 : memref<5x128xi32, #tpu.memory_space<hbm>>) target(%dma_start3A_141 : memref<5x128xi32, #tpu.memory_space<vmem>>) target_semaphore(%run_scoped3A_133 : memref<!tpu.dma_semaphore, #tpu.memory_space<semaphore_mem>>)
          %dma_wait3A_144 = arith.constant 0 : i32
          %dma_wait3A_145 = arith.constant 0 : i32
          %dma_wait3A_146 = tpu.memref_slice %arg10[%dma_wait3A_144, %dma_wait3A_145] : memref<16x128xi32, #tpu.memory_space<vmem>> -> memref<5x128xi32, #tpu.memory_space<vmem>>
          %dma_wait3A_147 = arith.constant 0 : i32
          %dma_wait3A_148 = tpu.memref_slice %arg4[%add3A, %dma_wait3A_147] : memref<6400x128xi32, #tpu.memory_space<hbm>> -> memref<5x128xi32, #tpu.memory_space<hbm>>
          %dma_wait3A_149 = arith.constant 0 : i32
          %dma_wait3A_150 = arith.constant 0 : i32
          %dma_wait3A_151 = tpu.memref_slice %arg10[%dma_wait3A_149, %dma_wait3A_150] : memref<16x128xi32, #tpu.memory_space<vmem>> -> memref<5x128xi32, #tpu.memory_space<vmem>>
          %dma_wait3A_152 = arith.constant 0 : i32
          %dma_wait3A_153 = tpu.memref_slice %arg4[%add3A, %dma_wait3A_152] : memref<6400x128xi32, #tpu.memory_space<hbm>> -> memref<5x128xi32, #tpu.memory_space<hbm>>
          tpu.wait_dma2 semaphore(%run_scoped3A_133 : memref<!tpu.dma_semaphore, #tpu.memory_space<semaphore_mem>>) src(%dma_wait3A_153 : memref<5x128xi32, #tpu.memory_space<hbm>>) dst(%dma_wait3A_151 : memref<5x128xi32, #tpu.memory_space<vmem>>)
          tpu.yield
        }) : () -> ()
        "tpu.region"() ({
          %run_scoped3A_133 = tpu.sem_alloc : memref<!tpu.dma_semaphore, #tpu.memory_space<semaphore_mem>>
          %dma_start3A_134 = arith.constant 0 : i32
          %dma_start3A_135 = arith.constant 0 : i32
          %dma_start3A_136 = tpu.memref_slice %arg11[%dma_start3A_134, %dma_start3A_135] : memref<16x128xi32, #tpu.memory_space<vmem>> -> memref<5x128xi32, #tpu.memory_space<vmem>>
          %dma_start3A_137 = arith.constant 0 : i32
          %dma_start3A_138 = tpu.memref_slice %arg5[%add3A, %dma_start3A_137] : memref<6400x128xi32, #tpu.memory_space<hbm>> -> memref<5x128xi32, #tpu.memory_space<hbm>>
          %dma_start3A_139 = arith.constant 0 : i32
          %dma_start3A_140 = arith.constant 0 : i32
          %dma_start3A_141 = tpu.memref_slice %arg11[%dma_start3A_139, %dma_start3A_140] : memref<16x128xi32, #tpu.memory_space<vmem>> -> memref<5x128xi32, #tpu.memory_space<vmem>>
          %dma_start3A_142 = arith.constant 0 : i32
          %dma_start3A_143 = tpu.memref_slice %arg5[%add3A, %dma_start3A_142] : memref<6400x128xi32, #tpu.memory_space<hbm>> -> memref<5x128xi32, #tpu.memory_space<hbm>>
          tpu.enqueue_dma source(%dma_start3A_143 : memref<5x128xi32, #tpu.memory_space<hbm>>) target(%dma_start3A_141 : memref<5x128xi32, #tpu.memory_space<vmem>>) target_semaphore(%run_scoped3A_133 : memref<!tpu.dma_semaphore, #tpu.memory_space<semaphore_mem>>)
          %dma_wait3A_144 = arith.constant 0 : i32
          %dma_wait3A_145 = arith.constant 0 : i32
          %dma_wait3A_146 = tpu.memref_slice %arg11[%dma_wait3A_144, %dma_wait3A_145] : memref<16x128xi32, #tpu.memory_space<vmem>> -> memref<5x128xi32, #tpu.memory_space<vmem>>
          %dma_wait3A_147 = arith.constant 0 : i32
          %dma_wait3A_148 = tpu.memref_slice %arg5[%add3A, %dma_wait3A_147] : memref<6400x128xi32, #tpu.memory_space<hbm>> -> memref<5x128xi32, #tpu.memory_space<hbm>>
          %dma_wait3A_149 = arith.constant 0 : i32
          %dma_wait3A_150 = arith.constant 0 : i32
          %dma_wait3A_151 = tpu.memref_slice %arg11[%dma_wait3A_149, %dma_wait3A_150] : memref<16x128xi32, #tpu.memory_space<vmem>> -> memref<5x128xi32, #tpu.memory_space<vmem>>
          %dma_wait3A_152 = arith.constant 0 : i32
          %dma_wait3A_153 = tpu.memref_slice %arg5[%add3A, %dma_wait3A_152] : memref<6400x128xi32, #tpu.memory_space<hbm>> -> memref<5x128xi32, #tpu.memory_space<hbm>>
          tpu.wait_dma2 semaphore(%run_scoped3A_133 : memref<!tpu.dma_semaphore, #tpu.memory_space<semaphore_mem>>) src(%dma_wait3A_153 : memref<5x128xi32, #tpu.memory_space<hbm>>) dst(%dma_wait3A_151 : memref<5x128xi32, #tpu.memory_space<vmem>>)
          tpu.yield
        }) : () -> ()
        %dma_start3A = arith.constant 0 : i32
        %dma_start3A_31 = arith.constant 0 : i32
        %dma_start3A_32 = arith.constant 0 : i32
        %dma_start3A_33 = tpu.memref_slice %arg12[%dma_start3A_31, %dma_start3A_32] : memref<640x32xf32, #tpu.memory_space<vmem>> -> memref<128x32xf32, #tpu.memory_space<vmem>>
        %dma_start3A_34 = arith.constant 0 : i32
        %dma_start3A_35 = tpu.memref_slice %arg10[%dma_start3A, %dma_start3A_34] : memref<16x128xi32, #tpu.memory_space<vmem>> -> memref<1x128xi32, #tpu.memory_space<vmem>>
        %dma_start3A_36 = tpu.memref_squeeze %dma_start3A_35 : memref<1x128xi32, #tpu.memory_space<vmem>> -> memref<128xi32, #tpu.memory_space<vmem>>
        %dma_start3A_37 = arith.constant 0 : i32
        %dma_start3A_38 = arith.constant 0 : i32
        %dma_start3A_39 = tpu.memref_slice %arg3[%dma_start3A_37, %dma_start3A_38] : memref<50048x32xf32, #tpu.memory_space<hbm>> -> memref<50048x32xf32, #tpu.memory_space<hbm>>
        tpu.enqueue_indirect_dma source(%dma_start3A_39 : memref<50048x32xf32, #tpu.memory_space<hbm>>) target(%dma_start3A_33 : memref<128x32xf32, #tpu.memory_space<vmem>>) offsets(%dma_start3A_36 : memref<128xi32, #tpu.memory_space<vmem>>) semaphore(%arg13 : memref<!tpu.dma_semaphore, #tpu.memory_space<semaphore_mem>>)
        %dma_start3A_40 = arith.constant 1 : i32
        %dma_start3A_41 = arith.constant 128 : i32
        %dma_start3A_42 = arith.constant 0 : i32
        %dma_start3A_43 = tpu.memref_slice %arg12[%dma_start3A_41, %dma_start3A_42] : memref<640x32xf32, #tpu.memory_space<vmem>> -> memref<128x32xf32, #tpu.memory_space<vmem>>
        %dma_start3A_44 = arith.constant 0 : i32
        %dma_start3A_45 = tpu.memref_slice %arg10[%dma_start3A_40, %dma_start3A_44] : memref<16x128xi32, #tpu.memory_space<vmem>> -> memref<1x128xi32, #tpu.memory_space<vmem>>
        %dma_start3A_46 = tpu.memref_squeeze %dma_start3A_45 : memref<1x128xi32, #tpu.memory_space<vmem>> -> memref<128xi32, #tpu.memory_space<vmem>>
        %dma_start3A_47 = arith.constant 0 : i32
        %dma_start3A_48 = arith.constant 0 : i32
        %dma_start3A_49 = tpu.memref_slice %arg3[%dma_start3A_47, %dma_start3A_48] : memref<50048x32xf32, #tpu.memory_space<hbm>> -> memref<50048x32xf32, #tpu.memory_space<hbm>>
        tpu.enqueue_indirect_dma source(%dma_start3A_49 : memref<50048x32xf32, #tpu.memory_space<hbm>>) target(%dma_start3A_43 : memref<128x32xf32, #tpu.memory_space<vmem>>) offsets(%dma_start3A_46 : memref<128xi32, #tpu.memory_space<vmem>>) semaphore(%arg13 : memref<!tpu.dma_semaphore, #tpu.memory_space<semaphore_mem>>)
        %dma_start3A_50 = arith.constant 2 : i32
        %dma_start3A_51 = arith.constant 256 : i32
        %dma_start3A_52 = arith.constant 0 : i32
        %dma_start3A_53 = tpu.memref_slice %arg12[%dma_start3A_51, %dma_start3A_52] : memref<640x32xf32, #tpu.memory_space<vmem>> -> memref<128x32xf32, #tpu.memory_space<vmem>>
        %dma_start3A_54 = arith.constant 0 : i32
        %dma_start3A_55 = tpu.memref_slice %arg10[%dma_start3A_50, %dma_start3A_54] : memref<16x128xi32, #tpu.memory_space<vmem>> -> memref<1x128xi32, #tpu.memory_space<vmem>>
        %dma_start3A_56 = tpu.memref_squeeze %dma_start3A_55 : memref<1x128xi32, #tpu.memory_space<vmem>> -> memref<128xi32, #tpu.memory_space<vmem>>
        %dma_start3A_57 = arith.constant 0 : i32
        %dma_start3A_58 = arith.constant 0 : i32
        %dma_start3A_59 = tpu.memref_slice %arg3[%dma_start3A_57, %dma_start3A_58] : memref<50048x32xf32, #tpu.memory_space<hbm>> -> memref<50048x32xf32, #tpu.memory_space<hbm>>
        tpu.enqueue_indirect_dma source(%dma_start3A_59 : memref<50048x32xf32, #tpu.memory_space<hbm>>) target(%dma_start3A_53 : memref<128x32xf32, #tpu.memory_space<vmem>>) offsets(%dma_start3A_56 : memref<128xi32, #tpu.memory_space<vmem>>) semaphore(%arg13 : memref<!tpu.dma_semaphore, #tpu.memory_space<semaphore_mem>>)
        %dma_start3A_60 = arith.constant 3 : i32
        %dma_start3A_61 = arith.constant 384 : i32
        %dma_start3A_62 = arith.constant 0 : i32
        %dma_start3A_63 = tpu.memref_slice %arg12[%dma_start3A_61, %dma_start3A_62] : memref<640x32xf32, #tpu.memory_space<vmem>> -> memref<128x32xf32, #tpu.memory_space<vmem>>
        %dma_start3A_64 = arith.constant 0 : i32
        %dma_start3A_65 = tpu.memref_slice %arg10[%dma_start3A_60, %dma_start3A_64] : memref<16x128xi32, #tpu.memory_space<vmem>> -> memref<1x128xi32, #tpu.memory_space<vmem>>
        %dma_start3A_66 = tpu.memref_squeeze %dma_start3A_65 : memref<1x128xi32, #tpu.memory_space<vmem>> -> memref<128xi32, #tpu.memory_space<vmem>>
        %dma_start3A_67 = arith.constant 0 : i32
        %dma_start3A_68 = arith.constant 0 : i32
        %dma_start3A_69 = tpu.memref_slice %arg3[%dma_start3A_67, %dma_start3A_68] : memref<50048x32xf32, #tpu.memory_space<hbm>> -> memref<50048x32xf32, #tpu.memory_space<hbm>>
        tpu.enqueue_indirect_dma source(%dma_start3A_69 : memref<50048x32xf32, #tpu.memory_space<hbm>>) target(%dma_start3A_63 : memref<128x32xf32, #tpu.memory_space<vmem>>) offsets(%dma_start3A_66 : memref<128xi32, #tpu.memory_space<vmem>>) semaphore(%arg13 : memref<!tpu.dma_semaphore, #tpu.memory_space<semaphore_mem>>)
        %dma_start3A_70 = arith.constant 4 : i32
        %dma_start3A_71 = arith.constant 512 : i32
        %dma_start3A_72 = arith.constant 0 : i32
        %dma_start3A_73 = tpu.memref_slice %arg12[%dma_start3A_71, %dma_start3A_72] : memref<640x32xf32, #tpu.memory_space<vmem>> -> memref<128x32xf32, #tpu.memory_space<vmem>>
        %dma_start3A_74 = arith.constant 0 : i32
        %dma_start3A_75 = tpu.memref_slice %arg10[%dma_start3A_70, %dma_start3A_74] : memref<16x128xi32, #tpu.memory_space<vmem>> -> memref<1x128xi32, #tpu.memory_space<vmem>>
        %dma_start3A_76 = tpu.memref_squeeze %dma_start3A_75 : memref<1x128xi32, #tpu.memory_space<vmem>> -> memref<128xi32, #tpu.memory_space<vmem>>
        %dma_start3A_77 = arith.constant 0 : i32
        %dma_start3A_78 = arith.constant 0 : i32
        %dma_start3A_79 = tpu.memref_slice %arg3[%dma_start3A_77, %dma_start3A_78] : memref<50048x32xf32, #tpu.memory_space<hbm>> -> memref<50048x32xf32, #tpu.memory_space<hbm>>
        tpu.enqueue_indirect_dma source(%dma_start3A_79 : memref<50048x32xf32, #tpu.memory_space<hbm>>) target(%dma_start3A_73 : memref<128x32xf32, #tpu.memory_space<vmem>>) offsets(%dma_start3A_76 : memref<128xi32, #tpu.memory_space<vmem>>) semaphore(%arg13 : memref<!tpu.dma_semaphore, #tpu.memory_space<semaphore_mem>>)
        %dma_wait3A = arith.constant 0 : i32
        %dma_wait3A_80 = arith.constant 0 : i32
        %dma_wait3A_81 = arith.constant 0 : i32
        %dma_wait3A_82 = tpu.memref_slice %arg12[%dma_wait3A_80, %dma_wait3A_81] : memref<640x32xf32, #tpu.memory_space<vmem>> -> memref<128x32xf32, #tpu.memory_space<vmem>>
        %dma_wait3A_83 = arith.constant 0 : i32
        %dma_wait3A_84 = tpu.memref_slice %arg10[%dma_wait3A, %dma_wait3A_83] : memref<16x128xi32, #tpu.memory_space<vmem>> -> memref<1x128xi32, #tpu.memory_space<vmem>>
        %dma_wait3A_85 = tpu.memref_squeeze %dma_wait3A_84 : memref<1x128xi32, #tpu.memory_space<vmem>> -> memref<128xi32, #tpu.memory_space<vmem>>
        %dma_wait3A_86 = arith.constant 0 : i32
        %dma_wait3A_87 = arith.constant 0 : i32
        %dma_wait3A_88 = tpu.memref_slice %arg3[%dma_wait3A_86, %dma_wait3A_87] : memref<50048x32xf32, #tpu.memory_space<hbm>> -> memref<50048x32xf32, #tpu.memory_space<hbm>>
        tpu.wait_indirect_dma semaphore(%arg13 : memref<!tpu.dma_semaphore, #tpu.memory_space<semaphore_mem>>) src(%dma_wait3A_88 : memref<50048x32xf32, #tpu.memory_space<hbm>>) dst(%dma_wait3A_82 : memref<128x32xf32, #tpu.memory_space<vmem>>)
        %dma_wait3A_89 = arith.constant 1 : i32
        %dma_wait3A_90 = arith.constant 128 : i32
        %dma_wait3A_91 = arith.constant 0 : i32
        %dma_wait3A_92 = tpu.memref_slice %arg12[%dma_wait3A_90, %dma_wait3A_91] : memref<640x32xf32, #tpu.memory_space<vmem>> -> memref<128x32xf32, #tpu.memory_space<vmem>>
        %dma_wait3A_93 = arith.constant 0 : i32
        %dma_wait3A_94 = tpu.memref_slice %arg10[%dma_wait3A_89, %dma_wait3A_93] : memref<16x128xi32, #tpu.memory_space<vmem>> -> memref<1x128xi32, #tpu.memory_space<vmem>>
        %dma_wait3A_95 = tpu.memref_squeeze %dma_wait3A_94 : memref<1x128xi32, #tpu.memory_space<vmem>> -> memref<128xi32, #tpu.memory_space<vmem>>
        %dma_wait3A_96 = arith.constant 0 : i32
        %dma_wait3A_97 = arith.constant 0 : i32
        %dma_wait3A_98 = tpu.memref_slice %arg3[%dma_wait3A_96, %dma_wait3A_97] : memref<50048x32xf32, #tpu.memory_space<hbm>> -> memref<50048x32xf32, #tpu.memory_space<hbm>>
        tpu.wait_indirect_dma semaphore(%arg13 : memref<!tpu.dma_semaphore, #tpu.memory_space<semaphore_mem>>) src(%dma_wait3A_98 : memref<50048x32xf32, #tpu.memory_space<hbm>>) dst(%dma_wait3A_92 : memref<128x32xf32, #tpu.memory_space<vmem>>)
        %dma_wait3A_99 = arith.constant 2 : i32
        %dma_wait3A_100 = arith.constant 256 : i32
        %dma_wait3A_101 = arith.constant 0 : i32
        %dma_wait3A_102 = tpu.memref_slice %arg12[%dma_wait3A_100, %dma_wait3A_101] : memref<640x32xf32, #tpu.memory_space<vmem>> -> memref<128x32xf32, #tpu.memory_space<vmem>>
        %dma_wait3A_103 = arith.constant 0 : i32
        %dma_wait3A_104 = tpu.memref_slice %arg10[%dma_wait3A_99, %dma_wait3A_103] : memref<16x128xi32, #tpu.memory_space<vmem>> -> memref<1x128xi32, #tpu.memory_space<vmem>>
        %dma_wait3A_105 = tpu.memref_squeeze %dma_wait3A_104 : memref<1x128xi32, #tpu.memory_space<vmem>> -> memref<128xi32, #tpu.memory_space<vmem>>
        %dma_wait3A_106 = arith.constant 0 : i32
        %dma_wait3A_107 = arith.constant 0 : i32
        %dma_wait3A_108 = tpu.memref_slice %arg3[%dma_wait3A_106, %dma_wait3A_107] : memref<50048x32xf32, #tpu.memory_space<hbm>> -> memref<50048x32xf32, #tpu.memory_space<hbm>>
        tpu.wait_indirect_dma semaphore(%arg13 : memref<!tpu.dma_semaphore, #tpu.memory_space<semaphore_mem>>) src(%dma_wait3A_108 : memref<50048x32xf32, #tpu.memory_space<hbm>>) dst(%dma_wait3A_102 : memref<128x32xf32, #tpu.memory_space<vmem>>)
        %dma_wait3A_109 = arith.constant 3 : i32
        %dma_wait3A_110 = arith.constant 384 : i32
        %dma_wait3A_111 = arith.constant 0 : i32
        %dma_wait3A_112 = tpu.memref_slice %arg12[%dma_wait3A_110, %dma_wait3A_111] : memref<640x32xf32, #tpu.memory_space<vmem>> -> memref<128x32xf32, #tpu.memory_space<vmem>>
        %dma_wait3A_113 = arith.constant 0 : i32
        %dma_wait3A_114 = tpu.memref_slice %arg10[%dma_wait3A_109, %dma_wait3A_113] : memref<16x128xi32, #tpu.memory_space<vmem>> -> memref<1x128xi32, #tpu.memory_space<vmem>>
        %dma_wait3A_115 = tpu.memref_squeeze %dma_wait3A_114 : memref<1x128xi32, #tpu.memory_space<vmem>> -> memref<128xi32, #tpu.memory_space<vmem>>
        %dma_wait3A_116 = arith.constant 0 : i32
        %dma_wait3A_117 = arith.constant 0 : i32
        %dma_wait3A_118 = tpu.memref_slice %arg3[%dma_wait3A_116, %dma_wait3A_117] : memref<50048x32xf32, #tpu.memory_space<hbm>> -> memref<50048x32xf32, #tpu.memory_space<hbm>>
        tpu.wait_indirect_dma semaphore(%arg13 : memref<!tpu.dma_semaphore, #tpu.memory_space<semaphore_mem>>) src(%dma_wait3A_118 : memref<50048x32xf32, #tpu.memory_space<hbm>>) dst(%dma_wait3A_112 : memref<128x32xf32, #tpu.memory_space<vmem>>)
        %dma_wait3A_119 = arith.constant 4 : i32
        %dma_wait3A_120 = arith.constant 512 : i32
        %dma_wait3A_121 = arith.constant 0 : i32
        %dma_wait3A_122 = tpu.memref_slice %arg12[%dma_wait3A_120, %dma_wait3A_121] : memref<640x32xf32, #tpu.memory_space<vmem>> -> memref<128x32xf32, #tpu.memory_space<vmem>>
        %dma_wait3A_123 = arith.constant 0 : i32
        %dma_wait3A_124 = tpu.memref_slice %arg10[%dma_wait3A_119, %dma_wait3A_123] : memref<16x128xi32, #tpu.memory_space<vmem>> -> memref<1x128xi32, #tpu.memory_space<vmem>>
        %dma_wait3A_125 = tpu.memref_squeeze %dma_wait3A_124 : memref<1x128xi32, #tpu.memory_space<vmem>> -> memref<128xi32, #tpu.memory_space<vmem>>
        %dma_wait3A_126 = arith.constant 0 : i32
        %dma_wait3A_127 = arith.constant 0 : i32
        %dma_wait3A_128 = tpu.memref_slice %arg3[%dma_wait3A_126, %dma_wait3A_127] : memref<50048x32xf32, #tpu.memory_space<hbm>> -> memref<50048x32xf32, #tpu.memory_space<hbm>>
        tpu.wait_indirect_dma semaphore(%arg13 : memref<!tpu.dma_semaphore, #tpu.memory_space<semaphore_mem>>) src(%dma_wait3A_128 : memref<50048x32xf32, #tpu.memory_space<hbm>>) dst(%dma_wait3A_122 : memref<128x32xf32, #tpu.memory_space<vmem>>)
        %run_scoped3A = arith.constant 0 : i32
        "tpu.region"() ({
          %run_scoped3A_133 = tpu.sem_alloc : memref<!tpu.dma_semaphore, #tpu.memory_space<semaphore_mem>>
          %dma_start3A_134 = arith.constant 0 : i32
          %dma_start3A_135 = arith.constant 0 : i32
          %dma_start3A_136 = tpu.memref_slice %arg12[%dma_start3A_134, %dma_start3A_135] : memref<640x32xf32, #tpu.memory_space<vmem>> -> memref<128x32xf32, #tpu.memory_space<vmem>>
          %dma_start3A_137 = arith.constant 0 : i32
          %dma_start3A_138 = tpu.memref_slice %arg11[%run_scoped3A, %dma_start3A_137] : memref<16x128xi32, #tpu.memory_space<vmem>> -> memref<1x128xi32, #tpu.memory_space<vmem>>
          %dma_start3A_139 = tpu.memref_squeeze %dma_start3A_138 : memref<1x128xi32, #tpu.memory_space<vmem>> -> memref<128xi32, #tpu.memory_space<vmem>>
          %dma_start3A_140 = arith.constant 0 : i32
          %dma_start3A_141 = arith.constant 0 : i32
          %dma_start3A_142 = tpu.memref_slice %arg9[%dma_start3A_140, %dma_start3A_141] : memref<50048x32xf32, #tpu.memory_space<vmem_shared>> -> memref<50048x32xf32, #tpu.memory_space<vmem_shared>>
          tpu.enqueue_indirect_dma source(%dma_start3A_136 : memref<128x32xf32, #tpu.memory_space<vmem>>) target(%dma_start3A_142 : memref<50048x32xf32, #tpu.memory_space<vmem_shared>>) offsets(%dma_start3A_139 : memref<128xi32, #tpu.memory_space<vmem>>) semaphore(%run_scoped3A_133 : memref<!tpu.dma_semaphore, #tpu.memory_space<semaphore_mem>>) {add = true}
          %dma_wait3A_143 = arith.constant 0 : i32
          %dma_wait3A_144 = arith.constant 0 : i32
          %dma_wait3A_145 = tpu.memref_slice %arg12[%dma_wait3A_143, %dma_wait3A_144] : memref<640x32xf32, #tpu.memory_space<vmem>> -> memref<128x32xf32, #tpu.memory_space<vmem>>
          %dma_wait3A_146 = arith.constant 0 : i32
          %dma_wait3A_147 = tpu.memref_slice %arg11[%run_scoped3A, %dma_wait3A_146] : memref<16x128xi32, #tpu.memory_space<vmem>> -> memref<1x128xi32, #tpu.memory_space<vmem>>
          %dma_wait3A_148 = tpu.memref_squeeze %dma_wait3A_147 : memref<1x128xi32, #tpu.memory_space<vmem>> -> memref<128xi32, #tpu.memory_space<vmem>>
          %dma_wait3A_149 = arith.constant 0 : i32
          %dma_wait3A_150 = arith.constant 0 : i32
          %dma_wait3A_151 = tpu.memref_slice %arg9[%dma_wait3A_149, %dma_wait3A_150] : memref<50048x32xf32, #tpu.memory_space<vmem_shared>> -> memref<50048x32xf32, #tpu.memory_space<vmem_shared>>
          tpu.wait_indirect_dma semaphore(%run_scoped3A_133 : memref<!tpu.dma_semaphore, #tpu.memory_space<semaphore_mem>>) src(%dma_wait3A_145 : memref<128x32xf32, #tpu.memory_space<vmem>>) dst(%dma_wait3A_151 : memref<50048x32xf32, #tpu.memory_space<vmem_shared>>)
          tpu.yield
        }) : () -> ()
        %run_scoped3A_129 = arith.constant 1 : i32
        "tpu.region"() ({
          %run_scoped3A_133 = tpu.sem_alloc : memref<!tpu.dma_semaphore, #tpu.memory_space<semaphore_mem>>
          %dma_start3A_134 = arith.constant 128 : i32
          %dma_start3A_135 = arith.constant 0 : i32
          %dma_start3A_136 = tpu.memref_slice %arg12[%dma_start3A_134, %dma_start3A_135] : memref<640x32xf32, #tpu.memory_space<vmem>> -> memref<128x32xf32, #tpu.memory_space<vmem>>
          %dma_start3A_137 = arith.constant 0 : i32
          %dma_start3A_138 = tpu.memref_slice %arg11[%run_scoped3A_129, %dma_start3A_137] : memref<16x128xi32, #tpu.memory_space<vmem>> -> memref<1x128xi32, #tpu.memory_space<vmem>>
          %dma_start3A_139 = tpu.memref_squeeze %dma_start3A_138 : memref<1x128xi32, #tpu.memory_space<vmem>> -> memref<128xi32, #tpu.memory_space<vmem>>
          %dma_start3A_140 = arith.constant 0 : i32
          %dma_start3A_141 = arith.constant 0 : i32
          %dma_start3A_142 = tpu.memref_slice %arg9[%dma_start3A_140, %dma_start3A_141] : memref<50048x32xf32, #tpu.memory_space<vmem_shared>> -> memref<50048x32xf32, #tpu.memory_space<vmem_shared>>
          tpu.enqueue_indirect_dma source(%dma_start3A_136 : memref<128x32xf32, #tpu.memory_space<vmem>>) target(%dma_start3A_142 : memref<50048x32xf32, #tpu.memory_space<vmem_shared>>) offsets(%dma_start3A_139 : memref<128xi32, #tpu.memory_space<vmem>>) semaphore(%run_scoped3A_133 : memref<!tpu.dma_semaphore, #tpu.memory_space<semaphore_mem>>) {add = true}
          %dma_wait3A_143 = arith.constant 128 : i32
          %dma_wait3A_144 = arith.constant 0 : i32
          %dma_wait3A_145 = tpu.memref_slice %arg12[%dma_wait3A_143, %dma_wait3A_144] : memref<640x32xf32, #tpu.memory_space<vmem>> -> memref<128x32xf32, #tpu.memory_space<vmem>>
          %dma_wait3A_146 = arith.constant 0 : i32
          %dma_wait3A_147 = tpu.memref_slice %arg11[%run_scoped3A_129, %dma_wait3A_146] : memref<16x128xi32, #tpu.memory_space<vmem>> -> memref<1x128xi32, #tpu.memory_space<vmem>>
          %dma_wait3A_148 = tpu.memref_squeeze %dma_wait3A_147 : memref<1x128xi32, #tpu.memory_space<vmem>> -> memref<128xi32, #tpu.memory_space<vmem>>
          %dma_wait3A_149 = arith.constant 0 : i32
          %dma_wait3A_150 = arith.constant 0 : i32
          %dma_wait3A_151 = tpu.memref_slice %arg9[%dma_wait3A_149, %dma_wait3A_150] : memref<50048x32xf32, #tpu.memory_space<vmem_shared>> -> memref<50048x32xf32, #tpu.memory_space<vmem_shared>>
          tpu.wait_indirect_dma semaphore(%run_scoped3A_133 : memref<!tpu.dma_semaphore, #tpu.memory_space<semaphore_mem>>) src(%dma_wait3A_145 : memref<128x32xf32, #tpu.memory_space<vmem>>) dst(%dma_wait3A_151 : memref<50048x32xf32, #tpu.memory_space<vmem_shared>>)
          tpu.yield
        }) : () -> ()
        %run_scoped3A_130 = arith.constant 2 : i32
        "tpu.region"() ({
          %run_scoped3A_133 = tpu.sem_alloc : memref<!tpu.dma_semaphore, #tpu.memory_space<semaphore_mem>>
          %dma_start3A_134 = arith.constant 256 : i32
          %dma_start3A_135 = arith.constant 0 : i32
          %dma_start3A_136 = tpu.memref_slice %arg12[%dma_start3A_134, %dma_start3A_135] : memref<640x32xf32, #tpu.memory_space<vmem>> -> memref<128x32xf32, #tpu.memory_space<vmem>>
          %dma_start3A_137 = arith.constant 0 : i32
          %dma_start3A_138 = tpu.memref_slice %arg11[%run_scoped3A_130, %dma_start3A_137] : memref<16x128xi32, #tpu.memory_space<vmem>> -> memref<1x128xi32, #tpu.memory_space<vmem>>
          %dma_start3A_139 = tpu.memref_squeeze %dma_start3A_138 : memref<1x128xi32, #tpu.memory_space<vmem>> -> memref<128xi32, #tpu.memory_space<vmem>>
          %dma_start3A_140 = arith.constant 0 : i32
          %dma_start3A_141 = arith.constant 0 : i32
          %dma_start3A_142 = tpu.memref_slice %arg9[%dma_start3A_140, %dma_start3A_141] : memref<50048x32xf32, #tpu.memory_space<vmem_shared>> -> memref<50048x32xf32, #tpu.memory_space<vmem_shared>>
          tpu.enqueue_indirect_dma source(%dma_start3A_136 : memref<128x32xf32, #tpu.memory_space<vmem>>) target(%dma_start3A_142 : memref<50048x32xf32, #tpu.memory_space<vmem_shared>>) offsets(%dma_start3A_139 : memref<128xi32, #tpu.memory_space<vmem>>) semaphore(%run_scoped3A_133 : memref<!tpu.dma_semaphore, #tpu.memory_space<semaphore_mem>>) {add = true}
          %dma_wait3A_143 = arith.constant 256 : i32
          %dma_wait3A_144 = arith.constant 0 : i32
          %dma_wait3A_145 = tpu.memref_slice %arg12[%dma_wait3A_143, %dma_wait3A_144] : memref<640x32xf32, #tpu.memory_space<vmem>> -> memref<128x32xf32, #tpu.memory_space<vmem>>
          %dma_wait3A_146 = arith.constant 0 : i32
          %dma_wait3A_147 = tpu.memref_slice %arg11[%run_scoped3A_130, %dma_wait3A_146] : memref<16x128xi32, #tpu.memory_space<vmem>> -> memref<1x128xi32, #tpu.memory_space<vmem>>
          %dma_wait3A_148 = tpu.memref_squeeze %dma_wait3A_147 : memref<1x128xi32, #tpu.memory_space<vmem>> -> memref<128xi32, #tpu.memory_space<vmem>>
          %dma_wait3A_149 = arith.constant 0 : i32
          %dma_wait3A_150 = arith.constant 0 : i32
          %dma_wait3A_151 = tpu.memref_slice %arg9[%dma_wait3A_149, %dma_wait3A_150] : memref<50048x32xf32, #tpu.memory_space<vmem_shared>> -> memref<50048x32xf32, #tpu.memory_space<vmem_shared>>
          tpu.wait_indirect_dma semaphore(%run_scoped3A_133 : memref<!tpu.dma_semaphore, #tpu.memory_space<semaphore_mem>>) src(%dma_wait3A_145 : memref<128x32xf32, #tpu.memory_space<vmem>>) dst(%dma_wait3A_151 : memref<50048x32xf32, #tpu.memory_space<vmem_shared>>)
          tpu.yield
        }) : () -> ()
        %run_scoped3A_131 = arith.constant 3 : i32
        "tpu.region"() ({
          %run_scoped3A_133 = tpu.sem_alloc : memref<!tpu.dma_semaphore, #tpu.memory_space<semaphore_mem>>
          %dma_start3A_134 = arith.constant 384 : i32
          %dma_start3A_135 = arith.constant 0 : i32
          %dma_start3A_136 = tpu.memref_slice %arg12[%dma_start3A_134, %dma_start3A_135] : memref<640x32xf32, #tpu.memory_space<vmem>> -> memref<128x32xf32, #tpu.memory_space<vmem>>
          %dma_start3A_137 = arith.constant 0 : i32
          %dma_start3A_138 = tpu.memref_slice %arg11[%run_scoped3A_131, %dma_start3A_137] : memref<16x128xi32, #tpu.memory_space<vmem>> -> memref<1x128xi32, #tpu.memory_space<vmem>>
          %dma_start3A_139 = tpu.memref_squeeze %dma_start3A_138 : memref<1x128xi32, #tpu.memory_space<vmem>> -> memref<128xi32, #tpu.memory_space<vmem>>
          %dma_start3A_140 = arith.constant 0 : i32
          %dma_start3A_141 = arith.constant 0 : i32
          %dma_start3A_142 = tpu.memref_slice %arg9[%dma_start3A_140, %dma_start3A_141] : memref<50048x32xf32, #tpu.memory_space<vmem_shared>> -> memref<50048x32xf32, #tpu.memory_space<vmem_shared>>
          tpu.enqueue_indirect_dma source(%dma_start3A_136 : memref<128x32xf32, #tpu.memory_space<vmem>>) target(%dma_start3A_142 : memref<50048x32xf32, #tpu.memory_space<vmem_shared>>) offsets(%dma_start3A_139 : memref<128xi32, #tpu.memory_space<vmem>>) semaphore(%run_scoped3A_133 : memref<!tpu.dma_semaphore, #tpu.memory_space<semaphore_mem>>) {add = true}
          %dma_wait3A_143 = arith.constant 384 : i32
          %dma_wait3A_144 = arith.constant 0 : i32
          %dma_wait3A_145 = tpu.memref_slice %arg12[%dma_wait3A_143, %dma_wait3A_144] : memref<640x32xf32, #tpu.memory_space<vmem>> -> memref<128x32xf32, #tpu.memory_space<vmem>>
          %dma_wait3A_146 = arith.constant 0 : i32
          %dma_wait3A_147 = tpu.memref_slice %arg11[%run_scoped3A_131, %dma_wait3A_146] : memref<16x128xi32, #tpu.memory_space<vmem>> -> memref<1x128xi32, #tpu.memory_space<vmem>>
          %dma_wait3A_148 = tpu.memref_squeeze %dma_wait3A_147 : memref<1x128xi32, #tpu.memory_space<vmem>> -> memref<128xi32, #tpu.memory_space<vmem>>
          %dma_wait3A_149 = arith.constant 0 : i32
          %dma_wait3A_150 = arith.constant 0 : i32
          %dma_wait3A_151 = tpu.memref_slice %arg9[%dma_wait3A_149, %dma_wait3A_150] : memref<50048x32xf32, #tpu.memory_space<vmem_shared>> -> memref<50048x32xf32, #tpu.memory_space<vmem_shared>>
          tpu.wait_indirect_dma semaphore(%run_scoped3A_133 : memref<!tpu.dma_semaphore, #tpu.memory_space<semaphore_mem>>) src(%dma_wait3A_145 : memref<128x32xf32, #tpu.memory_space<vmem>>) dst(%dma_wait3A_151 : memref<50048x32xf32, #tpu.memory_space<vmem_shared>>)
          tpu.yield
        }) : () -> ()
        %run_scoped3A_132 = arith.constant 4 : i32
        "tpu.region"() ({
          %run_scoped3A_133 = tpu.sem_alloc : memref<!tpu.dma_semaphore, #tpu.memory_space<semaphore_mem>>
          %dma_start3A_134 = arith.constant 512 : i32
          %dma_start3A_135 = arith.constant 0 : i32
          %dma_start3A_136 = tpu.memref_slice %arg12[%dma_start3A_134, %dma_start3A_135] : memref<640x32xf32, #tpu.memory_space<vmem>> -> memref<128x32xf32, #tpu.memory_space<vmem>>
          %dma_start3A_137 = arith.constant 0 : i32
          %dma_start3A_138 = tpu.memref_slice %arg11[%run_scoped3A_132, %dma_start3A_137] : memref<16x128xi32, #tpu.memory_space<vmem>> -> memref<1x128xi32, #tpu.memory_space<vmem>>
          %dma_start3A_139 = tpu.memref_squeeze %dma_start3A_138 : memref<1x128xi32, #tpu.memory_space<vmem>> -> memref<128xi32, #tpu.memory_space<vmem>>
          %dma_start3A_140 = arith.constant 0 : i32
          %dma_start3A_141 = arith.constant 0 : i32
          %dma_start3A_142 = tpu.memref_slice %arg9[%dma_start3A_140, %dma_start3A_141] : memref<50048x32xf32, #tpu.memory_space<vmem_shared>> -> memref<50048x32xf32, #tpu.memory_space<vmem_shared>>
          tpu.enqueue_indirect_dma source(%dma_start3A_136 : memref<128x32xf32, #tpu.memory_space<vmem>>) target(%dma_start3A_142 : memref<50048x32xf32, #tpu.memory_space<vmem_shared>>) offsets(%dma_start3A_139 : memref<128xi32, #tpu.memory_space<vmem>>) semaphore(%run_scoped3A_133 : memref<!tpu.dma_semaphore, #tpu.memory_space<semaphore_mem>>) {add = true}
          %dma_wait3A_143 = arith.constant 512 : i32
          %dma_wait3A_144 = arith.constant 0 : i32
          %dma_wait3A_145 = tpu.memref_slice %arg12[%dma_wait3A_143, %dma_wait3A_144] : memref<640x32xf32, #tpu.memory_space<vmem>> -> memref<128x32xf32, #tpu.memory_space<vmem>>
          %dma_wait3A_146 = arith.constant 0 : i32
          %dma_wait3A_147 = tpu.memref_slice %arg11[%run_scoped3A_132, %dma_wait3A_146] : memref<16x128xi32, #tpu.memory_space<vmem>> -> memref<1x128xi32, #tpu.memory_space<vmem>>
          %dma_wait3A_148 = tpu.memref_squeeze %dma_wait3A_147 : memref<1x128xi32, #tpu.memory_space<vmem>> -> memref<128xi32, #tpu.memory_space<vmem>>
          %dma_wait3A_149 = arith.constant 0 : i32
          %dma_wait3A_150 = arith.constant 0 : i32
          %dma_wait3A_151 = tpu.memref_slice %arg9[%dma_wait3A_149, %dma_wait3A_150] : memref<50048x32xf32, #tpu.memory_space<vmem_shared>> -> memref<50048x32xf32, #tpu.memory_space<vmem_shared>>
          tpu.wait_indirect_dma semaphore(%run_scoped3A_133 : memref<!tpu.dma_semaphore, #tpu.memory_space<semaphore_mem>>) src(%dma_wait3A_145 : memref<128x32xf32, #tpu.memory_space<vmem>>) dst(%dma_wait3A_151 : memref<50048x32xf32, #tpu.memory_space<vmem_shared>>)
          tpu.yield
        }) : () -> ()
      }
      %scan3A_27 = arith.constant 80 : i32
    } else {
    }
    %barrier3A_10 = arith.constant 0 : index
    tpu.barrier barrier_id(%barrier3A_10)
    %eq3A_11 = arith.constant 0 : i32
    %eq3A_12 = arith.cmpi eq, %arg0, %eq3A_11 : i32
    %convert_element_type3A_13 = arith.extui %eq3A_12 : i1 to i32
    %cond3A_14 = arith.constant 0 : i32
    %cond3A_15 = arith.cmpi ne, %convert_element_type3A_13, %cond3A_14 : i32
    scf.if %cond3A_15 {
      %mul3A_21 = arith.constant 3128 : i32
      %mul3A_22 = arith.muli %arg1, %mul3A_21 : i32
      %mul3A_23 = arith.constant 3128 : i32
      %mul3A_24 = arith.muli %arg1, %mul3A_23 : i32
      "tpu.region"() ({
        %run_scoped3A = tpu.sem_alloc : memref<!tpu.dma_semaphore, #tpu.memory_space<semaphore_mem>>
        %dma_start3A = arith.constant 0 : i32
        %dma_start3A_25 = tpu.memref_slice %arg7[%mul3A_24, %dma_start3A] : memref<50048x32xf32, #tpu.memory_space<hbm>> -> memref<3128x32xf32, #tpu.memory_space<hbm>>
        %dma_start3A_26 = arith.constant 0 : i32
        %dma_start3A_27 = tpu.memref_slice %arg9[%mul3A_22, %dma_start3A_26] : memref<50048x32xf32, #tpu.memory_space<vmem_shared>> -> memref<3128x32xf32, #tpu.memory_space<vmem_shared>>
        tpu.enqueue_dma source(%dma_start3A_27 : memref<3128x32xf32, #tpu.memory_space<vmem_shared>>) target(%dma_start3A_25 : memref<3128x32xf32, #tpu.memory_space<hbm>>) target_semaphore(%run_scoped3A : memref<!tpu.dma_semaphore, #tpu.memory_space<semaphore_mem>>)
        %dma_wait3A = arith.constant 0 : i32
        %dma_wait3A_28 = tpu.memref_slice %arg7[%mul3A_24, %dma_wait3A] : memref<50048x32xf32, #tpu.memory_space<hbm>> -> memref<3128x32xf32, #tpu.memory_space<hbm>>
        %dma_wait3A_29 = arith.constant 0 : i32
        %dma_wait3A_30 = tpu.memref_slice %arg9[%mul3A_22, %dma_wait3A_29] : memref<50048x32xf32, #tpu.memory_space<vmem_shared>> -> memref<3128x32xf32, #tpu.memory_space<vmem_shared>>
        tpu.wait_dma2 semaphore(%run_scoped3A : memref<!tpu.dma_semaphore, #tpu.memory_space<semaphore_mem>>) src(%dma_wait3A_30 : memref<3128x32xf32, #tpu.memory_space<vmem_shared>>) dst(%dma_wait3A_28 : memref<3128x32xf32, #tpu.memory_space<hbm>>)
        tpu.yield
      }) : () -> ()
    } else {
    }
    %eq3A_16 = arith.constant 1 : i32
    %eq3A_17 = arith.cmpi eq, %arg0, %eq3A_16 : i32
    %convert_element_type3A_18 = arith.extui %eq3A_17 : i1 to i32
    %cond3A_19 = arith.constant 0 : i32
    %cond3A_20 = arith.cmpi ne, %convert_element_type3A_18, %cond3A_19 : i32
    scf.if %cond3A_20 {
      %mul3A_21 = arith.constant 3128 : i32
      %mul3A_22 = arith.muli %arg1, %mul3A_21 : i32
      %mul3A_23 = arith.constant 3128 : i32
      %mul3A_24 = arith.muli %arg1, %mul3A_23 : i32
      "tpu.region"() ({
        %run_scoped3A = tpu.sem_alloc : memref<!tpu.dma_semaphore, #tpu.memory_space<semaphore_mem>>
        %dma_start3A = arith.constant 0 : i32
        %dma_start3A_25 = tpu.memref_slice %arg8[%mul3A_24, %dma_start3A] : memref<50048x32xf32, #tpu.memory_space<hbm>> -> memref<3128x32xf32, #tpu.memory_space<hbm>>
        %dma_start3A_26 = arith.constant 0 : i32
        %dma_start3A_27 = tpu.memref_slice %arg9[%mul3A_22, %dma_start3A_26] : memref<50048x32xf32, #tpu.memory_space<vmem_shared>> -> memref<3128x32xf32, #tpu.memory_space<vmem_shared>>
        tpu.enqueue_dma source(%dma_start3A_27 : memref<3128x32xf32, #tpu.memory_space<vmem_shared>>) target(%dma_start3A_25 : memref<3128x32xf32, #tpu.memory_space<hbm>>) target_semaphore(%run_scoped3A : memref<!tpu.dma_semaphore, #tpu.memory_space<semaphore_mem>>)
        %dma_wait3A = arith.constant 0 : i32
        %dma_wait3A_28 = tpu.memref_slice %arg8[%mul3A_24, %dma_wait3A] : memref<50048x32xf32, #tpu.memory_space<hbm>> -> memref<3128x32xf32, #tpu.memory_space<hbm>>
        %dma_wait3A_29 = arith.constant 0 : i32
        %dma_wait3A_30 = tpu.memref_slice %arg9[%mul3A_22, %dma_wait3A_29] : memref<50048x32xf32, #tpu.memory_space<vmem_shared>> -> memref<3128x32xf32, #tpu.memory_space<vmem_shared>>
        tpu.wait_dma2 semaphore(%run_scoped3A : memref<!tpu.dma_semaphore, #tpu.memory_space<semaphore_mem>>) src(%dma_wait3A_30 : memref<3128x32xf32, #tpu.memory_space<vmem_shared>>) dst(%dma_wait3A_28 : memref<3128x32xf32, #tpu.memory_space<hbm>>)
        tpu.yield
      }) : () -> ()
    } else {
    }
    return
  }
}

module attributes {stable_mosaic.version = 14 : i64} {
  func.func @_proj_body(%arg0: i32, %arg1: memref<3128x2xf32, #tpu.memory_space<vmem>>, %arg2: memref<2x64xf32, #tpu.memory_space<vmem>>, %arg3: memref<1x64xf32, #tpu.memory_space<vmem>>, %arg4: memref<3128x32xf32, #tpu.memory_space<vmem>>, %arg5: memref<3128x32xf32, #tpu.memory_space<vmem>>) attributes {dimension_semantics = [#tpu.dimension_semantics<arbitrary>], iteration_bounds = array<i64: 16>, scalar_prefetch = 0 : i64, scratch_operands = 0 : i64, tpu.core_type = #tpu.core_type<tc>, window_params = [{transform_indices = @transform_0, window_bounds = array<i64: 3128, 2>}, {pipeline_mode = #tpu.pipeline_mode<synchronous>, transform_indices = @transform_1, window_bounds = array<i64: 2, 64>}, {pipeline_mode = #tpu.pipeline_mode<synchronous>, transform_indices = @transform_2, window_bounds = array<i64: 1, 64>}, {transform_indices = @transform_3, window_bounds = array<i64: 3128, 32>}, {transform_indices = @transform_4, window_bounds = array<i64: 3128, 32>}]} {
    %get3A = arith.constant 0 : index
    %get3A_0 = arith.constant 0 : index
    %get3A_1 = vector.load %arg1[%get3A, %get3A_0] : memref<3128x2xf32, #tpu.memory_space<vmem>>, vector<3128x2xf32>
    %get3A_2 = arith.constant 0 : index
    %get3A_3 = arith.constant 0 : index
    %get3A_4 = vector.load %arg2[%get3A_2, %get3A_3] : memref<2x64xf32, #tpu.memory_space<vmem>>, vector<2x64xf32>
    %dot_general3A = arith.constant dense<0.000000e+00> : vector<3128x64xf32>
    %dot_general3A_5 = tpu.matmul %get3A_1, %get3A_4, %dot_general3A {dimension_numbers = #tpu.dot_dimension_numbers<[1], [0], [0], [1], [0, 0, 1, 1], [], []>, transpose_lhs_hint = false} : vector<3128x2xf32>, vector<2x64xf32>, vector<3128x64xf32> -> vector<3128x64xf32>
    %get3A_6 = arith.constant 0 : index
    %get3A_7 = arith.constant 0 : index
    %get3A_8 = vector.load %arg3[%get3A_6, %get3A_7] : memref<1x64xf32, #tpu.memory_space<vmem>>, vector<1x64xf32>
    %add3A = vector.broadcast %get3A_8 : vector<1x64xf32> to vector<3128x64xf32>
    %add3A_9 = arith.addf %dot_general3A_5, %add3A : vector<3128x64xf32>
    %slice3A = vector.extract_strided_slice %add3A_9 {offsets = [0, 0], sizes = [3128, 32], strides = [1, 1]} : vector<3128x64xf32> to vector<3128x32xf32>
    %swap3A = arith.constant 0 : index
    %swap3A_10 = arith.constant 0 : index
    %swap3A_11 = vector.load %arg4[%swap3A, %swap3A_10] : memref<3128x32xf32, #tpu.memory_space<vmem>>, vector<3128x32xf32>
    tpu.vector_store %arg4[%swap3A, %swap3A_10], %slice3A {strides = array<i32>} : memref<3128x32xf32, #tpu.memory_space<vmem>>, vector<3128x32xf32>,
    %slice3A_12 = vector.extract_strided_slice %add3A_9 {offsets = [0, 32], sizes = [3128, 32], strides = [1, 1]} : vector<3128x64xf32> to vector<3128x32xf32>
    %swap3A_13 = arith.constant 0 : index
    %swap3A_14 = arith.constant 0 : index
    %swap3A_15 = vector.load %arg5[%swap3A_13, %swap3A_14] : memref<3128x32xf32, #tpu.memory_space<vmem>>, vector<3128x32xf32>
    tpu.vector_store %arg5[%swap3A_13, %swap3A_14], %slice3A_12 {strides = array<i32>} : memref<3128x32xf32, #tpu.memory_space<vmem>>, vector<3128x32xf32>,
    return
  }
  func.func @transform_0(%arg0: i32) -> (i32, i32) {
    %c0_i32 = arith.constant 0 : i32
    %c0_i32_0 = arith.constant 0 : i32
    return %arg0, %c0_i32 : i32, i32
  }
  func.func @transform_1(%arg0: i32) -> (i32, i32) {
    %c0_i32 = arith.constant 0 : i32
    %c0_i32_0 = arith.constant 0 : i32
    %c0_i32_1 = arith.constant 0 : i32
    return %c0_i32, %c0_i32_0 : i32, i32
  }
  func.func @transform_2(%arg0: i32) -> (i32, i32) {
    %c0_i32 = arith.constant 0 : i32
    %c0_i32_0 = arith.constant 0 : i32
    %c0_i32_1 = arith.constant 0 : i32
    return %c0_i32, %c0_i32_0 : i32, i32
  }
  func.func @transform_3(%arg0: i32) -> (i32, i32) {
    %c0_i32 = arith.constant 0 : i32
    %c0_i32_0 = arith.constant 0 : i32
    return %arg0, %c0_i32 : i32, i32
  }
  func.func @transform_4(%arg0: i32) -> (i32, i32) {
    %c0_i32 = arith.constant 0 : i32
    %c0_i32_0 = arith.constant 0 : i32
    return %arg0, %c0_i32 : i32, i32
  }
}

module attributes {stable_mosaic.version = 14 : i64} {
  func.func @_mlp_body(%arg0: i32, %arg1: memref<3128x32xf32, #tpu.memory_space<vmem>>, %arg2: memref<3128x32xf32, #tpu.memory_space<vmem>>, %arg3: memref<3128x32xf32, #tpu.memory_space<vmem>>, %arg4: memref<3128x32xf32, #tpu.memory_space<vmem>>, %arg5: memref<64x128xf32, #tpu.memory_space<vmem>>, %arg6: memref<1x128xf32, #tpu.memory_space<vmem>>, %arg7: memref<1x128xf32, #tpu.memory_space<vmem>>, %arg8: memref<1x128xf32, #tpu.memory_space<vmem>>, %arg9: memref<128x64xf32, #tpu.memory_space<vmem>>, %arg10: memref<1x64xf32, #tpu.memory_space<vmem>>, %arg11: memref<3128x32xf32, #tpu.memory_space<vmem>>, %arg12: memref<3128x32xf32, #tpu.memory_space<vmem>>) attributes {dimension_semantics = [#tpu.dimension_semantics<arbitrary>], iteration_bounds = array<i64: 16>, scalar_prefetch = 0 : i64, scratch_operands = 0 : i64, tpu.core_type = #tpu.core_type<tc>, window_params = [{transform_indices = @transform_0, window_bounds = array<i64: 3128, 32>}, {transform_indices = @transform_1, window_bounds = array<i64: 3128, 32>}, {transform_indices = @transform_2, window_bounds = array<i64: 3128, 32>}, {transform_indices = @transform_3, window_bounds = array<i64: 3128, 32>}, {pipeline_mode = #tpu.pipeline_mode<synchronous>, transform_indices = @transform_4, window_bounds = array<i64: 64, 128>}, {pipeline_mode = #tpu.pipeline_mode<synchronous>, transform_indices = @transform_5, window_bounds = array<i64: 1, 128>}, {pipeline_mode = #tpu.pipeline_mode<synchronous>, transform_indices = @transform_6, window_bounds = array<i64: 1, 128>}, {pipeline_mode = #tpu.pipeline_mode<synchronous>, transform_indices = @transform_7, window_bounds = array<i64: 1, 128>}, {pipeline_mode = #tpu.pipeline_mode<synchronous>, transform_indices = @transform_8, window_bounds = array<i64: 128, 64>}, {pipeline_mode = #tpu.pipeline_mode<synchronous>, transform_indices = @transform_9, window_bounds = array<i64: 1, 64>}, {transform_indices = @transform_10, window_bounds = array<i64: 3128, 32>}, {transform_indices = @transform_11, window_bounds = array<i64: 3128, 32>}]} {
    %get3A = arith.constant 0 : index
    %get3A_0 = arith.constant 0 : index
    %get3A_1 = vector.load %arg1[%get3A, %get3A_0] : memref<3128x32xf32, #tpu.memory_space<vmem>>, vector<3128x32xf32>
    %get3A_2 = arith.constant 0 : index
    %get3A_3 = arith.constant 0 : index
    %get3A_4 = vector.load %arg3[%get3A_2, %get3A_3] : memref<3128x32xf32, #tpu.memory_space<vmem>>, vector<3128x32xf32>
    %add3A = arith.addf %get3A_1, %get3A_4 : vector<3128x32xf32>
    %get3A_5 = arith.constant 0 : index
    %get3A_6 = arith.constant 0 : index
    %get3A_7 = vector.load %arg2[%get3A_5, %get3A_6] : memref<3128x32xf32, #tpu.memory_space<vmem>>, vector<3128x32xf32>
    %get3A_8 = arith.constant 0 : index
    %get3A_9 = arith.constant 0 : index
    %get3A_10 = vector.load %arg4[%get3A_8, %get3A_9] : memref<3128x32xf32, #tpu.memory_space<vmem>>, vector<3128x32xf32>
    %add3A_11 = arith.addf %get3A_7, %get3A_10 : vector<3128x32xf32>
    %concatenate3A = tpu.concatenate %add3A, %add3A_11 in 1 : vector<3128x32xf32>, vector<3128x32xf32> -> vector<3128x64xf32>
    %get3A_12 = arith.constant 0 : index
    %get3A_13 = arith.constant 0 : index
    %get3A_14 = vector.load %arg5[%get3A_12, %get3A_13] : memref<64x128xf32, #tpu.memory_space<vmem>>, vector<64x128xf32>
    %dot_general3A = arith.constant dense<0.000000e+00> : vector<3128x128xf32>
    %dot_general3A_15 = tpu.matmul %concatenate3A, %get3A_14, %dot_general3A {dimension_numbers = #tpu.dot_dimension_numbers<[1], [0], [0], [1], [0, 0, 1, 1], [], []>, transpose_lhs_hint = false} : vector<3128x64xf32>, vector<64x128xf32>, vector<3128x128xf32> -> vector<3128x128xf32>
    %get3A_16 = arith.constant 0 : index
    %get3A_17 = arith.constant 0 : index
    %get3A_18 = vector.load %arg6[%get3A_16, %get3A_17] : memref<1x128xf32, #tpu.memory_space<vmem>>, vector<1x128xf32>
    %add3A_19 = vector.broadcast %get3A_18 : vector<1x128xf32> to vector<3128x128xf32>
    %add3A_20 = arith.addf %dot_general3A_15, %add3A_19 : vector<3128x128xf32>
    %get3A_21 = arith.constant 0 : index
    %get3A_22 = arith.constant 0 : index
    %get3A_23 = vector.load %arg7[%get3A_21, %get3A_22] : memref<1x128xf32, #tpu.memory_space<vmem>>, vector<1x128xf32>
    %mul3A = arith.constant 0.999994993 : f32
    %mul3A_24 = vector.broadcast %mul3A : f32 to vector<1x128xf32>
    %mul3A_25 = arith.mulf %get3A_23, %mul3A_24 : vector<1x128xf32>
    %mul3A_26 = vector.broadcast %mul3A_25 : vector<1x128xf32> to vector<3128x128xf32>
    %mul3A_27 = arith.mulf %add3A_20, %mul3A_26 : vector<3128x128xf32>
    %get3A_28 = arith.constant 0 : index
    %get3A_29 = arith.constant 0 : index
    %get3A_30 = vector.load %arg8[%get3A_28, %get3A_29] : memref<1x128xf32, #tpu.memory_space<vmem>>, vector<1x128xf32>
    %add3A_31 = vector.broadcast %get3A_30 : vector<1x128xf32> to vector<3128x128xf32>
    %add3A_32 = arith.addf %mul3A_27, %add3A_31 : vector<3128x128xf32>
    %max3A = arith.constant 0.000000e+00 : f32
    %max3A_33 = vector.broadcast %max3A : f32 to vector<3128x128xf32>
    %max3A_34 = arith.maximumf %add3A_32, %max3A_33 : vector<3128x128xf32>
    %get3A_35 = arith.constant 0 : index
    %get3A_36 = arith.constant 0 : index
    %get3A_37 = vector.load %arg9[%get3A_35, %get3A_36] : memref<128x64xf32, #tpu.memory_space<vmem>>, vector<128x64xf32>
    %dot_general3A_38 = arith.constant dense<0.000000e+00> : vector<3128x64xf32>
    %dot_general3A_39 = tpu.matmul %max3A_34, %get3A_37, %dot_general3A_38 {dimension_numbers = #tpu.dot_dimension_numbers<[1], [0], [0], [1], [0, 0, 1, 1], [], []>, transpose_lhs_hint = false} : vector<3128x128xf32>, vector<128x64xf32>, vector<3128x64xf32> -> vector<3128x64xf32>
    %get3A_40 = arith.constant 0 : index
    %get3A_41 = arith.constant 0 : index
    %get3A_42 = vector.load %arg10[%get3A_40, %get3A_41] : memref<1x64xf32, #tpu.memory_space<vmem>>, vector<1x64xf32>
    %add3A_43 = vector.broadcast %get3A_42 : vector<1x64xf32> to vector<3128x64xf32>
    %add3A_44 = arith.addf %dot_general3A_39, %add3A_43 : vector<3128x64xf32>
    %max3A_45 = arith.constant 0.000000e+00 : f32
    %max3A_46 = vector.broadcast %max3A_45 : f32 to vector<3128x64xf32>
    %max3A_47 = arith.maximumf %add3A_44, %max3A_46 : vector<3128x64xf32>
    %slice3A = vector.extract_strided_slice %max3A_47 {offsets = [0, 0], sizes = [3128, 32], strides = [1, 1]} : vector<3128x64xf32> to vector<3128x32xf32>
    %swap3A = arith.constant 0 : index
    %swap3A_48 = arith.constant 0 : index
    %swap3A_49 = vector.load %arg11[%swap3A, %swap3A_48] : memref<3128x32xf32, #tpu.memory_space<vmem>>, vector<3128x32xf32>
    tpu.vector_store %arg11[%swap3A, %swap3A_48], %slice3A {strides = array<i32>} : memref<3128x32xf32, #tpu.memory_space<vmem>>, vector<3128x32xf32>,
    %slice3A_50 = vector.extract_strided_slice %max3A_47 {offsets = [0, 32], sizes = [3128, 32], strides = [1, 1]} : vector<3128x64xf32> to vector<3128x32xf32>
    %swap3A_51 = arith.constant 0 : index
    %swap3A_52 = arith.constant 0 : index
    %swap3A_53 = vector.load %arg12[%swap3A_51, %swap3A_52] : memref<3128x32xf32, #tpu.memory_space<vmem>>, vector<3128x32xf32>
    tpu.vector_store %arg12[%swap3A_51, %swap3A_52], %slice3A_50 {strides = array<i32>} : memref<3128x32xf32, #tpu.memory_space<vmem>>, vector<3128x32xf32>,
    return
  }
  func.func @transform_0(%arg0: i32) -> (i32, i32) {
    %c0_i32 = arith.constant 0 : i32
    %c0_i32_0 = arith.constant 0 : i32
    return %arg0, %c0_i32 : i32, i32
  }
  func.func @transform_1(%arg0: i32) -> (i32, i32) {
    %c0_i32 = arith.constant 0 : i32
    %c0_i32_0 = arith.constant 0 : i32
    return %arg0, %c0_i32 : i32, i32
  }
  func.func @transform_2(%arg0: i32) -> (i32, i32) {
    %c0_i32 = arith.constant 0 : i32
    %c0_i32_0 = arith.constant 0 : i32
    return %arg0, %c0_i32 : i32, i32
  }
  func.func @transform_3(%arg0: i32) -> (i32, i32) {
    %c0_i32 = arith.constant 0 : i32
    %c0_i32_0 = arith.constant 0 : i32
    return %arg0, %c0_i32 : i32, i32
  }
  func.func @transform_4(%arg0: i32) -> (i32, i32) {
    %c0_i32 = arith.constant 0 : i32
    %c0_i32_0 = arith.constant 0 : i32
    %c0_i32_1 = arith.constant 0 : i32
    return %c0_i32, %c0_i32_0 : i32, i32
  }
  func.func @transform_5(%arg0: i32) -> (i32, i32) {
    %c0_i32 = arith.constant 0 : i32
    %c0_i32_0 = arith.constant 0 : i32
    %c0_i32_1 = arith.constant 0 : i32
    return %c0_i32, %c0_i32_0 : i32, i32
  }
  func.func @transform_6(%arg0: i32) -> (i32, i32) {
    %c0_i32 = arith.constant 0 : i32
    %c0_i32_0 = arith.constant 0 : i32
    %c0_i32_1 = arith.constant 0 : i32
    return %c0_i32, %c0_i32_0 : i32, i32
  }
  func.func @transform_7(%arg0: i32) -> (i32, i32) {
    %c0_i32 = arith.constant 0 : i32
    %c0_i32_0 = arith.constant 0 : i32
    %c0_i32_1 = arith.constant 0 : i32
    return %c0_i32, %c0_i32_0 : i32, i32
  }
  func.func @transform_8(%arg0: i32) -> (i32, i32) {
    %c0_i32 = arith.constant 0 : i32
    %c0_i32_0 = arith.constant 0 : i32
    %c0_i32_1 = arith.constant 0 : i32
    return %c0_i32, %c0_i32_0 : i32, i32
  }
  func.func @transform_9(%arg0: i32) -> (i32, i32) {
    %c0_i32 = arith.constant 0 : i32
    %c0_i32_0 = arith.constant 0 : i32
    %c0_i32_1 = arith.constant 0 : i32
    return %c0_i32, %c0_i32_0 : i32, i32
  }
  func.func @transform_10(%arg0: i32) -> (i32, i32) {
    %c0_i32 = arith.constant 0 : i32
    %c0_i32_0 = arith.constant 0 : i32
    return %arg0, %c0_i32 : i32, i32
  }
  func.func @transform_11(%arg0: i32) -> (i32, i32) {
    %c0_i32 = arith.constant 0 : i32
    %c0_i32_0 = arith.constant 0 : i32
    return %arg0, %c0_i32 : i32, i32
  }
}

module attributes {stable_mosaic.version = 14 : i64} {
  func.func @_pool_body(%arg0: i32, %arg1: memref<3128x32xf32, #tpu.memory_space<vmem>>, %arg2: memref<3128x32xf32, #tpu.memory_space<vmem>>, %arg3: memref<1x1x3128xi32, #tpu.memory_space<vmem>>, %arg4: memref<64x32xf32, #tpu.memory_space<vmem>>, %arg5: memref<1x32xf32, #tpu.memory_space<vmem>>, %arg6: memref<32x2xf32, #tpu.memory_space<vmem>>, %arg7: memref<1x2xf32, #tpu.memory_space<vmem>>, %arg8: memref<64x2xf32, #tpu.memory_space<vmem>>, %arg9: memref<64x64xf32, #tpu.memory_space<vmem>>, %arg10: memref<64x1xf32, #tpu.memory_space<vmem>>) attributes {dimension_semantics = [#tpu.dimension_semantics<arbitrary>], iteration_bounds = array<i64: 16>, scalar_prefetch = 0 : i64, scratch_operands = 2 : i64, tpu.core_type = #tpu.core_type<tc>, window_params = [{transform_indices = @transform_0, window_bounds = array<i64: 3128, 32>}, {transform_indices = @transform_1, window_bounds = array<i64: 3128, 32>}, {transform_indices = @transform_2, window_bounds = array<i64: 1, 1, 3128>}, {pipeline_mode = #tpu.pipeline_mode<synchronous>, transform_indices = @transform_3, window_bounds = array<i64: 64, 32>}, {pipeline_mode = #tpu.pipeline_mode<synchronous>, transform_indices = @transform_4, window_bounds = array<i64: 1, 32>}, {pipeline_mode = #tpu.pipeline_mode<synchronous>, transform_indices = @transform_5, window_bounds = array<i64: 32, 2>}, {pipeline_mode = #tpu.pipeline_mode<synchronous>, transform_indices = @transform_6, window_bounds = array<i64: 1, 2>}, {pipeline_mode = #tpu.pipeline_mode<synchronous>, transform_indices = @transform_7, window_bounds = array<i64: 64, 2>}]} {
    %eq3A = arith.constant 0 : i32
    %eq3A_0 = arith.cmpi eq, %arg0, %eq3A : i32
    %convert_element_type3A = arith.extui %eq3A_0 : i1 to i32
    %cond3A = arith.constant 0 : i32
    %cond3A_1 = arith.cmpi ne, %convert_element_type3A, %cond3A : i32
    scf.if %cond3A_1 {
      %broadcast_in_dim3A_34 = arith.constant 0.000000e+00 : f32
      %broadcast_in_dim3A_35 = vector.broadcast %broadcast_in_dim3A_34 : f32 to vector<64x64xf32>
      %swap3A_36 = arith.constant 0 : index
      %swap3A_37 = arith.constant 0 : index
      %swap3A_38 = vector.load %arg9[%swap3A_36, %swap3A_37] : memref<64x64xf32, #tpu.memory_space<vmem>>, vector<64x64xf32>
      tpu.vector_store %arg9[%swap3A_36, %swap3A_37], %broadcast_in_dim3A_35 {strides = array<i32>} : memref<64x64xf32, #tpu.memory_space<vmem>>, vector<64x64xf32>,
      %broadcast_in_dim3A_39 = arith.constant 0.000000e+00 : f32
      %broadcast_in_dim3A_40 = vector.broadcast %broadcast_in_dim3A_39 : f32 to vector<64x1xf32>
      %swap3A_41 = arith.constant 0 : index
      %swap3A_42 = arith.constant 0 : index
      %swap3A_43 = vector.load %arg10[%swap3A_41, %swap3A_42] : memref<64x1xf32, #tpu.memory_space<vmem>>, vector<64x1xf32>
      tpu.vector_store %arg10[%swap3A_41, %swap3A_42], %broadcast_in_dim3A_40 {strides = array<i32>} : memref<64x1xf32, #tpu.memory_space<vmem>>, vector<64x1xf32>,
    } else {
    }
    %get3A = arith.constant 0 : index
    %get3A_2 = arith.constant 0 : index
    %get3A_3 = arith.constant 0 : index
    %get3A_4 = vector.load %arg3[%get3A, %get3A_2, %get3A_3] : memref<1x1x3128xi32, #tpu.memory_space<vmem>>, vector<1x1x3128xi32>
    %squeeze3A = vector.shape_cast %get3A_4 : vector<1x1x3128xi32> to vector<1x3128xi32>
    %iota3A = tpu.iota {dimensions = array<i32: 0>} : vector<64x3128xi32>
    %eq3A_5 = vector.broadcast %squeeze3A : vector<1x3128xi32> to vector<64x3128xi32>
    %eq3A_6 = arith.cmpi eq, %iota3A, %eq3A_5 : vector<64x3128xi32>
    %convert_element_type3A_7 = arith.extui %eq3A_6 : vector<64x3128xi1> to vector<64x3128xi32>
    %convert_element_type3A_8 = arith.sitofp %convert_element_type3A_7 : vector<64x3128xi32> to vector<64x3128xf32>
    %get3A_9 = arith.constant 0 : index
    %get3A_10 = arith.constant 0 : index
    %get3A_11 = vector.load %arg1[%get3A_9, %get3A_10] : memref<3128x32xf32, #tpu.memory_space<vmem>>, vector<3128x32xf32>
    %get3A_12 = arith.constant 0 : index
    %get3A_13 = arith.constant 0 : index
    %get3A_14 = vector.load %arg2[%get3A_12, %get3A_13] : memref<3128x32xf32, #tpu.memory_space<vmem>>, vector<3128x32xf32>
    %concatenate3A = tpu.concatenate %get3A_11, %get3A_14 in 1 : vector<3128x32xf32>, vector<3128x32xf32> -> vector<3128x64xf32>
    %get3A_15 = arith.constant 0 : index
    %get3A_16 = arith.constant 0 : index
    %get3A_17 = vector.load %arg9[%get3A_15, %get3A_16] : memref<64x64xf32, #tpu.memory_space<vmem>>, vector<64x64xf32>
    %dot_general3A = arith.constant dense<0.000000e+00> : vector<64x64xf32>
    %dot_general3A_18 = tpu.matmul %convert_element_type3A_8, %concatenate3A, %dot_general3A {dimension_numbers = #tpu.dot_dimension_numbers<[1], [0], [0], [1], [0, 0, 1, 1], [], []>, precision = #tpu.contract_precision<fp32>, transpose_lhs_hint = false} : vector<64x3128xf32>, vector<3128x64xf32>, vector<64x64xf32> -> vector<64x64xf32>
    %add3A = arith.addf %get3A_17, %dot_general3A_18 : vector<64x64xf32>
    %swap3A = arith.constant 0 : index
    %swap3A_19 = arith.constant 0 : index
    %swap3A_20 = vector.load %arg9[%swap3A, %swap3A_19] : memref<64x64xf32, #tpu.memory_space<vmem>>, vector<64x64xf32>
    tpu.vector_store %arg9[%swap3A, %swap3A_19], %add3A {strides = array<i32>} : memref<64x64xf32, #tpu.memory_space<vmem>>, vector<64x64xf32>,
    %get3A_21 = arith.constant 0 : index
    %get3A_22 = arith.constant 0 : index
    %get3A_23 = vector.load %arg10[%get3A_21, %get3A_22] : memref<64x1xf32, #tpu.memory_space<vmem>>, vector<64x1xf32>
    %reduce_sum3A = arith.constant dense<0.000000e+00> : vector<64xf32>
    %reduce_sum3A_24 = vector.multi_reduction <add>, %convert_element_type3A_8, %reduce_sum3A [1] : vector<64x3128xf32> to vector<64xf32>
    %broadcast_in_dim3A = vector.shape_cast %reduce_sum3A_24 : vector<64xf32> to vector<64x1xf32>
    %add3A_25 = arith.addf %get3A_23, %broadcast_in_dim3A : vector<64x1xf32>
    %swap3A_26 = arith.constant 0 : index
    %swap3A_27 = arith.constant 0 : index
    %swap3A_28 = vector.load %arg10[%swap3A_26, %swap3A_27] : memref<64x1xf32, #tpu.memory_space<vmem>>, vector<64x1xf32>
    tpu.vector_store %arg10[%swap3A_26, %swap3A_27], %add3A_25 {strides = array<i32>} : memref<64x1xf32, #tpu.memory_space<vmem>>, vector<64x1xf32>,
    %eq3A_29 = arith.constant 15 : i32
    %eq3A_30 = arith.cmpi eq, %arg0, %eq3A_29 : i32
    %convert_element_type3A_31 = arith.extui %eq3A_30 : i1 to i32
    %cond3A_32 = arith.constant 0 : i32
    %cond3A_33 = arith.cmpi ne, %convert_element_type3A_31, %cond3A_32 : i32
    scf.if %cond3A_33 {
      %get3A_34 = arith.constant 0 : index
      %get3A_35 = arith.constant 0 : index
      %get3A_36 = vector.load %arg9[%get3A_34, %get3A_35] : memref<64x64xf32, #tpu.memory_space<vmem>>, vector<64x64xf32>
      %get3A_37 = arith.constant 0 : index
      %get3A_38 = arith.constant 0 : index
      %get3A_39 = vector.load %arg10[%get3A_37, %get3A_38] : memref<64x1xf32, #tpu.memory_space<vmem>>, vector<64x1xf32>
      %max3A = arith.constant 1.000000e+00 : f32
      %max3A_40 = vector.broadcast %max3A : f32 to vector<64x1xf32>
      %max3A_41 = arith.maximumf %get3A_39, %max3A_40 : vector<64x1xf32>
      %div3A = vector.broadcast %max3A_41 : vector<64x1xf32> to vector<64x64xf32>
      %div3A_42 = arith.divf %get3A_36, %div3A : vector<64x64xf32>
      %get3A_43 = arith.constant 0 : index
      %get3A_44 = arith.constant 0 : index
      %get3A_45 = vector.load %arg4[%get3A_43, %get3A_44] : memref<64x32xf32, #tpu.memory_space<vmem>>, vector<64x32xf32>
      %dot_general3A_46 = arith.constant dense<0.000000e+00> : vector<64x32xf32>
      %dot_general3A_47 = tpu.matmul %div3A_42, %get3A_45, %dot_general3A_46 {dimension_numbers = #tpu.dot_dimension_numbers<[1], [0], [0], [1], [0, 0, 1, 1], [], []>, transpose_lhs_hint = false} : vector<64x64xf32>, vector<64x32xf32>, vector<64x32xf32> -> vector<64x32xf32>
      %get3A_48 = arith.constant 0 : index
      %get3A_49 = arith.constant 0 : index
      %get3A_50 = vector.load %arg5[%get3A_48, %get3A_49] : memref<1x32xf32, #tpu.memory_space<vmem>>, vector<1x32xf32>
      %add3A_51 = vector.broadcast %get3A_50 : vector<1x32xf32> to vector<64x32xf32>
      %add3A_52 = arith.addf %dot_general3A_47, %add3A_51 : vector<64x32xf32>
      %gt3A = arith.constant 0.000000e+00 : f32
      %gt3A_53 = vector.broadcast %gt3A : f32 to vector<64x32xf32>
      %gt3A_54 = arith.cmpf ogt, %add3A_52, %gt3A_53 : vector<64x32xf32>
      %min3A = arith.constant 0.000000e+00 : f32
      %min3A_55 = vector.broadcast %min3A : f32 to vector<64x32xf32>
      %min3A_56 = arith.minimumf %add3A_52, %min3A_55 : vector<64x32xf32>
      %exp3A = math.exp %min3A_56 : vector<64x32xf32>
      %sub3A = arith.constant 1.000000e+00 : f32
      %sub3A_57 = vector.broadcast %sub3A : f32 to vector<64x32xf32>
      %sub3A_58 = arith.subf %exp3A, %sub3A_57 : vector<64x32xf32>
      %select_n3A = arith.select %gt3A_54, %add3A_52, %sub3A_58 : vector<64x32xi1>, vector<64x32xf32>
      %get3A_59 = arith.constant 0 : index
      %get3A_60 = arith.constant 0 : index
      %get3A_61 = vector.load %arg6[%get3A_59, %get3A_60] : memref<32x2xf32, #tpu.memory_space<vmem>>, vector<32x2xf32>
      %dot_general3A_62 = arith.constant dense<0.000000e+00> : vector<64x2xf32>
      %dot_general3A_63 = tpu.matmul %select_n3A, %get3A_61, %dot_general3A_62 {dimension_numbers = #tpu.dot_dimension_numbers<[1], [0], [0], [1], [0, 0, 1, 1], [], []>, transpose_lhs_hint = false} : vector<64x32xf32>, vector<32x2xf32>, vector<64x2xf32> -> vector<64x2xf32>
      %get3A_64 = arith.constant 0 : index
      %get3A_65 = arith.constant 0 : index
      %get3A_66 = vector.load %arg7[%get3A_64, %get3A_65] : memref<1x2xf32, #tpu.memory_space<vmem>>, vector<1x2xf32>
      %add3A_67 = vector.broadcast %get3A_66 : vector<1x2xf32> to vector<64x2xf32>
      %add3A_68 = arith.addf %dot_general3A_63, %add3A_67 : vector<64x2xf32>
      %reduce_max3A = arith.constant dense<0xFF800000> : vector<64xf32>
      %reduce_max3A_69 = vector.multi_reduction <maximumf>, %add3A_68, %reduce_max3A [1] : vector<64x2xf32> to vector<64xf32>
      %broadcast_in_dim3A_70 = vector.shape_cast %reduce_max3A_69 : vector<64xf32> to vector<64x1xf32>
      %sub3A_71 = vector.broadcast %broadcast_in_dim3A_70 : vector<64x1xf32> to vector<64x2xf32>
      %sub3A_72 = arith.subf %add3A_68, %sub3A_71 : vector<64x2xf32>
      %exp3A_73 = math.exp %sub3A_72 : vector<64x2xf32>
      %reduce_sum3A_74 = arith.constant dense<0.000000e+00> : vector<64xf32>
      %reduce_sum3A_75 = vector.multi_reduction <add>, %exp3A_73, %reduce_sum3A_74 [1] : vector<64x2xf32> to vector<64xf32>
      %broadcast_in_dim3A_76 = vector.shape_cast %reduce_sum3A_75 : vector<64xf32> to vector<64x1xf32>
      %log3A = math.log %broadcast_in_dim3A_76 : vector<64x1xf32>
      %sub3A_77 = vector.broadcast %log3A : vector<64x1xf32> to vector<64x2xf32>
      %sub3A_78 = arith.subf %sub3A_72, %sub3A_77 : vector<64x2xf32>
      %swap3A_79 = arith.constant 0 : index
      %swap3A_80 = arith.constant 0 : index
      %swap3A_81 = vector.load %arg8[%swap3A_79, %swap3A_80] : memref<64x2xf32, #tpu.memory_space<vmem>>, vector<64x2xf32>
      tpu.vector_store %arg8[%swap3A_79, %swap3A_80], %sub3A_78 {strides = array<i32>} : memref<64x2xf32, #tpu.memory_space<vmem>>, vector<64x2xf32>,
    } else {
    }
    return
  }
  func.func @transform_0(%arg0: i32) -> (i32, i32) {
    %c0_i32 = arith.constant 0 : i32
    %c0_i32_0 = arith.constant 0 : i32
    return %arg0, %c0_i32 : i32, i32
  }
  func.func @transform_1(%arg0: i32) -> (i32, i32) {
    %c0_i32 = arith.constant 0 : i32
    %c0_i32_0 = arith.constant 0 : i32
    return %arg0, %c0_i32 : i32, i32
  }
  func.func @transform_2(%arg0: i32) -> (i32, i32, i32) {
    %c0_i32 = arith.constant 0 : i32
    %c0_i32_0 = arith.constant 0 : i32
    %c0_i32_1 = arith.constant 0 : i32
    return %arg0, %c0_i32, %c0_i32_0 : i32, i32, i32
  }
  func.func @transform_3(%arg0: i32) -> (i32, i32) {
    %c0_i32 = arith.constant 0 : i32
    %c0_i32_0 = arith.constant 0 : i32
    %c0_i32_1 = arith.constant 0 : i32
    return %c0_i32, %c0_i32_0 : i32, i32
  }
  func.func @transform_4(%arg0: i32) -> (i32, i32) {
    %c0_i32 = arith.constant 0 : i32
    %c0_i32_0 = arith.constant 0 : i32
    %c0_i32_1 = arith.constant 0 : i32
    return %c0_i32, %c0_i32_0 : i32, i32
  }
  func.func @transform_5(%arg0: i32) -> (i32, i32) {
    %c0_i32 = arith.constant 0 : i32
    %c0_i32_0 = arith.constant 0 : i32
    %c0_i32_1 = arith.constant 0 : i32
    return %c0_i32, %c0_i32_0 : i32, i32
  }
  func.func @transform_6(%arg0: i32) -> (i32, i32) {
    %c0_i32 = arith.constant 0 : i32
    %c0_i32_0 = arith.constant 0 : i32
    %c0_i32_1 = arith.constant 0 : i32
    return %c0_i32, %c0_i32_0 : i32, i32
  }
  func.func @transform_7(%arg0: i32) -> (i32, i32) {
    %c0_i32 = arith.constant 0 : i32
    %c0_i32_0 = arith.constant 0 : i32
    %c0_i32_1 = arith.constant 0 : i32
    return %c0_i32, %c0_i32_0 : i32, i32
  }
}

</mosaic_0001>

<sc_bundles>
// kernel: kernel.10.cloned.1.call-start
scs
__scs_entry_jumppad:
0x0: {  	(pc) =	sbr.rel $0x88, $3  }
0x1: {  	(tag) =	ssettag $0x0;
	lr =	simm.s32 $0x1  }
0x2: {  	[smem:$0x3F86] =	sst lr;
	_ =	strace $0xD0000000  }
0x3: {  	_ = 	snop  }
0x4: {  	_ = 	snop  }
0x5: {  	_ = 	snop  }
0x6: {  	_ = 	snop  }
0x7: {  	_ = 	snop  }
__scs_overlays_trampoline_lowered:
0x8: {  	[smem:$0x3F95] =	sst s0  }
0x9: {  	[smem:$0x3F96] =	sst s1  }
0xa: {  	[smem:$0x3F97] =	sst s2  }
0xb: {  	[smem:$0x3F98] =	sst s3  }
0xc: {  	[smem:$0x3F99] =	sst s4  }
0xd: {  	[smem:$0x3F9A] =	sst s5  }
0xe: {  	[smem:$0x3F9B] =	sst s6  }
0xf: {  	[smem:$0x3F9C] =	sst s7  }
0x10: {  	[smem:$0x3F9D] =	sst s8  }
0x11: {  	[smem:$0x3F9E] =	sst s9;
	s0 =	simm.s32 @!p0 $0x0  }
0x12: {  	s1 =	sld [smem:$0x3F84];
	s0 =	simm.s32 @p0 $0x1  }
0x13: {  	[smem:$0x3F9F] =	sst s0;
	s0 =	simm.s32 @!p1 $0x0  }
0x14: {  	s2 =	sld [smem:$0x3F83];
	s0 =	simm.s32 @p1 $0x1  }
0x15: {  	[smem:$0x3FA0] =	sst s0;
	s0 =	simm.s32 @!p2 $0x0  }
0x16: {  	s3 =	sld [smem:$0x3FDB];
	s0 =	simm.s32 @p2 $0x1  }
0x17: {  	s4 =	simm.s32 $0x1BF5;
	[smem:$0x3FA2] =	sst s0  }
0x18: {  	s0 =	sld [smem:$0x3F85];
	_ =	swait.ge [sflag:s4], $0x0  }
0x19: {  	s7 =	sld [smem:$0x3F86]  }
0x1a: {  	s8 =	sadd.s32 $0xFFFFE003, lr  }
0x1b: {  	s9 =	sadd.s32 $0xFFFFFEF7, lr;
	s5 =	simm.s32 $0xFFFFFFFF;
	p2 =	slt.u32 s8, $0xFFFFF086  }
0x1c: {  	p1 =	slt.u32 s9, $0xF7A;
	s5 =	simm.s32 @!p2 $0x0  }
0x1d: {  	s5 =	simm.s32 @p1 $0x1;
	p0 =	seq.s32 s7, s2  }
0x1e: {  	s7 =	smul.u32 @!p0 $0xF7A, s2;
	p2 =	seq.s32 @!p0 s5, $0x0  }
0x1f: {  	s9 =	smul.u32 $0xF7A, s1;
	s8 =	simm.s32 @!p0 $0x1BF5;
	p2 =	por !p2, p0  }
0x20: {  	[sflag:s8] =	ssyncset.s32 @!p0 $0xFFFFF086;
	s6 =	sadd.s32 @!p0 s3, s7;
	s7 =	simm.s32 @!p0 $0x108  }
0x21: {  	s3 =	sadd.s32 s3, s9;
	s6 =	sadd.s32 @!p0 $0x88, s6;
	s7 =	simm.s32 @p2 $0x1082  }
0x22: {  	[simem:s7], [sflag:s8] =	dma.local @!p0 [hbm:s6], $0xF7A  }
0x23: {  	s9 =	sor.u32 $0xD0000000, s2;
	s6 =	simm.s32 $0x108;
	_ =	swait.ge @!p0 [sflag:s8], $0x0  }
0x24: {  	s3 =	sadd.s32 $0x88, s3;
	s6 =	simm.s32 @!p1 $0x1082;
	[sflag:s4] =	ssyncset.s32 $0xFFFFF086  }
0x25: {  	[simem:s6], [sflag:s4] =	dma.local [hbm:s3], $0xF7A  }
0x26: {  	[smem:$0x3F86] =	sst s1;
	(tag) =	ssettag s2;
	_ =	strace s9  }
0x27: {  	s1 =	sld [smem:$0x3F96]  }
0x28: {  	s2 =	sld [smem:$0x3F97]  }
0x29: {  	s4 =	sld [smem:$0x3F99]  }
0x2a: {  	p0 =	seq.s32 s5, $0x0;
	s5 =	sld [smem:$0x3F9A]  }
0x2b: {  	s6 =	sld [smem:$0x3F9B]  }
0x2c: {  	s7 =	sld [smem:$0x3F9C]  }
0x2d: {  	s3 =	simm.s32 $0x108;
	s8 =	sld [smem:$0x3F9D]  }
0x2e: {  	s3 =	simm.s32 @!p0 $0x1082;
	s9 =	sld [smem:$0x3F9E]  }
0x2f: {  	lr =	sadd.s32 s0, s3;
	s0 =	sld [smem:$0x3F95]  }
0x30: {  	s3 =	sld [smem:$0x3F98]  }
0x31: {  	[smem:$0x3FA1] =	sst s10  }
0x32: {  	s10 =	sld [smem:$0x3F9F];
	_ =	sdelay $0x3  }
0x33: {  	p0 =	seq.s32 s10, $0x1;
	s10 =	sld [smem:$0x3FA1];
	_ =	sdelay $0x3  }
0x34: {  	[smem:$0x3FA1] =	sst s10  }
0x35: {  	s10 =	sld [smem:$0x3FA0];
	_ =	sdelay $0x3  }
0x36: {  	p1 =	seq.s32 s10, $0x1;
	s10 =	sld [smem:$0x3FA1];
	_ =	sdelay $0x3  }
0x37: {  	[smem:$0x3FA1] =	sst s10  }
0x38: {  	s10 =	sld [smem:$0x3FA2]  }
0x39: {  	_ = 	snop;
	(pc) =	sbr.ind lr, $3  }
0x3a: {  	_ = 	snop  }
0x3b: {  	_ = 	snop  }
0x3c: {  	p2 =	seq.s32 s10, $0x1;
	s10 =	sld [smem:$0x3FA1]  }
0x3d: {  	_ =	shalt  }
0x3e: {  	_ =	shalt  }
0x3f: {  	_ =	shalt  }
0x40: {  	_ =	shalt  }
0x41: {  	_ =	shalt  }
0x42: {  	_ =	shalt  }
0x43: {  	_ =	shalt  }
0x44: {  	_ =	shalt  }
0x45: {  	_ =	shalt  }
0x46: {  	_ =	shalt  }
0x47: {  	_ =	shalt  }
0x48: {  	_ =	shalt  }
0x49: {  	_ =	shalt  }
0x4a: {  	_ =	shalt  }
0x4b: {  	_ =	shalt  }
0x4c: {  	_ =	shalt  }
0x4d: {  	_ =	shalt  }
0x4e: {  	_ =	shalt  }
0x4f: {  	_ =	shalt  }
0x50: {  	_ =	shalt  }
0x51: {  	_ =	shalt  }
0x52: {  	_ =	shalt  }
0x53: {  	_ =	shalt  }
0x54: {  	_ =	shalt  }
0x55: {  	_ =	shalt  }
0x56: {  	_ =	shalt  }
0x57: {  	_ =	shalt  }
0x58: {  	_ =	shalt  }
0x59: {  	_ =	shalt  }
0x5a: {  	_ =	shalt  }
0x5b: {  	_ =	shalt  }
0x5c: {  	_ =	shalt  }
0x5d: {  	_ =	shalt  }
0x5e: {  	_ =	shalt  }
0x5f: {  	_ =	shalt  }
0x60: {  	_ =	shalt  }
0x61: {  	_ =	shalt  }
0x62: {  	_ =	shalt  }
0x63: {  	_ =	shalt  }
0x64: {  	_ =	shalt  }
0x65: {  	_ =	shalt  }
0x66: {  	_ =	shalt  }
0x67: {  	_ =	shalt  }
0x68: {  	_ =	shalt  }
0x69: {  	_ =	shalt  }
0x6a: {  	_ =	shalt  }
0x6b: {  	_ =	shalt  }
0x6c: {  	_ =	shalt  }
0x6d: {  	_ =	shalt  }
0x6e: {  	_ =	shalt  }
0x6f: {  	_ =	shalt  }
0x70: {  	_ =	shalt  }
0x71: {  	_ =	shalt  }
0x72: {  	_ =	shalt  }
0x73: {  	_ =	shalt  }
0x74: {  	_ =	shalt  }
0x75: {  	_ =	shalt  }
0x76: {  	_ =	shalt  }
0x77: {  	_ =	shalt  }
0x78: {  	_ =	shalt  }
0x79: {  	_ =	shalt  }
0x7a: {  	_ =	shalt  }
0x7b: {  	_ =	shalt  }
0x7c: {  	_ =	shalt  }
0x7d: {  	_ =	shalt  }
0x7e: {  	_ =	shalt  }
0x7f: {  	_ =	shalt  }
0x80: {  	_ =	shalt  }
0x81: {  	_ =	shalt  }
0x82: {  	_ =	shalt  }
0x83: {  	_ =	shalt  }
0x84: {  	_ =	shalt  }
0x85: {  	_ =	shalt  }
0x86: {  	_ =	shalt  }
0x87: {  	_ =	shalt  }
.Lfunc_end0:
.L_simem_size_0:
called_computation_lowered:
.L_overlay_start_0:
0x88: {  	s2 =	sld [smem:$0x3FD9]  }
0x89: {  	s3 =	sld [smem:$0x3FFE];
	_ =	sdelay $0x1  }
0x8a: {  	s1 =	srdreg.scid  }
0x8b: {  	s0 =	sand.u32 $0x1, s1  }
0x8c: {  	s16 =	sshll.u32 s0, $0xA;
	s2 =	sadd.s32 s3, s2  }
0x8d: {  	s2 =	sadd.s32 s2, s16  }
0x8e: {  	[smem:$0x3FAD] =	sst s2  }
0x8f: {  	_ = 	snop  }
0x90: {  	(tm) =	ssettm $0x1  }
0x91: {  	s17 =	sld [smem:$0x3FFB];
	_ =	sdelay $0x3  }
0x92: {  	_ =	strace s17  }
0x93: {  	s2 =	sld [smem:$0x3FFC];
	_ =	sdelay $0x3  }
0x94: {  	_ =	strace s2  }
0x95: {  	s2 =	sld [smem:$0x3FFD];
	_ =	sdelay $0x3  }
0x96: {  	_ =	strace s2  }
0x97: {  	_ =	strace $0x8FFFFFFF  }
0x98: {  	s18 =	sld [smem:$0x3FDB];
	_ =	sdelay $0x1  }
0x99: {  	s19 =	simm.s32 $_scs_section_size  }
0x9a: {  	s4 =	simm.s32 $_size__tile_overlayer_lowered;
	s5 =	simm.s32 $_tile_overlayer_lowered  }
0x9b: {  	s22 =	simm.s32 $0x1BFF;
	s21 =	sshll.u32 s5, $0x1;
	s2 =	sadd.s32 s19, s18  }
0x9c: {  	s6 =	simm.s32 $0x0;
	s20 =	sshll.u32 s4, $0x1;
	s4 =	sadd.s32 s21, s2  }
0x9d: {  	[timem:s6], [sflag:s22] =	dma.local [hbm:s4], s20  }
0x9e: {  	_ =	swait.ge [sflag:s22], s20  }
0x9f: {  	s3 =	ssub.s32 $0x0, s20;
	[sflag:s22] =	ssyncset.done $0x0  }
0xa0: {  	[sflag:s22] =	ssyncadd.s32 s3;
	_ =	sdelay $0x1  }
0xa1: {  	s23 =	simm.s32 $0x1B8B  }
0xa2: {  	_ =	swait.ge [sflag:s23], $0x1  }
0xa3: {  	[sflag:s23] =	ssyncset.done $0x0  }
0xa4: {  	s25 =	simm.s32 $0x1B8E;
	s24 =	sld [smem:$0x3FFE];
	[sflag:s23] =	ssyncadd.s32 $0xFFFFFFFF  }
0xa5: {  	s26 =	simm.s32 $execute0_lowered;
	[smem:$0x3FD2] =	sst s25  }
0xa6: {  	s4 =	sshll.u32 s26, $0x1;
	_ =	strace $0x80000046;
	[dreg:$0x1] =	wrdreg $0xFFFFFFFF  }
0xa7: {  	s28 =	simm.s32 $_size_execute0_lowered;
	s2 =	sadd.s32 s2, s4;
	[dreg:$0x0] =	wrdreg $0x0  }
0xa8: {  	s4 =	sshll.u32 s28, $0x1;
	[dreg:$0x2] =	wrdreg s2  }
0xa9: {  	[dreg:$0x3] =	wrdreg s4  }
0xaa: {  	[dreg:$0x4] =	wrdreg $0xC0  }
0xab: {  	_ =	task [dreg:s6], $0x5FFFF  }
0xac: {  	[dreg:$0x1] =	wrdreg $0xFFFFFFFF  }
0xad: {  	[dreg:$0x0] =	wrdreg $0x60  }
0xae: {  	[dreg:$0x2] =	wrdreg s24  }
0xaf: {  	[dreg:$0x3] =	wrdreg $0x0  }
0xb0: {  	[dreg:$0x4] =	wrdreg $0x9  }
0xb1: {  	_ =	task.clear_ibuf [dreg:s6], $0x5FFFF;
	_ =	strace $0x90000046  }
0xb2: {  	s29 =	simm.s32 $0x9;
	_ =	strace $0x80000048  }
0xb3: {  	_ =	swait.ge [sflag:s29], $0x1  }
0xb4: {  	[sflag:s29] =	ssyncadd.s32 $0xFFFFFFFF  }
0xb5: {  	_ =	strace $0x90000048  }
0xb6: {  	_ =	sfence  }
0xb7: {  	s30 =	sld [smem:$0x0];
	_ =	sdelay $0x2  }
0xb8: {  	s31 =	sshll.u32 s1, $0xD;
	s1 =	sshrl.u32 s1, $0x2  }
0xb9: {  	s3 =	sand.u32 $0x4000, s31;
	s1 =	sadd.s32 s1, s30  }
0xba: {  	s0 =	sor.u32 s3, s0;
	s1 =	sshll.u32 s1, $0x11  }
0xbb: {  	s0 =	sor.u32 s1, s0  }
0xbc: {  	s0 =	sadd.s32 $0x8F2B, s0  }
0xbd: {  	[sflag:s0] =	ssyncadd.remote.s32 $0x1  }
0xbe: {  	_ =	sfence.sel $0xFFFF  }
0xbf: {  	[dreg:$0x0] =	wrdreg $0xFFFFFFFF;
	(pc) =	sbr.abs _section_cstart, $3  }
0xc0: {  	[dreg:$0x1] =	wrdreg $0xFFFFFFFF  }
0xc1: {  	_ =	task.clear_ibuf [dreg:s6], $0x2FFFF;
	_ =	strace $0x9FFFFFFF  }
0xc2: {  	(tm) =	ssettm $0x7FFFFFFF  }
0xc3: {  	_ =	shalt  }
tec
execute0_lowered:
.L_overlay_start_1:
0x0: {  	(tag) =	ssettag $0x1  }
0x1: {  	s0 =	rddreg [dreg:$0x0]  }
0x2: {  	s2 =	rddreg [dreg:$0x1];
	s3 =	simm.s32 $0x0;
	s12 =	stileid.u32  }
0x3: {  	s6 =	srdreg.scid;
	s15 =	simm.s32 $0x2;
	s16 =	simm.s32 $0x18700  }
0x4: {  	s17 =	simm.s32 $0x18F00;
	s18 =	simm.s32 $0x80;
	s19 =	simm.s32 $0x19700  }
0x5: {  	s20 =	simm.s32 $0x18780;
	s21 =	simm.s32 $0x1A700;
	s28 =	simm.s32 $0x1D700  }
0x6: {  	s29 =	simm.s32 $0x1;
	s30 =	simm.s32 $0x18F80;
	s1 =	smul.u32 $0x1900, s12  }
0x7: {  	s31 =	simm.s32 $0x19000;
	[smem:$0x7FF] =	sst s3;
	s7 =	smul.u32 $0x18700, s12  }
0x8: {  	s4 =	sadd.s32 $0x36600, s0;
	s5 =	sadd.s32 $0x5800, s0;
	s8 =	sand.u32 $0x1, s6  }
0x9: {  	s23 =	sadd.s32 $0x2B1C00, s0;
	s25 =	sshll.u32 s12, $0x6;
	_ =	strace $0x80000047  }
0xa: {  	s9 =	ssub.s32 $0x2, s8;
	[dreg:$0x4] =	wrdreg s23;
	p0 =	sne.s32 s8, $0x0  }
0xb: {  	s23 =	simm.s32 $0x1B700;
	s1 =	sadd.s32 s1, s0;
	s22 =	sshrl.u32 s7, $0x3  }
0xc: {  	s11 =	sshrl.u32 s9, $0x1;
	s7 =	sadd.s32 s7, s2;
	[dreg:$0x3] =	wrdreg s22  }
0xd: {  	s10 =	sadd.s32 s22, s0;
	s0 =	sadd.s32 $0x280E00, s0;
	s24 =	ssub.s32 s9, s11  }
0xe: {  	s9 =	sor.u32 $0x1C02, s25;
	s12 =	sadd.s32 $0x67400, s1;
	s13 =	sadd.s32 $0x80400, s1  }
.Ltmp0:
0xf: {  	s8 =	sshrl.u32 s7, $0x3;
	s22 =	simm.s32 $0x18800;
	(pc) =	sbr.rel .LBB2_1-.Ltmp0, $4  }
0x10: {  	s25 =	simm.s32 $0x1C700;
	s1 =	simm.s32 $0x19100;
	[dreg:$0x5] =	wrdreg s0  }
0x11: {  	s7 =	simm.s32 $0x0;
	s26 =	sadd.s32 $0x250000, s10;
	[dreg:$0x8] =	wrdreg s9  }
0x12: {  	s0 =	smax.u32 s24, $0x1;
	s24 =	simm.s32 $0x18880;
	[dreg:$0x6] =	wrdreg s26  }
0x13: {  	[dreg:$0x7] =	wrdreg s0;
	s26 =	simm.s32 $0x18900;
	s0 =	simm.s32 $0x19080  }
.LBB2_7:
0x14: {  	s6 =	sadd.s32 s8, s13;
	[sflag:s15] =	ssyncadd.s32 $0xFFFFF000  }
0x15: {  	[tilespmem:s16], [sflag:$0x2] =	stream.linear.gather [hbm4b:s6+s3], $0x280, $0x38;
	[tilespmem:$0x1E700] =	vst v63  }
0x16: {  	_ =	swait.ge [sflag:s15], $0x280  }
0x17: {  	[sflag:s15] =	ssyncset.done $0x0  }
0x18: {  	s11 =	sadd.s32 s8, s12;
	[sflag:s15] =	ssyncadd.s32 $0xFFFFFD80  }
0x19: {  	[tilespmem:s17], [sflag:$0x2] =	stream.linear.gather [hbm4b:s11+s3], $0x280, $0x38;
	[tilespmem:$0x1E700] =	vst v63  }
0x1a: {  	_ =	swait.ge [sflag:s15], $0x280  }
0x1b: {  	[sflag:s15] =	ssyncset.done $0x0  }
0x1c: {  	[sflag:s15] =	ssyncadd.s32 $0xFFFFFD80  }
0x1d: {  	[tilespmem:s19], [sflag:$0x1] =	stream.indirect.gather [hbm4b:s5+s18], $0x20, s16, s18, $0xb8;
	[tilespmem:$0x1E700] =	vst v63  }
0x1e: {  	_ = 	snop  }
0x1f: {  	[tilespmem:s21], [sflag:$0x1] =	stream.indirect.gather [hbm4b:s5+s18], $0x20, s20, s18, $0xb8;
	[tilespmem:$0x1E700] =	vst v63  }
0x20: {  	_ = 	snop  }
0x21: {  	[tilespmem:s23], [sflag:$0x1] =	stream.indirect.gather [hbm4b:s5+s18], $0x20, s22, s18, $0xb8;
	[tilespmem:$0x1E700] =	vst v63  }
0x22: {  	_ = 	snop  }
0x23: {  	[tilespmem:s25], [sflag:$0x1] =	stream.indirect.gather [hbm4b:s5+s18], $0x20, s24, s18, $0xb8;
	[tilespmem:$0x1E700] =	vst v63  }
0x24: {  	_ = 	snop  }
0x25: {  	[tilespmem:s28], [sflag:$0x1] =	stream.indirect.gather [hbm4b:s5+s18], $0x20, s26, s18, $0xb8;
	[tilespmem:$0x1E700] =	vst v63  }
0x26: {  	_ =	swait.ge [sflag:s29], $0x1000  }
0x27: {  	[sflag:s29] =	ssyncset.done $0x0  }
0x28: {  	[sflag:s29] =	ssyncadd.s32 $0xFFFFF000  }
0x29: {  	_ =	swait.ge [sflag:s29], $0x1000  }
0x2a: {  	[sflag:s29] =	ssyncset.done $0x0  }
0x2b: {  	[sflag:s29] =	ssyncadd.s32 $0xFFFFF000  }
0x2c: {  	_ =	swait.ge [sflag:s29], $0x1000  }
0x2d: {  	[sflag:s29] =	ssyncset.done $0x0  }
0x2e: {  	[sflag:s29] =	ssyncadd.s32 $0xFFFFF000  }
0x2f: {  	_ =	swait.ge [sflag:s29], $0x1000  }
0x30: {  	[sflag:s29] =	ssyncset.done $0x0  }
0x31: {  	[sflag:s29] =	ssyncadd.s32 $0xFFFFF000  }
0x32: {  	_ =	swait.ge [sflag:s29], $0x1000  }
0x33: {  	[sflag:s29] =	ssyncset.done $0x0  }
0x34: {  	[sflag:s29] =	ssyncadd.s32 $0xFFFFF000  }
0x35: {  	[spmem:s2] =	stream.indirect.scatter.add.f32 [tilespmem:s19], [sflag:$0x2], $0x20, s17, s18, $0xb8;
	[tilespmem:$0x1E700] =	vst v63  }
0x36: {  	_ =	swait.ge [sflag:s15], $0x1000  }
0x37: {  	[sflag:s15] =	ssyncset.done $0x0  }
0x38: {  	[sflag:s15] =	ssyncadd.s32 $0xFFFFF000  }
0x39: {  	[spmem:s2] =	stream.indirect.scatter.add.f32 [tilespmem:s21], [sflag:$0x2], $0x20, s30, s18, $0xb8;
	[tilespmem:$0x1E700] =	vst v63  }
0x3a: {  	_ =	swait.ge [sflag:s15], $0x1000  }
0x3b: {  	[sflag:s15] =	ssyncset.done $0x0  }
0x3c: {  	[sflag:s15] =	ssyncadd.s32 $0xFFFFF000  }
0x3d: {  	[spmem:s2] =	stream.indirect.scatter.add.f32 [tilespmem:s23], [sflag:$0x2], $0x20, s31, s18, $0xb8;
	[tilespmem:$0x1E700] =	vst v63  }
0x3e: {  	_ =	swait.ge [sflag:s15], $0x1000  }
0x3f: {  	[sflag:s15] =	ssyncset.done $0x0  }
0x40: {  	[sflag:s15] =	ssyncadd.s32 $0xFFFFF000  }
0x41: {  	[spmem:s2] =	stream.indirect.scatter.add.f32 [tilespmem:s25], [sflag:$0x2], $0x20, s0, s18, $0xb8;
	[tilespmem:$0x1E700] =	vst v63  }
0x42: {  	_ =	swait.ge [sflag:s15], $0x1000  }
0x43: {  	[sflag:s15] =	ssyncset.done $0x0  }
0x44: {  	[sflag:s15] =	ssyncadd.s32 $0xFFFFF000  }
0x45: {  	[spmem:s2] =	stream.indirect.scatter.add.f32 [tilespmem:s28], [sflag:$0x2], $0x20, s1, s18, $0xb8;
	[tilespmem:$0x1E700] =	vst v63  }
0x46: {  	_ =	swait.ge [sflag:s15], $0x1000  }
0x47: {  	[sflag:s15] =	ssyncset.done $0x0  }
0x48: {  	s8 =	rddreg [dreg:$0x5];
	[sflag:s15] =	ssyncadd.s32 $0xFFFFF000  }
.LBB2_8:
0x49: {  	s6 =	rddreg [dreg:$0x3];
	[bflag:$0x0] =	sbarrier.arrive $0xFFFF  }
0x4a: {  	s6 =	sadd.s32 s8, s6;
	s9 =	rddreg [dreg:$0x8]  }
0x4b: {  	[hbm:s6], [sflag:s9] =	dma.local [spmem:s14], $0x30E0  }
0x4c: {  	_ =	swait.ge [sflag:s15], $0x30E0  }
0x4d: {  	s7 =	sadd.s32 $0x1, s7;
	s8 =	smov.u32 s14;
	s14 =	rddreg [dreg:$0x7]  }
0x4e: {  	p1 =	sne.s32 s7, s14  }
.Ltmp1:
0x4f: {  	_ = 	snop;
	(pc) =	sbr.rel @!p1 .LBB2_9-.Ltmp1, $3  }
0x50: {  	_ =	sdelay $0x1  }
0x51: {  	[sflag:s15] =	ssyncset.done $0x0  }
0x52: {  	[sflag:s15] =	ssyncadd.s32 $0xFFFFCF20  }
.LBB2_1:
0x53: {  	s6 =	rddreg [dreg:$0x6]  }
0x54: {  	[spmem:s8], [sflag:s9] =	dma.local [hbm:s6], $0x30E0  }
.Ltmp2:
0x55: {  	_ =	swait.ge [sflag:s15], $0x30E0;
	(pc) =	sbr.rel @p0 .LBB2_5-.Ltmp2, $4  }
0x56: {  	[sflag:s15] =	ssyncset.done $0x0  }
0x57: {  	[sflag:s15] =	ssyncadd.s32 $0xFFFFCF20  }
0x58: {  	[bflag:$0x0] =	sbarrier.arrive $0xFFFF  }
0x59: {  	s14 =	smov.u32 s8  }
0x5a: {  	s8 =	sadd.s32 $0x0, s13  }
0x5b: {  	[tilespmem:s16], [sflag:$0x2] =	stream.linear.gather [hbm4b:s8+s3], $0x280, $0x38;
	[tilespmem:$0x1E700] =	vst v63  }
0x5c: {  	_ =	swait.ge [sflag:s15], $0x280  }
0x5d: {  	[sflag:s15] =	ssyncset.done $0x0  }
0x5e: {  	s11 =	sadd.s32 $0x0, s12;
	[sflag:s15] =	ssyncadd.s32 $0xFFFFFD80  }
0x5f: {  	[tilespmem:s17], [sflag:$0x2] =	stream.linear.gather [hbm4b:s11+s3], $0x280, $0x38;
	[tilespmem:$0x1E700] =	vst v63  }
0x60: {  	_ =	swait.ge [sflag:s15], $0x280  }
0x61: {  	[sflag:s15] =	ssyncset.done $0x0  }
0x62: {  	[sflag:s15] =	ssyncadd.s32 $0xFFFFFD80  }
0x63: {  	[tilespmem:s19], [sflag:$0x1] =	stream.indirect.gather [hbm4b:s4+s18], $0x20, s16, s18, $0xb8;
	[tilespmem:$0x1E700] =	vst v63  }
0x64: {  	_ = 	snop  }
0x65: {  	[tilespmem:s21], [sflag:$0x1] =	stream.indirect.gather [hbm4b:s4+s18], $0x20, s20, s18, $0xb8;
	[tilespmem:$0x1E700] =	vst v63  }
0x66: {  	_ = 	snop  }
0x67: {  	[tilespmem:s23], [sflag:$0x1] =	stream.indirect.gather [hbm4b:s4+s18], $0x20, s22, s18, $0xb8;
	[tilespmem:$0x1E700] =	vst v63  }
0x68: {  	_ = 	snop  }
0x69: {  	[tilespmem:s25], [sflag:$0x1] =	stream.indirect.gather [hbm4b:s4+s18], $0x20, s24, s18, $0xb8;
	[tilespmem:$0x1E700] =	vst v63  }
0x6a: {  	_ = 	snop  }
0x6b: {  	[tilespmem:s28], [sflag:$0x1] =	stream.indirect.gather [hbm4b:s4+s18], $0x20, s26, s18, $0xb8;
	[tilespmem:$0x1E700] =	vst v63  }
0x6c: {  	_ =	swait.ge [sflag:s29], $0x1000  }
0x6d: {  	[sflag:s29] =	ssyncset.done $0x0  }
0x6e: {  	[sflag:s29] =	ssyncadd.s32 $0xFFFFF000  }
0x6f: {  	_ =	swait.ge [sflag:s29], $0x1000  }
0x70: {  	[sflag:s29] =	ssyncset.done $0x0  }
0x71: {  	[sflag:s29] =	ssyncadd.s32 $0xFFFFF000  }
0x72: {  	_ =	swait.ge [sflag:s29], $0x1000  }
0x73: {  	[sflag:s29] =	ssyncset.done $0x0  }
0x74: {  	[sflag:s29] =	ssyncadd.s32 $0xFFFFF000  }
0x75: {  	_ =	swait.ge [sflag:s29], $0x1000  }
0x76: {  	[sflag:s29] =	ssyncset.done $0x0  }
0x77: {  	[sflag:s29] =	ssyncadd.s32 $0xFFFFF000  }
0x78: {  	_ =	swait.ge [sflag:s29], $0x1000  }
0x79: {  	[sflag:s29] =	ssyncset.done $0x0  }
0x7a: {  	[sflag:s29] =	ssyncadd.s32 $0xFFFFF000  }
0x7b: {  	[spmem:s2] =	stream.indirect.scatter.add.f32 [tilespmem:s19], [sflag:$0x2], $0x20, s17, s18, $0xb8;
	[tilespmem:$0x1E700] =	vst v63  }
0x7c: {  	_ =	swait.ge [sflag:s15], $0x1000  }
0x7d: {  	[sflag:s15] =	ssyncset.done $0x0  }
0x7e: {  	[sflag:s15] =	ssyncadd.s32 $0xFFFFF000  }
0x7f: {  	[spmem:s2] =	stream.indirect.scatter.add.f32 [tilespmem:s21], [sflag:$0x2], $0x20, s30, s18, $0xb8;
	[tilespmem:$0x1E700] =	vst v63  }
0x80: {  	_ =	swait.ge [sflag:s15], $0x1000  }
0x81: {  	[sflag:s15] =	ssyncset.done $0x0  }
0x82: {  	[sflag:s15] =	ssyncadd.s32 $0xFFFFF000  }
0x83: {  	[spmem:s2] =	stream.indirect.scatter.add.f32 [tilespmem:s23], [sflag:$0x2], $0x20, s31, s18, $0xb8;
	[tilespmem:$0x1E700] =	vst v63  }
0x84: {  	_ =	swait.ge [sflag:s15], $0x1000  }
0x85: {  	[sflag:s15] =	ssyncset.done $0x0  }
0x86: {  	[sflag:s15] =	ssyncadd.s32 $0xFFFFF000  }
0x87: {  	[spmem:s2] =	stream.indirect.scatter.add.f32 [tilespmem:s25], [sflag:$0x2], $0x20, s0, s18, $0xb8;
	[tilespmem:$0x1E700] =	vst v63  }
0x88: {  	_ =	swait.ge [sflag:s15], $0x1000  }
0x89: {  	[sflag:s15] =	ssyncset.done $0x0  }
0x8a: {  	[sflag:s15] =	ssyncadd.s32 $0xFFFFF000  }
0x8b: {  	[spmem:s2] =	stream.indirect.scatter.add.f32 [tilespmem:s28], [sflag:$0x2], $0x20, s1, s18, $0xb8;
	[tilespmem:$0x1E700] =	vst v63  }
0x8c: {  	_ =	swait.ge [sflag:s15], $0x1000  }
0x8d: {  	s9 =	simm.s32 $0xA0;
	s8 =	simm.s32 $0x50;
	[sflag:s15] =	ssyncset.done $0x0  }
.LBB2_3:
0x8e: {  	s6 =	sadd.s32 s8, s13  }
0x8f: {  	[sflag:s15] =	ssyncadd.s32 $0xFFFFF000;
	s10 =	smov.u32 s9;
	s11 =	sadd.s32 $0x50, s9  }
0x90: {  	[tilespmem:s16], [sflag:$0x2] =	stream.linear.gather [hbm4b:s6+s3], $0x280, $0x38;
	[tilespmem:$0x1E700] =	vst v63  }
0x91: {  	p1 =	seq.s32 s9, $0x18B0;
	_ =	swait.ge [sflag:s15], $0x280  }
0x92: {  	[sflag:s15] =	ssyncset.done $0x0  }
0x93: {  	s6 =	sadd.s32 s8, s12;
	s8 =	smov.u32 s10;
	[sflag:s15] =	ssyncadd.s32 $0xFFFFFD80  }
0x94: {  	[tilespmem:s17], [sflag:$0x2] =	stream.linear.gather [hbm4b:s6+s3], $0x280, $0x38;
	[tilespmem:$0x1E700] =	vst v63  }
0x95: {  	_ =	swait.ge [sflag:s15], $0x280  }
0x96: {  	[sflag:s15] =	ssyncset.done $0x0  }
0x97: {  	[sflag:s15] =	ssyncadd.s32 $0xFFFFFD80  }
0x98: {  	[tilespmem:s19], [sflag:$0x1] =	stream.indirect.gather [hbm4b:s4+s18], $0x20, s16, s18, $0xb8;
	[tilespmem:$0x1E700] =	vst v63  }
0x99: {  	_ = 	snop  }
0x9a: {  	[tilespmem:s21], [sflag:$0x1] =	stream.indirect.gather [hbm4b:s4+s18], $0x20, s20, s18, $0xb8;
	[tilespmem:$0x1E700] =	vst v63  }
0x9b: {  	_ = 	snop  }
0x9c: {  	[tilespmem:s23], [sflag:$0x1] =	stream.indirect.gather [hbm4b:s4+s18], $0x20, s22, s18, $0xb8;
	[tilespmem:$0x1E700] =	vst v63  }
0x9d: {  	_ = 	snop  }
0x9e: {  	[tilespmem:s25], [sflag:$0x1] =	stream.indirect.gather [hbm4b:s4+s18], $0x20, s24, s18, $0xb8;
	[tilespmem:$0x1E700] =	vst v63  }
0x9f: {  	_ = 	snop  }
0xa0: {  	[tilespmem:s28], [sflag:$0x1] =	stream.indirect.gather [hbm4b:s4+s18], $0x20, s26, s18, $0xb8;
	[tilespmem:$0x1E700] =	vst v63  }
0xa1: {  	_ =	swait.ge [sflag:s29], $0x1000  }
0xa2: {  	[sflag:s29] =	ssyncset.done $0x0  }
0xa3: {  	[sflag:s29] =	ssyncadd.s32 $0xFFFFF000  }
0xa4: {  	_ =	swait.ge [sflag:s29], $0x1000  }
0xa5: {  	[sflag:s29] =	ssyncset.done $0x0  }
0xa6: {  	[sflag:s29] =	ssyncadd.s32 $0xFFFFF000  }
0xa7: {  	_ =	swait.ge [sflag:s29], $0x1000  }
0xa8: {  	[sflag:s29] =	ssyncset.done $0x0  }
0xa9: {  	[sflag:s29] =	ssyncadd.s32 $0xFFFFF000  }
0xaa: {  	_ =	swait.ge [sflag:s29], $0x1000  }
0xab: {  	[sflag:s29] =	ssyncset.done $0x0  }
0xac: {  	[sflag:s29] =	ssyncadd.s32 $0xFFFFF000  }
0xad: {  	_ =	swait.ge [sflag:s29], $0x1000  }
0xae: {  	[sflag:s29] =	ssyncset.done $0x0  }
0xaf: {  	[sflag:s29] =	ssyncadd.s32 $0xFFFFF000  }
0xb0: {  	[spmem:s2] =	stream.indirect.scatter.add.f32 [tilespmem:s19], [sflag:$0x2], $0x20, s17, s18, $0xb8;
	[tilespmem:$0x1E700] =	vst v63  }
0xb1: {  	_ =	swait.ge [sflag:s15], $0x1000  }
0xb2: {  	[sflag:s15] =	ssyncset.done $0x0  }
0xb3: {  	[sflag:s15] =	ssyncadd.s32 $0xFFFFF000  }
0xb4: {  	[spmem:s2] =	stream.indirect.scatter.add.f32 [tilespmem:s21], [sflag:$0x2], $0x20, s30, s18, $0xb8;
	[tilespmem:$0x1E700] =	vst v63  }
0xb5: {  	_ =	swait.ge [sflag:s15], $0x1000  }
0xb6: {  	[sflag:s15] =	ssyncset.done $0x0  }
0xb7: {  	[sflag:s15] =	ssyncadd.s32 $0xFFFFF000  }
0xb8: {  	[spmem:s2] =	stream.indirect.scatter.add.f32 [tilespmem:s23], [sflag:$0x2], $0x20, s31, s18, $0xb8;
	[tilespmem:$0x1E700] =	vst v63  }
0xb9: {  	_ =	swait.ge [sflag:s15], $0x1000  }
0xba: {  	[sflag:s15] =	ssyncset.done $0x0  }
0xbb: {  	[sflag:s15] =	ssyncadd.s32 $0xFFFFF000  }
0xbc: {  	[spmem:s2] =	stream.indirect.scatter.add.f32 [tilespmem:s25], [sflag:$0x2], $0x20, s0, s18, $0xb8;
	[tilespmem:$0x1E700] =	vst v63  }
0xbd: {  	_ =	swait.ge [sflag:s15], $0x1000  }
.Ltmp3:
0xbe: {  	[sflag:s15] =	ssyncset.done $0x0;
	(pc) =	sbr.rel @!p1 .LBB2_3-.Ltmp3, $4  }
0xbf: {  	[sflag:s15] =	ssyncadd.s32 $0xFFFFF000  }
0xc0: {  	[spmem:s2] =	stream.indirect.scatter.add.f32 [tilespmem:s28], [sflag:$0x2], $0x20, s1, s18, $0xb8;
	[tilespmem:$0x1E700] =	vst v63  }
0xc1: {  	_ =	swait.ge [sflag:s15], $0x1000  }
0xc2: {  	s9 =	smov.u32 s11;
	[sflag:s15] =	ssyncset.done $0x0  }
0xc3: {  	s6 =	sadd.s32 s8, s13;
	[sflag:s15] =	ssyncadd.s32 $0xFFFFF000  }
0xc4: {  	[tilespmem:s16], [sflag:$0x2] =	stream.linear.gather [hbm4b:s6+s3], $0x280, $0x38;
	[tilespmem:$0x1E700] =	vst v63  }
0xc5: {  	_ =	swait.ge [sflag:s15], $0x280  }
0xc6: {  	[sflag:s15] =	ssyncset.done $0x0  }
0xc7: {  	s11 =	sadd.s32 s8, s12;
	[sflag:s15] =	ssyncadd.s32 $0xFFFFFD80  }
0xc8: {  	[tilespmem:s17], [sflag:$0x2] =	stream.linear.gather [hbm4b:s11+s3], $0x280, $0x38;
	[tilespmem:$0x1E700] =	vst v63  }
0xc9: {  	_ =	swait.ge [sflag:s15], $0x280  }
0xca: {  	[sflag:s15] =	ssyncset.done $0x0  }
0xcb: {  	[sflag:s15] =	ssyncadd.s32 $0xFFFFFD80  }
0xcc: {  	[tilespmem:s19], [sflag:$0x1] =	stream.indirect.gather [hbm4b:s4+s18], $0x20, s16, s18, $0xb8;
	[tilespmem:$0x1E700] =	vst v63  }
0xcd: {  	_ = 	snop  }
0xce: {  	[tilespmem:s21], [sflag:$0x1] =	stream.indirect.gather [hbm4b:s4+s18], $0x20, s20, s18, $0xb8;
	[tilespmem:$0x1E700] =	vst v63  }
0xcf: {  	_ = 	snop  }
0xd0: {  	[tilespmem:s23], [sflag:$0x1] =	stream.indirect.gather [hbm4b:s4+s18], $0x20, s22, s18, $0xb8;
	[tilespmem:$0x1E700] =	vst v63  }
0xd1: {  	_ = 	snop  }
0xd2: {  	[tilespmem:s25], [sflag:$0x1] =	stream.indirect.gather [hbm4b:s4+s18], $0x20, s24, s18, $0xb8;
	[tilespmem:$0x1E700] =	vst v63  }
0xd3: {  	_ = 	snop  }
0xd4: {  	[tilespmem:s28], [sflag:$0x1] =	stream.indirect.gather [hbm4b:s4+s18], $0x20, s26, s18, $0xb8;
	[tilespmem:$0x1E700] =	vst v63  }
0xd5: {  	_ =	swait.ge [sflag:s29], $0x1000  }
0xd6: {  	[sflag:s29] =	ssyncset.done $0x0  }
0xd7: {  	[sflag:s29] =	ssyncadd.s32 $0xFFFFF000  }
0xd8: {  	_ =	swait.ge [sflag:s29], $0x1000  }
0xd9: {  	[sflag:s29] =	ssyncset.done $0x0  }
0xda: {  	[sflag:s29] =	ssyncadd.s32 $0xFFFFF000  }
0xdb: {  	_ =	swait.ge [sflag:s29], $0x1000  }
0xdc: {  	[sflag:s29] =	ssyncset.done $0x0  }
0xdd: {  	[sflag:s29] =	ssyncadd.s32 $0xFFFFF000  }
0xde: {  	_ =	swait.ge [sflag:s29], $0x1000  }
0xdf: {  	[sflag:s29] =	ssyncset.done $0x0  }
0xe0: {  	[sflag:s29] =	ssyncadd.s32 $0xFFFFF000  }
0xe1: {  	_ =	swait.ge [sflag:s29], $0x1000  }
0xe2: {  	[sflag:s29] =	ssyncset.done $0x0  }
0xe3: {  	[sflag:s29] =	ssyncadd.s32 $0xFFFFF000  }
0xe4: {  	[spmem:s2] =	stream.indirect.scatter.add.f32 [tilespmem:s19], [sflag:$0x2], $0x20, s17, s18, $0xb8;
	[tilespmem:$0x1E700] =	vst v63  }
0xe5: {  	_ =	swait.ge [sflag:s15], $0x1000  }
0xe6: {  	[sflag:s15] =	ssyncset.done $0x0  }
0xe7: {  	[sflag:s15] =	ssyncadd.s32 $0xFFFFF000  }
0xe8: {  	[spmem:s2] =	stream.indirect.scatter.add.f32 [tilespmem:s21], [sflag:$0x2], $0x20, s30, s18, $0xb8;
	[tilespmem:$0x1E700] =	vst v63  }
0xe9: {  	_ =	swait.ge [sflag:s15], $0x1000  }
0xea: {  	[sflag:s15] =	ssyncset.done $0x0  }
0xeb: {  	[sflag:s15] =	ssyncadd.s32 $0xFFFFF000  }
0xec: {  	[spmem:s2] =	stream.indirect.scatter.add.f32 [tilespmem:s23], [sflag:$0x2], $0x20, s31, s18, $0xb8;
	[tilespmem:$0x1E700] =	vst v63  }
0xed: {  	_ =	swait.ge [sflag:s15], $0x1000  }
0xee: {  	[sflag:s15] =	ssyncset.done $0x0  }
0xef: {  	[sflag:s15] =	ssyncadd.s32 $0xFFFFF000  }
0xf0: {  	[spmem:s2] =	stream.indirect.scatter.add.f32 [tilespmem:s25], [sflag:$0x2], $0x20, s0, s18, $0xb8;
	[tilespmem:$0x1E700] =	vst v63  }
0xf1: {  	_ =	swait.ge [sflag:s15], $0x1000  }
0xf2: {  	[sflag:s15] =	ssyncset.done $0x0  }
.Ltmp4:
0xf3: {  	[sflag:s15] =	ssyncadd.s32 $0xFFFFF000;
	(pc) =	sbr.rel .LBB2_8-.Ltmp4, $4  }
0xf4: {  	[spmem:s2] =	stream.indirect.scatter.add.f32 [tilespmem:s28], [sflag:$0x2], $0x20, s1, s18, $0xb8;
	[tilespmem:$0x1E700] =	vst v63  }
0xf5: {  	_ =	swait.ge [sflag:s15], $0x1000  }
0xf6: {  	[sflag:s15] =	ssyncset.done $0x0  }
0xf7: {  	s8 =	rddreg [dreg:$0x4];
	[sflag:s15] =	ssyncadd.s32 $0xFFFFF000  }
.LBB2_5:
0xf8: {  	s6 =	sadd.s32 $0x0, s13  }
0xf9: {  	[tilespmem:s16], [sflag:$0x2] =	stream.linear.gather [hbm4b:s6+s3], $0x280, $0x38;
	[tilespmem:$0x1E700] =	vst v63  }
0xfa: {  	_ =	swait.ge [sflag:s15], $0x280  }
0xfb: {  	[sflag:s15] =	ssyncset.done $0x0  }
0xfc: {  	s11 =	sadd.s32 $0x0, s12;
	[sflag:s15] =	ssyncadd.s32 $0xFFFFFD80  }
0xfd: {  	[tilespmem:s17], [sflag:$0x2] =	stream.linear.gather [hbm4b:s11+s3], $0x280, $0x38;
	[tilespmem:$0x1E700] =	vst v63  }
0xfe: {  	_ =	swait.ge [sflag:s15], $0x280  }
0xff: {  	[sflag:s15] =	ssyncset.done $0x0  }
0x100: {  	[sflag:s15] =	ssyncadd.s32 $0xFFFFFD80  }
0x101: {  	[tilespmem:s19], [sflag:$0x1] =	stream.indirect.gather [hbm4b:s5+s18], $0x20, s16, s18, $0xb8;
	[tilespmem:$0x1E700] =	vst v63  }
0x102: {  	_ = 	snop  }
0x103: {  	[tilespmem:s21], [sflag:$0x1] =	stream.indirect.gather [hbm4b:s5+s18], $0x20, s20, s18, $0xb8;
	[tilespmem:$0x1E700] =	vst v63  }
0x104: {  	_ = 	snop  }
0x105: {  	[tilespmem:s23], [sflag:$0x1] =	stream.indirect.gather [hbm4b:s5+s18], $0x20, s22, s18, $0xb8;
	[tilespmem:$0x1E700] =	vst v63  }
0x106: {  	_ = 	snop  }
0x107: {  	[tilespmem:s25], [sflag:$0x1] =	stream.indirect.gather [hbm4b:s5+s18], $0x20, s24, s18, $0xb8;
	[tilespmem:$0x1E700] =	vst v63  }
0x108: {  	_ = 	snop  }
0x109: {  	[tilespmem:s28], [sflag:$0x1] =	stream.indirect.gather [hbm4b:s5+s18], $0x20, s26, s18, $0xb8;
	[tilespmem:$0x1E700] =	vst v63  }
0x10a: {  	_ =	swait.ge [sflag:s29], $0x1000  }
0x10b: {  	[sflag:s29] =	ssyncset.done $0x0  }
0x10c: {  	[sflag:s29] =	ssyncadd.s32 $0xFFFFF000  }
0x10d: {  	_ =	swait.ge [sflag:s29], $0x1000  }
0x10e: {  	[sflag:s29] =	ssyncset.done $0x0  }
0x10f: {  	[sflag:s29] =	ssyncadd.s32 $0xFFFFF000  }
0x110: {  	_ =	swait.ge [sflag:s29], $0x1000  }
0x111: {  	[sflag:s29] =	ssyncset.done $0x0  }
0x112: {  	[sflag:s29] =	ssyncadd.s32 $0xFFFFF000  }
0x113: {  	_ =	swait.ge [sflag:s29], $0x1000  }
0x114: {  	[sflag:s29] =	ssyncset.done $0x0  }
0x115: {  	[sflag:s29] =	ssyncadd.s32 $0xFFFFF000  }
0x116: {  	_ =	swait.ge [sflag:s29], $0x1000  }
0x117: {  	[sflag:s29] =	ssyncset.done $0x0  }
0x118: {  	[sflag:s29] =	ssyncadd.s32 $0xFFFFF000  }
0x119: {  	[spmem:s2] =	stream.indirect.scatter.add.f32 [tilespmem:s19], [sflag:$0x2], $0x20, s17, s18, $0xb8;
	[tilespmem:$0x1E700] =	vst v63  }
0x11a: {  	_ =	swait.ge [sflag:s15], $0x1000  }
0x11b: {  	[sflag:s15] =	ssyncset.done $0x0  }
0x11c: {  	[sflag:s15] =	ssyncadd.s32 $0xFFFFF000  }
0x11d: {  	[spmem:s2] =	stream.indirect.scatter.add.f32 [tilespmem:s21], [sflag:$0x2], $0x20, s30, s18, $0xb8;
	[tilespmem:$0x1E700] =	vst v63  }
0x11e: {  	_ =	swait.ge [sflag:s15], $0x1000  }
0x11f: {  	[sflag:s15] =	ssyncset.done $0x0  }
0x120: {  	[sflag:s15] =	ssyncadd.s32 $0xFFFFF000  }
0x121: {  	[spmem:s2] =	stream.indirect.scatter.add.f32 [tilespmem:s23], [sflag:$0x2], $0x20, s31, s18, $0xb8;
	[tilespmem:$0x1E700] =	vst v63  }
0x122: {  	_ =	swait.ge [sflag:s15], $0x1000  }
0x123: {  	[sflag:s15] =	ssyncset.done $0x0  }
0x124: {  	[sflag:s15] =	ssyncadd.s32 $0xFFFFF000  }
0x125: {  	[spmem:s2] =	stream.indirect.scatter.add.f32 [tilespmem:s25], [sflag:$0x2], $0x20, s0, s18, $0xb8;
	[tilespmem:$0x1E700] =	vst v63  }
0x126: {  	_ =	swait.ge [sflag:s15], $0x1000  }
0x127: {  	[sflag:s15] =	ssyncset.done $0x0  }
0x128: {  	[sflag:s15] =	ssyncadd.s32 $0xFFFFF000  }
0x129: {  	[spmem:s2] =	stream.indirect.scatter.add.f32 [tilespmem:s28], [sflag:$0x2], $0x20, s1, s18, $0xb8;
	[tilespmem:$0x1E700] =	vst v63  }
0x12a: {  	_ =	swait.ge [sflag:s15], $0x1000  }
0x12b: {  	s8 =	simm.s32 $0x50;
	s11 =	simm.s32 $0xA0;
	[sflag:s15] =	ssyncset.done $0x0  }
.LBB2_6:
0x12c: {  	s6 =	sadd.s32 s8, s13  }
0x12d: {  	[sflag:s15] =	ssyncadd.s32 $0xFFFFF000;
	s10 =	smov.u32 s11;
	s9 =	sadd.s32 $0x50, s11  }
0x12e: {  	[tilespmem:s16], [sflag:$0x2] =	stream.linear.gather [hbm4b:s6+s3], $0x280, $0x38;
	[tilespmem:$0x1E700] =	vst v63  }
0x12f: {  	p1 =	sne.s32 s11, $0x18B0;
	_ =	swait.ge [sflag:s15], $0x280  }
0x130: {  	[sflag:s15] =	ssyncset.done $0x0  }
0x131: {  	s6 =	sadd.s32 s8, s12;
	s8 =	smov.u32 s10;
	[sflag:s15] =	ssyncadd.s32 $0xFFFFFD80  }
0x132: {  	[tilespmem:s17], [sflag:$0x2] =	stream.linear.gather [hbm4b:s6+s3], $0x280, $0x38;
	[tilespmem:$0x1E700] =	vst v63  }
0x133: {  	_ =	swait.ge [sflag:s15], $0x280  }
0x134: {  	[sflag:s15] =	ssyncset.done $0x0  }
0x135: {  	[sflag:s15] =	ssyncadd.s32 $0xFFFFFD80  }
0x136: {  	[tilespmem:s19], [sflag:$0x1] =	stream.indirect.gather [hbm4b:s5+s18], $0x20, s16, s18, $0xb8;
	[tilespmem:$0x1E700] =	vst v63  }
0x137: {  	_ = 	snop  }
0x138: {  	[tilespmem:s21], [sflag:$0x1] =	stream.indirect.gather [hbm4b:s5+s18], $0x20, s20, s18, $0xb8;
	[tilespmem:$0x1E700] =	vst v63  }
0x139: {  	_ = 	snop  }
0x13a: {  	[tilespmem:s23], [sflag:$0x1] =	stream.indirect.gather [hbm4b:s5+s18], $0x20, s22, s18, $0xb8;
	[tilespmem:$0x1E700] =	vst v63  }
0x13b: {  	_ = 	snop  }
0x13c: {  	[tilespmem:s25], [sflag:$0x1] =	stream.indirect.gather [hbm4b:s5+s18], $0x20, s24, s18, $0xb8;
	[tilespmem:$0x1E700] =	vst v63  }
0x13d: {  	_ = 	snop  }
0x13e: {  	[tilespmem:s28], [sflag:$0x1] =	stream.indirect.gather [hbm4b:s5+s18], $0x20, s26, s18, $0xb8;
	[tilespmem:$0x1E700] =	vst v63  }
0x13f: {  	_ =	swait.ge [sflag:s29], $0x1000  }
0x140: {  	[sflag:s29] =	ssyncset.done $0x0  }
0x141: {  	[sflag:s29] =	ssyncadd.s32 $0xFFFFF000  }
0x142: {  	_ =	swait.ge [sflag:s29], $0x1000  }
0x143: {  	[sflag:s29] =	ssyncset.done $0x0  }
0x144: {  	[sflag:s29] =	ssyncadd.s32 $0xFFFFF000  }
0x145: {  	_ =	swait.ge [sflag:s29], $0x1000  }
0x146: {  	[sflag:s29] =	ssyncset.done $0x0  }
0x147: {  	[sflag:s29] =	ssyncadd.s32 $0xFFFFF000  }
0x148: {  	_ =	swait.ge [sflag:s29], $0x1000  }
0x149: {  	[sflag:s29] =	ssyncset.done $0x0  }
0x14a: {  	[sflag:s29] =	ssyncadd.s32 $0xFFFFF000  }
0x14b: {  	_ =	swait.ge [sflag:s29], $0x1000  }
0x14c: {  	[sflag:s29] =	ssyncset.done $0x0  }
0x14d: {  	[sflag:s29] =	ssyncadd.s32 $0xFFFFF000  }
0x14e: {  	[spmem:s2] =	stream.indirect.scatter.add.f32 [tilespmem:s19], [sflag:$0x2], $0x20, s17, s18, $0xb8;
	[tilespmem:$0x1E700] =	vst v63  }
0x14f: {  	_ =	swait.ge [sflag:s15], $0x1000  }
0x150: {  	[sflag:s15] =	ssyncset.done $0x0  }
0x151: {  	[sflag:s15] =	ssyncadd.s32 $0xFFFFF000  }
0x152: {  	[spmem:s2] =	stream.indirect.scatter.add.f32 [tilespmem:s21], [sflag:$0x2], $0x20, s30, s18, $0xb8;
	[tilespmem:$0x1E700] =	vst v63  }
0x153: {  	_ =	swait.ge [sflag:s15], $0x1000  }
0x154: {  	[sflag:s15] =	ssyncset.done $0x0  }
0x155: {  	[sflag:s15] =	ssyncadd.s32 $0xFFFFF000  }
0x156: {  	[spmem:s2] =	stream.indirect.scatter.add.f32 [tilespmem:s23], [sflag:$0x2], $0x20, s31, s18, $0xb8;
	[tilespmem:$0x1E700] =	vst v63  }
0x157: {  	_ =	swait.ge [sflag:s15], $0x1000  }
0x158: {  	[sflag:s15] =	ssyncset.done $0x0  }
0x159: {  	[sflag:s15] =	ssyncadd.s32 $0xFFFFF000  }
0x15a: {  	[spmem:s2] =	stream.indirect.scatter.add.f32 [tilespmem:s25], [sflag:$0x2], $0x20, s0, s18, $0xb8;
	[tilespmem:$0x1E700] =	vst v63  }
0x15b: {  	_ =	swait.ge [sflag:s15], $0x1000  }
.Ltmp5:
0x15c: {  	[sflag:s15] =	ssyncset.done $0x0;
	(pc) =	sbr.rel @p1 .LBB2_6-.Ltmp5, $4  }
0x15d: {  	[sflag:s15] =	ssyncadd.s32 $0xFFFFF000  }
0x15e: {  	[spmem:s2] =	stream.indirect.scatter.add.f32 [tilespmem:s28], [sflag:$0x2], $0x20, s1, s18, $0xb8;
	[tilespmem:$0x1E700] =	vst v63  }
0x15f: {  	_ =	swait.ge [sflag:s15], $0x1000  }
0x160: {  	s11 =	smov.u32 s9;
	[sflag:s15] =	ssyncset.done $0x0  }
.Ltmp6:
0x161: {  	_ = 	snop;
	(pc) =	sbr.rel .LBB2_7-.Ltmp6, $1  }
0x162: {  	_ =	sdelay $0x3  }
.LBB2_9:
0x163: {  	_ =	sfence.sel $0x180000  }
0x164: {  	[bflag:$0x0] =	sbarrier.arrive $0xFFFF  }
0x165: {  	_ =	strace $0x90000047  }
0x166: {  	s0 =	stileid.u32;
	[bflag:$0x2] =	sbarrier.arrive $0xFFFF  }
0x167: {  	p0 =	sne.s32 s0, $0x0;
	s0 =	rddreg [dreg:$0x2]  }
0x168: {  	s0 =	sadd.s32 @!p0 $0x100000, s0  }
0x169: {  	[sflag:s0] =	ssyncadd.tile.s32 @!p0 $0x1;
	_ =	shalt  }
.Lfunc_end2:
_tile_overlayer_lowered:
.L_overlay_start_2:
0x16a: {  	(tag) =	ssettag $0x2  }
0x16b: {  	s0 =	rddreg [dreg:$0x0];
	s2 =	stileid.u32  }
0x16c: {  	s1 =	rddreg [dreg:$0x1];
	p0 =	sne.s32 s2, $0x0  }
0x16d: {  	s3 =	rddreg [dreg:$0x2];
	[bflag:$0x3] =	sbarrier.arrive $0xFFFF;
	s2 =	simm.s32 @!p0 $0x1C02  }
0x16e: {  	[timem:s3], [sflag:s2] =	dma.local @!p0 [hbm:s0], s1  }
0x16f: {  	s0 =	simm.s32 @!p0 $0x2  }
0x170: {  	_ =	swait.ge @!p0 [sflag:s0], s1  }
0x171: {  	s1 =	ssub.s32 @!p0 $0x0, s1;
	[sflag:s0] =	ssyncset.done @!p0 $0x0  }
0x172: {  	[sflag:s0] =	ssyncadd.s32 @!p0 s1  }
0x173: {  	[bflag:$0x3] =	sbarrier.arrive $0xFFFF  }
0x174: {  	_ =	shalt  }

// kernel: kernel.13.cloned.1.call-start
scs
__scs_entry_jumppad:
0x0: {  	(pc) =	sbr.rel $0x88, $3  }
0x1: {  	(tag) =	ssettag $0x0;
	lr =	simm.s32 $0x1  }
0x2: {  	[smem:$0x3F86] =	sst lr;
	_ =	strace $0xD0000000  }
0x3: {  	_ = 	snop  }
0x4: {  	_ = 	snop  }
0x5: {  	_ = 	snop  }
0x6: {  	_ = 	snop  }
0x7: {  	_ = 	snop  }
__scs_overlays_trampoline_lowered:
0x8: {  	[smem:$0x3F95] =	sst s0  }
0x9: {  	[smem:$0x3F96] =	sst s1  }
0xa: {  	[smem:$0x3F97] =	sst s2  }
0xb: {  	[smem:$0x3F98] =	sst s3  }
0xc: {  	[smem:$0x3F99] =	sst s4  }
0xd: {  	[smem:$0x3F9A] =	sst s5  }
0xe: {  	[smem:$0x3F9B] =	sst s6  }
0xf: {  	[smem:$0x3F9C] =	sst s7  }
0x10: {  	[smem:$0x3F9D] =	sst s8  }
0x11: {  	[smem:$0x3F9E] =	sst s9;
	s0 =	simm.s32 @!p0 $0x0  }
0x12: {  	s1 =	sld [smem:$0x3F84];
	s0 =	simm.s32 @p0 $0x1  }
0x13: {  	[smem:$0x3F9F] =	sst s0;
	s0 =	simm.s32 @!p1 $0x0  }
0x14: {  	s2 =	sld [smem:$0x3F83];
	s0 =	simm.s32 @p1 $0x1  }
0x15: {  	[smem:$0x3FA0] =	sst s0;
	s0 =	simm.s32 @!p2 $0x0  }
0x16: {  	s3 =	sld [smem:$0x3FDB];
	s0 =	simm.s32 @p2 $0x1  }
0x17: {  	s4 =	simm.s32 $0x1BF5;
	[smem:$0x3FA2] =	sst s0  }
0x18: {  	s0 =	sld [smem:$0x3F85];
	_ =	swait.ge [sflag:s4], $0x0  }
0x19: {  	s7 =	sld [smem:$0x3F86]  }
0x1a: {  	s8 =	sadd.s32 $0xFFFFE003, lr  }
0x1b: {  	s9 =	sadd.s32 $0xFFFFFEF7, lr;
	s5 =	simm.s32 $0xFFFFFFFF;
	p2 =	slt.u32 s8, $0xFFFFF086  }
0x1c: {  	p1 =	slt.u32 s9, $0xF7A;
	s5 =	simm.s32 @!p2 $0x0  }
0x1d: {  	s5 =	simm.s32 @p1 $0x1;
	p0 =	seq.s32 s7, s2  }
0x1e: {  	s7 =	smul.u32 @!p0 $0xF7A, s2;
	p2 =	seq.s32 @!p0 s5, $0x0  }
0x1f: {  	s9 =	smul.u32 $0xF7A, s1;
	s8 =	simm.s32 @!p0 $0x1BF5;
	p2 =	por !p2, p0  }
0x20: {  	[sflag:s8] =	ssyncset.s32 @!p0 $0xFFFFF086;
	s6 =	sadd.s32 @!p0 s3, s7;
	s7 =	simm.s32 @!p0 $0x108  }
0x21: {  	s3 =	sadd.s32 s3, s9;
	s6 =	sadd.s32 @!p0 $0x88, s6;
	s7 =	simm.s32 @p2 $0x1082  }
0x22: {  	[simem:s7], [sflag:s8] =	dma.local @!p0 [hbm:s6], $0xF7A  }
0x23: {  	s9 =	sor.u32 $0xD0000000, s2;
	s6 =	simm.s32 $0x108;
	_ =	swait.ge @!p0 [sflag:s8], $0x0  }
0x24: {  	s3 =	sadd.s32 $0x88, s3;
	s6 =	simm.s32 @!p1 $0x1082;
	[sflag:s4] =	ssyncset.s32 $0xFFFFF086  }
0x25: {  	[simem:s6], [sflag:s4] =	dma.local [hbm:s3], $0xF7A  }
0x26: {  	[smem:$0x3F86] =	sst s1;
	(tag) =	ssettag s2;
	_ =	strace s9  }
0x27: {  	s1 =	sld [smem:$0x3F96]  }
0x28: {  	s2 =	sld [smem:$0x3F97]  }
0x29: {  	s4 =	sld [smem:$0x3F99]  }
0x2a: {  	p0 =	seq.s32 s5, $0x0;
	s5 =	sld [smem:$0x3F9A]  }
0x2b: {  	s6 =	sld [smem:$0x3F9B]  }
0x2c: {  	s7 =	sld [smem:$0x3F9C]  }
0x2d: {  	s3 =	simm.s32 $0x108;
	s8 =	sld [smem:$0x3F9D]  }
0x2e: {  	s3 =	simm.s32 @!p0 $0x1082;
	s9 =	sld [smem:$0x3F9E]  }
0x2f: {  	lr =	sadd.s32 s0, s3;
	s0 =	sld [smem:$0x3F95]  }
0x30: {  	s3 =	sld [smem:$0x3F98]  }
0x31: {  	[smem:$0x3FA1] =	sst s10  }
0x32: {  	s10 =	sld [smem:$0x3F9F];
	_ =	sdelay $0x3  }
0x33: {  	p0 =	seq.s32 s10, $0x1;
	s10 =	sld [smem:$0x3FA1];
	_ =	sdelay $0x3  }
0x34: {  	[smem:$0x3FA1] =	sst s10  }
0x35: {  	s10 =	sld [smem:$0x3FA0];
	_ =	sdelay $0x3  }
0x36: {  	p1 =	seq.s32 s10, $0x1;
	s10 =	sld [smem:$0x3FA1];
	_ =	sdelay $0x3  }
0x37: {  	[smem:$0x3FA1] =	sst s10  }
0x38: {  	s10 =	sld [smem:$0x3FA2]  }
0x39: {  	_ = 	snop;
	(pc) =	sbr.ind lr, $3  }
0x3a: {  	_ = 	snop  }
0x3b: {  	_ = 	snop  }
0x3c: {  	p2 =	seq.s32 s10, $0x1;
	s10 =	sld [smem:$0x3FA1]  }
0x3d: {  	_ =	shalt  }
0x3e: {  	_ =	shalt  }
0x3f: {  	_ =	shalt  }
0x40: {  	_ =	shalt  }
0x41: {  	_ =	shalt  }
0x42: {  	_ =	shalt  }
0x43: {  	_ =	shalt  }
0x44: {  	_ =	shalt  }
0x45: {  	_ =	shalt  }
0x46: {  	_ =	shalt  }
0x47: {  	_ =	shalt  }
0x48: {  	_ =	shalt  }
0x49: {  	_ =	shalt  }
0x4a: {  	_ =	shalt  }
0x4b: {  	_ =	shalt  }
0x4c: {  	_ =	shalt  }
0x4d: {  	_ =	shalt  }
0x4e: {  	_ =	shalt  }
0x4f: {  	_ =	shalt  }
0x50: {  	_ =	shalt  }
0x51: {  	_ =	shalt  }
0x52: {  	_ =	shalt  }
0x53: {  	_ =	shalt  }
0x54: {  	_ =	shalt  }
0x55: {  	_ =	shalt  }
0x56: {  	_ =	shalt  }
0x57: {  	_ =	shalt  }
0x58: {  	_ =	shalt  }
0x59: {  	_ =	shalt  }
0x5a: {  	_ =	shalt  }
0x5b: {  	_ =	shalt  }
0x5c: {  	_ =	shalt  }
0x5d: {  	_ =	shalt  }
0x5e: {  	_ =	shalt  }
0x5f: {  	_ =	shalt  }
0x60: {  	_ =	shalt  }
0x61: {  	_ =	shalt  }
0x62: {  	_ =	shalt  }
0x63: {  	_ =	shalt  }
0x64: {  	_ =	shalt  }
0x65: {  	_ =	shalt  }
0x66: {  	_ =	shalt  }
0x67: {  	_ =	shalt  }
0x68: {  	_ =	shalt  }
0x69: {  	_ =	shalt  }
0x6a: {  	_ =	shalt  }
0x6b: {  	_ =	shalt  }
0x6c: {  	_ =	shalt  }
0x6d: {  	_ =	shalt  }
0x6e: {  	_ =	shalt  }
0x6f: {  	_ =	shalt  }
0x70: {  	_ =	shalt  }
0x71: {  	_ =	shalt  }
0x72: {  	_ =	shalt  }
0x73: {  	_ =	shalt  }
0x74: {  	_ =	shalt  }
0x75: {  	_ =	shalt  }
0x76: {  	_ =	shalt  }
0x77: {  	_ =	shalt  }
0x78: {  	_ =	shalt  }
0x79: {  	_ =	shalt  }
0x7a: {  	_ =	shalt  }
0x7b: {  	_ =	shalt  }
0x7c: {  	_ =	shalt  }
0x7d: {  	_ =	shalt  }
0x7e: {  	_ =	shalt  }
0x7f: {  	_ =	shalt  }
0x80: {  	_ =	shalt  }
0x81: {  	_ =	shalt  }
0x82: {  	_ =	shalt  }
0x83: {  	_ =	shalt  }
0x84: {  	_ =	shalt  }
0x85: {  	_ =	shalt  }
0x86: {  	_ =	shalt  }
0x87: {  	_ =	shalt  }
.Lfunc_end0:
.L_simem_size_0:
called_computation.1_lowered:
.L_overlay_start_0:
0x88: {  	s2 =	sld [smem:$0x3FD9]  }
0x89: {  	s3 =	sld [smem:$0x3FFE];
	_ =	sdelay $0x1  }
0x8a: {  	s1 =	srdreg.scid  }
0x8b: {  	s0 =	sand.u32 $0x1, s1  }
0x8c: {  	s16 =	sshll.u32 s0, $0xA;
	s2 =	sadd.s32 s3, s2  }
0x8d: {  	s2 =	sadd.s32 s2, s16  }
0x8e: {  	[smem:$0x3FAD] =	sst s2  }
0x8f: {  	_ = 	snop  }
0x90: {  	(tm) =	ssettm $0x1  }
0x91: {  	s17 =	sld [smem:$0x3FFB];
	_ =	sdelay $0x3  }
0x92: {  	_ =	strace s17  }
0x93: {  	s2 =	sld [smem:$0x3FFC];
	_ =	sdelay $0x3  }
0x94: {  	_ =	strace s2  }
0x95: {  	s2 =	sld [smem:$0x3FFD];
	_ =	sdelay $0x3  }
0x96: {  	_ =	strace s2  }
0x97: {  	_ =	strace $0x8FFFFFFF  }
0x98: {  	s18 =	sld [smem:$0x3FDB];
	_ =	sdelay $0x1  }
0x99: {  	s19 =	simm.s32 $_scs_section_size  }
0x9a: {  	s4 =	simm.s32 $_size__tile_overlayer_lowered;
	s5 =	simm.s32 $_tile_overlayer_lowered  }
0x9b: {  	s22 =	simm.s32 $0x1BFF;
	s21 =	sshll.u32 s5, $0x1;
	s2 =	sadd.s32 s19, s18  }
0x9c: {  	s6 =	simm.s32 $0x0;
	s20 =	sshll.u32 s4, $0x1;
	s4 =	sadd.s32 s21, s2  }
0x9d: {  	[timem:s6], [sflag:s22] =	dma.local [hbm:s4], s20  }
0x9e: {  	_ =	swait.ge [sflag:s22], s20  }
0x9f: {  	s3 =	ssub.s32 $0x0, s20;
	[sflag:s22] =	ssyncset.done $0x0  }
0xa0: {  	[sflag:s22] =	ssyncadd.s32 s3;
	_ =	sdelay $0x1  }
0xa1: {  	s23 =	simm.s32 $0x1B8B  }
0xa2: {  	_ =	swait.ge [sflag:s23], $0x1  }
0xa3: {  	[sflag:s23] =	ssyncset.done $0x0  }
0xa4: {  	s25 =	simm.s32 $0x1B8E;
	s24 =	sld [smem:$0x3FFE];
	[sflag:s23] =	ssyncadd.s32 $0xFFFFFFFF  }
0xa5: {  	s26 =	simm.s32 $execute0_lowered;
	[smem:$0x3FD2] =	sst s25  }
0xa6: {  	s4 =	sshll.u32 s26, $0x1;
	_ =	strace $0x80000049;
	[dreg:$0x1] =	wrdreg $0xFFFFFFFF  }
0xa7: {  	s28 =	simm.s32 $_size_execute0_lowered;
	s2 =	sadd.s32 s2, s4;
	[dreg:$0x0] =	wrdreg $0x0  }
0xa8: {  	s4 =	sshll.u32 s28, $0x1;
	[dreg:$0x2] =	wrdreg s2  }
0xa9: {  	[dreg:$0x3] =	wrdreg s4  }
0xaa: {  	[dreg:$0x4] =	wrdreg $0xC0  }
0xab: {  	_ =	task [dreg:s6], $0x5FFFF  }
0xac: {  	[dreg:$0x1] =	wrdreg $0xFFFFFFFF  }
0xad: {  	[dreg:$0x0] =	wrdreg $0x60  }
0xae: {  	[dreg:$0x2] =	wrdreg s24  }
0xaf: {  	[dreg:$0x3] =	wrdreg $0x0  }
0xb0: {  	[dreg:$0x4] =	wrdreg $0x9  }
0xb1: {  	_ =	task.clear_ibuf [dreg:s6], $0x5FFFF;
	_ =	strace $0x90000049  }
0xb2: {  	s29 =	simm.s32 $0x9;
	_ =	strace $0x8000004B  }
0xb3: {  	_ =	swait.ge [sflag:s29], $0x1  }
0xb4: {  	[sflag:s29] =	ssyncadd.s32 $0xFFFFFFFF  }
0xb5: {  	_ =	strace $0x9000004B  }
0xb6: {  	_ =	sfence  }
0xb7: {  	s30 =	sld [smem:$0x0];
	_ =	sdelay $0x2  }
0xb8: {  	s31 =	sshll.u32 s1, $0xD;
	s1 =	sshrl.u32 s1, $0x2  }
0xb9: {  	s3 =	sand.u32 $0x4000, s31;
	s1 =	sadd.s32 s1, s30  }
0xba: {  	s0 =	sor.u32 s3, s0;
	s1 =	sshll.u32 s1, $0x11  }
0xbb: {  	s0 =	sor.u32 s1, s0  }
0xbc: {  	s0 =	sadd.s32 $0x8F2B, s0  }
0xbd: {  	[sflag:s0] =	ssyncadd.remote.s32 $0x1  }
0xbe: {  	_ =	sfence.sel $0xFFFF  }
0xbf: {  	[dreg:$0x0] =	wrdreg $0xFFFFFFFF;
	(pc) =	sbr.abs _section_cstart, $3  }
0xc0: {  	[dreg:$0x1] =	wrdreg $0xFFFFFFFF  }
0xc1: {  	_ =	task.clear_ibuf [dreg:s6], $0x2FFFF;
	_ =	strace $0x9FFFFFFF  }
0xc2: {  	(tm) =	ssettm $0x7FFFFFFF  }
0xc3: {  	_ =	shalt  }
tec
execute0_lowered:
.L_overlay_start_1:
0x0: {  	(tag) =	ssettag $0x1  }
0x1: {  	s0 =	rddreg [dreg:$0x0]  }
0x2: {  	s2 =	rddreg [dreg:$0x1];
	s3 =	simm.s32 $0x0;
	s12 =	stileid.u32  }
0x3: {  	s6 =	srdreg.scid;
	s15 =	simm.s32 $0x2;
	s16 =	simm.s32 $0x18700  }
0x4: {  	s17 =	simm.s32 $0x18F00;
	s18 =	simm.s32 $0x80;
	s19 =	simm.s32 $0x19700  }
0x5: {  	s20 =	simm.s32 $0x18780;
	s21 =	simm.s32 $0x1A700;
	s28 =	simm.s32 $0x1D700  }
0x6: {  	s29 =	simm.s32 $0x1;
	s30 =	simm.s32 $0x18F80;
	s1 =	smul.u32 $0x1900, s12  }
0x7: {  	s31 =	simm.s32 $0x19000;
	[smem:$0x7FF] =	sst s3;
	s7 =	smul.u32 $0x18700, s12  }
0x8: {  	s4 =	sadd.s32 $0x36600, s0;
	s5 =	sadd.s32 $0x5800, s0;
	s8 =	sand.u32 $0x1, s6  }
0x9: {  	s23 =	sadd.s32 $0xCA200, s0;
	s25 =	sshll.u32 s12, $0x6;
	_ =	strace $0x8000004A  }
0xa: {  	s9 =	ssub.s32 $0x2, s8;
	[dreg:$0x4] =	wrdreg s23;
	p0 =	sne.s32 s8, $0x0  }
0xb: {  	s23 =	simm.s32 $0x1B700;
	s1 =	sadd.s32 s1, s0;
	s22 =	sshrl.u32 s7, $0x3  }
0xc: {  	s11 =	sshrl.u32 s9, $0x1;
	s7 =	sadd.s32 s7, s2;
	[dreg:$0x3] =	wrdreg s22  }
0xd: {  	s10 =	sadd.s32 s22, s0;
	s0 =	sadd.s32 $0x99400, s0;
	s24 =	ssub.s32 s9, s11  }
0xe: {  	s9 =	sor.u32 $0x1C02, s25;
	s12 =	sadd.s32 $0x67400, s1;
	s13 =	sadd.s32 $0x80400, s1  }
.Ltmp0:
0xf: {  	s8 =	sshrl.u32 s7, $0x3;
	s22 =	simm.s32 $0x18800;
	(pc) =	sbr.rel .LBB2_1-.Ltmp0, $4  }
0x10: {  	s25 =	simm.s32 $0x1C700;
	s1 =	simm.s32 $0x19100;
	[dreg:$0x5] =	wrdreg s0  }
0x11: {  	s7 =	simm.s32 $0x0;
	s26 =	sadd.s32 $0x250000, s10;
	[dreg:$0x8] =	wrdreg s9  }
0x12: {  	s0 =	smax.u32 s24, $0x1;
	s24 =	simm.s32 $0x18880;
	[dreg:$0x6] =	wrdreg s26  }
0x13: {  	[dreg:$0x7] =	wrdreg s0;
	s26 =	simm.s32 $0x18900;
	s0 =	simm.s32 $0x19080  }
.LBB2_7:
0x14: {  	s6 =	sadd.s32 s8, s13;
	[sflag:s15] =	ssyncadd.s32 $0xFFFFF000  }
0x15: {  	[tilespmem:s16], [sflag:$0x2] =	stream.linear.gather [hbm4b:s6+s3], $0x280, $0x38;
	[tilespmem:$0x1E700] =	vst v63  }
0x16: {  	_ =	swait.ge [sflag:s15], $0x280  }
0x17: {  	[sflag:s15] =	ssyncset.done $0x0  }
0x18: {  	s11 =	sadd.s32 s8, s12;
	[sflag:s15] =	ssyncadd.s32 $0xFFFFFD80  }
0x19: {  	[tilespmem:s17], [sflag:$0x2] =	stream.linear.gather [hbm4b:s11+s3], $0x280, $0x38;
	[tilespmem:$0x1E700] =	vst v63  }
0x1a: {  	_ =	swait.ge [sflag:s15], $0x280  }
0x1b: {  	[sflag:s15] =	ssyncset.done $0x0  }
0x1c: {  	[sflag:s15] =	ssyncadd.s32 $0xFFFFFD80  }
0x1d: {  	[tilespmem:s19], [sflag:$0x1] =	stream.indirect.gather [hbm4b:s5+s18], $0x20, s16, s18, $0xb8;
	[tilespmem:$0x1E700] =	vst v63  }
0x1e: {  	_ = 	snop  }
0x1f: {  	[tilespmem:s21], [sflag:$0x1] =	stream.indirect.gather [hbm4b:s5+s18], $0x20, s20, s18, $0xb8;
	[tilespmem:$0x1E700] =	vst v63  }
0x20: {  	_ = 	snop  }
0x21: {  	[tilespmem:s23], [sflag:$0x1] =	stream.indirect.gather [hbm4b:s5+s18], $0x20, s22, s18, $0xb8;
	[tilespmem:$0x1E700] =	vst v63  }
0x22: {  	_ = 	snop  }
0x23: {  	[tilespmem:s25], [sflag:$0x1] =	stream.indirect.gather [hbm4b:s5+s18], $0x20, s24, s18, $0xb8;
	[tilespmem:$0x1E700] =	vst v63  }
0x24: {  	_ = 	snop  }
0x25: {  	[tilespmem:s28], [sflag:$0x1] =	stream.indirect.gather [hbm4b:s5+s18], $0x20, s26, s18, $0xb8;
	[tilespmem:$0x1E700] =	vst v63  }
0x26: {  	_ =	swait.ge [sflag:s29], $0x1000  }
0x27: {  	[sflag:s29] =	ssyncset.done $0x0  }
0x28: {  	[sflag:s29] =	ssyncadd.s32 $0xFFFFF000  }
0x29: {  	_ =	swait.ge [sflag:s29], $0x1000  }
0x2a: {  	[sflag:s29] =	ssyncset.done $0x0  }
0x2b: {  	[sflag:s29] =	ssyncadd.s32 $0xFFFFF000  }
0x2c: {  	_ =	swait.ge [sflag:s29], $0x1000  }
0x2d: {  	[sflag:s29] =	ssyncset.done $0x0  }
0x2e: {  	[sflag:s29] =	ssyncadd.s32 $0xFFFFF000  }
0x2f: {  	_ =	swait.ge [sflag:s29], $0x1000  }
0x30: {  	[sflag:s29] =	ssyncset.done $0x0  }
0x31: {  	[sflag:s29] =	ssyncadd.s32 $0xFFFFF000  }
0x32: {  	_ =	swait.ge [sflag:s29], $0x1000  }
0x33: {  	[sflag:s29] =	ssyncset.done $0x0  }
0x34: {  	[sflag:s29] =	ssyncadd.s32 $0xFFFFF000  }
0x35: {  	[spmem:s2] =	stream.indirect.scatter.add.f32 [tilespmem:s19], [sflag:$0x2], $0x20, s17, s18, $0xb8;
	[tilespmem:$0x1E700] =	vst v63  }
0x36: {  	_ =	swait.ge [sflag:s15], $0x1000  }
0x37: {  	[sflag:s15] =	ssyncset.done $0x0  }
0x38: {  	[sflag:s15] =	ssyncadd.s32 $0xFFFFF000  }
0x39: {  	[spmem:s2] =	stream.indirect.scatter.add.f32 [tilespmem:s21], [sflag:$0x2], $0x20, s30, s18, $0xb8;
	[tilespmem:$0x1E700] =	vst v63  }
0x3a: {  	_ =	swait.ge [sflag:s15], $0x1000  }
0x3b: {  	[sflag:s15] =	ssyncset.done $0x0  }
0x3c: {  	[sflag:s15] =	ssyncadd.s32 $0xFFFFF000  }
0x3d: {  	[spmem:s2] =	stream.indirect.scatter.add.f32 [tilespmem:s23], [sflag:$0x2], $0x20, s31, s18, $0xb8;
	[tilespmem:$0x1E700] =	vst v63  }
0x3e: {  	_ =	swait.ge [sflag:s15], $0x1000  }
0x3f: {  	[sflag:s15] =	ssyncset.done $0x0  }
0x40: {  	[sflag:s15] =	ssyncadd.s32 $0xFFFFF000  }
0x41: {  	[spmem:s2] =	stream.indirect.scatter.add.f32 [tilespmem:s25], [sflag:$0x2], $0x20, s0, s18, $0xb8;
	[tilespmem:$0x1E700] =	vst v63  }
0x42: {  	_ =	swait.ge [sflag:s15], $0x1000  }
0x43: {  	[sflag:s15] =	ssyncset.done $0x0  }
0x44: {  	[sflag:s15] =	ssyncadd.s32 $0xFFFFF000  }
0x45: {  	[spmem:s2] =	stream.indirect.scatter.add.f32 [tilespmem:s28], [sflag:$0x2], $0x20, s1, s18, $0xb8;
	[tilespmem:$0x1E700] =	vst v63  }
0x46: {  	_ =	swait.ge [sflag:s15], $0x1000  }
0x47: {  	[sflag:s15] =	ssyncset.done $0x0  }
0x48: {  	s8 =	rddreg [dreg:$0x5];
	[sflag:s15] =	ssyncadd.s32 $0xFFFFF000  }
.LBB2_8:
0x49: {  	s6 =	rddreg [dreg:$0x3];
	[bflag:$0x0] =	sbarrier.arrive $0xFFFF  }
0x4a: {  	s6 =	sadd.s32 s8, s6;
	s9 =	rddreg [dreg:$0x8]  }
0x4b: {  	[hbm:s6], [sflag:s9] =	dma.local [spmem:s14], $0x30E0  }
0x4c: {  	_ =	swait.ge [sflag:s15], $0x30E0  }
0x4d: {  	s7 =	sadd.s32 $0x1, s7;
	s8 =	smov.u32 s14;
	s14 =	rddreg [dreg:$0x7]  }
0x4e: {  	p1 =	sne.s32 s7, s14  }
.Ltmp1:
0x4f: {  	_ = 	snop;
	(pc) =	sbr.rel @!p1 .LBB2_9-.Ltmp1, $3  }
0x50: {  	_ =	sdelay $0x1  }
0x51: {  	[sflag:s15] =	ssyncset.done $0x0  }
0x52: {  	[sflag:s15] =	ssyncadd.s32 $0xFFFFCF20  }
.LBB2_1:
0x53: {  	s6 =	rddreg [dreg:$0x6]  }
0x54: {  	[spmem:s8], [sflag:s9] =	dma.local [hbm:s6], $0x30E0  }
.Ltmp2:
0x55: {  	_ =	swait.ge [sflag:s15], $0x30E0;
	(pc) =	sbr.rel @p0 .LBB2_5-.Ltmp2, $4  }
0x56: {  	[sflag:s15] =	ssyncset.done $0x0  }
0x57: {  	[sflag:s15] =	ssyncadd.s32 $0xFFFFCF20  }
0x58: {  	[bflag:$0x0] =	sbarrier.arrive $0xFFFF  }
0x59: {  	s14 =	smov.u32 s8  }
0x5a: {  	s8 =	sadd.s32 $0x0, s13  }
0x5b: {  	[tilespmem:s16], [sflag:$0x2] =	stream.linear.gather [hbm4b:s8+s3], $0x280, $0x38;
	[tilespmem:$0x1E700] =	vst v63  }
0x5c: {  	_ =	swait.ge [sflag:s15], $0x280  }
0x5d: {  	[sflag:s15] =	ssyncset.done $0x0  }
0x5e: {  	s11 =	sadd.s32 $0x0, s12;
	[sflag:s15] =	ssyncadd.s32 $0xFFFFFD80  }
0x5f: {  	[tilespmem:s17], [sflag:$0x2] =	stream.linear.gather [hbm4b:s11+s3], $0x280, $0x38;
	[tilespmem:$0x1E700] =	vst v63  }
0x60: {  	_ =	swait.ge [sflag:s15], $0x280  }
0x61: {  	[sflag:s15] =	ssyncset.done $0x0  }
0x62: {  	[sflag:s15] =	ssyncadd.s32 $0xFFFFFD80  }
0x63: {  	[tilespmem:s19], [sflag:$0x1] =	stream.indirect.gather [hbm4b:s4+s18], $0x20, s16, s18, $0xb8;
	[tilespmem:$0x1E700] =	vst v63  }
0x64: {  	_ = 	snop  }
0x65: {  	[tilespmem:s21], [sflag:$0x1] =	stream.indirect.gather [hbm4b:s4+s18], $0x20, s20, s18, $0xb8;
	[tilespmem:$0x1E700] =	vst v63  }
0x66: {  	_ = 	snop  }
0x67: {  	[tilespmem:s23], [sflag:$0x1] =	stream.indirect.gather [hbm4b:s4+s18], $0x20, s22, s18, $0xb8;
	[tilespmem:$0x1E700] =	vst v63  }
0x68: {  	_ = 	snop  }
0x69: {  	[tilespmem:s25], [sflag:$0x1] =	stream.indirect.gather [hbm4b:s4+s18], $0x20, s24, s18, $0xb8;
	[tilespmem:$0x1E700] =	vst v63  }
0x6a: {  	_ = 	snop  }
0x6b: {  	[tilespmem:s28], [sflag:$0x1] =	stream.indirect.gather [hbm4b:s4+s18], $0x20, s26, s18, $0xb8;
	[tilespmem:$0x1E700] =	vst v63  }
0x6c: {  	_ =	swait.ge [sflag:s29], $0x1000  }
0x6d: {  	[sflag:s29] =	ssyncset.done $0x0  }
0x6e: {  	[sflag:s29] =	ssyncadd.s32 $0xFFFFF000  }
0x6f: {  	_ =	swait.ge [sflag:s29], $0x1000  }
0x70: {  	[sflag:s29] =	ssyncset.done $0x0  }
0x71: {  	[sflag:s29] =	ssyncadd.s32 $0xFFFFF000  }
0x72: {  	_ =	swait.ge [sflag:s29], $0x1000  }
0x73: {  	[sflag:s29] =	ssyncset.done $0x0  }
0x74: {  	[sflag:s29] =	ssyncadd.s32 $0xFFFFF000  }
0x75: {  	_ =	swait.ge [sflag:s29], $0x1000  }
0x76: {  	[sflag:s29] =	ssyncset.done $0x0  }
0x77: {  	[sflag:s29] =	ssyncadd.s32 $0xFFFFF000  }
0x78: {  	_ =	swait.ge [sflag:s29], $0x1000  }
0x79: {  	[sflag:s29] =	ssyncset.done $0x0  }
0x7a: {  	[sflag:s29] =	ssyncadd.s32 $0xFFFFF000  }
0x7b: {  	[spmem:s2] =	stream.indirect.scatter.add.f32 [tilespmem:s19], [sflag:$0x2], $0x20, s17, s18, $0xb8;
	[tilespmem:$0x1E700] =	vst v63  }
0x7c: {  	_ =	swait.ge [sflag:s15], $0x1000  }
0x7d: {  	[sflag:s15] =	ssyncset.done $0x0  }
0x7e: {  	[sflag:s15] =	ssyncadd.s32 $0xFFFFF000  }
0x7f: {  	[spmem:s2] =	stream.indirect.scatter.add.f32 [tilespmem:s21], [sflag:$0x2], $0x20, s30, s18, $0xb8;
	[tilespmem:$0x1E700] =	vst v63  }
0x80: {  	_ =	swait.ge [sflag:s15], $0x1000  }
0x81: {  	[sflag:s15] =	ssyncset.done $0x0  }
0x82: {  	[sflag:s15] =	ssyncadd.s32 $0xFFFFF000  }
0x83: {  	[spmem:s2] =	stream.indirect.scatter.add.f32 [tilespmem:s23], [sflag:$0x2], $0x20, s31, s18, $0xb8;
	[tilespmem:$0x1E700] =	vst v63  }
0x84: {  	_ =	swait.ge [sflag:s15], $0x1000  }
0x85: {  	[sflag:s15] =	ssyncset.done $0x0  }
0x86: {  	[sflag:s15] =	ssyncadd.s32 $0xFFFFF000  }
0x87: {  	[spmem:s2] =	stream.indirect.scatter.add.f32 [tilespmem:s25], [sflag:$0x2], $0x20, s0, s18, $0xb8;
	[tilespmem:$0x1E700] =	vst v63  }
0x88: {  	_ =	swait.ge [sflag:s15], $0x1000  }
0x89: {  	[sflag:s15] =	ssyncset.done $0x0  }
0x8a: {  	[sflag:s15] =	ssyncadd.s32 $0xFFFFF000  }
0x8b: {  	[spmem:s2] =	stream.indirect.scatter.add.f32 [tilespmem:s28], [sflag:$0x2], $0x20, s1, s18, $0xb8;
	[tilespmem:$0x1E700] =	vst v63  }
0x8c: {  	_ =	swait.ge [sflag:s15], $0x1000  }
0x8d: {  	s9 =	simm.s32 $0xA0;
	s8 =	simm.s32 $0x50;
	[sflag:s15] =	ssyncset.done $0x0  }
.LBB2_3:
0x8e: {  	s6 =	sadd.s32 s8, s13  }
0x8f: {  	[sflag:s15] =	ssyncadd.s32 $0xFFFFF000;
	s10 =	smov.u32 s9;
	s11 =	sadd.s32 $0x50, s9  }
0x90: {  	[tilespmem:s16], [sflag:$0x2] =	stream.linear.gather [hbm4b:s6+s3], $0x280, $0x38;
	[tilespmem:$0x1E700] =	vst v63  }
0x91: {  	p1 =	seq.s32 s9, $0x18B0;
	_ =	swait.ge [sflag:s15], $0x280  }
0x92: {  	[sflag:s15] =	ssyncset.done $0x0  }
0x93: {  	s6 =	sadd.s32 s8, s12;
	s8 =	smov.u32 s10;
	[sflag:s15] =	ssyncadd.s32 $0xFFFFFD80  }
0x94: {  	[tilespmem:s17], [sflag:$0x2] =	stream.linear.gather [hbm4b:s6+s3], $0x280, $0x38;
	[tilespmem:$0x1E700] =	vst v63  }
0x95: {  	_ =	swait.ge [sflag:s15], $0x280  }
0x96: {  	[sflag:s15] =	ssyncset.done $0x0  }
0x97: {  	[sflag:s15] =	ssyncadd.s32 $0xFFFFFD80  }
0x98: {  	[tilespmem:s19], [sflag:$0x1] =	stream.indirect.gather [hbm4b:s4+s18], $0x20, s16, s18, $0xb8;
	[tilespmem:$0x1E700] =	vst v63  }
0x99: {  	_ = 	snop  }
0x9a: {  	[tilespmem:s21], [sflag:$0x1] =	stream.indirect.gather [hbm4b:s4+s18], $0x20, s20, s18, $0xb8;
	[tilespmem:$0x1E700] =	vst v63  }
0x9b: {  	_ = 	snop  }
0x9c: {  	[tilespmem:s23], [sflag:$0x1] =	stream.indirect.gather [hbm4b:s4+s18], $0x20, s22, s18, $0xb8;
	[tilespmem:$0x1E700] =	vst v63  }
0x9d: {  	_ = 	snop  }
0x9e: {  	[tilespmem:s25], [sflag:$0x1] =	stream.indirect.gather [hbm4b:s4+s18], $0x20, s24, s18, $0xb8;
	[tilespmem:$0x1E700] =	vst v63  }
0x9f: {  	_ = 	snop  }
0xa0: {  	[tilespmem:s28], [sflag:$0x1] =	stream.indirect.gather [hbm4b:s4+s18], $0x20, s26, s18, $0xb8;
	[tilespmem:$0x1E700] =	vst v63  }
0xa1: {  	_ =	swait.ge [sflag:s29], $0x1000  }
0xa2: {  	[sflag:s29] =	ssyncset.done $0x0  }
0xa3: {  	[sflag:s29] =	ssyncadd.s32 $0xFFFFF000  }
0xa4: {  	_ =	swait.ge [sflag:s29], $0x1000  }
0xa5: {  	[sflag:s29] =	ssyncset.done $0x0  }
0xa6: {  	[sflag:s29] =	ssyncadd.s32 $0xFFFFF000  }
0xa7: {  	_ =	swait.ge [sflag:s29], $0x1000  }
0xa8: {  	[sflag:s29] =	ssyncset.done $0x0  }
0xa9: {  	[sflag:s29] =	ssyncadd.s32 $0xFFFFF000  }
0xaa: {  	_ =	swait.ge [sflag:s29], $0x1000  }
0xab: {  	[sflag:s29] =	ssyncset.done $0x0  }
0xac: {  	[sflag:s29] =	ssyncadd.s32 $0xFFFFF000  }
0xad: {  	_ =	swait.ge [sflag:s29], $0x1000  }
0xae: {  	[sflag:s29] =	ssyncset.done $0x0  }
0xaf: {  	[sflag:s29] =	ssyncadd.s32 $0xFFFFF000  }
0xb0: {  	[spmem:s2] =	stream.indirect.scatter.add.f32 [tilespmem:s19], [sflag:$0x2], $0x20, s17, s18, $0xb8;
	[tilespmem:$0x1E700] =	vst v63  }
0xb1: {  	_ =	swait.ge [sflag:s15], $0x1000  }
0xb2: {  	[sflag:s15] =	ssyncset.done $0x0  }
0xb3: {  	[sflag:s15] =	ssyncadd.s32 $0xFFFFF000  }
0xb4: {  	[spmem:s2] =	stream.indirect.scatter.add.f32 [tilespmem:s21], [sflag:$0x2], $0x20, s30, s18, $0xb8;
	[tilespmem:$0x1E700] =	vst v63  }
0xb5: {  	_ =	swait.ge [sflag:s15], $0x1000  }
0xb6: {  	[sflag:s15] =	ssyncset.done $0x0  }
0xb7: {  	[sflag:s15] =	ssyncadd.s32 $0xFFFFF000  }
0xb8: {  	[spmem:s2] =	stream.indirect.scatter.add.f32 [tilespmem:s23], [sflag:$0x2], $0x20, s31, s18, $0xb8;
	[tilespmem:$0x1E700] =	vst v63  }
0xb9: {  	_ =	swait.ge [sflag:s15], $0x1000  }
0xba: {  	[sflag:s15] =	ssyncset.done $0x0  }
0xbb: {  	[sflag:s15] =	ssyncadd.s32 $0xFFFFF000  }
0xbc: {  	[spmem:s2] =	stream.indirect.scatter.add.f32 [tilespmem:s25], [sflag:$0x2], $0x20, s0, s18, $0xb8;
	[tilespmem:$0x1E700] =	vst v63  }
0xbd: {  	_ =	swait.ge [sflag:s15], $0x1000  }
.Ltmp3:
0xbe: {  	[sflag:s15] =	ssyncset.done $0x0;
	(pc) =	sbr.rel @!p1 .LBB2_3-.Ltmp3, $4  }
0xbf: {  	[sflag:s15] =	ssyncadd.s32 $0xFFFFF000  }
0xc0: {  	[spmem:s2] =	stream.indirect.scatter.add.f32 [tilespmem:s28], [sflag:$0x2], $0x20, s1, s18, $0xb8;
	[tilespmem:$0x1E700] =	vst v63  }
0xc1: {  	_ =	swait.ge [sflag:s15], $0x1000  }
0xc2: {  	s9 =	smov.u32 s11;
	[sflag:s15] =	ssyncset.done $0x0  }
0xc3: {  	s6 =	sadd.s32 s8, s13;
	[sflag:s15] =	ssyncadd.s32 $0xFFFFF000  }
0xc4: {  	[tilespmem:s16], [sflag:$0x2] =	stream.linear.gather [hbm4b:s6+s3], $0x280, $0x38;
	[tilespmem:$0x1E700] =	vst v63  }
0xc5: {  	_ =	swait.ge [sflag:s15], $0x280  }
0xc6: {  	[sflag:s15] =	ssyncset.done $0x0  }
0xc7: {  	s11 =	sadd.s32 s8, s12;
	[sflag:s15] =	ssyncadd.s32 $0xFFFFFD80  }
0xc8: {  	[tilespmem:s17], [sflag:$0x2] =	stream.linear.gather [hbm4b:s11+s3], $0x280, $0x38;
	[tilespmem:$0x1E700] =	vst v63  }
0xc9: {  	_ =	swait.ge [sflag:s15], $0x280  }
0xca: {  	[sflag:s15] =	ssyncset.done $0x0  }
0xcb: {  	[sflag:s15] =	ssyncadd.s32 $0xFFFFFD80  }
0xcc: {  	[tilespmem:s19], [sflag:$0x1] =	stream.indirect.gather [hbm4b:s4+s18], $0x20, s16, s18, $0xb8;
	[tilespmem:$0x1E700] =	vst v63  }
0xcd: {  	_ = 	snop  }
0xce: {  	[tilespmem:s21], [sflag:$0x1] =	stream.indirect.gather [hbm4b:s4+s18], $0x20, s20, s18, $0xb8;
	[tilespmem:$0x1E700] =	vst v63  }
0xcf: {  	_ = 	snop  }
0xd0: {  	[tilespmem:s23], [sflag:$0x1] =	stream.indirect.gather [hbm4b:s4+s18], $0x20, s22, s18, $0xb8;
	[tilespmem:$0x1E700] =	vst v63  }
0xd1: {  	_ = 	snop  }
0xd2: {  	[tilespmem:s25], [sflag:$0x1] =	stream.indirect.gather [hbm4b:s4+s18], $0x20, s24, s18, $0xb8;
	[tilespmem:$0x1E700] =	vst v63  }
0xd3: {  	_ = 	snop  }
0xd4: {  	[tilespmem:s28], [sflag:$0x1] =	stream.indirect.gather [hbm4b:s4+s18], $0x20, s26, s18, $0xb8;
	[tilespmem:$0x1E700] =	vst v63  }
0xd5: {  	_ =	swait.ge [sflag:s29], $0x1000  }
0xd6: {  	[sflag:s29] =	ssyncset.done $0x0  }
0xd7: {  	[sflag:s29] =	ssyncadd.s32 $0xFFFFF000  }
0xd8: {  	_ =	swait.ge [sflag:s29], $0x1000  }
0xd9: {  	[sflag:s29] =	ssyncset.done $0x0  }
0xda: {  	[sflag:s29] =	ssyncadd.s32 $0xFFFFF000  }
0xdb: {  	_ =	swait.ge [sflag:s29], $0x1000  }
0xdc: {  	[sflag:s29] =	ssyncset.done $0x0  }
0xdd: {  	[sflag:s29] =	ssyncadd.s32 $0xFFFFF000  }
0xde: {  	_ =	swait.ge [sflag:s29], $0x1000  }
0xdf: {  	[sflag:s29] =	ssyncset.done $0x0  }
0xe0: {  	[sflag:s29] =	ssyncadd.s32 $0xFFFFF000  }
0xe1: {  	_ =	swait.ge [sflag:s29], $0x1000  }
0xe2: {  	[sflag:s29] =	ssyncset.done $0x0  }
0xe3: {  	[sflag:s29] =	ssyncadd.s32 $0xFFFFF000  }
0xe4: {  	[spmem:s2] =	stream.indirect.scatter.add.f32 [tilespmem:s19], [sflag:$0x2], $0x20, s17, s18, $0xb8;
	[tilespmem:$0x1E700] =	vst v63  }
0xe5: {  	_ =	swait.ge [sflag:s15], $0x1000  }
0xe6: {  	[sflag:s15] =	ssyncset.done $0x0  }
0xe7: {  	[sflag:s15] =	ssyncadd.s32 $0xFFFFF000  }
0xe8: {  	[spmem:s2] =	stream.indirect.scatter.add.f32 [tilespmem:s21], [sflag:$0x2], $0x20, s30, s18, $0xb8;
	[tilespmem:$0x1E700] =	vst v63  }
0xe9: {  	_ =	swait.ge [sflag:s15], $0x1000  }
0xea: {  	[sflag:s15] =	ssyncset.done $0x0  }
0xeb: {  	[sflag:s15] =	ssyncadd.s32 $0xFFFFF000  }
0xec: {  	[spmem:s2] =	stream.indirect.scatter.add.f32 [tilespmem:s23], [sflag:$0x2], $0x20, s31, s18, $0xb8;
	[tilespmem:$0x1E700] =	vst v63  }
0xed: {  	_ =	swait.ge [sflag:s15], $0x1000  }
0xee: {  	[sflag:s15] =	ssyncset.done $0x0  }
0xef: {  	[sflag:s15] =	ssyncadd.s32 $0xFFFFF000  }
0xf0: {  	[spmem:s2] =	stream.indirect.scatter.add.f32 [tilespmem:s25], [sflag:$0x2], $0x20, s0, s18, $0xb8;
	[tilespmem:$0x1E700] =	vst v63  }
0xf1: {  	_ =	swait.ge [sflag:s15], $0x1000  }
0xf2: {  	[sflag:s15] =	ssyncset.done $0x0  }
.Ltmp4:
0xf3: {  	[sflag:s15] =	ssyncadd.s32 $0xFFFFF000;
	(pc) =	sbr.rel .LBB2_8-.Ltmp4, $4  }
0xf4: {  	[spmem:s2] =	stream.indirect.scatter.add.f32 [tilespmem:s28], [sflag:$0x2], $0x20, s1, s18, $0xb8;
	[tilespmem:$0x1E700] =	vst v63  }
0xf5: {  	_ =	swait.ge [sflag:s15], $0x1000  }
0xf6: {  	[sflag:s15] =	ssyncset.done $0x0  }
0xf7: {  	s8 =	rddreg [dreg:$0x4];
	[sflag:s15] =	ssyncadd.s32 $0xFFFFF000  }
.LBB2_5:
0xf8: {  	s6 =	sadd.s32 $0x0, s13  }
0xf9: {  	[tilespmem:s16], [sflag:$0x2] =	stream.linear.gather [hbm4b:s6+s3], $0x280, $0x38;
	[tilespmem:$0x1E700] =	vst v63  }
0xfa: {  	_ =	swait.ge [sflag:s15], $0x280  }
0xfb: {  	[sflag:s15] =	ssyncset.done $0x0  }
0xfc: {  	s11 =	sadd.s32 $0x0, s12;
	[sflag:s15] =	ssyncadd.s32 $0xFFFFFD80  }
0xfd: {  	[tilespmem:s17], [sflag:$0x2] =	stream.linear.gather [hbm4b:s11+s3], $0x280, $0x38;
	[tilespmem:$0x1E700] =	vst v63  }
0xfe: {  	_ =	swait.ge [sflag:s15], $0x280  }
0xff: {  	[sflag:s15] =	ssyncset.done $0x0  }
0x100: {  	[sflag:s15] =	ssyncadd.s32 $0xFFFFFD80  }
0x101: {  	[tilespmem:s19], [sflag:$0x1] =	stream.indirect.gather [hbm4b:s5+s18], $0x20, s16, s18, $0xb8;
	[tilespmem:$0x1E700] =	vst v63  }
0x102: {  	_ = 	snop  }
0x103: {  	[tilespmem:s21], [sflag:$0x1] =	stream.indirect.gather [hbm4b:s5+s18], $0x20, s20, s18, $0xb8;
	[tilespmem:$0x1E700] =	vst v63  }
0x104: {  	_ = 	snop  }
0x105: {  	[tilespmem:s23], [sflag:$0x1] =	stream.indirect.gather [hbm4b:s5+s18], $0x20, s22, s18, $0xb8;
	[tilespmem:$0x1E700] =	vst v63  }
0x106: {  	_ = 	snop  }
0x107: {  	[tilespmem:s25], [sflag:$0x1] =	stream.indirect.gather [hbm4b:s5+s18], $0x20, s24, s18, $0xb8;
	[tilespmem:$0x1E700] =	vst v63  }
0x108: {  	_ = 	snop  }
0x109: {  	[tilespmem:s28], [sflag:$0x1] =	stream.indirect.gather [hbm4b:s5+s18], $0x20, s26, s18, $0xb8;
	[tilespmem:$0x1E700] =	vst v63  }
0x10a: {  	_ =	swait.ge [sflag:s29], $0x1000  }
0x10b: {  	[sflag:s29] =	ssyncset.done $0x0  }
0x10c: {  	[sflag:s29] =	ssyncadd.s32 $0xFFFFF000  }
0x10d: {  	_ =	swait.ge [sflag:s29], $0x1000  }
0x10e: {  	[sflag:s29] =	ssyncset.done $0x0  }
0x10f: {  	[sflag:s29] =	ssyncadd.s32 $0xFFFFF000  }
0x110: {  	_ =	swait.ge [sflag:s29], $0x1000  }
0x111: {  	[sflag:s29] =	ssyncset.done $0x0  }
0x112: {  	[sflag:s29] =	ssyncadd.s32 $0xFFFFF000  }
0x113: {  	_ =	swait.ge [sflag:s29], $0x1000  }
0x114: {  	[sflag:s29] =	ssyncset.done $0x0  }
0x115: {  	[sflag:s29] =	ssyncadd.s32 $0xFFFFF000  }
0x116: {  	_ =	swait.ge [sflag:s29], $0x1000  }
0x117: {  	[sflag:s29] =	ssyncset.done $0x0  }
0x118: {  	[sflag:s29] =	ssyncadd.s32 $0xFFFFF000  }
0x119: {  	[spmem:s2] =	stream.indirect.scatter.add.f32 [tilespmem:s19], [sflag:$0x2], $0x20, s17, s18, $0xb8;
	[tilespmem:$0x1E700] =	vst v63  }
0x11a: {  	_ =	swait.ge [sflag:s15], $0x1000  }
0x11b: {  	[sflag:s15] =	ssyncset.done $0x0  }
0x11c: {  	[sflag:s15] =	ssyncadd.s32 $0xFFFFF000  }
0x11d: {  	[spmem:s2] =	stream.indirect.scatter.add.f32 [tilespmem:s21], [sflag:$0x2], $0x20, s30, s18, $0xb8;
	[tilespmem:$0x1E700] =	vst v63  }
0x11e: {  	_ =	swait.ge [sflag:s15], $0x1000  }
0x11f: {  	[sflag:s15] =	ssyncset.done $0x0  }
0x120: {  	[sflag:s15] =	ssyncadd.s32 $0xFFFFF000  }
0x121: {  	[spmem:s2] =	stream.indirect.scatter.add.f32 [tilespmem:s23], [sflag:$0x2], $0x20, s31, s18, $0xb8;
	[tilespmem:$0x1E700] =	vst v63  }
0x122: {  	_ =	swait.ge [sflag:s15], $0x1000  }
0x123: {  	[sflag:s15] =	ssyncset.done $0x0  }
0x124: {  	[sflag:s15] =	ssyncadd.s32 $0xFFFFF000  }
0x125: {  	[spmem:s2] =	stream.indirect.scatter.add.f32 [tilespmem:s25], [sflag:$0x2], $0x20, s0, s18, $0xb8;
	[tilespmem:$0x1E700] =	vst v63  }
0x126: {  	_ =	swait.ge [sflag:s15], $0x1000  }
0x127: {  	[sflag:s15] =	ssyncset.done $0x0  }
0x128: {  	[sflag:s15] =	ssyncadd.s32 $0xFFFFF000  }
0x129: {  	[spmem:s2] =	stream.indirect.scatter.add.f32 [tilespmem:s28], [sflag:$0x2], $0x20, s1, s18, $0xb8;
	[tilespmem:$0x1E700] =	vst v63  }
0x12a: {  	_ =	swait.ge [sflag:s15], $0x1000  }
0x12b: {  	s8 =	simm.s32 $0x50;
	s11 =	simm.s32 $0xA0;
	[sflag:s15] =	ssyncset.done $0x0  }
.LBB2_6:
0x12c: {  	s6 =	sadd.s32 s8, s13  }
0x12d: {  	[sflag:s15] =	ssyncadd.s32 $0xFFFFF000;
	s10 =	smov.u32 s11;
	s9 =	sadd.s32 $0x50, s11  }
0x12e: {  	[tilespmem:s16], [sflag:$0x2] =	stream.linear.gather [hbm4b:s6+s3], $0x280, $0x38;
	[tilespmem:$0x1E700] =	vst v63  }
0x12f: {  	p1 =	sne.s32 s11, $0x18B0;
	_ =	swait.ge [sflag:s15], $0x280  }
0x130: {  	[sflag:s15] =	ssyncset.done $0x0  }
0x131: {  	s6 =	sadd.s32 s8, s12;
	s8 =	smov.u32 s10;
	[sflag:s15] =	ssyncadd.s32 $0xFFFFFD80  }
0x132: {  	[tilespmem:s17], [sflag:$0x2] =	stream.linear.gather [hbm4b:s6+s3], $0x280, $0x38;
	[tilespmem:$0x1E700] =	vst v63  }
0x133: {  	_ =	swait.ge [sflag:s15], $0x280  }
0x134: {  	[sflag:s15] =	ssyncset.done $0x0  }
0x135: {  	[sflag:s15] =	ssyncadd.s32 $0xFFFFFD80  }
0x136: {  	[tilespmem:s19], [sflag:$0x1] =	stream.indirect.gather [hbm4b:s5+s18], $0x20, s16, s18, $0xb8;
	[tilespmem:$0x1E700] =	vst v63  }
0x137: {  	_ = 	snop  }
0x138: {  	[tilespmem:s21], [sflag:$0x1] =	stream.indirect.gather [hbm4b:s5+s18], $0x20, s20, s18, $0xb8;
	[tilespmem:$0x1E700] =	vst v63  }
0x139: {  	_ = 	snop  }
0x13a: {  	[tilespmem:s23], [sflag:$0x1] =	stream.indirect.gather [hbm4b:s5+s18], $0x20, s22, s18, $0xb8;
	[tilespmem:$0x1E700] =	vst v63  }
0x13b: {  	_ = 	snop  }
0x13c: {  	[tilespmem:s25], [sflag:$0x1] =	stream.indirect.gather [hbm4b:s5+s18], $0x20, s24, s18, $0xb8;
	[tilespmem:$0x1E700] =	vst v63  }
0x13d: {  	_ = 	snop  }
0x13e: {  	[tilespmem:s28], [sflag:$0x1] =	stream.indirect.gather [hbm4b:s5+s18], $0x20, s26, s18, $0xb8;
	[tilespmem:$0x1E700] =	vst v63  }
0x13f: {  	_ =	swait.ge [sflag:s29], $0x1000  }
0x140: {  	[sflag:s29] =	ssyncset.done $0x0  }
0x141: {  	[sflag:s29] =	ssyncadd.s32 $0xFFFFF000  }
0x142: {  	_ =	swait.ge [sflag:s29], $0x1000  }
0x143: {  	[sflag:s29] =	ssyncset.done $0x0  }
0x144: {  	[sflag:s29] =	ssyncadd.s32 $0xFFFFF000  }
0x145: {  	_ =	swait.ge [sflag:s29], $0x1000  }
0x146: {  	[sflag:s29] =	ssyncset.done $0x0  }
0x147: {  	[sflag:s29] =	ssyncadd.s32 $0xFFFFF000  }
0x148: {  	_ =	swait.ge [sflag:s29], $0x1000  }
0x149: {  	[sflag:s29] =	ssyncset.done $0x0  }
0x14a: {  	[sflag:s29] =	ssyncadd.s32 $0xFFFFF000  }
0x14b: {  	_ =	swait.ge [sflag:s29], $0x1000  }
0x14c: {  	[sflag:s29] =	ssyncset.done $0x0  }
0x14d: {  	[sflag:s29] =	ssyncadd.s32 $0xFFFFF000  }
0x14e: {  	[spmem:s2] =	stream.indirect.scatter.add.f32 [tilespmem:s19], [sflag:$0x2], $0x20, s17, s18, $0xb8;
	[tilespmem:$0x1E700] =	vst v63  }
0x14f: {  	_ =	swait.ge [sflag:s15], $0x1000  }
0x150: {  	[sflag:s15] =	ssyncset.done $0x0  }
0x151: {  	[sflag:s15] =	ssyncadd.s32 $0xFFFFF000  }
0x152: {  	[spmem:s2] =	stream.indirect.scatter.add.f32 [tilespmem:s21], [sflag:$0x2], $0x20, s30, s18, $0xb8;
	[tilespmem:$0x1E700] =	vst v63  }
0x153: {  	_ =	swait.ge [sflag:s15], $0x1000  }
0x154: {  	[sflag:s15] =	ssyncset.done $0x0  }
0x155: {  	[sflag:s15] =	ssyncadd.s32 $0xFFFFF000  }
0x156: {  	[spmem:s2] =	stream.indirect.scatter.add.f32 [tilespmem:s23], [sflag:$0x2], $0x20, s31, s18, $0xb8;
	[tilespmem:$0x1E700] =	vst v63  }
0x157: {  	_ =	swait.ge [sflag:s15], $0x1000  }
0x158: {  	[sflag:s15] =	ssyncset.done $0x0  }
0x159: {  	[sflag:s15] =	ssyncadd.s32 $0xFFFFF000  }
0x15a: {  	[spmem:s2] =	stream.indirect.scatter.add.f32 [tilespmem:s25], [sflag:$0x2], $0x20, s0, s18, $0xb8;
	[tilespmem:$0x1E700] =	vst v63  }
0x15b: {  	_ =	swait.ge [sflag:s15], $0x1000  }
.Ltmp5:
0x15c: {  	[sflag:s15] =	ssyncset.done $0x0;
	(pc) =	sbr.rel @p1 .LBB2_6-.Ltmp5, $4  }
0x15d: {  	[sflag:s15] =	ssyncadd.s32 $0xFFFFF000  }
0x15e: {  	[spmem:s2] =	stream.indirect.scatter.add.f32 [tilespmem:s28], [sflag:$0x2], $0x20, s1, s18, $0xb8;
	[tilespmem:$0x1E700] =	vst v63  }
0x15f: {  	_ =	swait.ge [sflag:s15], $0x1000  }
0x160: {  	s11 =	smov.u32 s9;
	[sflag:s15] =	ssyncset.done $0x0  }
.Ltmp6:
0x161: {  	_ = 	snop;
	(pc) =	sbr.rel .LBB2_7-.Ltmp6, $1  }
0x162: {  	_ =	sdelay $0x3  }
.LBB2_9:
0x163: {  	_ =	sfence.sel $0x180000  }
0x164: {  	[bflag:$0x0] =	sbarrier.arrive $0xFFFF  }
0x165: {  	_ =	strace $0x9000004A  }
0x166: {  	s0 =	stileid.u32;
	[bflag:$0x2] =	sbarrier.arrive $0xFFFF  }
0x167: {  	p0 =	sne.s32 s0, $0x0;
	s0 =	rddreg [dreg:$0x2]  }
0x168: {  	s0 =	sadd.s32 @!p0 $0x100000, s0  }
0x169: {  	[sflag:s0] =	ssyncadd.tile.s32 @!p0 $0x1;
	_ =	shalt  }
.Lfunc_end2:
_tile_overlayer_lowered:
.L_overlay_start_2:
0x16a: {  	(tag) =	ssettag $0x2  }
0x16b: {  	s0 =	rddreg [dreg:$0x0];
	s2 =	stileid.u32  }
0x16c: {  	s1 =	rddreg [dreg:$0x1];
	p0 =	sne.s32 s2, $0x0  }
0x16d: {  	s3 =	rddreg [dreg:$0x2];
	[bflag:$0x3] =	sbarrier.arrive $0xFFFF;
	s2 =	simm.s32 @!p0 $0x1C02  }
0x16e: {  	[timem:s3], [sflag:s2] =	dma.local @!p0 [hbm:s0], s1  }
0x16f: {  	s0 =	simm.s32 @!p0 $0x2  }
0x170: {  	_ =	swait.ge @!p0 [sflag:s0], s1  }
0x171: {  	s1 =	ssub.s32 @!p0 $0x0, s1;
	[sflag:s0] =	ssyncset.done @!p0 $0x0  }
0x172: {  	[sflag:s0] =	ssyncadd.s32 @!p0 s1  }
0x173: {  	[bflag:$0x3] =	sbarrier.arrive $0xFFFF  }
0x174: {  	_ =	shalt  }

// kernel: kernel.16.cloned.1.call-start
scs
__scs_entry_jumppad:
0x0: {  	(pc) =	sbr.rel $0x88, $3  }
0x1: {  	(tag) =	ssettag $0x0;
	lr =	simm.s32 $0x1  }
0x2: {  	[smem:$0x3F86] =	sst lr;
	_ =	strace $0xD0000000  }
0x3: {  	_ = 	snop  }
0x4: {  	_ = 	snop  }
0x5: {  	_ = 	snop  }
0x6: {  	_ = 	snop  }
0x7: {  	_ = 	snop  }
__scs_overlays_trampoline_lowered:
0x8: {  	[smem:$0x3F95] =	sst s0  }
0x9: {  	[smem:$0x3F96] =	sst s1  }
0xa: {  	[smem:$0x3F97] =	sst s2  }
0xb: {  	[smem:$0x3F98] =	sst s3  }
0xc: {  	[smem:$0x3F99] =	sst s4  }
0xd: {  	[smem:$0x3F9A] =	sst s5  }
0xe: {  	[smem:$0x3F9B] =	sst s6  }
0xf: {  	[smem:$0x3F9C] =	sst s7  }
0x10: {  	[smem:$0x3F9D] =	sst s8  }
0x11: {  	[smem:$0x3F9E] =	sst s9;
	s0 =	simm.s32 @!p0 $0x0  }
0x12: {  	s1 =	sld [smem:$0x3F84];
	s0 =	simm.s32 @p0 $0x1  }
0x13: {  	[smem:$0x3F9F] =	sst s0;
	s0 =	simm.s32 @!p1 $0x0  }
0x14: {  	s2 =	sld [smem:$0x3F83];
	s0 =	simm.s32 @p1 $0x1  }
0x15: {  	[smem:$0x3FA0] =	sst s0;
	s0 =	simm.s32 @!p2 $0x0  }
0x16: {  	s3 =	sld [smem:$0x3FDB];
	s0 =	simm.s32 @p2 $0x1  }
0x17: {  	s4 =	simm.s32 $0x1BF5;
	[smem:$0x3FA2] =	sst s0  }
0x18: {  	s0 =	sld [smem:$0x3F85];
	_ =	swait.ge [sflag:s4], $0x0  }
0x19: {  	s7 =	sld [smem:$0x3F86]  }
0x1a: {  	s8 =	sadd.s32 $0xFFFFE003, lr  }
0x1b: {  	s9 =	sadd.s32 $0xFFFFFEF7, lr;
	s5 =	simm.s32 $0xFFFFFFFF;
	p2 =	slt.u32 s8, $0xFFFFF086  }
0x1c: {  	p1 =	slt.u32 s9, $0xF7A;
	s5 =	simm.s32 @!p2 $0x0  }
0x1d: {  	s5 =	simm.s32 @p1 $0x1;
	p0 =	seq.s32 s7, s2  }
0x1e: {  	s7 =	smul.u32 @!p0 $0xF7A, s2;
	p2 =	seq.s32 @!p0 s5, $0x0  }
0x1f: {  	s9 =	smul.u32 $0xF7A, s1;
	s8 =	simm.s32 @!p0 $0x1BF5;
	p2 =	por !p2, p0  }
0x20: {  	[sflag:s8] =	ssyncset.s32 @!p0 $0xFFFFF086;
	s6 =	sadd.s32 @!p0 s3, s7;
	s7 =	simm.s32 @!p0 $0x108  }
0x21: {  	s3 =	sadd.s32 s3, s9;
	s6 =	sadd.s32 @!p0 $0x88, s6;
	s7 =	simm.s32 @p2 $0x1082  }
0x22: {  	[simem:s7], [sflag:s8] =	dma.local @!p0 [hbm:s6], $0xF7A  }
0x23: {  	s9 =	sor.u32 $0xD0000000, s2;
	s6 =	simm.s32 $0x108;
	_ =	swait.ge @!p0 [sflag:s8], $0x0  }
0x24: {  	s3 =	sadd.s32 $0x88, s3;
	s6 =	simm.s32 @!p1 $0x1082;
	[sflag:s4] =	ssyncset.s32 $0xFFFFF086  }
0x25: {  	[simem:s6], [sflag:s4] =	dma.local [hbm:s3], $0xF7A  }
0x26: {  	[smem:$0x3F86] =	sst s1;
	(tag) =	ssettag s2;
	_ =	strace s9  }
0x27: {  	s1 =	sld [smem:$0x3F96]  }
0x28: {  	s2 =	sld [smem:$0x3F97]  }
0x29: {  	s4 =	sld [smem:$0x3F99]  }
0x2a: {  	p0 =	seq.s32 s5, $0x0;
	s5 =	sld [smem:$0x3F9A]  }
0x2b: {  	s6 =	sld [smem:$0x3F9B]  }
0x2c: {  	s7 =	sld [smem:$0x3F9C]  }
0x2d: {  	s3 =	simm.s32 $0x108;
	s8 =	sld [smem:$0x3F9D]  }
0x2e: {  	s3 =	simm.s32 @!p0 $0x1082;
	s9 =	sld [smem:$0x3F9E]  }
0x2f: {  	lr =	sadd.s32 s0, s3;
	s0 =	sld [smem:$0x3F95]  }
0x30: {  	s3 =	sld [smem:$0x3F98]  }
0x31: {  	[smem:$0x3FA1] =	sst s10  }
0x32: {  	s10 =	sld [smem:$0x3F9F];
	_ =	sdelay $0x3  }
0x33: {  	p0 =	seq.s32 s10, $0x1;
	s10 =	sld [smem:$0x3FA1];
	_ =	sdelay $0x3  }
0x34: {  	[smem:$0x3FA1] =	sst s10  }
0x35: {  	s10 =	sld [smem:$0x3FA0];
	_ =	sdelay $0x3  }
0x36: {  	p1 =	seq.s32 s10, $0x1;
	s10 =	sld [smem:$0x3FA1];
	_ =	sdelay $0x3  }
0x37: {  	[smem:$0x3FA1] =	sst s10  }
0x38: {  	s10 =	sld [smem:$0x3FA2]  }
0x39: {  	_ = 	snop;
	(pc) =	sbr.ind lr, $3  }
0x3a: {  	_ = 	snop  }
0x3b: {  	_ = 	snop  }
0x3c: {  	p2 =	seq.s32 s10, $0x1;
	s10 =	sld [smem:$0x3FA1]  }
0x3d: {  	_ =	shalt  }
0x3e: {  	_ =	shalt  }
0x3f: {  	_ =	shalt  }
0x40: {  	_ =	shalt  }
0x41: {  	_ =	shalt  }
0x42: {  	_ =	shalt  }
0x43: {  	_ =	shalt  }
0x44: {  	_ =	shalt  }
0x45: {  	_ =	shalt  }
0x46: {  	_ =	shalt  }
0x47: {  	_ =	shalt  }
0x48: {  	_ =	shalt  }
0x49: {  	_ =	shalt  }
0x4a: {  	_ =	shalt  }
0x4b: {  	_ =	shalt  }
0x4c: {  	_ =	shalt  }
0x4d: {  	_ =	shalt  }
0x4e: {  	_ =	shalt  }
0x4f: {  	_ =	shalt  }
0x50: {  	_ =	shalt  }
0x51: {  	_ =	shalt  }
0x52: {  	_ =	shalt  }
0x53: {  	_ =	shalt  }
0x54: {  	_ =	shalt  }
0x55: {  	_ =	shalt  }
0x56: {  	_ =	shalt  }
0x57: {  	_ =	shalt  }
0x58: {  	_ =	shalt  }
0x59: {  	_ =	shalt  }
0x5a: {  	_ =	shalt  }
0x5b: {  	_ =	shalt  }
0x5c: {  	_ =	shalt  }
0x5d: {  	_ =	shalt  }
0x5e: {  	_ =	shalt  }
0x5f: {  	_ =	shalt  }
0x60: {  	_ =	shalt  }
0x61: {  	_ =	shalt  }
0x62: {  	_ =	shalt  }
0x63: {  	_ =	shalt  }
0x64: {  	_ =	shalt  }
0x65: {  	_ =	shalt  }
0x66: {  	_ =	shalt  }
0x67: {  	_ =	shalt  }
0x68: {  	_ =	shalt  }
0x69: {  	_ =	shalt  }
0x6a: {  	_ =	shalt  }
0x6b: {  	_ =	shalt  }
0x6c: {  	_ =	shalt  }
0x6d: {  	_ =	shalt  }
0x6e: {  	_ =	shalt  }
0x6f: {  	_ =	shalt  }
0x70: {  	_ =	shalt  }
0x71: {  	_ =	shalt  }
0x72: {  	_ =	shalt  }
0x73: {  	_ =	shalt  }
0x74: {  	_ =	shalt  }
0x75: {  	_ =	shalt  }
0x76: {  	_ =	shalt  }
0x77: {  	_ =	shalt  }
0x78: {  	_ =	shalt  }
0x79: {  	_ =	shalt  }
0x7a: {  	_ =	shalt  }
0x7b: {  	_ =	shalt  }
0x7c: {  	_ =	shalt  }
0x7d: {  	_ =	shalt  }
0x7e: {  	_ =	shalt  }
0x7f: {  	_ =	shalt  }
0x80: {  	_ =	shalt  }
0x81: {  	_ =	shalt  }
0x82: {  	_ =	shalt  }
0x83: {  	_ =	shalt  }
0x84: {  	_ =	shalt  }
0x85: {  	_ =	shalt  }
0x86: {  	_ =	shalt  }
0x87: {  	_ =	shalt  }
.Lfunc_end0:
.L_simem_size_0:
called_computation.2_lowered:
.L_overlay_start_0:
0x88: {  	s2 =	sld [smem:$0x3FD9]  }
0x89: {  	s3 =	sld [smem:$0x3FFE];
	_ =	sdelay $0x1  }
0x8a: {  	s1 =	srdreg.scid  }
0x8b: {  	s0 =	sand.u32 $0x1, s1  }
0x8c: {  	s16 =	sshll.u32 s0, $0xA;
	s2 =	sadd.s32 s3, s2  }
0x8d: {  	s2 =	sadd.s32 s2, s16  }
0x8e: {  	[smem:$0x3FAD] =	sst s2  }
0x8f: {  	_ = 	snop  }
0x90: {  	(tm) =	ssettm $0x1  }
0x91: {  	s17 =	sld [smem:$0x3FFB];
	_ =	sdelay $0x3  }
0x92: {  	_ =	strace s17  }
0x93: {  	s2 =	sld [smem:$0x3FFC];
	_ =	sdelay $0x3  }
0x94: {  	_ =	strace s2  }
0x95: {  	s2 =	sld [smem:$0x3FFD];
	_ =	sdelay $0x3  }
0x96: {  	_ =	strace s2  }
0x97: {  	_ =	strace $0x8FFFFFFF  }
0x98: {  	s18 =	sld [smem:$0x3FDB];
	_ =	sdelay $0x1  }
0x99: {  	s19 =	simm.s32 $_scs_section_size  }
0x9a: {  	s4 =	simm.s32 $_size__tile_overlayer_lowered;
	s5 =	simm.s32 $_tile_overlayer_lowered  }
0x9b: {  	s22 =	simm.s32 $0x1BFF;
	s21 =	sshll.u32 s5, $0x1;
	s2 =	sadd.s32 s19, s18  }
0x9c: {  	s6 =	simm.s32 $0x0;
	s20 =	sshll.u32 s4, $0x1;
	s4 =	sadd.s32 s21, s2  }
0x9d: {  	[timem:s6], [sflag:s22] =	dma.local [hbm:s4], s20  }
0x9e: {  	_ =	swait.ge [sflag:s22], s20  }
0x9f: {  	s3 =	ssub.s32 $0x0, s20;
	[sflag:s22] =	ssyncset.done $0x0  }
0xa0: {  	[sflag:s22] =	ssyncadd.s32 s3;
	_ =	sdelay $0x1  }
0xa1: {  	s23 =	simm.s32 $0x1B8B  }
0xa2: {  	_ =	swait.ge [sflag:s23], $0x1  }
0xa3: {  	[sflag:s23] =	ssyncset.done $0x0  }
0xa4: {  	s25 =	simm.s32 $0x1B8E;
	s24 =	sld [smem:$0x3FFE];
	[sflag:s23] =	ssyncadd.s32 $0xFFFFFFFF  }
0xa5: {  	s26 =	simm.s32 $execute0_lowered;
	[smem:$0x3FD2] =	sst s25  }
0xa6: {  	s4 =	sshll.u32 s26, $0x1;
	_ =	strace $0x8000004C;
	[dreg:$0x1] =	wrdreg $0xFFFFFFFF  }
0xa7: {  	s28 =	simm.s32 $_size_execute0_lowered;
	s2 =	sadd.s32 s2, s4;
	[dreg:$0x0] =	wrdreg $0x0  }
0xa8: {  	s4 =	sshll.u32 s28, $0x1;
	[dreg:$0x2] =	wrdreg s2  }
0xa9: {  	[dreg:$0x3] =	wrdreg s4  }
0xaa: {  	[dreg:$0x4] =	wrdreg $0xC0  }
0xab: {  	_ =	task [dreg:s6], $0x5FFFF  }
0xac: {  	[dreg:$0x1] =	wrdreg $0xFFFFFFFF  }
0xad: {  	[dreg:$0x0] =	wrdreg $0x60  }
0xae: {  	[dreg:$0x2] =	wrdreg s24  }
0xaf: {  	[dreg:$0x3] =	wrdreg $0x0  }
0xb0: {  	[dreg:$0x4] =	wrdreg $0x9  }
0xb1: {  	_ =	task.clear_ibuf [dreg:s6], $0x5FFFF;
	_ =	strace $0x9000004C  }
0xb2: {  	s29 =	simm.s32 $0x9;
	_ =	strace $0x8000004E  }
0xb3: {  	_ =	swait.ge [sflag:s29], $0x1  }
0xb4: {  	[sflag:s29] =	ssyncadd.s32 $0xFFFFFFFF  }
0xb5: {  	_ =	strace $0x9000004E  }
0xb6: {  	_ =	sfence  }
0xb7: {  	s30 =	sld [smem:$0x0];
	_ =	sdelay $0x2  }
0xb8: {  	s31 =	sshll.u32 s1, $0xD;
	s1 =	sshrl.u32 s1, $0x2  }
0xb9: {  	s3 =	sand.u32 $0x4000, s31;
	s1 =	sadd.s32 s1, s30  }
0xba: {  	s0 =	sor.u32 s3, s0;
	s1 =	sshll.u32 s1, $0x11  }
0xbb: {  	s0 =	sor.u32 s1, s0  }
0xbc: {  	s0 =	sadd.s32 $0x8F2B, s0  }
0xbd: {  	[sflag:s0] =	ssyncadd.remote.s32 $0x1  }
0xbe: {  	_ =	sfence.sel $0xFFFF  }
0xbf: {  	[dreg:$0x0] =	wrdreg $0xFFFFFFFF;
	(pc) =	sbr.abs _section_cstart, $3  }
0xc0: {  	[dreg:$0x1] =	wrdreg $0xFFFFFFFF  }
0xc1: {  	_ =	task.clear_ibuf [dreg:s6], $0x2FFFF;
	_ =	strace $0x9FFFFFFF  }
0xc2: {  	(tm) =	ssettm $0x7FFFFFFF  }
0xc3: {  	_ =	shalt  }
tec
execute0_lowered:
.L_overlay_start_1:
0x0: {  	(tag) =	ssettag $0x1  }
0x1: {  	s0 =	rddreg [dreg:$0x0]  }
0x2: {  	s2 =	rddreg [dreg:$0x1];
	s3 =	simm.s32 $0x0;
	s12 =	stileid.u32  }
0x3: {  	s6 =	srdreg.scid;
	s15 =	simm.s32 $0x2;
	s16 =	simm.s32 $0x18700  }
0x4: {  	s17 =	simm.s32 $0x18F00;
	s18 =	simm.s32 $0x80;
	s19 =	simm.s32 $0x19700  }
0x5: {  	s20 =	simm.s32 $0x18780;
	s21 =	simm.s32 $0x1A700;
	s28 =	simm.s32 $0x1D700  }
0x6: {  	s29 =	simm.s32 $0x1;
	s30 =	simm.s32 $0x18F80;
	s1 =	smul.u32 $0x1900, s12  }
0x7: {  	s31 =	simm.s32 $0x19000;
	[smem:$0x7FF] =	sst s3;
	s7 =	smul.u32 $0x18700, s12  }
0x8: {  	s4 =	sadd.s32 $0x36600, s0;
	s5 =	sadd.s32 $0x5800, s0;
	s8 =	sand.u32 $0x1, s6  }
0x9: {  	s23 =	sadd.s32 $0x2B1C00, s0;
	s25 =	sshll.u32 s12, $0x6;
	_ =	strace $0x8000004D  }
0xa: {  	s9 =	ssub.s32 $0x2, s8;
	[dreg:$0x4] =	wrdreg s23;
	p0 =	sne.s32 s8, $0x0  }
0xb: {  	s23 =	simm.s32 $0x1B700;
	s1 =	sadd.s32 s1, s0;
	s22 =	sshrl.u32 s7, $0x3  }
0xc: {  	s11 =	sshrl.u32 s9, $0x1;
	s7 =	sadd.s32 s7, s2;
	[dreg:$0x3] =	wrdreg s22  }
0xd: {  	s10 =	sadd.s32 s22, s0;
	s0 =	sadd.s32 $0x280E00, s0;
	s24 =	ssub.s32 s9, s11  }
0xe: {  	s9 =	sor.u32 $0x1C02, s25;
	s12 =	sadd.s32 $0x67400, s1;
	s13 =	sadd.s32 $0x80400, s1  }
.Ltmp0:
0xf: {  	s8 =	sshrl.u32 s7, $0x3;
	s22 =	simm.s32 $0x18800;
	(pc) =	sbr.rel .LBB2_1-.Ltmp0, $4  }
0x10: {  	s25 =	simm.s32 $0x1C700;
	s1 =	simm.s32 $0x19100;
	[dreg:$0x5] =	wrdreg s0  }
0x11: {  	s7 =	simm.s32 $0x0;
	s26 =	sadd.s32 $0x250000, s10;
	[dreg:$0x8] =	wrdreg s9  }
0x12: {  	s0 =	smax.u32 s24, $0x1;
	s24 =	simm.s32 $0x18880;
	[dreg:$0x6] =	wrdreg s26  }
0x13: {  	[dreg:$0x7] =	wrdreg s0;
	s26 =	simm.s32 $0x18900;
	s0 =	simm.s32 $0x19080  }
.LBB2_7:
0x14: {  	s6 =	sadd.s32 s8, s13;
	[sflag:s15] =	ssyncadd.s32 $0xFFFFF000  }
0x15: {  	[tilespmem:s16], [sflag:$0x2] =	stream.linear.gather [hbm4b:s6+s3], $0x280, $0x38;
	[tilespmem:$0x1E700] =	vst v63  }
0x16: {  	_ =	swait.ge [sflag:s15], $0x280  }
0x17: {  	[sflag:s15] =	ssyncset.done $0x0  }
0x18: {  	s11 =	sadd.s32 s8, s12;
	[sflag:s15] =	ssyncadd.s32 $0xFFFFFD80  }
0x19: {  	[tilespmem:s17], [sflag:$0x2] =	stream.linear.gather [hbm4b:s11+s3], $0x280, $0x38;
	[tilespmem:$0x1E700] =	vst v63  }
0x1a: {  	_ =	swait.ge [sflag:s15], $0x280  }
0x1b: {  	[sflag:s15] =	ssyncset.done $0x0  }
0x1c: {  	[sflag:s15] =	ssyncadd.s32 $0xFFFFFD80  }
0x1d: {  	[tilespmem:s19], [sflag:$0x1] =	stream.indirect.gather [hbm4b:s5+s18], $0x20, s16, s18, $0xb8;
	[tilespmem:$0x1E700] =	vst v63  }
0x1e: {  	_ = 	snop  }
0x1f: {  	[tilespmem:s21], [sflag:$0x1] =	stream.indirect.gather [hbm4b:s5+s18], $0x20, s20, s18, $0xb8;
	[tilespmem:$0x1E700] =	vst v63  }
0x20: {  	_ = 	snop  }
0x21: {  	[tilespmem:s23], [sflag:$0x1] =	stream.indirect.gather [hbm4b:s5+s18], $0x20, s22, s18, $0xb8;
	[tilespmem:$0x1E700] =	vst v63  }
0x22: {  	_ = 	snop  }
0x23: {  	[tilespmem:s25], [sflag:$0x1] =	stream.indirect.gather [hbm4b:s5+s18], $0x20, s24, s18, $0xb8;
	[tilespmem:$0x1E700] =	vst v63  }
0x24: {  	_ = 	snop  }
0x25: {  	[tilespmem:s28], [sflag:$0x1] =	stream.indirect.gather [hbm4b:s5+s18], $0x20, s26, s18, $0xb8;
	[tilespmem:$0x1E700] =	vst v63  }
0x26: {  	_ =	swait.ge [sflag:s29], $0x1000  }
0x27: {  	[sflag:s29] =	ssyncset.done $0x0  }
0x28: {  	[sflag:s29] =	ssyncadd.s32 $0xFFFFF000  }
0x29: {  	_ =	swait.ge [sflag:s29], $0x1000  }
0x2a: {  	[sflag:s29] =	ssyncset.done $0x0  }
0x2b: {  	[sflag:s29] =	ssyncadd.s32 $0xFFFFF000  }
0x2c: {  	_ =	swait.ge [sflag:s29], $0x1000  }
0x2d: {  	[sflag:s29] =	ssyncset.done $0x0  }
0x2e: {  	[sflag:s29] =	ssyncadd.s32 $0xFFFFF000  }
0x2f: {  	_ =	swait.ge [sflag:s29], $0x1000  }
0x30: {  	[sflag:s29] =	ssyncset.done $0x0  }
0x31: {  	[sflag:s29] =	ssyncadd.s32 $0xFFFFF000  }
0x32: {  	_ =	swait.ge [sflag:s29], $0x1000  }
0x33: {  	[sflag:s29] =	ssyncset.done $0x0  }
0x34: {  	[sflag:s29] =	ssyncadd.s32 $0xFFFFF000  }
0x35: {  	[spmem:s2] =	stream.indirect.scatter.add.f32 [tilespmem:s19], [sflag:$0x2], $0x20, s17, s18, $0xb8;
	[tilespmem:$0x1E700] =	vst v63  }
0x36: {  	_ =	swait.ge [sflag:s15], $0x1000  }
0x37: {  	[sflag:s15] =	ssyncset.done $0x0  }
0x38: {  	[sflag:s15] =	ssyncadd.s32 $0xFFFFF000  }
0x39: {  	[spmem:s2] =	stream.indirect.scatter.add.f32 [tilespmem:s21], [sflag:$0x2], $0x20, s30, s18, $0xb8;
	[tilespmem:$0x1E700] =	vst v63  }
0x3a: {  	_ =	swait.ge [sflag:s15], $0x1000  }
0x3b: {  	[sflag:s15] =	ssyncset.done $0x0  }
0x3c: {  	[sflag:s15] =	ssyncadd.s32 $0xFFFFF000  }
0x3d: {  	[spmem:s2] =	stream.indirect.scatter.add.f32 [tilespmem:s23], [sflag:$0x2], $0x20, s31, s18, $0xb8;
	[tilespmem:$0x1E700] =	vst v63  }
0x3e: {  	_ =	swait.ge [sflag:s15], $0x1000  }
0x3f: {  	[sflag:s15] =	ssyncset.done $0x0  }
0x40: {  	[sflag:s15] =	ssyncadd.s32 $0xFFFFF000  }
0x41: {  	[spmem:s2] =	stream.indirect.scatter.add.f32 [tilespmem:s25], [sflag:$0x2], $0x20, s0, s18, $0xb8;
	[tilespmem:$0x1E700] =	vst v63  }
0x42: {  	_ =	swait.ge [sflag:s15], $0x1000  }
0x43: {  	[sflag:s15] =	ssyncset.done $0x0  }
0x44: {  	[sflag:s15] =	ssyncadd.s32 $0xFFFFF000  }
0x45: {  	[spmem:s2] =	stream.indirect.scatter.add.f32 [tilespmem:s28], [sflag:$0x2], $0x20, s1, s18, $0xb8;
	[tilespmem:$0x1E700] =	vst v63  }
0x46: {  	_ =	swait.ge [sflag:s15], $0x1000  }
0x47: {  	[sflag:s15] =	ssyncset.done $0x0  }
0x48: {  	s8 =	rddreg [dreg:$0x5];
	[sflag:s15] =	ssyncadd.s32 $0xFFFFF000  }
.LBB2_8:
0x49: {  	s6 =	rddreg [dreg:$0x3];
	[bflag:$0x0] =	sbarrier.arrive $0xFFFF  }
0x4a: {  	s6 =	sadd.s32 s8, s6;
	s9 =	rddreg [dreg:$0x8]  }
0x4b: {  	[hbm:s6], [sflag:s9] =	dma.local [spmem:s14], $0x30E0  }
0x4c: {  	_ =	swait.ge [sflag:s15], $0x30E0  }
0x4d: {  	s7 =	sadd.s32 $0x1, s7;
	s8 =	smov.u32 s14;
	s14 =	rddreg [dreg:$0x7]  }
0x4e: {  	p1 =	sne.s32 s7, s14  }
.Ltmp1:
0x4f: {  	_ = 	snop;
	(pc) =	sbr.rel @!p1 .LBB2_9-.Ltmp1, $3  }
0x50: {  	_ =	sdelay $0x1  }
0x51: {  	[sflag:s15] =	ssyncset.done $0x0  }
0x52: {  	[sflag:s15] =	ssyncadd.s32 $0xFFFFCF20  }
.LBB2_1:
0x53: {  	s6 =	rddreg [dreg:$0x6]  }
0x54: {  	[spmem:s8], [sflag:s9] =	dma.local [hbm:s6], $0x30E0  }
.Ltmp2:
0x55: {  	_ =	swait.ge [sflag:s15], $0x30E0;
	(pc) =	sbr.rel @p0 .LBB2_5-.Ltmp2, $4  }
0x56: {  	[sflag:s15] =	ssyncset.done $0x0  }
0x57: {  	[sflag:s15] =	ssyncadd.s32 $0xFFFFCF20  }
0x58: {  	[bflag:$0x0] =	sbarrier.arrive $0xFFFF  }
0x59: {  	s14 =	smov.u32 s8  }
0x5a: {  	s8 =	sadd.s32 $0x0, s13  }
0x5b: {  	[tilespmem:s16], [sflag:$0x2] =	stream.linear.gather [hbm4b:s8+s3], $0x280, $0x38;
	[tilespmem:$0x1E700] =	vst v63  }
0x5c: {  	_ =	swait.ge [sflag:s15], $0x280  }
0x5d: {  	[sflag:s15] =	ssyncset.done $0x0  }
0x5e: {  	s11 =	sadd.s32 $0x0, s12;
	[sflag:s15] =	ssyncadd.s32 $0xFFFFFD80  }
0x5f: {  	[tilespmem:s17], [sflag:$0x2] =	stream.linear.gather [hbm4b:s11+s3], $0x280, $0x38;
	[tilespmem:$0x1E700] =	vst v63  }
0x60: {  	_ =	swait.ge [sflag:s15], $0x280  }
0x61: {  	[sflag:s15] =	ssyncset.done $0x0  }
0x62: {  	[sflag:s15] =	ssyncadd.s32 $0xFFFFFD80  }
0x63: {  	[tilespmem:s19], [sflag:$0x1] =	stream.indirect.gather [hbm4b:s4+s18], $0x20, s16, s18, $0xb8;
	[tilespmem:$0x1E700] =	vst v63  }
0x64: {  	_ = 	snop  }
0x65: {  	[tilespmem:s21], [sflag:$0x1] =	stream.indirect.gather [hbm4b:s4+s18], $0x20, s20, s18, $0xb8;
	[tilespmem:$0x1E700] =	vst v63  }
0x66: {  	_ = 	snop  }
0x67: {  	[tilespmem:s23], [sflag:$0x1] =	stream.indirect.gather [hbm4b:s4+s18], $0x20, s22, s18, $0xb8;
	[tilespmem:$0x1E700] =	vst v63  }
0x68: {  	_ = 	snop  }
0x69: {  	[tilespmem:s25], [sflag:$0x1] =	stream.indirect.gather [hbm4b:s4+s18], $0x20, s24, s18, $0xb8;
	[tilespmem:$0x1E700] =	vst v63  }
0x6a: {  	_ = 	snop  }
0x6b: {  	[tilespmem:s28], [sflag:$0x1] =	stream.indirect.gather [hbm4b:s4+s18], $0x20, s26, s18, $0xb8;
	[tilespmem:$0x1E700] =	vst v63  }
0x6c: {  	_ =	swait.ge [sflag:s29], $0x1000  }
0x6d: {  	[sflag:s29] =	ssyncset.done $0x0  }
0x6e: {  	[sflag:s29] =	ssyncadd.s32 $0xFFFFF000  }
0x6f: {  	_ =	swait.ge [sflag:s29], $0x1000  }
0x70: {  	[sflag:s29] =	ssyncset.done $0x0  }
0x71: {  	[sflag:s29] =	ssyncadd.s32 $0xFFFFF000  }
0x72: {  	_ =	swait.ge [sflag:s29], $0x1000  }
0x73: {  	[sflag:s29] =	ssyncset.done $0x0  }
0x74: {  	[sflag:s29] =	ssyncadd.s32 $0xFFFFF000  }
0x75: {  	_ =	swait.ge [sflag:s29], $0x1000  }
0x76: {  	[sflag:s29] =	ssyncset.done $0x0  }
0x77: {  	[sflag:s29] =	ssyncadd.s32 $0xFFFFF000  }
0x78: {  	_ =	swait.ge [sflag:s29], $0x1000  }
0x79: {  	[sflag:s29] =	ssyncset.done $0x0  }
0x7a: {  	[sflag:s29] =	ssyncadd.s32 $0xFFFFF000  }
0x7b: {  	[spmem:s2] =	stream.indirect.scatter.add.f32 [tilespmem:s19], [sflag:$0x2], $0x20, s17, s18, $0xb8;
	[tilespmem:$0x1E700] =	vst v63  }
0x7c: {  	_ =	swait.ge [sflag:s15], $0x1000  }
0x7d: {  	[sflag:s15] =	ssyncset.done $0x0  }
0x7e: {  	[sflag:s15] =	ssyncadd.s32 $0xFFFFF000  }
0x7f: {  	[spmem:s2] =	stream.indirect.scatter.add.f32 [tilespmem:s21], [sflag:$0x2], $0x20, s30, s18, $0xb8;
	[tilespmem:$0x1E700] =	vst v63  }
0x80: {  	_ =	swait.ge [sflag:s15], $0x1000  }
0x81: {  	[sflag:s15] =	ssyncset.done $0x0  }
0x82: {  	[sflag:s15] =	ssyncadd.s32 $0xFFFFF000  }
0x83: {  	[spmem:s2] =	stream.indirect.scatter.add.f32 [tilespmem:s23], [sflag:$0x2], $0x20, s31, s18, $0xb8;
	[tilespmem:$0x1E700] =	vst v63  }
0x84: {  	_ =	swait.ge [sflag:s15], $0x1000  }
0x85: {  	[sflag:s15] =	ssyncset.done $0x0  }
0x86: {  	[sflag:s15] =	ssyncadd.s32 $0xFFFFF000  }
0x87: {  	[spmem:s2] =	stream.indirect.scatter.add.f32 [tilespmem:s25], [sflag:$0x2], $0x20, s0, s18, $0xb8;
	[tilespmem:$0x1E700] =	vst v63  }
0x88: {  	_ =	swait.ge [sflag:s15], $0x1000  }
0x89: {  	[sflag:s15] =	ssyncset.done $0x0  }
0x8a: {  	[sflag:s15] =	ssyncadd.s32 $0xFFFFF000  }
0x8b: {  	[spmem:s2] =	stream.indirect.scatter.add.f32 [tilespmem:s28], [sflag:$0x2], $0x20, s1, s18, $0xb8;
	[tilespmem:$0x1E700] =	vst v63  }
0x8c: {  	_ =	swait.ge [sflag:s15], $0x1000  }
0x8d: {  	s9 =	simm.s32 $0xA0;
	s8 =	simm.s32 $0x50;
	[sflag:s15] =	ssyncset.done $0x0  }
.LBB2_3:
0x8e: {  	s6 =	sadd.s32 s8, s13  }
0x8f: {  	[sflag:s15] =	ssyncadd.s32 $0xFFFFF000;
	s10 =	smov.u32 s9;
	s11 =	sadd.s32 $0x50, s9  }
0x90: {  	[tilespmem:s16], [sflag:$0x2] =	stream.linear.gather [hbm4b:s6+s3], $0x280, $0x38;
	[tilespmem:$0x1E700] =	vst v63  }
0x91: {  	p1 =	seq.s32 s9, $0x18B0;
	_ =	swait.ge [sflag:s15], $0x280  }
0x92: {  	[sflag:s15] =	ssyncset.done $0x0  }
0x93: {  	s6 =	sadd.s32 s8, s12;
	s8 =	smov.u32 s10;
	[sflag:s15] =	ssyncadd.s32 $0xFFFFFD80  }
0x94: {  	[tilespmem:s17], [sflag:$0x2] =	stream.linear.gather [hbm4b:s6+s3], $0x280, $0x38;
	[tilespmem:$0x1E700] =	vst v63  }
0x95: {  	_ =	swait.ge [sflag:s15], $0x280  }
0x96: {  	[sflag:s15] =	ssyncset.done $0x0  }
0x97: {  	[sflag:s15] =	ssyncadd.s32 $0xFFFFFD80  }
0x98: {  	[tilespmem:s19], [sflag:$0x1] =	stream.indirect.gather [hbm4b:s4+s18], $0x20, s16, s18, $0xb8;
	[tilespmem:$0x1E700] =	vst v63  }
0x99: {  	_ = 	snop  }
0x9a: {  	[tilespmem:s21], [sflag:$0x1] =	stream.indirect.gather [hbm4b:s4+s18], $0x20, s20, s18, $0xb8;
	[tilespmem:$0x1E700] =	vst v63  }
0x9b: {  	_ = 	snop  }
0x9c: {  	[tilespmem:s23], [sflag:$0x1] =	stream.indirect.gather [hbm4b:s4+s18], $0x20, s22, s18, $0xb8;
	[tilespmem:$0x1E700] =	vst v63  }
0x9d: {  	_ = 	snop  }
0x9e: {  	[tilespmem:s25], [sflag:$0x1] =	stream.indirect.gather [hbm4b:s4+s18], $0x20, s24, s18, $0xb8;
	[tilespmem:$0x1E700] =	vst v63  }
0x9f: {  	_ = 	snop  }
0xa0: {  	[tilespmem:s28], [sflag:$0x1] =	stream.indirect.gather [hbm4b:s4+s18], $0x20, s26, s18, $0xb8;
	[tilespmem:$0x1E700] =	vst v63  }
0xa1: {  	_ =	swait.ge [sflag:s29], $0x1000  }
0xa2: {  	[sflag:s29] =	ssyncset.done $0x0  }
0xa3: {  	[sflag:s29] =	ssyncadd.s32 $0xFFFFF000  }
0xa4: {  	_ =	swait.ge [sflag:s29], $0x1000  }
0xa5: {  	[sflag:s29] =	ssyncset.done $0x0  }
0xa6: {  	[sflag:s29] =	ssyncadd.s32 $0xFFFFF000  }
0xa7: {  	_ =	swait.ge [sflag:s29], $0x1000  }
0xa8: {  	[sflag:s29] =	ssyncset.done $0x0  }
0xa9: {  	[sflag:s29] =	ssyncadd.s32 $0xFFFFF000  }
0xaa: {  	_ =	swait.ge [sflag:s29], $0x1000  }
0xab: {  	[sflag:s29] =	ssyncset.done $0x0  }
0xac: {  	[sflag:s29] =	ssyncadd.s32 $0xFFFFF000  }
0xad: {  	_ =	swait.ge [sflag:s29], $0x1000  }
0xae: {  	[sflag:s29] =	ssyncset.done $0x0  }
0xaf: {  	[sflag:s29] =	ssyncadd.s32 $0xFFFFF000  }
0xb0: {  	[spmem:s2] =	stream.indirect.scatter.add.f32 [tilespmem:s19], [sflag:$0x2], $0x20, s17, s18, $0xb8;
	[tilespmem:$0x1E700] =	vst v63  }
0xb1: {  	_ =	swait.ge [sflag:s15], $0x1000  }
0xb2: {  	[sflag:s15] =	ssyncset.done $0x0  }
0xb3: {  	[sflag:s15] =	ssyncadd.s32 $0xFFFFF000  }
0xb4: {  	[spmem:s2] =	stream.indirect.scatter.add.f32 [tilespmem:s21], [sflag:$0x2], $0x20, s30, s18, $0xb8;
	[tilespmem:$0x1E700] =	vst v63  }
0xb5: {  	_ =	swait.ge [sflag:s15], $0x1000  }
0xb6: {  	[sflag:s15] =	ssyncset.done $0x0  }
0xb7: {  	[sflag:s15] =	ssyncadd.s32 $0xFFFFF000  }
0xb8: {  	[spmem:s2] =	stream.indirect.scatter.add.f32 [tilespmem:s23], [sflag:$0x2], $0x20, s31, s18, $0xb8;
	[tilespmem:$0x1E700] =	vst v63  }
0xb9: {  	_ =	swait.ge [sflag:s15], $0x1000  }
0xba: {  	[sflag:s15] =	ssyncset.done $0x0  }
0xbb: {  	[sflag:s15] =	ssyncadd.s32 $0xFFFFF000  }
0xbc: {  	[spmem:s2] =	stream.indirect.scatter.add.f32 [tilespmem:s25], [sflag:$0x2], $0x20, s0, s18, $0xb8;
	[tilespmem:$0x1E700] =	vst v63  }
0xbd: {  	_ =	swait.ge [sflag:s15], $0x1000  }
.Ltmp3:
0xbe: {  	[sflag:s15] =	ssyncset.done $0x0;
	(pc) =	sbr.rel @!p1 .LBB2_3-.Ltmp3, $4  }
0xbf: {  	[sflag:s15] =	ssyncadd.s32 $0xFFFFF000  }
0xc0: {  	[spmem:s2] =	stream.indirect.scatter.add.f32 [tilespmem:s28], [sflag:$0x2], $0x20, s1, s18, $0xb8;
	[tilespmem:$0x1E700] =	vst v63  }
0xc1: {  	_ =	swait.ge [sflag:s15], $0x1000  }
0xc2: {  	s9 =	smov.u32 s11;
	[sflag:s15] =	ssyncset.done $0x0  }
0xc3: {  	s6 =	sadd.s32 s8, s13;
	[sflag:s15] =	ssyncadd.s32 $0xFFFFF000  }
0xc4: {  	[tilespmem:s16], [sflag:$0x2] =	stream.linear.gather [hbm4b:s6+s3], $0x280, $0x38;
	[tilespmem:$0x1E700] =	vst v63  }
0xc5: {  	_ =	swait.ge [sflag:s15], $0x280  }
0xc6: {  	[sflag:s15] =	ssyncset.done $0x0  }
0xc7: {  	s11 =	sadd.s32 s8, s12;
	[sflag:s15] =	ssyncadd.s32 $0xFFFFFD80  }
0xc8: {  	[tilespmem:s17], [sflag:$0x2] =	stream.linear.gather [hbm4b:s11+s3], $0x280, $0x38;
	[tilespmem:$0x1E700] =	vst v63  }
0xc9: {  	_ =	swait.ge [sflag:s15], $0x280  }
0xca: {  	[sflag:s15] =	ssyncset.done $0x0  }
0xcb: {  	[sflag:s15] =	ssyncadd.s32 $0xFFFFFD80  }
0xcc: {  	[tilespmem:s19], [sflag:$0x1] =	stream.indirect.gather [hbm4b:s4+s18], $0x20, s16, s18, $0xb8;
	[tilespmem:$0x1E700] =	vst v63  }
0xcd: {  	_ = 	snop  }
0xce: {  	[tilespmem:s21], [sflag:$0x1] =	stream.indirect.gather [hbm4b:s4+s18], $0x20, s20, s18, $0xb8;
	[tilespmem:$0x1E700] =	vst v63  }
0xcf: {  	_ = 	snop  }
0xd0: {  	[tilespmem:s23], [sflag:$0x1] =	stream.indirect.gather [hbm4b:s4+s18], $0x20, s22, s18, $0xb8;
	[tilespmem:$0x1E700] =	vst v63  }
0xd1: {  	_ = 	snop  }
0xd2: {  	[tilespmem:s25], [sflag:$0x1] =	stream.indirect.gather [hbm4b:s4+s18], $0x20, s24, s18, $0xb8;
	[tilespmem:$0x1E700] =	vst v63  }
0xd3: {  	_ = 	snop  }
0xd4: {  	[tilespmem:s28], [sflag:$0x1] =	stream.indirect.gather [hbm4b:s4+s18], $0x20, s26, s18, $0xb8;
	[tilespmem:$0x1E700] =	vst v63  }
0xd5: {  	_ =	swait.ge [sflag:s29], $0x1000  }
0xd6: {  	[sflag:s29] =	ssyncset.done $0x0  }
0xd7: {  	[sflag:s29] =	ssyncadd.s32 $0xFFFFF000  }
0xd8: {  	_ =	swait.ge [sflag:s29], $0x1000  }
0xd9: {  	[sflag:s29] =	ssyncset.done $0x0  }
0xda: {  	[sflag:s29] =	ssyncadd.s32 $0xFFFFF000  }
0xdb: {  	_ =	swait.ge [sflag:s29], $0x1000  }
0xdc: {  	[sflag:s29] =	ssyncset.done $0x0  }
0xdd: {  	[sflag:s29] =	ssyncadd.s32 $0xFFFFF000  }
0xde: {  	_ =	swait.ge [sflag:s29], $0x1000  }
0xdf: {  	[sflag:s29] =	ssyncset.done $0x0  }
0xe0: {  	[sflag:s29] =	ssyncadd.s32 $0xFFFFF000  }
0xe1: {  	_ =	swait.ge [sflag:s29], $0x1000  }
0xe2: {  	[sflag:s29] =	ssyncset.done $0x0  }
0xe3: {  	[sflag:s29] =	ssyncadd.s32 $0xFFFFF000  }
0xe4: {  	[spmem:s2] =	stream.indirect.scatter.add.f32 [tilespmem:s19], [sflag:$0x2], $0x20, s17, s18, $0xb8;
	[tilespmem:$0x1E700] =	vst v63  }
0xe5: {  	_ =	swait.ge [sflag:s15], $0x1000  }
0xe6: {  	[sflag:s15] =	ssyncset.done $0x0  }
0xe7: {  	[sflag:s15] =	ssyncadd.s32 $0xFFFFF000  }
0xe8: {  	[spmem:s2] =	stream.indirect.scatter.add.f32 [tilespmem:s21], [sflag:$0x2], $0x20, s30, s18, $0xb8;
	[tilespmem:$0x1E700] =	vst v63  }
0xe9: {  	_ =	swait.ge [sflag:s15], $0x1000  }
0xea: {  	[sflag:s15] =	ssyncset.done $0x0  }
0xeb: {  	[sflag:s15] =	ssyncadd.s32 $0xFFFFF000  }
0xec: {  	[spmem:s2] =	stream.indirect.scatter.add.f32 [tilespmem:s23], [sflag:$0x2], $0x20, s31, s18, $0xb8;
	[tilespmem:$0x1E700] =	vst v63  }
0xed: {  	_ =	swait.ge [sflag:s15], $0x1000  }
0xee: {  	[sflag:s15] =	ssyncset.done $0x0  }
0xef: {  	[sflag:s15] =	ssyncadd.s32 $0xFFFFF000  }
0xf0: {  	[spmem:s2] =	stream.indirect.scatter.add.f32 [tilespmem:s25], [sflag:$0x2], $0x20, s0, s18, $0xb8;
	[tilespmem:$0x1E700] =	vst v63  }
0xf1: {  	_ =	swait.ge [sflag:s15], $0x1000  }
0xf2: {  	[sflag:s15] =	ssyncset.done $0x0  }
.Ltmp4:
0xf3: {  	[sflag:s15] =	ssyncadd.s32 $0xFFFFF000;
	(pc) =	sbr.rel .LBB2_8-.Ltmp4, $4  }
0xf4: {  	[spmem:s2] =	stream.indirect.scatter.add.f32 [tilespmem:s28], [sflag:$0x2], $0x20, s1, s18, $0xb8;
	[tilespmem:$0x1E700] =	vst v63  }
0xf5: {  	_ =	swait.ge [sflag:s15], $0x1000  }
0xf6: {  	[sflag:s15] =	ssyncset.done $0x0  }
0xf7: {  	s8 =	rddreg [dreg:$0x4];
	[sflag:s15] =	ssyncadd.s32 $0xFFFFF000  }
.LBB2_5:
0xf8: {  	s6 =	sadd.s32 $0x0, s13  }
0xf9: {  	[tilespmem:s16], [sflag:$0x2] =	stream.linear.gather [hbm4b:s6+s3], $0x280, $0x38;
	[tilespmem:$0x1E700] =	vst v63  }
0xfa: {  	_ =	swait.ge [sflag:s15], $0x280  }
0xfb: {  	[sflag:s15] =	ssyncset.done $0x0  }
0xfc: {  	s11 =	sadd.s32 $0x0, s12;
	[sflag:s15] =	ssyncadd.s32 $0xFFFFFD80  }
0xfd: {  	[tilespmem:s17], [sflag:$0x2] =	stream.linear.gather [hbm4b:s11+s3], $0x280, $0x38;
	[tilespmem:$0x1E700] =	vst v63  }
0xfe: {  	_ =	swait.ge [sflag:s15], $0x280  }
0xff: {  	[sflag:s15] =	ssyncset.done $0x0  }
0x100: {  	[sflag:s15] =	ssyncadd.s32 $0xFFFFFD80  }
0x101: {  	[tilespmem:s19], [sflag:$0x1] =	stream.indirect.gather [hbm4b:s5+s18], $0x20, s16, s18, $0xb8;
	[tilespmem:$0x1E700] =	vst v63  }
0x102: {  	_ = 	snop  }
0x103: {  	[tilespmem:s21], [sflag:$0x1] =	stream.indirect.gather [hbm4b:s5+s18], $0x20, s20, s18, $0xb8;
	[tilespmem:$0x1E700] =	vst v63  }
0x104: {  	_ = 	snop  }
0x105: {  	[tilespmem:s23], [sflag:$0x1] =	stream.indirect.gather [hbm4b:s5+s18], $0x20, s22, s18, $0xb8;
	[tilespmem:$0x1E700] =	vst v63  }
0x106: {  	_ = 	snop  }
0x107: {  	[tilespmem:s25], [sflag:$0x1] =	stream.indirect.gather [hbm4b:s5+s18], $0x20, s24, s18, $0xb8;
	[tilespmem:$0x1E700] =	vst v63  }
0x108: {  	_ = 	snop  }
0x109: {  	[tilespmem:s28], [sflag:$0x1] =	stream.indirect.gather [hbm4b:s5+s18], $0x20, s26, s18, $0xb8;
	[tilespmem:$0x1E700] =	vst v63  }
0x10a: {  	_ =	swait.ge [sflag:s29], $0x1000  }
0x10b: {  	[sflag:s29] =	ssyncset.done $0x0  }
0x10c: {  	[sflag:s29] =	ssyncadd.s32 $0xFFFFF000  }
0x10d: {  	_ =	swait.ge [sflag:s29], $0x1000  }
0x10e: {  	[sflag:s29] =	ssyncset.done $0x0  }
0x10f: {  	[sflag:s29] =	ssyncadd.s32 $0xFFFFF000  }
0x110: {  	_ =	swait.ge [sflag:s29], $0x1000  }
0x111: {  	[sflag:s29] =	ssyncset.done $0x0  }
0x112: {  	[sflag:s29] =	ssyncadd.s32 $0xFFFFF000  }
0x113: {  	_ =	swait.ge [sflag:s29], $0x1000  }
0x114: {  	[sflag:s29] =	ssyncset.done $0x0  }
0x115: {  	[sflag:s29] =	ssyncadd.s32 $0xFFFFF000  }
0x116: {  	_ =	swait.ge [sflag:s29], $0x1000  }
0x117: {  	[sflag:s29] =	ssyncset.done $0x0  }
0x118: {  	[sflag:s29] =	ssyncadd.s32 $0xFFFFF000  }
0x119: {  	[spmem:s2] =	stream.indirect.scatter.add.f32 [tilespmem:s19], [sflag:$0x2], $0x20, s17, s18, $0xb8;
	[tilespmem:$0x1E700] =	vst v63  }
0x11a: {  	_ =	swait.ge [sflag:s15], $0x1000  }
0x11b: {  	[sflag:s15] =	ssyncset.done $0x0  }
0x11c: {  	[sflag:s15] =	ssyncadd.s32 $0xFFFFF000  }
0x11d: {  	[spmem:s2] =	stream.indirect.scatter.add.f32 [tilespmem:s21], [sflag:$0x2], $0x20, s30, s18, $0xb8;
	[tilespmem:$0x1E700] =	vst v63  }
0x11e: {  	_ =	swait.ge [sflag:s15], $0x1000  }
0x11f: {  	[sflag:s15] =	ssyncset.done $0x0  }
0x120: {  	[sflag:s15] =	ssyncadd.s32 $0xFFFFF000  }
0x121: {  	[spmem:s2] =	stream.indirect.scatter.add.f32 [tilespmem:s23], [sflag:$0x2], $0x20, s31, s18, $0xb8;
	[tilespmem:$0x1E700] =	vst v63  }
0x122: {  	_ =	swait.ge [sflag:s15], $0x1000  }
0x123: {  	[sflag:s15] =	ssyncset.done $0x0  }
0x124: {  	[sflag:s15] =	ssyncadd.s32 $0xFFFFF000  }
0x125: {  	[spmem:s2] =	stream.indirect.scatter.add.f32 [tilespmem:s25], [sflag:$0x2], $0x20, s0, s18, $0xb8;
	[tilespmem:$0x1E700] =	vst v63  }
0x126: {  	_ =	swait.ge [sflag:s15], $0x1000  }
0x127: {  	[sflag:s15] =	ssyncset.done $0x0  }
0x128: {  	[sflag:s15] =	ssyncadd.s32 $0xFFFFF000  }
0x129: {  	[spmem:s2] =	stream.indirect.scatter.add.f32 [tilespmem:s28], [sflag:$0x2], $0x20, s1, s18, $0xb8;
	[tilespmem:$0x1E700] =	vst v63  }
0x12a: {  	_ =	swait.ge [sflag:s15], $0x1000  }
0x12b: {  	s8 =	simm.s32 $0x50;
	s11 =	simm.s32 $0xA0;
	[sflag:s15] =	ssyncset.done $0x0  }
.LBB2_6:
0x12c: {  	s6 =	sadd.s32 s8, s13  }
0x12d: {  	[sflag:s15] =	ssyncadd.s32 $0xFFFFF000;
	s10 =	smov.u32 s11;
	s9 =	sadd.s32 $0x50, s11  }
0x12e: {  	[tilespmem:s16], [sflag:$0x2] =	stream.linear.gather [hbm4b:s6+s3], $0x280, $0x38;
	[tilespmem:$0x1E700] =	vst v63  }
0x12f: {  	p1 =	sne.s32 s11, $0x18B0;
	_ =	swait.ge [sflag:s15], $0x280  }
0x130: {  	[sflag:s15] =	ssyncset.done $0x0  }
0x131: {  	s6 =	sadd.s32 s8, s12;
	s8 =	smov.u32 s10;
	[sflag:s15] =	ssyncadd.s32 $0xFFFFFD80  }
0x132: {  	[tilespmem:s17], [sflag:$0x2] =	stream.linear.gather [hbm4b:s6+s3], $0x280, $0x38;
	[tilespmem:$0x1E700] =	vst v63  }
0x133: {  	_ =	swait.ge [sflag:s15], $0x280  }
0x134: {  	[sflag:s15] =	ssyncset.done $0x0  }
0x135: {  	[sflag:s15] =	ssyncadd.s32 $0xFFFFFD80  }
0x136: {  	[tilespmem:s19], [sflag:$0x1] =	stream.indirect.gather [hbm4b:s5+s18], $0x20, s16, s18, $0xb8;
	[tilespmem:$0x1E700] =	vst v63  }
0x137: {  	_ = 	snop  }
0x138: {  	[tilespmem:s21], [sflag:$0x1] =	stream.indirect.gather [hbm4b:s5+s18], $0x20, s20, s18, $0xb8;
	[tilespmem:$0x1E700] =	vst v63  }
0x139: {  	_ = 	snop  }
0x13a: {  	[tilespmem:s23], [sflag:$0x1] =	stream.indirect.gather [hbm4b:s5+s18], $0x20, s22, s18, $0xb8;
	[tilespmem:$0x1E700] =	vst v63  }
0x13b: {  	_ = 	snop  }
0x13c: {  	[tilespmem:s25], [sflag:$0x1] =	stream.indirect.gather [hbm4b:s5+s18], $0x20, s24, s18, $0xb8;
	[tilespmem:$0x1E700] =	vst v63  }
0x13d: {  	_ = 	snop  }
0x13e: {  	[tilespmem:s28], [sflag:$0x1] =	stream.indirect.gather [hbm4b:s5+s18], $0x20, s26, s18, $0xb8;
	[tilespmem:$0x1E700] =	vst v63  }
0x13f: {  	_ =	swait.ge [sflag:s29], $0x1000  }
0x140: {  	[sflag:s29] =	ssyncset.done $0x0  }
0x141: {  	[sflag:s29] =	ssyncadd.s32 $0xFFFFF000  }
0x142: {  	_ =	swait.ge [sflag:s29], $0x1000  }
0x143: {  	[sflag:s29] =	ssyncset.done $0x0  }
0x144: {  	[sflag:s29] =	ssyncadd.s32 $0xFFFFF000  }
0x145: {  	_ =	swait.ge [sflag:s29], $0x1000  }
0x146: {  	[sflag:s29] =	ssyncset.done $0x0  }
0x147: {  	[sflag:s29] =	ssyncadd.s32 $0xFFFFF000  }
0x148: {  	_ =	swait.ge [sflag:s29], $0x1000  }
0x149: {  	[sflag:s29] =	ssyncset.done $0x0  }
0x14a: {  	[sflag:s29] =	ssyncadd.s32 $0xFFFFF000  }
0x14b: {  	_ =	swait.ge [sflag:s29], $0x1000  }
0x14c: {  	[sflag:s29] =	ssyncset.done $0x0  }
0x14d: {  	[sflag:s29] =	ssyncadd.s32 $0xFFFFF000  }
0x14e: {  	[spmem:s2] =	stream.indirect.scatter.add.f32 [tilespmem:s19], [sflag:$0x2], $0x20, s17, s18, $0xb8;
	[tilespmem:$0x1E700] =	vst v63  }
0x14f: {  	_ =	swait.ge [sflag:s15], $0x1000  }
0x150: {  	[sflag:s15] =	ssyncset.done $0x0  }
0x151: {  	[sflag:s15] =	ssyncadd.s32 $0xFFFFF000  }
0x152: {  	[spmem:s2] =	stream.indirect.scatter.add.f32 [tilespmem:s21], [sflag:$0x2], $0x20, s30, s18, $0xb8;
	[tilespmem:$0x1E700] =	vst v63  }
0x153: {  	_ =	swait.ge [sflag:s15], $0x1000  }
0x154: {  	[sflag:s15] =	ssyncset.done $0x0  }
0x155: {  	[sflag:s15] =	ssyncadd.s32 $0xFFFFF000  }
0x156: {  	[spmem:s2] =	stream.indirect.scatter.add.f32 [tilespmem:s23], [sflag:$0x2], $0x20, s31, s18, $0xb8;
	[tilespmem:$0x1E700] =	vst v63  }
0x157: {  	_ =	swait.ge [sflag:s15], $0x1000  }
0x158: {  	[sflag:s15] =	ssyncset.done $0x0  }
0x159: {  	[sflag:s15] =	ssyncadd.s32 $0xFFFFF000  }
0x15a: {  	[spmem:s2] =	stream.indirect.scatter.add.f32 [tilespmem:s25], [sflag:$0x2], $0x20, s0, s18, $0xb8;
	[tilespmem:$0x1E700] =	vst v63  }
0x15b: {  	_ =	swait.ge [sflag:s15], $0x1000  }
.Ltmp5:
0x15c: {  	[sflag:s15] =	ssyncset.done $0x0;
	(pc) =	sbr.rel @p1 .LBB2_6-.Ltmp5, $4  }
0x15d: {  	[sflag:s15] =	ssyncadd.s32 $0xFFFFF000  }
0x15e: {  	[spmem:s2] =	stream.indirect.scatter.add.f32 [tilespmem:s28], [sflag:$0x2], $0x20, s1, s18, $0xb8;
	[tilespmem:$0x1E700] =	vst v63  }
0x15f: {  	_ =	swait.ge [sflag:s15], $0x1000  }
0x160: {  	s11 =	smov.u32 s9;
	[sflag:s15] =	ssyncset.done $0x0  }
.Ltmp6:
0x161: {  	_ = 	snop;
	(pc) =	sbr.rel .LBB2_7-.Ltmp6, $1  }
0x162: {  	_ =	sdelay $0x3  }
.LBB2_9:
0x163: {  	_ =	sfence.sel $0x180000  }
0x164: {  	[bflag:$0x0] =	sbarrier.arrive $0xFFFF  }
0x165: {  	_ =	strace $0x9000004D  }
0x166: {  	s0 =	stileid.u32;
	[bflag:$0x2] =	sbarrier.arrive $0xFFFF  }
0x167: {  	p0 =	sne.s32 s0, $0x0;
	s0 =	rddreg [dreg:$0x2]  }
0x168: {  	s0 =	sadd.s32 @!p0 $0x100000, s0  }
0x169: {  	[sflag:s0] =	ssyncadd.tile.s32 @!p0 $0x1;
	_ =	shalt  }
.Lfunc_end2:
_tile_overlayer_lowered:
.L_overlay_start_2:
0x16a: {  	(tag) =	ssettag $0x2  }
0x16b: {  	s0 =	rddreg [dreg:$0x0];
	s2 =	stileid.u32  }
0x16c: {  	s1 =	rddreg [dreg:$0x1];
	p0 =	sne.s32 s2, $0x0  }
0x16d: {  	s3 =	rddreg [dreg:$0x2];
	[bflag:$0x3] =	sbarrier.arrive $0xFFFF;
	s2 =	simm.s32 @!p0 $0x1C02  }
0x16e: {  	[timem:s3], [sflag:s2] =	dma.local @!p0 [hbm:s0], s1  }
0x16f: {  	s0 =	simm.s32 @!p0 $0x2  }
0x170: {  	_ =	swait.ge @!p0 [sflag:s0], s1  }
0x171: {  	s1 =	ssub.s32 @!p0 $0x0, s1;
	[sflag:s0] =	ssyncset.done @!p0 $0x0  }
0x172: {  	[sflag:s0] =	ssyncadd.s32 @!p0 s1  }
0x173: {  	[bflag:$0x3] =	sbarrier.arrive $0xFFFF  }
0x174: {  	_ =	shalt  }

</sc_bundles>
